<compile_context>
chip_gen: v7x
topology: tpu7x:2x2x1
jax: 0.10.2.dev20260603
libtpu: 0.0.44.dev20260713+nightly
codegen_flags: <defaults>
</compile_context>

<pallas_src>
import numpy as np
import jax
import jax.numpy as jnp
from jax.experimental import pallas as pl
from jax.experimental.pallas import tpu as pltpu
from jax.experimental.pallas import tpu_sc as plsc
from jax._src.config import enable_x64 as _x64_scope

B_VIEWS = 8
SQRT_M = 96
M_PTS = SQRT_M * SQRT_M
P_BINS = 512
T_PTS = 4096

_NCORE = 2
_NSUB = 16
_PART = 4
_PPT = M_PTS // _PART
_CPT = _PPT // 16

TCH = 1024
N_TCH = T_PTS // TCH

_BIN_SCALE = np.float32(P_BINS / (2.0 * np.pi))
_PI = np.float32(np.pi)
_HALF_PI = np.float32(np.pi / 2.0)

_ATAN_C = [np.float32(c) for c in (
    1.00000000e+00, -3.33333330e-01, 1.99999804e-01, -1.42852625e-01,
    1.11056562e-01, -9.05113728e-02, 7.50223147e-02, -6.03854868e-02,
    4.39028722e-02, -2.62715783e-02, 1.16023258e-02, -3.26148701e-03,
    4.30164955e-04,
)]


def _atan2(y, x):
    ax = jnp.abs(x)
    ay = jnp.abs(y)
    mx = jnp.maximum(ax, ay)
    mn = jnp.minimum(ax, ay)
    t = mn / jnp.maximum(mx, jnp.float32(1e-30))
    z = t * t
    p = jnp.full_like(z, _ATAN_C[12])
    for i in range(11, -1, -1):
        p = p * z + _ATAN_C[i]
    a = t * p
    a = jnp.where(ay > ax, _HALF_PI - a, a)
    a = jnp.where(x < 0, _PI - a, a)
    return jnp.where(y < 0, -a, a)


def _unit_sphere_np():
    phi = 2.0 * np.pi * np.linspace(0.0, 1.0, SQRT_M)
    theta = np.arccos(np.clip(1.0 - 2.0 * np.linspace(0.0, 1.0, SQRT_M), -1.0, 1.0))
    phi, theta = np.meshgrid(phi, theta, indexing="ij")
    U = np.stack(
        [
            (np.sin(theta) * np.cos(phi)).ravel(),
            (np.sin(theta) * np.sin(phi)).ravel(),
            np.cos(theta).ravel(),
        ],
        0,
    )
    return U.astype(np.float32)


_U_FLAT_NP = _unit_sphere_np().reshape(-1)


def _sc_body(
    u_hbm, p_hbm, r_hbm, out_hbm,
    uloc, pxa, pya, pv, rv, br2, bxt, byt,
    accv, tmpacc, fin, mrg, outv, shacc, shbest,
):
    f32 = jnp.float32
    i32 = jnp.int32
    c = jax.lax.axis_index("c")
    s = jax.lax.axis_index("s")
    v = c * 4 + s // 4
    p = s % 4
    sb = (s // 4) * 4

    iota = jax.lax.iota(i32, 16)
    neg_inf = f32(-jnp.inf)

    pltpu.sync_copy(p_hbm, pv)
    pltpu.sync_copy(r_hbm.at[v], rv)
    off = p * _PPT
    for d in range(3):
        pltpu.sync_copy(
            u_hbm.at[pl.ds(d * M_PTS + off, _PPT)],
            uloc.at[pl.ds(d * _PPT, _PPT)],
        )

    pvv = pv[...]
    rvv = rv[...]
    zf = jnp.zeros((16,), jnp.float32)

    def sp(k):
        return jnp.sum(jnp.where(iota == k, pvv, zf))

    def sr(k):
        return jnp.sum(jnp.where(iota == k, rvv, zf))

    b00 = sp(0); b10 = sp(1); b11 = sp(2)
    b20 = sp(3); b21 = sp(4); b22 = sp(5)
    a00 = sp(6); a01 = sp(7); a02 = sp(8)
    a11 = sp(9); a12 = sp(10); a22 = sp(11)
    r00 = sr(0); r01 = sr(1); r02 = sr(2)
    r10 = sr(3); r11 = sr(4); r12 = sr(5)

    def ph_a(i, acc):
        ax, ay = acc
        u0 = uloc[pl.ds(i * 16, 16)]
        u1 = uloc[pl.ds(_PPT + i * 16, 16)]
        u2 = uloc[pl.ds(2 * _PPT + i * 16, 16)]
        x0 = b00 * u0
        x1 = b10 * u0 + b11 * u1
        x2 = b20 * u0 + b21 * u1 + b22 * u2
        y0 = a00 * x0 + a01 * x1 + a02 * x2
        y1 = a01 * x0 + a11 * x1 + a12 * x2
        y2 = a02 * x0 + a12 * x1 + a22 * x2
        q = x0 * y0 + x1 * y1 + x2 * y2
        bits = plsc.bitcast(q, i32)
        y = plsc.bitcast(
            jnp.int32(0x5F3759DF) - jax.lax.shift_right_logical(bits, 1), f32
        )
        for _ in range(3):
            y = y * (f32(1.5) - f32(0.5) * q * y * y)
        px = (r00 * x0 + r01 * x1 + r02 * x2) * y
        py = (r10 * x0 + r11 * x1 + r12 * x2) * y
        pxa[pl.ds(i * 16, 16)] = px
        pya[pl.ds(i * 16, 16)] = py
        return (ax + px, ay + py)

    zv = jnp.zeros((16,), f32)
    accx, accy = plsc.parallel_loop(0, _CPT, 1, unroll=6, carry=(zv, zv))(
        lambda i, acc: ph_a(i, acc)
    )

    accv[pl.ds(0, 16)] = accx
    accv[pl.ds(16, 16)] = accy
    pltpu.sync_copy(accv, shacc.at[s])
    plsc.subcore_barrier()
    for jj in range(4):
        pltpu.sync_copy(shacc.at[sb + jj], tmpacc.at[pl.ds(jj * 32, 32)])
    sx = (tmpacc[pl.ds(0, 16)] + tmpacc[pl.ds(32, 16)]
          + tmpacc[pl.ds(64, 16)] + tmpacc[pl.ds(96, 16)])
    sy = (tmpacc[pl.ds(16, 16)] + tmpacc[pl.ds(48, 16)]
          + tmpacc[pl.ds(80, 16)] + tmpacc[pl.ds(112, 16)])
    cx = jnp.sum(sx) * f32(1.0 / M_PTS)
    cy = jnp.sum(sy) * f32(1.0 / M_PTS)

    @plsc.parallel_loop(0, 16 * P_BINS // 16, 1, unroll=8)
    def _(k):
        br2[pl.ds(k * 16, 16)] = jnp.full((16,), neg_inf, f32)

    def ph_b1(i):
        px = pxa[pl.ds(i * 16, 16)]
        py = pya[pl.ds(i * 16, 16)]
        rx = px - cx
        ry = py - cy
        r2 = rx * rx + ry * ry
        ang = _atan2(ry, rx)
        t = (ang + _PI) * _BIN_SCALE
        bi = jnp.clip(t.astype(i32), 0, P_BINS - 1)
        idx = iota * P_BINS + bi
        cur = plsc.load_gather(br2, [idx])
        win = r2 > cur
        plsc.store_scatter(br2, [idx], r2, mask=win)
        plsc.store_scatter(bxt, [idx], px, mask=win)
        plsc.store_scatter(byt, [idx], py, mask=win)

    def ph_b(i, carry):
        for jj in range(8):
            ph_b1(i * 8 + jj)
        return carry

    jax.lax.fori_loop(0, _CPT // 8, ph_b, 0)

    def ph_c(j):
        m = br2[pl.ds(j * 16, 16)]
        bx = bxt[pl.ds(j * 16, 16)]
        by = byt[pl.ds(j * 16, 16)]
        for l in range(1, 16):
            o2 = l * P_BINS + j * 16
            vv = br2[pl.ds(o2, 16)]
            w = vv > m
            m = jnp.where(w, vv, m)
            bx = jnp.where(w, bxt[pl.ds(o2, 16)], bx)
            by = jnp.where(w, byt[pl.ds(o2, 16)], by)
        fin[pl.ds(j * 16, 16)] = m
        fin[pl.ds(P_BINS + j * 16, 16)] = bx
        fin[pl.ds(2 * P_BINS + j * 16, 16)] = by

    plsc.parallel_loop(0, P_BINS // 16, 1, unroll=2)(ph_c)
    pltpu.sync_copy(fin, shbest.at[s])
    plsc.subcore_barrier()

    @pl.when(p == 0)
    def _():
        for jj in range(4):
            pltpu.sync_copy(shbest.at[sb + jj], mrg.at[pl.ds(jj * 1536, 1536)])
        pxv0 = pxa[pl.ds(0, 16)]
        pyv0 = pya[pl.ds(0, 16)]
        px0 = jnp.sum(jnp.where(iota == 0, pxv0, zf))
        py0 = jnp.sum(jnp.where(iota == 0, pyv0, zf))

        def ph_f(j, carry):
            m = mrg[pl.ds(j * 16, 16)]
            bx = mrg[pl.ds(P_BINS + j * 16, 16)]
            by = mrg[pl.ds(2 * P_BINS + j * 16, 16)]
            for jj in range(1, 4):
                base = jj * 1536 + j * 16
                vv = mrg[pl.ds(base, 16)]
                w = vv > m
                m = jnp.where(w, vv, m)
                bx = jnp.where(w, mrg[pl.ds(base + P_BINS, 16)], bx)
                by = jnp.where(w, mrg[pl.ds(base + 2 * P_BINS, 16)], by)
            e = m == neg_inf
            bx = jnp.where(e, px0, bx)
            by = jnp.where(e, py0, by)
            outv[pl.ds(j * 16, 16)] = bx
            outv[pl.ds(P_BINS + j * 16, 16)] = by
            return carry

        jax.lax.fori_loop(0, P_BINS // 16, ph_f, 0)
        pltpu.sync_copy(outv, out_hbm.at[v])


def _sc_boundary(u_flat, params, rparams):
    mesh = plsc.VectorSubcoreMesh(
        core_axis_name="c", subcore_axis_name="s",
        num_cores=_NCORE, num_subcores=_NSUB,
    )
    f32 = jnp.float32
    fn = pl.kernel(
        _sc_body,
        out_type=jax.ShapeDtypeStruct((B_VIEWS, 2 * P_BINS), f32),
        mesh=mesh,
        compiler_params=pltpu.CompilerParams(needs_layout_passes=False),
        scratch_types=[
            pltpu.VMEM((3 * _PPT,), f32),
            pltpu.VMEM((_PPT,), f32),
            pltpu.VMEM((_PPT,), f32),
            pltpu.VMEM((16,), f32),
            pltpu.VMEM((16,), f32),
            pltpu.VMEM((16 * P_BINS,), f32),
            pltpu.VMEM((16 * P_BINS,), f32),
            pltpu.VMEM((16 * P_BINS,), f32),
            pltpu.VMEM((32,), f32),
            pltpu.VMEM((128,), f32),
            pltpu.VMEM((3 * P_BINS,), f32),
            pltpu.VMEM((4 * 3 * P_BINS,), f32),
            pltpu.VMEM((2 * P_BINS,), f32),
            pltpu.VMEM_SHARED((16, 32), f32),
            pltpu.VMEM_SHARED((16, 3 * P_BINS), f32),
        ],
    )
    return fn(u_flat, params, rparams)


def _tc_chamfer_body(bd_ref, t_ref, o_ref):
    f32 = jnp.float32
    bx = bd_ref[0, 0:1, :]
    by = bd_ref[0, 1:2, :]
    bmin = jnp.full((1, P_BINS), jnp.float32(jnp.inf), f32)
    tsum = f32(0.0)
    for ct in range(N_TCH):
        sl = slice(ct * TCH, (ct + 1) * TCH)
        txc = t_ref[0, sl, 0:1]
        tyc = t_ref[0, sl, 1:2]
        dx = txc - bx
        dy = tyc - by
        d2 = dx * dx + dy * dy
        bmin = jnp.minimum(bmin, jnp.min(d2, axis=0, keepdims=True))
        tsum = tsum + jnp.sum(jnp.min(d2, axis=1))
    loss = jnp.sum(bmin) * f32(1.0 / P_BINS) + tsum * f32(1.0 / T_PTS)
    o_ref[...] = jnp.full((1, 8, 128), loss, f32)


def _tc_chamfer(bd, tgt):
    out = pl.pallas_call(
        _tc_chamfer_body,
        grid=(B_VIEWS,),
        in_specs=[
            pl.BlockSpec((1, 2, P_BINS), lambda v: (v, v * 0, v * 0)),
            pl.BlockSpec((1, T_PTS, 2), lambda v: (v, v * 0, v * 0)),
        ],
        out_specs=pl.BlockSpec((1, 8, 128), lambda v: (v, v * 0, v * 0)),
        out_shape=jax.ShapeDtypeStruct((B_VIEWS, 8, 128), jnp.float32),
        interpret=False,
    )(bd, tgt)
    return out[:, 0, 0]


def kernel(u, rot_mats, target_pts):
    with _x64_scope(False):
        return _kernel_impl(u, rot_mats, target_pts)


def _kernel_impl(u, rot_mats, target_pts):
    tgt = target_pts.astype(jnp.float32)
    params, rparams = _prep(u, rot_mats)
    u_flat = jnp.asarray(_U_FLAT_NP)
    bd = _sc_boundary(u_flat, params, rparams)
    bd = bd.reshape(B_VIEWS, 2, P_BINS)
    return _tc_chamfer(bd, tgt)


def _prep(u, rot_mats):
    u = u.astype(jnp.float32)
    rot = rot_mats.astype(jnp.float32)

    a, b, c = u[0, 3], u[0, 4], u[0, 5]
    ca, sa = jnp.cos(a), jnp.sin(a)
    cb, sb = jnp.cos(b), jnp.sin(b)
    cc, sc = jnp.cos(c), jnp.sin(c)
    q00 = cc * cb
    q01 = cc * sb * sa - sc * ca
    q02 = cc * sb * ca + sc * sa
    q10 = sc * cb
    q11 = sc * sb * sa + cc * ca
    q12 = sc * sb * ca - cc * sa
    q20 = -sb
    q21 = cb * sa
    q22 = cb * ca
    w0 = 1.0 / (u[0, 0] * u[0, 0])
    w1 = 1.0 / (u[0, 1] * u[0, 1])
    w2 = 1.0 / (u[0, 2] * u[0, 2])
    a00 = w0 * q00 * q00 + w1 * q01 * q01 + w2 * q02 * q02
    a01 = w0 * q00 * q10 + w1 * q01 * q11 + w2 * q02 * q12
    a02 = w0 * q00 * q20 + w1 * q01 * q21 + w2 * q02 * q22
    a11 = w0 * q10 * q10 + w1 * q11 * q11 + w2 * q12 * q12
    a12 = w0 * q10 * q20 + w1 * q11 * q21 + w2 * q12 * q22
    a22 = w0 * q20 * q20 + w1 * q21 * q21 + w2 * q22 * q22
    l00 = jnp.sqrt(a00)
    l10 = a01 / l00
    l20 = a02 / l00
    l11 = jnp.sqrt(a11 - l10 * l10)
    l21 = (a12 - l20 * l10) / l11
    l22 = jnp.sqrt(a22 - l20 * l20 - l21 * l21)
    b00 = 1.0 / l00
    b11 = 1.0 / l11
    b22 = 1.0 / l22
    b10 = -l10 * b00 * b11
    b21 = -l21 * b11 * b22
    b20 = -(l20 * b00 + l21 * b10) * b22

    z = jnp.float32(0.0)
    params = jnp.stack(
        [b00, b10, b11, b20, b21, b22, a00, a01, a02, a11, a12, a22, z, z, z, z]
    )
    rparams = jnp.concatenate(
        [rot[:, :2, :].reshape(B_VIEWS, 6), jnp.zeros((B_VIEWS, 10), jnp.float32)],
        axis=1,
    )
    return params, rparams

# --- scband reference (transcript-rebuilt; emitter-appended) ---
"""Pipeline reference for scband-boundary-projection-chamfer-loss-75213467288194 (READ-ONLY COPY).

The authoritative reference and input builder live on the scoring server;
editing this copy changes nothing except your own understanding.
"""

import jax, jax.numpy as jnp
import numpy as np
jax.config.update("jax_enable_x64", True)

B_VIEWS = 8
SQRT_M = 96
P_BINS = 512
T_PTS = 4096


def rotation_matrix_3d_batch(ang):
    a, b, c = ang[:, 0], ang[:, 1], ang[:, 2]
    ca, sa = jnp.cos(a), jnp.sin(a)
    cb, sb = jnp.cos(b), jnp.sin(b)
    cc, sc = jnp.cos(c), jnp.sin(c)
    z = jnp.zeros_like(a)
    o = jnp.ones_like(a)
    Rx = jnp.stack([jnp.stack([o, z, z], -1), jnp.stack([z, ca, -sa], -1), jnp.stack([z, sa, ca], -1)], -2)
    Ry = jnp.stack([jnp.stack([cb, z, sb], -1), jnp.stack([z, o, z], -1), jnp.stack([-sb, z, cb], -1)], -2)
    Rz = jnp.stack([jnp.stack([cc, -sc, z], -1), jnp.stack([sc, cc, z], -1), jnp.stack([z, z, o], -1)], -2)
    return Rz @ Ry @ Rx


def A_from_u_batch(u):
    inv2 = 1.0 / (u[:, :3] ** 2)
    Lam = jax.vmap(jnp.diag)(inv2)
    Q = rotation_matrix_3d_batch(u[:, 3:])
    return Q @ Lam @ jnp.swapaxes(Q, -1, -2)


def sample_unit_sphere(sqrt_m):
    phi = 2.0 * np.pi * jnp.linspace(0.0, 1.0, sqrt_m, dtype=jnp.float64)
    theta = jnp.arccos(jnp.clip(1.0 - 2.0 * jnp.linspace(0.0, 1.0, sqrt_m, dtype=jnp.float64), -1.0, 1.0))
    phi, theta = jnp.meshgrid(phi, theta, indexing='ij')
    return jnp.stack([(jnp.sin(theta) * jnp.cos(phi)).ravel(), (jnp.sin(theta) * jnp.sin(phi)).ravel(), jnp.cos(theta).ravel()], 0)


def boundary_from_proj(proj):
    # Deterministic silhouette boundary extraction (stands in for alpha-shape at alpha=0):
    # pick the max-radius point in each of P_BINS angular bins around the centroid.
    center = proj.mean(axis=1, keepdims=True)
    rel = proj - center
    ang = jnp.arctan2(rel[1], rel[0])
    r = jnp.sqrt(rel[0] ** 2 + rel[1] ** 2 + 1e-12)
    bin_idx = jnp.clip(jnp.floor((ang + np.pi) / (2.0 * np.pi) * P_BINS).astype(jnp.int32), 0, P_BINS - 1)
    mask = bin_idx[None, :] == jnp.arange(P_BINS)[:, None]
    masked_r = jnp.where(mask, r[None, :], -jnp.inf)
    idx = jnp.argmax(masked_r, axis=1)
    return proj[:, idx]


def chamfer_one(bd, tgt):
    # bidirectional 1-NN with squared L2 (pytorch3d convention), point_reduction='mean'
    d2 = jnp.sum((bd[:, None, :] - tgt[None, :, :]) ** 2, axis=-1)
    return jnp.min(d2, axis=1).mean() + jnp.min(d2, axis=0).mean()


def forward_impl(u, rot_mats, target_pts):
    u = u.astype(jnp.float64)
    rot = rot_mats.astype(jnp.float64)
    tgt = target_pts.astype(jnp.float64)
    A = A_from_u_batch(u)
    A0 = A[0]
    L = jnp.linalg.cholesky(A0)
    Binv = jax.scipy.linalg.solve_triangular(L, jnp.eye(3, dtype=L.dtype), lower=True)
    U = sample_unit_sphere(SQRT_M)
    x = Binv @ U
    norm_A = jnp.sqrt(jnp.sum(x * (A0 @ x), axis=0))
    E = x / norm_A[None, :]

    def per_view(Rk, t):
        proj = (Rk @ E)[:2]
        bd = boundary_from_proj(proj)
        return chamfer_one(bd.T, t)

    res = jax.vmap(per_view)(rot, tgt)
    return res.astype(jnp.float32)


def setup_inputs(seed: int = 0):
    key = jax.random.key(seed)
    k1, k2, k3 = jax.random.split(key, 3)
    u = jax.random.uniform(k1, (1, 6), dtype=jnp.float32, minval=0.3, maxval=1.3)
    raw = jax.random.normal(k2, (B_VIEWS, 3, 3), dtype=jnp.float32)
    rot_mats, _ = jnp.linalg.qr(raw)
    target_pts = jax.random.normal(k3, (B_VIEWS, T_PTS, 2), dtype=jnp.float32)
    return {"u": u, "rot_mats": rot_mats, "target_pts": target_pts}


def reference(u, rot_mats, target_pts):
    return forward_impl(u, rot_mats, target_pts)

if __name__ == "__main__":
    import jax
    _d = setup_inputs()
    print(jax.jit(kernel)(*tuple(_d.values())))

</pallas_src>

<mosaic_0001>
#map = affine_map<(d0, d1) -> (0)>
#map1 = affine_map<(d0, d1) -> (0, 0)>
module attributes {stable_mosaic.version = 14 : i64} {
  func.func @_sc_body(%arg0: i32, %arg1: i32, %arg2: memref<27648xf32, #tpu.memory_space<hbm>>, %arg3: memref<16xf32, #tpu.memory_space<hbm>>, %arg4: memref<8x16xf32, #tpu.memory_space<hbm>>, %arg5: memref<8x1024xf32, #tpu.memory_space<hbm>>, %arg6: memref<6912xf32, #tpu.memory_space<vmem>>, %arg7: memref<2304xf32, #tpu.memory_space<vmem>>, %arg8: memref<2304xf32, #tpu.memory_space<vmem>>, %arg9: memref<16xf32, #tpu.memory_space<vmem>>, %arg10: memref<16xf32, #tpu.memory_space<vmem>>, %arg11: memref<8192xf32, #tpu.memory_space<vmem>>, %arg12: memref<8192xf32, #tpu.memory_space<vmem>>, %arg13: memref<8192xf32, #tpu.memory_space<vmem>>, %arg14: memref<32xf32, #tpu.memory_space<vmem>>, %arg15: memref<128xf32, #tpu.memory_space<vmem>>, %arg16: memref<1536xf32, #tpu.memory_space<vmem>>, %arg17: memref<6144xf32, #tpu.memory_space<vmem>>, %arg18: memref<1024xf32, #tpu.memory_space<vmem>>, %arg19: memref<16x32xf32, #tpu.memory_space<vmem_shared>>, %arg20: memref<16x1536xf32, #tpu.memory_space<vmem_shared>>) attributes {dimension_semantics = [#tpu.dimension_semantics<core_parallel>, #tpu.dimension_semantics<subcore_parallel>], iteration_bounds = array<i64: 2, 16>, scalar_prefetch = 0 : i64, scratch_operands = 15 : i64, tpu.core_type = #tpu.core_type<sc_vector_subcore>, window_params = [{transform_indices = #map}, {transform_indices = #map}, {transform_indices = #map1}, {transform_indices = #map1}]} {
    %mul3A = arith.constant 4 : i32
    %mul3A_0 = arith.muli %arg0, %mul3A : i32
    %jit3A = arith.constant 4 : i32
    %div3A = arith.divsi %arg1, %jit3A : i32
    %sign3A = arith.constant 0 : i32
    %sign3A_1 = arith.cmpi sgt, %arg1, %sign3A : i32
    %sign3A_2 = arith.extui %sign3A_1 : i1 to i32
    %sign3A_3 = arith.constant 0 : i32
    %sign3A_4 = arith.cmpi slt, %arg1, %sign3A_3 : i32
    %sign3A_5 = arith.extui %sign3A_4 : i1 to i32
    %sign3A_6 = arith.subi %sign3A_2, %sign3A_5 : i32
    %sign3A_7 = arith.constant 0 : i32
    %sign3A_8 = arith.cmpi sgt, %jit3A, %sign3A_7 : i32
    %sign3A_9 = arith.extui %sign3A_8 : i1 to i32
    %sign3A_10 = arith.constant 0 : i32
    %sign3A_11 = arith.cmpi slt, %jit3A, %sign3A_10 : i32
    %sign3A_12 = arith.extui %sign3A_11 : i1 to i32
    %sign3A_13 = arith.subi %sign3A_9, %sign3A_12 : i32
    %ne3A = arith.cmpi ne, %sign3A_6, %sign3A_13 : i32
    %rem3A = arith.remsi %arg1, %jit3A : i32
    %ne3A_14 = arith.constant 0 : i32
    %ne3A_15 = arith.cmpi ne, %rem3A, %ne3A_14 : i32
    %and3A = arith.andi %ne3A, %ne3A_15 : i1
    %sub3A = arith.constant 1 : i32
    %sub3A_16 = arith.subi %div3A, %sub3A : i32
    %select_n3A = arith.select %and3A, %sub3A_16, %div3A : i32
    %add3A = arith.addi %mul3A_0, %select_n3A : i32
    %jit3A_17 = arith.constant 4 : i32
    %eq3A = arith.constant 0 : i32
    %eq3A_18 = arith.cmpi eq, %jit3A_17, %eq3A : i32
    %jit3A_19 = arith.constant 1 : i32
    %select_n3A_20 = arith.select %eq3A_18, %jit3A_19, %jit3A_17 : i32
    %rem3A_21 = arith.remsi %arg1, %select_n3A_20 : i32
    %ne3A_22 = arith.constant 0 : i32
    %ne3A_23 = arith.cmpi ne, %rem3A_21, %ne3A_22 : i32
    %lt3A = arith.constant 0 : i32
    %lt3A_24 = arith.cmpi slt, %rem3A_21, %lt3A : i32
    %lt3A_25 = arith.constant 0 : i32
    %lt3A_26 = arith.cmpi slt, %select_n3A_20, %lt3A_25 : i32
    %ne3A_27 = arith.xori %lt3A_24, %lt3A_26 : i1
    %and3A_28 = arith.andi %ne3A_27, %ne3A_23 : i1
    %add3A_29 = arith.addi %rem3A_21, %select_n3A_20 : i32
    %select_n3A_30 = arith.select %and3A_28, %add3A_29, %rem3A_21 : i32
    %jit3A_31 = arith.constant 4 : i32
    %div3A_32 = arith.divsi %arg1, %jit3A_31 : i32
    %sign3A_33 = arith.constant 0 : i32
    %sign3A_34 = arith.cmpi sgt, %arg1, %sign3A_33 : i32
    %sign3A_35 = arith.extui %sign3A_34 : i1 to i32
    %sign3A_36 = arith.constant 0 : i32
    %sign3A_37 = arith.cmpi slt, %arg1, %sign3A_36 : i32
    %sign3A_38 = arith.extui %sign3A_37 : i1 to i32
    %sign3A_39 = arith.subi %sign3A_35, %sign3A_38 : i32
    %sign3A_40 = arith.constant 0 : i32
    %sign3A_41 = arith.cmpi sgt, %jit3A_31, %sign3A_40 : i32
    %sign3A_42 = arith.extui %sign3A_41 : i1 to i32
    %sign3A_43 = arith.constant 0 : i32
    %sign3A_44 = arith.cmpi slt, %jit3A_31, %sign3A_43 : i32
    %sign3A_45 = arith.extui %sign3A_44 : i1 to i32
    %sign3A_46 = arith.subi %sign3A_42, %sign3A_45 : i32
    %ne3A_47 = arith.cmpi ne, %sign3A_39, %sign3A_46 : i32
    %rem3A_48 = arith.remsi %arg1, %jit3A_31 : i32
    %ne3A_49 = arith.constant 0 : i32
    %ne3A_50 = arith.cmpi ne, %rem3A_48, %ne3A_49 : i32
    %and3A_51 = arith.andi %ne3A_47, %ne3A_50 : i1
    %sub3A_52 = arith.constant 1 : i32
    %sub3A_53 = arith.subi %div3A_32, %sub3A_52 : i32
    %select_n3A_54 = arith.select %and3A_51, %sub3A_53, %div3A_32 : i32
    %mul3A_55 = arith.constant 4 : i32
    %mul3A_56 = arith.muli %select_n3A_54, %mul3A_55 : i32
    %iota3A = tpu.iota {dimensions = array<i32: 0>} : vector<16xi32>
    "tpu.region"() ({
      %run_scoped3A = tpu.sem_alloc : memref<!tpu.dma_semaphore, #tpu.memory_space<semaphore_mem>>
      tpu.enqueue_dma source(%arg3 : memref<16xf32, #tpu.memory_space<hbm>>) target(%arg9 : memref<16xf32, #tpu.memory_space<vmem>>) target_semaphore(%run_scoped3A : memref<!tpu.dma_semaphore, #tpu.memory_space<semaphore_mem>>)
      tpu.wait_dma2 semaphore(%run_scoped3A : memref<!tpu.dma_semaphore, #tpu.memory_space<semaphore_mem>>) src(%arg3 : memref<16xf32, #tpu.memory_space<hbm>>) dst(%arg9 : memref<16xf32, #tpu.memory_space<vmem>>)
      tpu.yield
    }) : () -> ()
    "tpu.region"() ({
      %run_scoped3A = tpu.sem_alloc : memref<!tpu.dma_semaphore, #tpu.memory_space<semaphore_mem>>
      %dma_start3A = arith.constant 0 : i32
      %dma_start3A_279 = tpu.memref_slice %arg4[%add3A, %dma_start3A] : memref<8x16xf32, #tpu.memory_space<hbm>> -> memref<1x16xf32, #tpu.memory_space<hbm>>
      %dma_start3A_280 = tpu.memref_squeeze %dma_start3A_279 : memref<1x16xf32, #tpu.memory_space<hbm>> -> memref<16xf32, #tpu.memory_space<hbm>>
      %dma_start3A_281 = arith.constant 0 : i32
      %dma_start3A_282 = tpu.memref_slice %arg4[%add3A, %dma_start3A_281] : memref<8x16xf32, #tpu.memory_space<hbm>> -> memref<1x16xf32, #tpu.memory_space<hbm>>
      %dma_start3A_283 = tpu.memref_squeeze %dma_start3A_282 : memref<1x16xf32, #tpu.memory_space<hbm>> -> memref<16xf32, #tpu.memory_space<hbm>>
      tpu.enqueue_dma source(%dma_start3A_283 : memref<16xf32, #tpu.memory_space<hbm>>) target(%arg10 : memref<16xf32, #tpu.memory_space<vmem>>) target_semaphore(%run_scoped3A : memref<!tpu.dma_semaphore, #tpu.memory_space<semaphore_mem>>)
      %dma_wait3A = arith.constant 0 : i32
      %dma_wait3A_284 = tpu.memref_slice %arg4[%add3A, %dma_wait3A] : memref<8x16xf32, #tpu.memory_space<hbm>> -> memref<1x16xf32, #tpu.memory_space<hbm>>
      %dma_wait3A_285 = tpu.memref_squeeze %dma_wait3A_284 : memref<1x16xf32, #tpu.memory_space<hbm>> -> memref<16xf32, #tpu.memory_space<hbm>>
      %dma_wait3A_286 = arith.constant 0 : i32
      %dma_wait3A_287 = tpu.memref_slice %arg4[%add3A, %dma_wait3A_286] : memref<8x16xf32, #tpu.memory_space<hbm>> -> memref<1x16xf32, #tpu.memory_space<hbm>>
      %dma_wait3A_288 = tpu.memref_squeeze %dma_wait3A_287 : memref<1x16xf32, #tpu.memory_space<hbm>> -> memref<16xf32, #tpu.memory_space<hbm>>
      tpu.wait_dma2 semaphore(%run_scoped3A : memref<!tpu.dma_semaphore, #tpu.memory_space<semaphore_mem>>) src(%dma_wait3A_288 : memref<16xf32, #tpu.memory_space<hbm>>) dst(%arg10 : memref<16xf32, #tpu.memory_space<vmem>>)
      tpu.yield
    }) : () -> ()
    %mul3A_57 = arith.constant 2304 : i32
    %mul3A_58 = arith.muli %select_n3A_30, %mul3A_57 : i32
    %add3A_59 = arith.constant 0 : i32
    %add3A_60 = arith.addi %add3A_59, %mul3A_58 : i32
    "tpu.region"() ({
      %run_scoped3A = tpu.sem_alloc : memref<!tpu.dma_semaphore, #tpu.memory_space<semaphore_mem>>
      %dma_start3A = arith.constant 0 : i32
      %dma_start3A_279 = tpu.memref_slice %arg6[%dma_start3A] : memref<6912xf32, #tpu.memory_space<vmem>> -> memref<2304xf32, #tpu.memory_space<vmem>>
      %dma_start3A_280 = tpu.memref_slice %arg2[%add3A_60] : memref<27648xf32, #tpu.memory_space<hbm>> -> memref<2304xf32, #tpu.memory_space<hbm>>
      %dma_start3A_281 = arith.constant 0 : i32
      %dma_start3A_282 = tpu.memref_slice %arg6[%dma_start3A_281] : memref<6912xf32, #tpu.memory_space<vmem>> -> memref<2304xf32, #tpu.memory_space<vmem>>
      %dma_start3A_283 = tpu.memref_slice %arg2[%add3A_60] : memref<27648xf32, #tpu.memory_space<hbm>> -> memref<2304xf32, #tpu.memory_space<hbm>>
      tpu.enqueue_dma source(%dma_start3A_283 : memref<2304xf32, #tpu.memory_space<hbm>>) target(%dma_start3A_282 : memref<2304xf32, #tpu.memory_space<vmem>>) target_semaphore(%run_scoped3A : memref<!tpu.dma_semaphore, #tpu.memory_space<semaphore_mem>>)
      %dma_wait3A = arith.constant 0 : i32
      %dma_wait3A_284 = tpu.memref_slice %arg6[%dma_wait3A] : memref<6912xf32, #tpu.memory_space<vmem>> -> memref<2304xf32, #tpu.memory_space<vmem>>
      %dma_wait3A_285 = tpu.memref_slice %arg2[%add3A_60] : memref<27648xf32, #tpu.memory_space<hbm>> -> memref<2304xf32, #tpu.memory_space<hbm>>
      %dma_wait3A_286 = arith.constant 0 : i32
      %dma_wait3A_287 = tpu.memref_slice %arg6[%dma_wait3A_286] : memref<6912xf32, #tpu.memory_space<vmem>> -> memref<2304xf32, #tpu.memory_space<vmem>>
      %dma_wait3A_288 = tpu.memref_slice %arg2[%add3A_60] : memref<27648xf32, #tpu.memory_space<hbm>> -> memref<2304xf32, #tpu.memory_space<hbm>>
      tpu.wait_dma2 semaphore(%run_scoped3A : memref<!tpu.dma_semaphore, #tpu.memory_space<semaphore_mem>>) src(%dma_wait3A_288 : memref<2304xf32, #tpu.memory_space<hbm>>) dst(%dma_wait3A_287 : memref<2304xf32, #tpu.memory_space<vmem>>)
      tpu.yield
    }) : () -> ()
    %add3A_61 = arith.constant 9216 : i32
    %add3A_62 = arith.addi %add3A_61, %mul3A_58 : i32
    "tpu.region"() ({
      %run_scoped3A = tpu.sem_alloc : memref<!tpu.dma_semaphore, #tpu.memory_space<semaphore_mem>>
      %dma_start3A = arith.constant 2304 : i32
      %dma_start3A_279 = tpu.memref_slice %arg6[%dma_start3A] : memref<6912xf32, #tpu.memory_space<vmem>> -> memref<2304xf32, #tpu.memory_space<vmem>>
      %dma_start3A_280 = tpu.memref_slice %arg2[%add3A_62] : memref<27648xf32, #tpu.memory_space<hbm>> -> memref<2304xf32, #tpu.memory_space<hbm>>
      %dma_start3A_281 = arith.constant 2304 : i32
      %dma_start3A_282 = tpu.memref_slice %arg6[%dma_start3A_281] : memref<6912xf32, #tpu.memory_space<vmem>> -> memref<2304xf32, #tpu.memory_space<vmem>>
      %dma_start3A_283 = tpu.memref_slice %arg2[%add3A_62] : memref<27648xf32, #tpu.memory_space<hbm>> -> memref<2304xf32, #tpu.memory_space<hbm>>
      tpu.enqueue_dma source(%dma_start3A_283 : memref<2304xf32, #tpu.memory_space<hbm>>) target(%dma_start3A_282 : memref<2304xf32, #tpu.memory_space<vmem>>) target_semaphore(%run_scoped3A : memref<!tpu.dma_semaphore, #tpu.memory_space<semaphore_mem>>)
      %dma_wait3A = arith.constant 2304 : i32
      %dma_wait3A_284 = tpu.memref_slice %arg6[%dma_wait3A] : memref<6912xf32, #tpu.memory_space<vmem>> -> memref<2304xf32, #tpu.memory_space<vmem>>
      %dma_wait3A_285 = tpu.memref_slice %arg2[%add3A_62] : memref<27648xf32, #tpu.memory_space<hbm>> -> memref<2304xf32, #tpu.memory_space<hbm>>
      %dma_wait3A_286 = arith.constant 2304 : i32
      %dma_wait3A_287 = tpu.memref_slice %arg6[%dma_wait3A_286] : memref<6912xf32, #tpu.memory_space<vmem>> -> memref<2304xf32, #tpu.memory_space<vmem>>
      %dma_wait3A_288 = tpu.memref_slice %arg2[%add3A_62] : memref<27648xf32, #tpu.memory_space<hbm>> -> memref<2304xf32, #tpu.memory_space<hbm>>
      tpu.wait_dma2 semaphore(%run_scoped3A : memref<!tpu.dma_semaphore, #tpu.memory_space<semaphore_mem>>) src(%dma_wait3A_288 : memref<2304xf32, #tpu.memory_space<hbm>>) dst(%dma_wait3A_287 : memref<2304xf32, #tpu.memory_space<vmem>>)
      tpu.yield
    }) : () -> ()
    %add3A_63 = arith.constant 18432 : i32
    %add3A_64 = arith.addi %add3A_63, %mul3A_58 : i32
    "tpu.region"() ({
      %run_scoped3A = tpu.sem_alloc : memref<!tpu.dma_semaphore, #tpu.memory_space<semaphore_mem>>
      %dma_start3A = arith.constant 4608 : i32
      %dma_start3A_279 = tpu.memref_slice %arg6[%dma_start3A] : memref<6912xf32, #tpu.memory_space<vmem>> -> memref<2304xf32, #tpu.memory_space<vmem>>
      %dma_start3A_280 = tpu.memref_slice %arg2[%add3A_64] : memref<27648xf32, #tpu.memory_space<hbm>> -> memref<2304xf32, #tpu.memory_space<hbm>>
      %dma_start3A_281 = arith.constant 4608 : i32
      %dma_start3A_282 = tpu.memref_slice %arg6[%dma_start3A_281] : memref<6912xf32, #tpu.memory_space<vmem>> -> memref<2304xf32, #tpu.memory_space<vmem>>
      %dma_start3A_283 = tpu.memref_slice %arg2[%add3A_64] : memref<27648xf32, #tpu.memory_space<hbm>> -> memref<2304xf32, #tpu.memory_space<hbm>>
      tpu.enqueue_dma source(%dma_start3A_283 : memref<2304xf32, #tpu.memory_space<hbm>>) target(%dma_start3A_282 : memref<2304xf32, #tpu.memory_space<vmem>>) target_semaphore(%run_scoped3A : memref<!tpu.dma_semaphore, #tpu.memory_space<semaphore_mem>>)
      %dma_wait3A = arith.constant 4608 : i32
      %dma_wait3A_284 = tpu.memref_slice %arg6[%dma_wait3A] : memref<6912xf32, #tpu.memory_space<vmem>> -> memref<2304xf32, #tpu.memory_space<vmem>>
      %dma_wait3A_285 = tpu.memref_slice %arg2[%add3A_64] : memref<27648xf32, #tpu.memory_space<hbm>> -> memref<2304xf32, #tpu.memory_space<hbm>>
      %dma_wait3A_286 = arith.constant 4608 : i32
      %dma_wait3A_287 = tpu.memref_slice %arg6[%dma_wait3A_286] : memref<6912xf32, #tpu.memory_space<vmem>> -> memref<2304xf32, #tpu.memory_space<vmem>>
      %dma_wait3A_288 = tpu.memref_slice %arg2[%add3A_64] : memref<27648xf32, #tpu.memory_space<hbm>> -> memref<2304xf32, #tpu.memory_space<hbm>>
      tpu.wait_dma2 semaphore(%run_scoped3A : memref<!tpu.dma_semaphore, #tpu.memory_space<semaphore_mem>>) src(%dma_wait3A_288 : memref<2304xf32, #tpu.memory_space<hbm>>) dst(%dma_wait3A_287 : memref<2304xf32, #tpu.memory_space<vmem>>)
      tpu.yield
    }) : () -> ()
    %get3A = arith.constant 0 : index
    %get3A_65 = tpu.vector_load %arg9[%get3A] {strides = array<i32>} : memref<16xf32, #tpu.memory_space<vmem>>, vector<16xf32>,
    %get3A_66 = arith.constant 0 : index
    %get3A_67 = tpu.vector_load %arg10[%get3A_66] {strides = array<i32>} : memref<16xf32, #tpu.memory_space<vmem>>, vector<16xf32>,
    %broadcast_in_dim3A = arith.constant 0.000000e+00 : f32
    %broadcast_in_dim3A_68 = vector.broadcast %broadcast_in_dim3A : f32 to vector<16xf32>
    %eq3A_69 = arith.constant 0 : i32
    %eq3A_70 = vector.broadcast %eq3A_69 : i32 to vector<16xi32>
    %eq3A_71 = arith.cmpi eq, %iota3A, %eq3A_70 : vector<16xi32>
    %select_n3A_72 = arith.select %eq3A_71, %get3A_65, %broadcast_in_dim3A_68 : vector<16xi1>, vector<16xf32>
    %reduce_sum3A = arith.constant true
    %reduce_sum3A_73 = vector.broadcast %reduce_sum3A : i1 to vector<16xi1>
    %reduce_sum3A_74 = tpu.scan <sum>, %select_n3A_72 masked %reduce_sum3A_73 : vector<16xf32>, vector<16xi1> -> vector<16xf32>
    %reduce_sum3A_75 = vector.extract %reduce_sum3A_74[15] : f32 from vector<16xf32>
    %eq3A_76 = arith.constant 1 : i32
    %eq3A_77 = vector.broadcast %eq3A_76 : i32 to vector<16xi32>
    %eq3A_78 = arith.cmpi eq, %iota3A, %eq3A_77 : vector<16xi32>
    %select_n3A_79 = arith.select %eq3A_78, %get3A_65, %broadcast_in_dim3A_68 : vector<16xi1>, vector<16xf32>
    %reduce_sum3A_80 = arith.constant true
    %reduce_sum3A_81 = vector.broadcast %reduce_sum3A_80 : i1 to vector<16xi1>
    %reduce_sum3A_82 = tpu.scan <sum>, %select_n3A_79 masked %reduce_sum3A_81 : vector<16xf32>, vector<16xi1> -> vector<16xf32>
    %reduce_sum3A_83 = vector.extract %reduce_sum3A_82[15] : f32 from vector<16xf32>
    %eq3A_84 = arith.constant 2 : i32
    %eq3A_85 = vector.broadcast %eq3A_84 : i32 to vector<16xi32>
    %eq3A_86 = arith.cmpi eq, %iota3A, %eq3A_85 : vector<16xi32>
    %select_n3A_87 = arith.select %eq3A_86, %get3A_65, %broadcast_in_dim3A_68 : vector<16xi1>, vector<16xf32>
    %reduce_sum3A_88 = arith.constant true
    %reduce_sum3A_89 = vector.broadcast %reduce_sum3A_88 : i1 to vector<16xi1>
    %reduce_sum3A_90 = tpu.scan <sum>, %select_n3A_87 masked %reduce_sum3A_89 : vector<16xf32>, vector<16xi1> -> vector<16xf32>
    %reduce_sum3A_91 = vector.extract %reduce_sum3A_90[15] : f32 from vector<16xf32>
    %eq3A_92 = arith.constant 3 : i32
    %eq3A_93 = vector.broadcast %eq3A_92 : i32 to vector<16xi32>
    %eq3A_94 = arith.cmpi eq, %iota3A, %eq3A_93 : vector<16xi32>
    %select_n3A_95 = arith.select %eq3A_94, %get3A_65, %broadcast_in_dim3A_68 : vector<16xi1>, vector<16xf32>
    %reduce_sum3A_96 = arith.constant true
    %reduce_sum3A_97 = vector.broadcast %reduce_sum3A_96 : i1 to vector<16xi1>
    %reduce_sum3A_98 = tpu.scan <sum>, %select_n3A_95 masked %reduce_sum3A_97 : vector<16xf32>, vector<16xi1> -> vector<16xf32>
    %reduce_sum3A_99 = vector.extract %reduce_sum3A_98[15] : f32 from vector<16xf32>
    %eq3A_100 = arith.constant 4 : i32
    %eq3A_101 = vector.broadcast %eq3A_100 : i32 to vector<16xi32>
    %eq3A_102 = arith.cmpi eq, %iota3A, %eq3A_101 : vector<16xi32>
    %select_n3A_103 = arith.select %eq3A_102, %get3A_65, %broadcast_in_dim3A_68 : vector<16xi1>, vector<16xf32>
    %reduce_sum3A_104 = arith.constant true
    %reduce_sum3A_105 = vector.broadcast %reduce_sum3A_104 : i1 to vector<16xi1>
    %reduce_sum3A_106 = tpu.scan <sum>, %select_n3A_103 masked %reduce_sum3A_105 : vector<16xf32>, vector<16xi1> -> vector<16xf32>
    %reduce_sum3A_107 = vector.extract %reduce_sum3A_106[15] : f32 from vector<16xf32>
    %eq3A_108 = arith.constant 5 : i32
    %eq3A_109 = vector.broadcast %eq3A_108 : i32 to vector<16xi32>
    %eq3A_110 = arith.cmpi eq, %iota3A, %eq3A_109 : vector<16xi32>
    %select_n3A_111 = arith.select %eq3A_110, %get3A_65, %broadcast_in_dim3A_68 : vector<16xi1>, vector<16xf32>
    %reduce_sum3A_112 = arith.constant true
    %reduce_sum3A_113 = vector.broadcast %reduce_sum3A_112 : i1 to vector<16xi1>
    %reduce_sum3A_114 = tpu.scan <sum>, %select_n3A_111 masked %reduce_sum3A_113 : vector<16xf32>, vector<16xi1> -> vector<16xf32>
    %reduce_sum3A_115 = vector.extract %reduce_sum3A_114[15] : f32 from vector<16xf32>
    %eq3A_116 = arith.constant 6 : i32
    %eq3A_117 = vector.broadcast %eq3A_116 : i32 to vector<16xi32>
    %eq3A_118 = arith.cmpi eq, %iota3A, %eq3A_117 : vector<16xi32>
    %select_n3A_119 = arith.select %eq3A_118, %get3A_65, %broadcast_in_dim3A_68 : vector<16xi1>, vector<16xf32>
    %reduce_sum3A_120 = arith.constant true
    %reduce_sum3A_121 = vector.broadcast %reduce_sum3A_120 : i1 to vector<16xi1>
    %reduce_sum3A_122 = tpu.scan <sum>, %select_n3A_119 masked %reduce_sum3A_121 : vector<16xf32>, vector<16xi1> -> vector<16xf32>
    %reduce_sum3A_123 = vector.extract %reduce_sum3A_122[15] : f32 from vector<16xf32>
    %eq3A_124 = arith.constant 7 : i32
    %eq3A_125 = vector.broadcast %eq3A_124 : i32 to vector<16xi32>
    %eq3A_126 = arith.cmpi eq, %iota3A, %eq3A_125 : vector<16xi32>
    %select_n3A_127 = arith.select %eq3A_126, %get3A_65, %broadcast_in_dim3A_68 : vector<16xi1>, vector<16xf32>
    %reduce_sum3A_128 = arith.constant true
    %reduce_sum3A_129 = vector.broadcast %reduce_sum3A_128 : i1 to vector<16xi1>
    %reduce_sum3A_130 = tpu.scan <sum>, %select_n3A_127 masked %reduce_sum3A_129 : vector<16xf32>, vector<16xi1> -> vector<16xf32>
    %reduce_sum3A_131 = vector.extract %reduce_sum3A_130[15] : f32 from vector<16xf32>
    %eq3A_132 = arith.constant 8 : i32
    %eq3A_133 = vector.broadcast %eq3A_132 : i32 to vector<16xi32>
    %eq3A_134 = arith.cmpi eq, %iota3A, %eq3A_133 : vector<16xi32>
    %select_n3A_135 = arith.select %eq3A_134, %get3A_65, %broadcast_in_dim3A_68 : vector<16xi1>, vector<16xf32>
    %reduce_sum3A_136 = arith.constant true
    %reduce_sum3A_137 = vector.broadcast %reduce_sum3A_136 : i1 to vector<16xi1>
    %reduce_sum3A_138 = tpu.scan <sum>, %select_n3A_135 masked %reduce_sum3A_137 : vector<16xf32>, vector<16xi1> -> vector<16xf32>
    %reduce_sum3A_139 = vector.extract %reduce_sum3A_138[15] : f32 from vector<16xf32>
    %eq3A_140 = arith.constant 9 : i32
    %eq3A_141 = vector.broadcast %eq3A_140 : i32 to vector<16xi32>
    %eq3A_142 = arith.cmpi eq, %iota3A, %eq3A_141 : vector<16xi32>
    %select_n3A_143 = arith.select %eq3A_142, %get3A_65, %broadcast_in_dim3A_68 : vector<16xi1>, vector<16xf32>
    %reduce_sum3A_144 = arith.constant true
    %reduce_sum3A_145 = vector.broadcast %reduce_sum3A_144 : i1 to vector<16xi1>
    %reduce_sum3A_146 = tpu.scan <sum>, %select_n3A_143 masked %reduce_sum3A_145 : vector<16xf32>, vector<16xi1> -> vector<16xf32>
    %reduce_sum3A_147 = vector.extract %reduce_sum3A_146[15] : f32 from vector<16xf32>
    %eq3A_148 = arith.constant 10 : i32
    %eq3A_149 = vector.broadcast %eq3A_148 : i32 to vector<16xi32>
    %eq3A_150 = arith.cmpi eq, %iota3A, %eq3A_149 : vector<16xi32>
    %select_n3A_151 = arith.select %eq3A_150, %get3A_65, %broadcast_in_dim3A_68 : vector<16xi1>, vector<16xf32>
    %reduce_sum3A_152 = arith.constant true
    %reduce_sum3A_153 = vector.broadcast %reduce_sum3A_152 : i1 to vector<16xi1>
    %reduce_sum3A_154 = tpu.scan <sum>, %select_n3A_151 masked %reduce_sum3A_153 : vector<16xf32>, vector<16xi1> -> vector<16xf32>
    %reduce_sum3A_155 = vector.extract %reduce_sum3A_154[15] : f32 from vector<16xf32>
    %eq3A_156 = arith.constant 11 : i32
    %eq3A_157 = vector.broadcast %eq3A_156 : i32 to vector<16xi32>
    %eq3A_158 = arith.cmpi eq, %iota3A, %eq3A_157 : vector<16xi32>
    %select_n3A_159 = arith.select %eq3A_158, %get3A_65, %broadcast_in_dim3A_68 : vector<16xi1>, vector<16xf32>
    %reduce_sum3A_160 = arith.constant true
    %reduce_sum3A_161 = vector.broadcast %reduce_sum3A_160 : i1 to vector<16xi1>
    %reduce_sum3A_162 = tpu.scan <sum>, %select_n3A_159 masked %reduce_sum3A_161 : vector<16xf32>, vector<16xi1> -> vector<16xf32>
    %reduce_sum3A_163 = vector.extract %reduce_sum3A_162[15] : f32 from vector<16xf32>
    %eq3A_164 = arith.constant 0 : i32
    %eq3A_165 = vector.broadcast %eq3A_164 : i32 to vector<16xi32>
    %eq3A_166 = arith.cmpi eq, %iota3A, %eq3A_165 : vector<16xi32>
    %select_n3A_167 = arith.select %eq3A_166, %get3A_67, %broadcast_in_dim3A_68 : vector<16xi1>, vector<16xf32>
    %reduce_sum3A_168 = arith.constant true
    %reduce_sum3A_169 = vector.broadcast %reduce_sum3A_168 : i1 to vector<16xi1>
    %reduce_sum3A_170 = tpu.scan <sum>, %select_n3A_167 masked %reduce_sum3A_169 : vector<16xf32>, vector<16xi1> -> vector<16xf32>
    %reduce_sum3A_171 = vector.extract %reduce_sum3A_170[15] : f32 from vector<16xf32>
    %eq3A_172 = arith.constant 1 : i32
    %eq3A_173 = vector.broadcast %eq3A_172 : i32 to vector<16xi32>
    %eq3A_174 = arith.cmpi eq, %iota3A, %eq3A_173 : vector<16xi32>
    %select_n3A_175 = arith.select %eq3A_174, %get3A_67, %broadcast_in_dim3A_68 : vector<16xi1>, vector<16xf32>
    %reduce_sum3A_176 = arith.constant true
    %reduce_sum3A_177 = vector.broadcast %reduce_sum3A_176 : i1 to vector<16xi1>
    %reduce_sum3A_178 = tpu.scan <sum>, %select_n3A_175 masked %reduce_sum3A_177 : vector<16xf32>, vector<16xi1> -> vector<16xf32>
    %reduce_sum3A_179 = vector.extract %reduce_sum3A_178[15] : f32 from vector<16xf32>
    %eq3A_180 = arith.constant 2 : i32
    %eq3A_181 = vector.broadcast %eq3A_180 : i32 to vector<16xi32>
    %eq3A_182 = arith.cmpi eq, %iota3A, %eq3A_181 : vector<16xi32>
    %select_n3A_183 = arith.select %eq3A_182, %get3A_67, %broadcast_in_dim3A_68 : vector<16xi1>, vector<16xf32>
    %reduce_sum3A_184 = arith.constant true
    %reduce_sum3A_185 = vector.broadcast %reduce_sum3A_184 : i1 to vector<16xi1>
    %reduce_sum3A_186 = tpu.scan <sum>, %select_n3A_183 masked %reduce_sum3A_185 : vector<16xf32>, vector<16xi1> -> vector<16xf32>
    %reduce_sum3A_187 = vector.extract %reduce_sum3A_186[15] : f32 from vector<16xf32>
    %eq3A_188 = arith.constant 3 : i32
    %eq3A_189 = vector.broadcast %eq3A_188 : i32 to vector<16xi32>
    %eq3A_190 = arith.cmpi eq, %iota3A, %eq3A_189 : vector<16xi32>
    %select_n3A_191 = arith.select %eq3A_190, %get3A_67, %broadcast_in_dim3A_68 : vector<16xi1>, vector<16xf32>
    %reduce_sum3A_192 = arith.constant true
    %reduce_sum3A_193 = vector.broadcast %reduce_sum3A_192 : i1 to vector<16xi1>
    %reduce_sum3A_194 = tpu.scan <sum>, %select_n3A_191 masked %reduce_sum3A_193 : vector<16xf32>, vector<16xi1> -> vector<16xf32>
    %reduce_sum3A_195 = vector.extract %reduce_sum3A_194[15] : f32 from vector<16xf32>
    %eq3A_196 = arith.constant 4 : i32
    %eq3A_197 = vector.broadcast %eq3A_196 : i32 to vector<16xi32>
    %eq3A_198 = arith.cmpi eq, %iota3A, %eq3A_197 : vector<16xi32>
    %select_n3A_199 = arith.select %eq3A_198, %get3A_67, %broadcast_in_dim3A_68 : vector<16xi1>, vector<16xf32>
    %reduce_sum3A_200 = arith.constant true
    %reduce_sum3A_201 = vector.broadcast %reduce_sum3A_200 : i1 to vector<16xi1>
    %reduce_sum3A_202 = tpu.scan <sum>, %select_n3A_199 masked %reduce_sum3A_201 : vector<16xf32>, vector<16xi1> -> vector<16xf32>
    %reduce_sum3A_203 = vector.extract %reduce_sum3A_202[15] : f32 from vector<16xf32>
    %eq3A_204 = arith.constant 5 : i32
    %eq3A_205 = vector.broadcast %eq3A_204 : i32 to vector<16xi32>
    %eq3A_206 = arith.cmpi eq, %iota3A, %eq3A_205 : vector<16xi32>
    %select_n3A_207 = arith.select %eq3A_206, %get3A_67, %broadcast_in_dim3A_68 : vector<16xi1>, vector<16xf32>
    %reduce_sum3A_208 = arith.constant true
    %reduce_sum3A_209 = vector.broadcast %reduce_sum3A_208 : i1 to vector<16xi1>
    %reduce_sum3A_210 = tpu.scan <sum>, %select_n3A_207 masked %reduce_sum3A_209 : vector<16xf32>, vector<16xi1> -> vector<16xf32>
    %reduce_sum3A_211 = vector.extract %reduce_sum3A_210[15] : f32 from vector<16xf32>
    %broadcast_in_dim3A_212 = arith.constant 0.000000e+00 : f32
    %broadcast_in_dim3A_213 = vector.broadcast %broadcast_in_dim3A_212 : f32 to vector<16xf32>
    %parallel_loop3A = arith.constant 0 : i32
    %parallel_loop3A_214 = arith.constant 144 : i32
    %parallel_loop3A_215 = arith.constant 1 : i32
    %parallel_loop3A_216:2 = scf.for %parallel_loop3A_279 = %parallel_loop3A to %parallel_loop3A_214 step %parallel_loop3A_215 iter_args(%parallel_loop3A_280 = %broadcast_in_dim3A_213, %parallel_loop3A_281 = %broadcast_in_dim3A_213) -> (vector<16xf32>, vector<16xf32>)  : i32 {
      %parallel_loop3A_282 = arith.constant 16 : i32
      %parallel_loop3A_283 = arith.muli %parallel_loop3A_279, %parallel_loop3A_282 : i32
      %parallel_loop3A_284 = arith.index_cast %parallel_loop3A_283 : i32 to index
      %parallel_loop3A_285 = tpu.vector_load %arg6[%parallel_loop3A_284] {strides = array<i32>} : memref<6912xf32, #tpu.memory_space<vmem>>, vector<16xf32>,
      %parallel_loop3A_286 = arith.constant 16 : i32
      %parallel_loop3A_287 = arith.muli %parallel_loop3A_279, %parallel_loop3A_286 : i32
      %parallel_loop3A_288 = arith.constant 2304 : i32
      %parallel_loop3A_289 = arith.addi %parallel_loop3A_288, %parallel_loop3A_287 : i32
      %parallel_loop3A_290 = arith.index_cast %parallel_loop3A_289 : i32 to index
      %parallel_loop3A_291 = tpu.vector_load %arg6[%parallel_loop3A_290] {strides = array<i32>} : memref<6912xf32, #tpu.memory_space<vmem>>, vector<16xf32>,
      %parallel_loop3A_292 = arith.constant 16 : i32
      %parallel_loop3A_293 = arith.muli %parallel_loop3A_279, %parallel_loop3A_292 : i32
      %parallel_loop3A_294 = arith.constant 4608 : i32
      %parallel_loop3A_295 = arith.addi %parallel_loop3A_294, %parallel_loop3A_293 : i32
      %parallel_loop3A_296 = arith.index_cast %parallel_loop3A_295 : i32 to index
      %parallel_loop3A_297 = tpu.vector_load %arg6[%parallel_loop3A_296] {strides = array<i32>} : memref<6912xf32, #tpu.memory_space<vmem>>, vector<16xf32>,
      %parallel_loop3A_298 = vector.broadcast %reduce_sum3A_75 : f32 to vector<16xf32>
      %parallel_loop3A_299 = arith.mulf %parallel_loop3A_298, %parallel_loop3A_285 : vector<16xf32>
      %parallel_loop3A_300 = vector.broadcast %reduce_sum3A_83 : f32 to vector<16xf32>
      %parallel_loop3A_301 = arith.mulf %parallel_loop3A_300, %parallel_loop3A_285 : vector<16xf32>
      %parallel_loop3A_302 = vector.broadcast %reduce_sum3A_91 : f32 to vector<16xf32>
      %parallel_loop3A_303 = arith.mulf %parallel_loop3A_302, %parallel_loop3A_291 : vector<16xf32>
      %parallel_loop3A_304 = arith.addf %parallel_loop3A_301, %parallel_loop3A_303 : vector<16xf32>
      %parallel_loop3A_305 = vector.broadcast %reduce_sum3A_99 : f32 to vector<16xf32>
      %parallel_loop3A_306 = arith.mulf %parallel_loop3A_305, %parallel_loop3A_285 : vector<16xf32>
      %parallel_loop3A_307 = vector.broadcast %reduce_sum3A_107 : f32 to vector<16xf32>
      %parallel_loop3A_308 = arith.mulf %parallel_loop3A_307, %parallel_loop3A_291 : vector<16xf32>
      %parallel_loop3A_309 = arith.addf %parallel_loop3A_306, %parallel_loop3A_308 : vector<16xf32>
      %parallel_loop3A_310 = vector.broadcast %reduce_sum3A_115 : f32 to vector<16xf32>
      %parallel_loop3A_311 = arith.mulf %parallel_loop3A_310, %parallel_loop3A_297 : vector<16xf32>
      %parallel_loop3A_312 = arith.addf %parallel_loop3A_309, %parallel_loop3A_311 : vector<16xf32>
      %parallel_loop3A_313 = vector.broadcast %reduce_sum3A_123 : f32 to vector<16xf32>
      %parallel_loop3A_314 = arith.mulf %parallel_loop3A_313, %parallel_loop3A_299 : vector<16xf32>
      %parallel_loop3A_315 = vector.broadcast %reduce_sum3A_131 : f32 to vector<16xf32>
      %parallel_loop3A_316 = arith.mulf %parallel_loop3A_315, %parallel_loop3A_304 : vector<16xf32>
      %parallel_loop3A_317 = arith.addf %parallel_loop3A_314, %parallel_loop3A_316 : vector<16xf32>
      %parallel_loop3A_318 = vector.broadcast %reduce_sum3A_139 : f32 to vector<16xf32>
      %parallel_loop3A_319 = arith.mulf %parallel_loop3A_318, %parallel_loop3A_312 : vector<16xf32>
      %parallel_loop3A_320 = arith.addf %parallel_loop3A_317, %parallel_loop3A_319 : vector<16xf32>
      %parallel_loop3A_321 = vector.broadcast %reduce_sum3A_131 : f32 to vector<16xf32>
      %parallel_loop3A_322 = arith.mulf %parallel_loop3A_321, %parallel_loop3A_299 : vector<16xf32>
      %parallel_loop3A_323 = vector.broadcast %reduce_sum3A_147 : f32 to vector<16xf32>
      %parallel_loop3A_324 = arith.mulf %parallel_loop3A_323, %parallel_loop3A_304 : vector<16xf32>
      %parallel_loop3A_325 = arith.addf %parallel_loop3A_322, %parallel_loop3A_324 : vector<16xf32>
      %parallel_loop3A_326 = vector.broadcast %reduce_sum3A_155 : f32 to vector<16xf32>
      %parallel_loop3A_327 = arith.mulf %parallel_loop3A_326, %parallel_loop3A_312 : vector<16xf32>
      %parallel_loop3A_328 = arith.addf %parallel_loop3A_325, %parallel_loop3A_327 : vector<16xf32>
      %parallel_loop3A_329 = vector.broadcast %reduce_sum3A_139 : f32 to vector<16xf32>
      %parallel_loop3A_330 = arith.mulf %parallel_loop3A_329, %parallel_loop3A_299 : vector<16xf32>
      %parallel_loop3A_331 = vector.broadcast %reduce_sum3A_155 : f32 to vector<16xf32>
      %parallel_loop3A_332 = arith.mulf %parallel_loop3A_331, %parallel_loop3A_304 : vector<16xf32>
      %parallel_loop3A_333 = arith.addf %parallel_loop3A_330, %parallel_loop3A_332 : vector<16xf32>
      %parallel_loop3A_334 = vector.broadcast %reduce_sum3A_163 : f32 to vector<16xf32>
      %parallel_loop3A_335 = arith.mulf %parallel_loop3A_334, %parallel_loop3A_312 : vector<16xf32>
      %parallel_loop3A_336 = arith.addf %parallel_loop3A_333, %parallel_loop3A_335 : vector<16xf32>
      %parallel_loop3A_337 = arith.mulf %parallel_loop3A_299, %parallel_loop3A_320 : vector<16xf32>
      %parallel_loop3A_338 = arith.mulf %parallel_loop3A_304, %parallel_loop3A_328 : vector<16xf32>
      %parallel_loop3A_339 = arith.addf %parallel_loop3A_337, %parallel_loop3A_338 : vector<16xf32>
      %parallel_loop3A_340 = arith.mulf %parallel_loop3A_312, %parallel_loop3A_336 : vector<16xf32>
      %parallel_loop3A_341 = arith.addf %parallel_loop3A_339, %parallel_loop3A_340 : vector<16xf32>
      %parallel_loop3A_342 = vector.bitcast %parallel_loop3A_341 : vector<16xf32> to vector<16xi32>
      %parallel_loop3A_343 = arith.constant 1 : i32
      %parallel_loop3A_344 = vector.broadcast %parallel_loop3A_343 : i32 to vector<16xi32>
      %parallel_loop3A_345 = arith.shrui %parallel_loop3A_342, %parallel_loop3A_344 : vector<16xi32>
      %parallel_loop3A_346 = arith.constant 1597463007 : i32
      %parallel_loop3A_347 = vector.broadcast %parallel_loop3A_346 : i32 to vector<16xi32>
      %parallel_loop3A_348 = arith.subi %parallel_loop3A_347, %parallel_loop3A_345 : vector<16xi32>
      %parallel_loop3A_349 = vector.bitcast %parallel_loop3A_348 : vector<16xi32> to vector<16xf32>
      %parallel_loop3A_350 = arith.constant 5.000000e-01 : f32
      %parallel_loop3A_351 = vector.broadcast %parallel_loop3A_350 : f32 to vector<16xf32>
      %parallel_loop3A_352 = arith.mulf %parallel_loop3A_351, %parallel_loop3A_341 : vector<16xf32>
      %parallel_loop3A_353 = arith.mulf %parallel_loop3A_352, %parallel_loop3A_349 : vector<16xf32>
      %parallel_loop3A_354 = arith.mulf %parallel_loop3A_353, %parallel_loop3A_349 : vector<16xf32>
      %parallel_loop3A_355 = arith.constant 1.500000e+00 : f32
      %parallel_loop3A_356 = vector.broadcast %parallel_loop3A_355 : f32 to vector<16xf32>
      %parallel_loop3A_357 = arith.subf %parallel_loop3A_356, %parallel_loop3A_354 : vector<16xf32>
      %parallel_loop3A_358 = arith.mulf %parallel_loop3A_349, %parallel_loop3A_357 : vector<16xf32>
      %parallel_loop3A_359 = arith.constant 5.000000e-01 : f32
      %parallel_loop3A_360 = vector.broadcast %parallel_loop3A_359 : f32 to vector<16xf32>
      %parallel_loop3A_361 = arith.mulf %parallel_loop3A_360, %parallel_loop3A_341 : vector<16xf32>
      %parallel_loop3A_362 = arith.mulf %parallel_loop3A_361, %parallel_loop3A_358 : vector<16xf32>
      %parallel_loop3A_363 = arith.mulf %parallel_loop3A_362, %parallel_loop3A_358 : vector<16xf32>
      %parallel_loop3A_364 = arith.constant 1.500000e+00 : f32
      %parallel_loop3A_365 = vector.broadcast %parallel_loop3A_364 : f32 to vector<16xf32>
      %parallel_loop3A_366 = arith.subf %parallel_loop3A_365, %parallel_loop3A_363 : vector<16xf32>
      %parallel_loop3A_367 = arith.mulf %parallel_loop3A_358, %parallel_loop3A_366 : vector<16xf32>
      %parallel_loop3A_368 = arith.constant 5.000000e-01 : f32
      %parallel_loop3A_369 = vector.broadcast %parallel_loop3A_368 : f32 to vector<16xf32>
      %parallel_loop3A_370 = arith.mulf %parallel_loop3A_369, %parallel_loop3A_341 : vector<16xf32>
      %parallel_loop3A_371 = arith.mulf %parallel_loop3A_370, %parallel_loop3A_367 : vector<16xf32>
      %parallel_loop3A_372 = arith.mulf %parallel_loop3A_371, %parallel_loop3A_367 : vector<16xf32>
      %parallel_loop3A_373 = arith.constant 1.500000e+00 : f32
      %parallel_loop3A_374 = vector.broadcast %parallel_loop3A_373 : f32 to vector<16xf32>
      %parallel_loop3A_375 = arith.subf %parallel_loop3A_374, %parallel_loop3A_372 : vector<16xf32>
      %parallel_loop3A_376 = arith.mulf %parallel_loop3A_367, %parallel_loop3A_375 : vector<16xf32>
      %parallel_loop3A_377 = vector.broadcast %reduce_sum3A_171 : f32 to vector<16xf32>
      %parallel_loop3A_378 = arith.mulf %parallel_loop3A_377, %parallel_loop3A_299 : vector<16xf32>
      %parallel_loop3A_379 = vector.broadcast %reduce_sum3A_179 : f32 to vector<16xf32>
      %parallel_loop3A_380 = arith.mulf %parallel_loop3A_379, %parallel_loop3A_304 : vector<16xf32>
      %parallel_loop3A_381 = arith.addf %parallel_loop3A_378, %parallel_loop3A_380 : vector<16xf32>
      %parallel_loop3A_382 = vector.broadcast %reduce_sum3A_187 : f32 to vector<16xf32>
      %parallel_loop3A_383 = arith.mulf %parallel_loop3A_382, %parallel_loop3A_312 : vector<16xf32>
      %parallel_loop3A_384 = arith.addf %parallel_loop3A_381, %parallel_loop3A_383 : vector<16xf32>
      %parallel_loop3A_385 = arith.mulf %parallel_loop3A_384, %parallel_loop3A_376 : vector<16xf32>
      %parallel_loop3A_386 = vector.broadcast %reduce_sum3A_195 : f32 to vector<16xf32>
      %parallel_loop3A_387 = arith.mulf %parallel_loop3A_386, %parallel_loop3A_299 : vector<16xf32>
      %parallel_loop3A_388 = vector.broadcast %reduce_sum3A_203 : f32 to vector<16xf32>
      %parallel_loop3A_389 = arith.mulf %parallel_loop3A_388, %parallel_loop3A_304 : vector<16xf32>
      %parallel_loop3A_390 = arith.addf %parallel_loop3A_387, %parallel_loop3A_389 : vector<16xf32>
      %parallel_loop3A_391 = vector.broadcast %reduce_sum3A_211 : f32 to vector<16xf32>
      %parallel_loop3A_392 = arith.mulf %parallel_loop3A_391, %parallel_loop3A_312 : vector<16xf32>
      %parallel_loop3A_393 = arith.addf %parallel_loop3A_390, %parallel_loop3A_392 : vector<16xf32>
      %parallel_loop3A_394 = arith.mulf %parallel_loop3A_393, %parallel_loop3A_376 : vector<16xf32>
      %parallel_loop3A_395 = arith.constant 16 : i32
      %parallel_loop3A_396 = arith.muli %parallel_loop3A_279, %parallel_loop3A_395 : i32
      %parallel_loop3A_397 = arith.index_cast %parallel_loop3A_396 : i32 to index
      %parallel_loop3A_398 = tpu.vector_load %arg7[%parallel_loop3A_397] {strides = array<i32>} : memref<2304xf32, #tpu.memory_space<vmem>>, vector<16xf32>,
      tpu.vector_store %arg7[%parallel_loop3A_397], %parallel_loop3A_385 {strides = array<i32>} : memref<2304xf32, #tpu.memory_space<vmem>>, vector<16xf32>,
      %parallel_loop3A_399 = arith.constant 16 : i32
      %parallel_loop3A_400 = arith.muli %parallel_loop3A_279, %parallel_loop3A_399 : i32
      %parallel_loop3A_401 = arith.index_cast %parallel_loop3A_400 : i32 to index
      %parallel_loop3A_402 = tpu.vector_load %arg8[%parallel_loop3A_401] {strides = array<i32>} : memref<2304xf32, #tpu.memory_space<vmem>>, vector<16xf32>,
      tpu.vector_store %arg8[%parallel_loop3A_401], %parallel_loop3A_394 {strides = array<i32>} : memref<2304xf32, #tpu.memory_space<vmem>>, vector<16xf32>,
      %parallel_loop3A_403 = arith.addf %parallel_loop3A_280, %parallel_loop3A_385 : vector<16xf32>
      %parallel_loop3A_404 = arith.addf %parallel_loop3A_281, %parallel_loop3A_394 : vector<16xf32>
      scf.yield %parallel_loop3A_403, %parallel_loop3A_404 : vector<16xf32>, vector<16xf32>
    } {sc.loop_unroll_factor = 6 : i64, sc.parallel_access}
    %swap3A = arith.constant 0 : index
    %swap3A_217 = tpu.vector_load %arg14[%swap3A] {strides = array<i32>} : memref<32xf32, #tpu.memory_space<vmem>>, vector<16xf32>,
    tpu.vector_store %arg14[%swap3A], %parallel_loop3A_216#0 {strides = array<i32>} : memref<32xf32, #tpu.memory_space<vmem>>, vector<16xf32>,
    %swap3A_218 = arith.constant 16 : index
    %swap3A_219 = tpu.vector_load %arg14[%swap3A_218] {strides = array<i32>} : memref<32xf32, #tpu.memory_space<vmem>>, vector<16xf32>,
    tpu.vector_store %arg14[%swap3A_218], %parallel_loop3A_216#1 {strides = array<i32>} : memref<32xf32, #tpu.memory_space<vmem>>, vector<16xf32>,
    "tpu.region"() ({
      %run_scoped3A = tpu.sem_alloc : memref<!tpu.dma_semaphore, #tpu.memory_space<semaphore_mem>>
      %dma_start3A = arith.constant 0 : i32
      %dma_start3A_279 = tpu.memref_slice %arg19[%arg1, %dma_start3A] : memref<16x32xf32, #tpu.memory_space<vmem_shared>> -> memref<1x32xf32, #tpu.memory_space<vmem_shared>>
      %dma_start3A_280 = tpu.memref_squeeze %dma_start3A_279 : memref<1x32xf32, #tpu.memory_space<vmem_shared>> -> memref<32xf32, #tpu.memory_space<vmem_shared>>
      %dma_start3A_281 = arith.constant 0 : i32
      %dma_start3A_282 = tpu.memref_slice %arg19[%arg1, %dma_start3A_281] : memref<16x32xf32, #tpu.memory_space<vmem_shared>> -> memref<1x32xf32, #tpu.memory_space<vmem_shared>>
      %dma_start3A_283 = tpu.memref_squeeze %dma_start3A_282 : memref<1x32xf32, #tpu.memory_space<vmem_shared>> -> memref<32xf32, #tpu.memory_space<vmem_shared>>
      tpu.enqueue_dma source(%arg14 : memref<32xf32, #tpu.memory_space<vmem>>) target(%dma_start3A_283 : memref<32xf32, #tpu.memory_space<vmem_shared>>) target_semaphore(%run_scoped3A : memref<!tpu.dma_semaphore, #tpu.memory_space<semaphore_mem>>)
      %dma_wait3A = arith.constant 0 : i32
      %dma_wait3A_284 = tpu.memref_slice %arg19[%arg1, %dma_wait3A] : memref<16x32xf32, #tpu.memory_space<vmem_shared>> -> memref<1x32xf32, #tpu.memory_space<vmem_shared>>
      %dma_wait3A_285 = tpu.memref_squeeze %dma_wait3A_284 : memref<1x32xf32, #tpu.memory_space<vmem_shared>> -> memref<32xf32, #tpu.memory_space<vmem_shared>>
      %dma_wait3A_286 = arith.constant 0 : i32
      %dma_wait3A_287 = tpu.memref_slice %arg19[%arg1, %dma_wait3A_286] : memref<16x32xf32, #tpu.memory_space<vmem_shared>> -> memref<1x32xf32, #tpu.memory_space<vmem_shared>>
      %dma_wait3A_288 = tpu.memref_squeeze %dma_wait3A_287 : memref<1x32xf32, #tpu.memory_space<vmem_shared>> -> memref<32xf32, #tpu.memory_space<vmem_shared>>
      tpu.wait_dma2 semaphore(%run_scoped3A : memref<!tpu.dma_semaphore, #tpu.memory_space<semaphore_mem>>) src(%arg14 : memref<32xf32, #tpu.memory_space<vmem>>) dst(%dma_wait3A_288 : memref<32xf32, #tpu.memory_space<vmem_shared>>)
      tpu.yield
    }) : () -> ()
    %barrier3A = arith.constant 0 : index
    tpu.barrier barrier_id(%barrier3A)
    %add3A_220 = arith.constant 0 : i32
    %add3A_221 = arith.addi %mul3A_56, %add3A_220 : i32
    "tpu.region"() ({
      %run_scoped3A = tpu.sem_alloc : memref<!tpu.dma_semaphore, #tpu.memory_space<semaphore_mem>>
      %dma_start3A = arith.constant 0 : i32
      %dma_start3A_279 = tpu.memref_slice %arg15[%dma_start3A] : memref<128xf32, #tpu.memory_space<vmem>> -> memref<32xf32, #tpu.memory_space<vmem>>
      %dma_start3A_280 = arith.constant 0 : i32
      %dma_start3A_281 = tpu.memref_slice %arg19[%add3A_221, %dma_start3A_280] : memref<16x32xf32, #tpu.memory_space<vmem_shared>> -> memref<1x32xf32, #tpu.memory_space<vmem_shared>>
      %dma_start3A_282 = tpu.memref_squeeze %dma_start3A_281 : memref<1x32xf32, #tpu.memory_space<vmem_shared>> -> memref<32xf32, #tpu.memory_space<vmem_shared>>
      %dma_start3A_283 = arith.constant 0 : i32
      %dma_start3A_284 = tpu.memref_slice %arg15[%dma_start3A_283] : memref<128xf32, #tpu.memory_space<vmem>> -> memref<32xf32, #tpu.memory_space<vmem>>
      %dma_start3A_285 = arith.constant 0 : i32
      %dma_start3A_286 = tpu.memref_slice %arg19[%add3A_221, %dma_start3A_285] : memref<16x32xf32, #tpu.memory_space<vmem_shared>> -> memref<1x32xf32, #tpu.memory_space<vmem_shared>>
      %dma_start3A_287 = tpu.memref_squeeze %dma_start3A_286 : memref<1x32xf32, #tpu.memory_space<vmem_shared>> -> memref<32xf32, #tpu.memory_space<vmem_shared>>
      tpu.enqueue_dma source(%dma_start3A_287 : memref<32xf32, #tpu.memory_space<vmem_shared>>) target(%dma_start3A_284 : memref<32xf32, #tpu.memory_space<vmem>>) target_semaphore(%run_scoped3A : memref<!tpu.dma_semaphore, #tpu.memory_space<semaphore_mem>>)
      %dma_wait3A = arith.constant 0 : i32
      %dma_wait3A_288 = tpu.memref_slice %arg15[%dma_wait3A] : memref<128xf32, #tpu.memory_space<vmem>> -> memref<32xf32, #tpu.memory_space<vmem>>
      %dma_wait3A_289 = arith.constant 0 : i32
      %dma_wait3A_290 = tpu.memref_slice %arg19[%add3A_221, %dma_wait3A_289] : memref<16x32xf32, #tpu.memory_space<vmem_shared>> -> memref<1x32xf32, #tpu.memory_space<vmem_shared>>
      %dma_wait3A_291 = tpu.memref_squeeze %dma_wait3A_290 : memref<1x32xf32, #tpu.memory_space<vmem_shared>> -> memref<32xf32, #tpu.memory_space<vmem_shared>>
      %dma_wait3A_292 = arith.constant 0 : i32
      %dma_wait3A_293 = tpu.memref_slice %arg15[%dma_wait3A_292] : memref<128xf32, #tpu.memory_space<vmem>> -> memref<32xf32, #tpu.memory_space<vmem>>
      %dma_wait3A_294 = arith.constant 0 : i32
      %dma_wait3A_295 = tpu.memref_slice %arg19[%add3A_221, %dma_wait3A_294] : memref<16x32xf32, #tpu.memory_space<vmem_shared>> -> memref<1x32xf32, #tpu.memory_space<vmem_shared>>
      %dma_wait3A_296 = tpu.memref_squeeze %dma_wait3A_295 : memref<1x32xf32, #tpu.memory_space<vmem_shared>> -> memref<32xf32, #tpu.memory_space<vmem_shared>>
      tpu.wait_dma2 semaphore(%run_scoped3A : memref<!tpu.dma_semaphore, #tpu.memory_space<semaphore_mem>>) src(%dma_wait3A_296 : memref<32xf32, #tpu.memory_space<vmem_shared>>) dst(%dma_wait3A_293 : memref<32xf32, #tpu.memory_space<vmem>>)
      tpu.yield
    }) : () -> ()
    %add3A_222 = arith.constant 1 : i32
    %add3A_223 = arith.addi %mul3A_56, %add3A_222 : i32
    "tpu.region"() ({
      %run_scoped3A = tpu.sem_alloc : memref<!tpu.dma_semaphore, #tpu.memory_space<semaphore_mem>>
      %dma_start3A = arith.constant 32 : i32
      %dma_start3A_279 = tpu.memref_slice %arg15[%dma_start3A] : memref<128xf32, #tpu.memory_space<vmem>> -> memref<32xf32, #tpu.memory_space<vmem>>
      %dma_start3A_280 = arith.constant 0 : i32
      %dma_start3A_281 = tpu.memref_slice %arg19[%add3A_223, %dma_start3A_280] : memref<16x32xf32, #tpu.memory_space<vmem_shared>> -> memref<1x32xf32, #tpu.memory_space<vmem_shared>>
      %dma_start3A_282 = tpu.memref_squeeze %dma_start3A_281 : memref<1x32xf32, #tpu.memory_space<vmem_shared>> -> memref<32xf32, #tpu.memory_space<vmem_shared>>
      %dma_start3A_283 = arith.constant 32 : i32
      %dma_start3A_284 = tpu.memref_slice %arg15[%dma_start3A_283] : memref<128xf32, #tpu.memory_space<vmem>> -> memref<32xf32, #tpu.memory_space<vmem>>
      %dma_start3A_285 = arith.constant 0 : i32
      %dma_start3A_286 = tpu.memref_slice %arg19[%add3A_223, %dma_start3A_285] : memref<16x32xf32, #tpu.memory_space<vmem_shared>> -> memref<1x32xf32, #tpu.memory_space<vmem_shared>>
      %dma_start3A_287 = tpu.memref_squeeze %dma_start3A_286 : memref<1x32xf32, #tpu.memory_space<vmem_shared>> -> memref<32xf32, #tpu.memory_space<vmem_shared>>
      tpu.enqueue_dma source(%dma_start3A_287 : memref<32xf32, #tpu.memory_space<vmem_shared>>) target(%dma_start3A_284 : memref<32xf32, #tpu.memory_space<vmem>>) target_semaphore(%run_scoped3A : memref<!tpu.dma_semaphore, #tpu.memory_space<semaphore_mem>>)
      %dma_wait3A = arith.constant 32 : i32
      %dma_wait3A_288 = tpu.memref_slice %arg15[%dma_wait3A] : memref<128xf32, #tpu.memory_space<vmem>> -> memref<32xf32, #tpu.memory_space<vmem>>
      %dma_wait3A_289 = arith.constant 0 : i32
      %dma_wait3A_290 = tpu.memref_slice %arg19[%add3A_223, %dma_wait3A_289] : memref<16x32xf32, #tpu.memory_space<vmem_shared>> -> memref<1x32xf32, #tpu.memory_space<vmem_shared>>
      %dma_wait3A_291 = tpu.memref_squeeze %dma_wait3A_290 : memref<1x32xf32, #tpu.memory_space<vmem_shared>> -> memref<32xf32, #tpu.memory_space<vmem_shared>>
      %dma_wait3A_292 = arith.constant 32 : i32
      %dma_wait3A_293 = tpu.memref_slice %arg15[%dma_wait3A_292] : memref<128xf32, #tpu.memory_space<vmem>> -> memref<32xf32, #tpu.memory_space<vmem>>
      %dma_wait3A_294 = arith.constant 0 : i32
      %dma_wait3A_295 = tpu.memref_slice %arg19[%add3A_223, %dma_wait3A_294] : memref<16x32xf32, #tpu.memory_space<vmem_shared>> -> memref<1x32xf32, #tpu.memory_space<vmem_shared>>
      %dma_wait3A_296 = tpu.memref_squeeze %dma_wait3A_295 : memref<1x32xf32, #tpu.memory_space<vmem_shared>> -> memref<32xf32, #tpu.memory_space<vmem_shared>>
      tpu.wait_dma2 semaphore(%run_scoped3A : memref<!tpu.dma_semaphore, #tpu.memory_space<semaphore_mem>>) src(%dma_wait3A_296 : memref<32xf32, #tpu.memory_space<vmem_shared>>) dst(%dma_wait3A_293 : memref<32xf32, #tpu.memory_space<vmem>>)
      tpu.yield
    }) : () -> ()
    %add3A_224 = arith.constant 2 : i32
    %add3A_225 = arith.addi %mul3A_56, %add3A_224 : i32
    "tpu.region"() ({
      %run_scoped3A = tpu.sem_alloc : memref<!tpu.dma_semaphore, #tpu.memory_space<semaphore_mem>>
      %dma_start3A = arith.constant 64 : i32
      %dma_start3A_279 = tpu.memref_slice %arg15[%dma_start3A] : memref<128xf32, #tpu.memory_space<vmem>> -> memref<32xf32, #tpu.memory_space<vmem>>
      %dma_start3A_280 = arith.constant 0 : i32
      %dma_start3A_281 = tpu.memref_slice %arg19[%add3A_225, %dma_start3A_280] : memref<16x32xf32, #tpu.memory_space<vmem_shared>> -> memref<1x32xf32, #tpu.memory_space<vmem_shared>>
      %dma_start3A_282 = tpu.memref_squeeze %dma_start3A_281 : memref<1x32xf32, #tpu.memory_space<vmem_shared>> -> memref<32xf32, #tpu.memory_space<vmem_shared>>
      %dma_start3A_283 = arith.constant 64 : i32
      %dma_start3A_284 = tpu.memref_slice %arg15[%dma_start3A_283] : memref<128xf32, #tpu.memory_space<vmem>> -> memref<32xf32, #tpu.memory_space<vmem>>
      %dma_start3A_285 = arith.constant 0 : i32
      %dma_start3A_286 = tpu.memref_slice %arg19[%add3A_225, %dma_start3A_285] : memref<16x32xf32, #tpu.memory_space<vmem_shared>> -> memref<1x32xf32, #tpu.memory_space<vmem_shared>>
      %dma_start3A_287 = tpu.memref_squeeze %dma_start3A_286 : memref<1x32xf32, #tpu.memory_space<vmem_shared>> -> memref<32xf32, #tpu.memory_space<vmem_shared>>
      tpu.enqueue_dma source(%dma_start3A_287 : memref<32xf32, #tpu.memory_space<vmem_shared>>) target(%dma_start3A_284 : memref<32xf32, #tpu.memory_space<vmem>>) target_semaphore(%run_scoped3A : memref<!tpu.dma_semaphore, #tpu.memory_space<semaphore_mem>>)
      %dma_wait3A = arith.constant 64 : i32
      %dma_wait3A_288 = tpu.memref_slice %arg15[%dma_wait3A] : memref<128xf32, #tpu.memory_space<vmem>> -> memref<32xf32, #tpu.memory_space<vmem>>
      %dma_wait3A_289 = arith.constant 0 : i32
      %dma_wait3A_290 = tpu.memref_slice %arg19[%add3A_225, %dma_wait3A_289] : memref<16x32xf32, #tpu.memory_space<vmem_shared>> -> memref<1x32xf32, #tpu.memory_space<vmem_shared>>
      %dma_wait3A_291 = tpu.memref_squeeze %dma_wait3A_290 : memref<1x32xf32, #tpu.memory_space<vmem_shared>> -> memref<32xf32, #tpu.memory_space<vmem_shared>>
      %dma_wait3A_292 = arith.constant 64 : i32
      %dma_wait3A_293 = tpu.memref_slice %arg15[%dma_wait3A_292] : memref<128xf32, #tpu.memory_space<vmem>> -> memref<32xf32, #tpu.memory_space<vmem>>
      %dma_wait3A_294 = arith.constant 0 : i32
      %dma_wait3A_295 = tpu.memref_slice %arg19[%add3A_225, %dma_wait3A_294] : memref<16x32xf32, #tpu.memory_space<vmem_shared>> -> memref<1x32xf32, #tpu.memory_space<vmem_shared>>
      %dma_wait3A_296 = tpu.memref_squeeze %dma_wait3A_295 : memref<1x32xf32, #tpu.memory_space<vmem_shared>> -> memref<32xf32, #tpu.memory_space<vmem_shared>>
      tpu.wait_dma2 semaphore(%run_scoped3A : memref<!tpu.dma_semaphore, #tpu.memory_space<semaphore_mem>>) src(%dma_wait3A_296 : memref<32xf32, #tpu.memory_space<vmem_shared>>) dst(%dma_wait3A_293 : memref<32xf32, #tpu.memory_space<vmem>>)
      tpu.yield
    }) : () -> ()
    %add3A_226 = arith.constant 3 : i32
    %add3A_227 = arith.addi %mul3A_56, %add3A_226 : i32
    "tpu.region"() ({
      %run_scoped3A = tpu.sem_alloc : memref<!tpu.dma_semaphore, #tpu.memory_space<semaphore_mem>>
      %dma_start3A = arith.constant 96 : i32
      %dma_start3A_279 = tpu.memref_slice %arg15[%dma_start3A] : memref<128xf32, #tpu.memory_space<vmem>> -> memref<32xf32, #tpu.memory_space<vmem>>
      %dma_start3A_280 = arith.constant 0 : i32
      %dma_start3A_281 = tpu.memref_slice %arg19[%add3A_227, %dma_start3A_280] : memref<16x32xf32, #tpu.memory_space<vmem_shared>> -> memref<1x32xf32, #tpu.memory_space<vmem_shared>>
      %dma_start3A_282 = tpu.memref_squeeze %dma_start3A_281 : memref<1x32xf32, #tpu.memory_space<vmem_shared>> -> memref<32xf32, #tpu.memory_space<vmem_shared>>
      %dma_start3A_283 = arith.constant 96 : i32
      %dma_start3A_284 = tpu.memref_slice %arg15[%dma_start3A_283] : memref<128xf32, #tpu.memory_space<vmem>> -> memref<32xf32, #tpu.memory_space<vmem>>
      %dma_start3A_285 = arith.constant 0 : i32
      %dma_start3A_286 = tpu.memref_slice %arg19[%add3A_227, %dma_start3A_285] : memref<16x32xf32, #tpu.memory_space<vmem_shared>> -> memref<1x32xf32, #tpu.memory_space<vmem_shared>>
      %dma_start3A_287 = tpu.memref_squeeze %dma_start3A_286 : memref<1x32xf32, #tpu.memory_space<vmem_shared>> -> memref<32xf32, #tpu.memory_space<vmem_shared>>
      tpu.enqueue_dma source(%dma_start3A_287 : memref<32xf32, #tpu.memory_space<vmem_shared>>) target(%dma_start3A_284 : memref<32xf32, #tpu.memory_space<vmem>>) target_semaphore(%run_scoped3A : memref<!tpu.dma_semaphore, #tpu.memory_space<semaphore_mem>>)
      %dma_wait3A = arith.constant 96 : i32
      %dma_wait3A_288 = tpu.memref_slice %arg15[%dma_wait3A] : memref<128xf32, #tpu.memory_space<vmem>> -> memref<32xf32, #tpu.memory_space<vmem>>
      %dma_wait3A_289 = arith.constant 0 : i32
      %dma_wait3A_290 = tpu.memref_slice %arg19[%add3A_227, %dma_wait3A_289] : memref<16x32xf32, #tpu.memory_space<vmem_shared>> -> memref<1x32xf32, #tpu.memory_space<vmem_shared>>
      %dma_wait3A_291 = tpu.memref_squeeze %dma_wait3A_290 : memref<1x32xf32, #tpu.memory_space<vmem_shared>> -> memref<32xf32, #tpu.memory_space<vmem_shared>>
      %dma_wait3A_292 = arith.constant 96 : i32
      %dma_wait3A_293 = tpu.memref_slice %arg15[%dma_wait3A_292] : memref<128xf32, #tpu.memory_space<vmem>> -> memref<32xf32, #tpu.memory_space<vmem>>
      %dma_wait3A_294 = arith.constant 0 : i32
      %dma_wait3A_295 = tpu.memref_slice %arg19[%add3A_227, %dma_wait3A_294] : memref<16x32xf32, #tpu.memory_space<vmem_shared>> -> memref<1x32xf32, #tpu.memory_space<vmem_shared>>
      %dma_wait3A_296 = tpu.memref_squeeze %dma_wait3A_295 : memref<1x32xf32, #tpu.memory_space<vmem_shared>> -> memref<32xf32, #tpu.memory_space<vmem_shared>>
      tpu.wait_dma2 semaphore(%run_scoped3A : memref<!tpu.dma_semaphore, #tpu.memory_space<semaphore_mem>>) src(%dma_wait3A_296 : memref<32xf32, #tpu.memory_space<vmem_shared>>) dst(%dma_wait3A_293 : memref<32xf32, #tpu.memory_space<vmem>>)
      tpu.yield
    }) : () -> ()
    %get3A_228 = arith.constant 0 : index
    %get3A_229 = tpu.vector_load %arg15[%get3A_228] {strides = array<i32>} : memref<128xf32, #tpu.memory_space<vmem>>, vector<16xf32>,
    %get3A_230 = arith.constant 32 : index
    %get3A_231 = tpu.vector_load %arg15[%get3A_230] {strides = array<i32>} : memref<128xf32, #tpu.memory_space<vmem>>, vector<16xf32>,
    %add3A_232 = arith.addf %get3A_229, %get3A_231 : vector<16xf32>
    %get3A_233 = arith.constant 64 : index
    %get3A_234 = tpu.vector_load %arg15[%get3A_233] {strides = array<i32>} : memref<128xf32, #tpu.memory_space<vmem>>, vector<16xf32>,
    %add3A_235 = arith.addf %add3A_232, %get3A_234 : vector<16xf32>
    %get3A_236 = arith.constant 96 : index
    %get3A_237 = tpu.vector_load %arg15[%get3A_236] {strides = array<i32>} : memref<128xf32, #tpu.memory_space<vmem>>, vector<16xf32>,
    %add3A_238 = arith.addf %add3A_235, %get3A_237 : vector<16xf32>
    %get3A_239 = arith.constant 16 : index
    %get3A_240 = tpu.vector_load %arg15[%get3A_239] {strides = array<i32>} : memref<128xf32, #tpu.memory_space<vmem>>, vector<16xf32>,
    %get3A_241 = arith.constant 48 : index
    %get3A_242 = tpu.vector_load %arg15[%get3A_241] {strides = array<i32>} : memref<128xf32, #tpu.memory_space<vmem>>, vector<16xf32>,
    %add3A_243 = arith.addf %get3A_240, %get3A_242 : vector<16xf32>
    %get3A_244 = arith.constant 80 : index
    %get3A_245 = tpu.vector_load %arg15[%get3A_244] {strides = array<i32>} : memref<128xf32, #tpu.memory_space<vmem>>, vector<16xf32>,
    %add3A_246 = arith.addf %add3A_243, %get3A_245 : vector<16xf32>
    %get3A_247 = arith.constant 112 : index
    %get3A_248 = tpu.vector_load %arg15[%get3A_247] {strides = array<i32>} : memref<128xf32, #tpu.memory_space<vmem>>, vector<16xf32>,
    %add3A_249 = arith.addf %add3A_246, %get3A_248 : vector<16xf32>
    %reduce_sum3A_250 = arith.constant true
    %reduce_sum3A_251 = vector.broadcast %reduce_sum3A_250 : i1 to vector<16xi1>
    %reduce_sum3A_252 = tpu.scan <sum>, %add3A_238 masked %reduce_sum3A_251 : vector<16xf32>, vector<16xi1> -> vector<16xf32>
    %reduce_sum3A_253 = vector.extract %reduce_sum3A_252[15] : f32 from vector<16xf32>
    %mul3A_254 = arith.constant 1.08506945E-4 : f32
    %mul3A_255 = arith.mulf %reduce_sum3A_253, %mul3A_254 : f32
    %reduce_sum3A_256 = arith.constant true
    %reduce_sum3A_257 = vector.broadcast %reduce_sum3A_256 : i1 to vector<16xi1>
    %reduce_sum3A_258 = tpu.scan <sum>, %add3A_249 masked %reduce_sum3A_257 : vector<16xf32>, vector<16xi1> -> vector<16xf32>
    %reduce_sum3A_259 = vector.extract %reduce_sum3A_258[15] : f32 from vector<16xf32>
    %mul3A_260 = arith.constant 1.08506945E-4 : f32
    %mul3A_261 = arith.mulf %reduce_sum3A_259, %mul3A_260 : f32
    %parallel_loop3A_262 = arith.constant 0 : i32
    %parallel_loop3A_263 = arith.constant 512 : i32
    %parallel_loop3A_264 = arith.constant 1 : i32
    %parallel_loop3A_265 = arith.constant 0xFF800000 : f32
    scf.for %parallel_loop3A_279 = %parallel_loop3A_262 to %parallel_loop3A_263 step %parallel_loop3A_264  : i32 {
      %parallel_loop3A_280 = vector.broadcast %parallel_loop3A_265 : f32 to vector<16xf32>
      %parallel_loop3A_281 = arith.constant 16 : i32
      %parallel_loop3A_282 = arith.muli %parallel_loop3A_279, %parallel_loop3A_281 : i32
      %parallel_loop3A_283 = arith.index_cast %parallel_loop3A_282 : i32 to index
      %parallel_loop3A_284 = tpu.vector_load %arg11[%parallel_loop3A_283] {strides = array<i32>} : memref<8192xf32, #tpu.memory_space<vmem>>, vector<16xf32>,
      tpu.vector_store %arg11[%parallel_loop3A_283], %parallel_loop3A_280 {strides = array<i32>} : memref<8192xf32, #tpu.memory_space<vmem>>, vector<16xf32>,
    } {sc.loop_unroll_factor = 8 : i64, sc.parallel_access}
    %scan3A = arith.constant 0 : i32
    %scan3A_266 = arith.constant 0 : i32
    %scan3A_267 = arith.constant 18 : i32
    %scan3A_268 = arith.addi %scan3A_266, %scan3A_267 : i32
    %scan3A_269 = arith.constant 1 : i32
    scf.for %scan3A_279 = %scan3A_266 to %scan3A_268 step %scan3A_269  : i32 {
      %mul3A_280 = arith.constant 8 : i32
      %mul3A_281 = arith.muli %scan3A_279, %mul3A_280 : i32
      %add3A_282 = arith.constant 0 : i32
      %add3A_283 = arith.addi %mul3A_281, %add3A_282 : i32
      %mul3A_284 = arith.constant 16 : i32
      %mul3A_285 = arith.muli %add3A_283, %mul3A_284 : i32
      %get3A_286 = arith.index_cast %mul3A_285 : i32 to index
      %get3A_287 = tpu.vector_load %arg7[%get3A_286] {strides = array<i32>} : memref<2304xf32, #tpu.memory_space<vmem>>, vector<16xf32>,
      %mul3A_288 = arith.constant 16 : i32
      %mul3A_289 = arith.muli %add3A_283, %mul3A_288 : i32
      %get3A_290 = arith.index_cast %mul3A_289 : i32 to index
      %get3A_291 = tpu.vector_load %arg8[%get3A_290] {strides = array<i32>} : memref<2304xf32, #tpu.memory_space<vmem>>, vector<16xf32>,
      %sub3A_292 = vector.broadcast %mul3A_255 : f32 to vector<16xf32>
      %sub3A_293 = arith.subf %get3A_287, %sub3A_292 : vector<16xf32>
      %sub3A_294 = vector.broadcast %mul3A_261 : f32 to vector<16xf32>
      %sub3A_295 = arith.subf %get3A_291, %sub3A_294 : vector<16xf32>
      %mul3A_296 = arith.mulf %sub3A_293, %sub3A_293 : vector<16xf32>
      %mul3A_297 = arith.mulf %sub3A_295, %sub3A_295 : vector<16xf32>
      %add3A_298 = arith.addf %mul3A_296, %mul3A_297 : vector<16xf32>
      %abs3A = math.absf %sub3A_293 : vector<16xf32>
      %abs3A_299 = math.absf %sub3A_295 : vector<16xf32>
      %max3A = arith.maximumf %abs3A, %abs3A_299 : vector<16xf32>
      %min3A = arith.minimumf %abs3A, %abs3A_299 : vector<16xf32>
      %max3A_300 = arith.constant 1.000000e-30 : f32
      %max3A_301 = vector.broadcast %max3A_300 : f32 to vector<16xf32>
      %max3A_302 = arith.maximumf %max3A, %max3A_301 : vector<16xf32>
      %div3A_303 = arith.divf %min3A, %max3A_302 : vector<16xf32>
      %mul3A_304 = arith.mulf %div3A_303, %div3A_303 : vector<16xf32>
      %broadcast_in_dim3A_305 = arith.constant 4.30164946E-4 : f32
      %broadcast_in_dim3A_306 = vector.broadcast %broadcast_in_dim3A_305 : f32 to vector<16xf32>
      %mul3A_307 = arith.mulf %broadcast_in_dim3A_306, %mul3A_304 : vector<16xf32>
      %add3A_308 = arith.constant -0.003261487 : f32
      %add3A_309 = vector.broadcast %add3A_308 : f32 to vector<16xf32>
      %add3A_310 = arith.addf %mul3A_307, %add3A_309 : vector<16xf32>
      %mul3A_311 = arith.mulf %add3A_310, %mul3A_304 : vector<16xf32>
      %add3A_312 = arith.constant 0.0116023254 : f32
      %add3A_313 = vector.broadcast %add3A_312 : f32 to vector<16xf32>
      %add3A_314 = arith.addf %mul3A_311, %add3A_313 : vector<16xf32>
      %mul3A_315 = arith.mulf %add3A_314, %mul3A_304 : vector<16xf32>
      %add3A_316 = arith.constant -0.0262715779 : f32
      %add3A_317 = vector.broadcast %add3A_316 : f32 to vector<16xf32>
      %add3A_318 = arith.addf %mul3A_315, %add3A_317 : vector<16xf32>
      %mul3A_319 = arith.mulf %add3A_318, %mul3A_304 : vector<16xf32>
      %add3A_320 = arith.constant 0.043902874 : f32
      %add3A_321 = vector.broadcast %add3A_320 : f32 to vector<16xf32>
      %add3A_322 = arith.addf %mul3A_319, %add3A_321 : vector<16xf32>
      %mul3A_323 = arith.mulf %add3A_322, %mul3A_304 : vector<16xf32>
      %add3A_324 = arith.constant -0.060385488 : f32
      %add3A_325 = vector.broadcast %add3A_324 : f32 to vector<16xf32>
      %add3A_326 = arith.addf %mul3A_323, %add3A_325 : vector<16xf32>
      %mul3A_327 = arith.mulf %add3A_326, %mul3A_304 : vector<16xf32>
      %add3A_328 = arith.constant 0.0750223175 : f32
      %add3A_329 = vector.broadcast %add3A_328 : f32 to vector<16xf32>
      %add3A_330 = arith.addf %mul3A_327, %add3A_329 : vector<16xf32>
      %mul3A_331 = arith.mulf %add3A_330, %mul3A_304 : vector<16xf32>
      %add3A_332 = arith.constant -0.0905113741 : f32
      %add3A_333 = vector.broadcast %add3A_332 : f32 to vector<16xf32>
      %add3A_334 = arith.addf %mul3A_331, %add3A_333 : vector<16xf32>
      %mul3A_335 = arith.mulf %add3A_334, %mul3A_304 : vector<16xf32>
      %add3A_336 = arith.constant 0.111056559 : f32
      %add3A_337 = vector.broadcast %add3A_336 : f32 to vector<16xf32>
      %add3A_338 = arith.addf %mul3A_335, %add3A_337 : vector<16xf32>
      %mul3A_339 = arith.mulf %add3A_338, %mul3A_304 : vector<16xf32>
      %add3A_340 = arith.constant -0.142852619 : f32
      %add3A_341 = vector.broadcast %add3A_340 : f32 to vector<16xf32>
      %add3A_342 = arith.addf %mul3A_339, %add3A_341 : vector<16xf32>
      %mul3A_343 = arith.mulf %add3A_342, %mul3A_304 : vector<16xf32>
      %add3A_344 = arith.constant 0.199999809 : f32
      %add3A_345 = vector.broadcast %add3A_344 : f32 to vector<16xf32>
      %add3A_346 = arith.addf %mul3A_343, %add3A_345 : vector<16xf32>
      %mul3A_347 = arith.mulf %add3A_346, %mul3A_304 : vector<16xf32>
      %add3A_348 = arith.constant -0.333333343 : f32
      %add3A_349 = vector.broadcast %add3A_348 : f32 to vector<16xf32>
      %add3A_350 = arith.addf %mul3A_347, %add3A_349 : vector<16xf32>
      %mul3A_351 = arith.mulf %add3A_350, %mul3A_304 : vector<16xf32>
      %add3A_352 = arith.constant 1.000000e+00 : f32
      %add3A_353 = vector.broadcast %add3A_352 : f32 to vector<16xf32>
      %add3A_354 = arith.addf %mul3A_351, %add3A_353 : vector<16xf32>
      %mul3A_355 = arith.mulf %div3A_303, %add3A_354 : vector<16xf32>
      %gt3A = arith.cmpf ogt, %abs3A_299, %abs3A : vector<16xf32>
      %sub3A_356 = arith.constant 1.57079637 : f32
      %sub3A_357 = vector.broadcast %sub3A_356 : f32 to vector<16xf32>
      %sub3A_358 = arith.subf %sub3A_357, %mul3A_355 : vector<16xf32>
      %select_n3A_359 = arith.select %gt3A, %sub3A_358, %mul3A_355 : vector<16xi1>, vector<16xf32>
      %lt3A_360 = arith.constant 0.000000e+00 : f32
      %lt3A_361 = vector.broadcast %lt3A_360 : f32 to vector<16xf32>
      %lt3A_362 = arith.cmpf olt, %sub3A_293, %lt3A_361 : vector<16xf32>
      %sub3A_363 = arith.constant 3.14159274 : f32
      %sub3A_364 = vector.broadcast %sub3A_363 : f32 to vector<16xf32>
      %sub3A_365 = arith.subf %sub3A_364, %select_n3A_359 : vector<16xf32>
      %select_n3A_366 = arith.select %lt3A_362, %sub3A_365, %select_n3A_359 : vector<16xi1>, vector<16xf32>
      %lt3A_367 = arith.constant 0.000000e+00 : f32
      %lt3A_368 = vector.broadcast %lt3A_367 : f32 to vector<16xf32>
      %lt3A_369 = arith.cmpf olt, %sub3A_295, %lt3A_368 : vector<16xf32>
      %neg3A = arith.constant 0.000000e+00 : f32
      %neg3A_370 = vector.broadcast %neg3A : f32 to vector<16xf32>
      %neg3A_371 = arith.subf %neg3A_370, %select_n3A_366 : vector<16xf32>
      %select_n3A_372 = arith.select %lt3A_369, %neg3A_371, %select_n3A_366 : vector<16xi1>, vector<16xf32>
      %add3A_373 = arith.constant 3.14159274 : f32
      %add3A_374 = vector.broadcast %add3A_373 : f32 to vector<16xf32>
      %add3A_375 = arith.addf %select_n3A_372, %add3A_374 : vector<16xf32>
      %mul3A_376 = arith.constant 81.4873276 : f32
      %mul3A_377 = vector.broadcast %mul3A_376 : f32 to vector<16xf32>
      %mul3A_378 = arith.mulf %add3A_375, %mul3A_377 : vector<16xf32>
      %convert_element_type3A_379 = arith.fptosi %mul3A_378 : vector<16xf32> to vector<16xi32>
      %jit3A_380 = arith.constant 0 : i32
      %jit3A_381 = arith.constant 511 : i32
      %max3A_382 = vector.broadcast %jit3A_380 : i32 to vector<16xi32>
      %max3A_383 = arith.maxsi %max3A_382, %convert_element_type3A_379 : vector<16xi32>
      %min3A_384 = vector.broadcast %jit3A_381 : i32 to vector<16xi32>
      %min3A_385 = arith.minsi %min3A_384, %max3A_383 : vector<16xi32>
      %mul3A_386 = arith.constant 512 : i32
      %mul3A_387 = vector.broadcast %mul3A_386 : i32 to vector<16xi32>
      %mul3A_388 = arith.muli %iota3A, %mul3A_387 : vector<16xi32>
      %add3A_389 = arith.addi %mul3A_388, %min3A_385 : vector<16xi32>
      %gather3A = tpu.vector_load_idx %arg11[%add3A_389] : memref<8192xf32, #tpu.memory_space<vmem>>[vector<16xi32>], vector<16xf32>,
      %gt3A_390 = arith.cmpf ogt, %add3A_298, %gather3A : vector<16xf32>
      tpu.vector_store_idx %arg11[%add3A_389], %add3A_298 masked %gt3A_390 : memref<8192xf32, #tpu.memory_space<vmem>>[vector<16xi32>], vector<16xf32>, vector<16xi1>
      tpu.vector_store_idx %arg12[%add3A_389], %get3A_287 masked %gt3A_390 : memref<8192xf32, #tpu.memory_space<vmem>>[vector<16xi32>], vector<16xf32>, vector<16xi1>
      tpu.vector_store_idx %arg13[%add3A_389], %get3A_291 masked %gt3A_390 : memref<8192xf32, #tpu.memory_space<vmem>>[vector<16xi32>], vector<16xf32>, vector<16xi1>
      %mul3A_391 = arith.constant 8 : i32
      %mul3A_392 = arith.muli %scan3A_279, %mul3A_391 : i32
      %add3A_393 = arith.constant 1 : i32
      %add3A_394 = arith.addi %mul3A_392, %add3A_393 : i32
      %mul3A_395 = arith.constant 16 : i32
      %mul3A_396 = arith.muli %add3A_394, %mul3A_395 : i32
      %get3A_397 = arith.index_cast %mul3A_396 : i32 to index
      %get3A_398 = tpu.vector_load %arg7[%get3A_397] {strides = array<i32>} : memref<2304xf32, #tpu.memory_space<vmem>>, vector<16xf32>,
      %mul3A_399 = arith.constant 16 : i32
      %mul3A_400 = arith.muli %add3A_394, %mul3A_399 : i32
      %get3A_401 = arith.index_cast %mul3A_400 : i32 to index
      %get3A_402 = tpu.vector_load %arg8[%get3A_401] {strides = array<i32>} : memref<2304xf32, #tpu.memory_space<vmem>>, vector<16xf32>,
      %sub3A_403 = vector.broadcast %mul3A_255 : f32 to vector<16xf32>
      %sub3A_404 = arith.subf %get3A_398, %sub3A_403 : vector<16xf32>
      %sub3A_405 = vector.broadcast %mul3A_261 : f32 to vector<16xf32>
      %sub3A_406 = arith.subf %get3A_402, %sub3A_405 : vector<16xf32>
      %mul3A_407 = arith.mulf %sub3A_404, %sub3A_404 : vector<16xf32>
      %mul3A_408 = arith.mulf %sub3A_406, %sub3A_406 : vector<16xf32>
      %add3A_409 = arith.addf %mul3A_407, %mul3A_408 : vector<16xf32>
      %abs3A_410 = math.absf %sub3A_404 : vector<16xf32>
      %abs3A_411 = math.absf %sub3A_406 : vector<16xf32>
      %max3A_412 = arith.maximumf %abs3A_410, %abs3A_411 : vector<16xf32>
      %min3A_413 = arith.minimumf %abs3A_410, %abs3A_411 : vector<16xf32>
      %max3A_414 = arith.constant 1.000000e-30 : f32
      %max3A_415 = vector.broadcast %max3A_414 : f32 to vector<16xf32>
      %max3A_416 = arith.maximumf %max3A_412, %max3A_415 : vector<16xf32>
      %div3A_417 = arith.divf %min3A_413, %max3A_416 : vector<16xf32>
      %mul3A_418 = arith.mulf %div3A_417, %div3A_417 : vector<16xf32>
      %broadcast_in_dim3A_419 = arith.constant 4.30164946E-4 : f32
      %broadcast_in_dim3A_420 = vector.broadcast %broadcast_in_dim3A_419 : f32 to vector<16xf32>
      %mul3A_421 = arith.mulf %broadcast_in_dim3A_420, %mul3A_418 : vector<16xf32>
      %add3A_422 = arith.constant -0.003261487 : f32
      %add3A_423 = vector.broadcast %add3A_422 : f32 to vector<16xf32>
      %add3A_424 = arith.addf %mul3A_421, %add3A_423 : vector<16xf32>
      %mul3A_425 = arith.mulf %add3A_424, %mul3A_418 : vector<16xf32>
      %add3A_426 = arith.constant 0.0116023254 : f32
      %add3A_427 = vector.broadcast %add3A_426 : f32 to vector<16xf32>
      %add3A_428 = arith.addf %mul3A_425, %add3A_427 : vector<16xf32>
      %mul3A_429 = arith.mulf %add3A_428, %mul3A_418 : vector<16xf32>
      %add3A_430 = arith.constant -0.0262715779 : f32
      %add3A_431 = vector.broadcast %add3A_430 : f32 to vector<16xf32>
      %add3A_432 = arith.addf %mul3A_429, %add3A_431 : vector<16xf32>
      %mul3A_433 = arith.mulf %add3A_432, %mul3A_418 : vector<16xf32>
      %add3A_434 = arith.constant 0.043902874 : f32
      %add3A_435 = vector.broadcast %add3A_434 : f32 to vector<16xf32>
      %add3A_436 = arith.addf %mul3A_433, %add3A_435 : vector<16xf32>
      %mul3A_437 = arith.mulf %add3A_436, %mul3A_418 : vector<16xf32>
      %add3A_438 = arith.constant -0.060385488 : f32
      %add3A_439 = vector.broadcast %add3A_438 : f32 to vector<16xf32>
      %add3A_440 = arith.addf %mul3A_437, %add3A_439 : vector<16xf32>
      %mul3A_441 = arith.mulf %add3A_440, %mul3A_418 : vector<16xf32>
      %add3A_442 = arith.constant 0.0750223175 : f32
      %add3A_443 = vector.broadcast %add3A_442 : f32 to vector<16xf32>
      %add3A_444 = arith.addf %mul3A_441, %add3A_443 : vector<16xf32>
      %mul3A_445 = arith.mulf %add3A_444, %mul3A_418 : vector<16xf32>
      %add3A_446 = arith.constant -0.0905113741 : f32
      %add3A_447 = vector.broadcast %add3A_446 : f32 to vector<16xf32>
      %add3A_448 = arith.addf %mul3A_445, %add3A_447 : vector<16xf32>
      %mul3A_449 = arith.mulf %add3A_448, %mul3A_418 : vector<16xf32>
      %add3A_450 = arith.constant 0.111056559 : f32
      %add3A_451 = vector.broadcast %add3A_450 : f32 to vector<16xf32>
      %add3A_452 = arith.addf %mul3A_449, %add3A_451 : vector<16xf32>
      %mul3A_453 = arith.mulf %add3A_452, %mul3A_418 : vector<16xf32>
      %add3A_454 = arith.constant -0.142852619 : f32
      %add3A_455 = vector.broadcast %add3A_454 : f32 to vector<16xf32>
      %add3A_456 = arith.addf %mul3A_453, %add3A_455 : vector<16xf32>
      %mul3A_457 = arith.mulf %add3A_456, %mul3A_418 : vector<16xf32>
      %add3A_458 = arith.constant 0.199999809 : f32
      %add3A_459 = vector.broadcast %add3A_458 : f32 to vector<16xf32>
      %add3A_460 = arith.addf %mul3A_457, %add3A_459 : vector<16xf32>
      %mul3A_461 = arith.mulf %add3A_460, %mul3A_418 : vector<16xf32>
      %add3A_462 = arith.constant -0.333333343 : f32
      %add3A_463 = vector.broadcast %add3A_462 : f32 to vector<16xf32>
      %add3A_464 = arith.addf %mul3A_461, %add3A_463 : vector<16xf32>
      %mul3A_465 = arith.mulf %add3A_464, %mul3A_418 : vector<16xf32>
      %add3A_466 = arith.constant 1.000000e+00 : f32
      %add3A_467 = vector.broadcast %add3A_466 : f32 to vector<16xf32>
      %add3A_468 = arith.addf %mul3A_465, %add3A_467 : vector<16xf32>
      %mul3A_469 = arith.mulf %div3A_417, %add3A_468 : vector<16xf32>
      %gt3A_470 = arith.cmpf ogt, %abs3A_411, %abs3A_410 : vector<16xf32>
      %sub3A_471 = arith.constant 1.57079637 : f32
      %sub3A_472 = vector.broadcast %sub3A_471 : f32 to vector<16xf32>
      %sub3A_473 = arith.subf %sub3A_472, %mul3A_469 : vector<16xf32>
      %select_n3A_474 = arith.select %gt3A_470, %sub3A_473, %mul3A_469 : vector<16xi1>, vector<16xf32>
      %lt3A_475 = arith.constant 0.000000e+00 : f32
      %lt3A_476 = vector.broadcast %lt3A_475 : f32 to vector<16xf32>
      %lt3A_477 = arith.cmpf olt, %sub3A_404, %lt3A_476 : vector<16xf32>
      %sub3A_478 = arith.constant 3.14159274 : f32
      %sub3A_479 = vector.broadcast %sub3A_478 : f32 to vector<16xf32>
      %sub3A_480 = arith.subf %sub3A_479, %select_n3A_474 : vector<16xf32>
      %select_n3A_481 = arith.select %lt3A_477, %sub3A_480, %select_n3A_474 : vector<16xi1>, vector<16xf32>
      %lt3A_482 = arith.constant 0.000000e+00 : f32
      %lt3A_483 = vector.broadcast %lt3A_482 : f32 to vector<16xf32>
      %lt3A_484 = arith.cmpf olt, %sub3A_406, %lt3A_483 : vector<16xf32>
      %neg3A_485 = arith.constant 0.000000e+00 : f32
      %neg3A_486 = vector.broadcast %neg3A_485 : f32 to vector<16xf32>
      %neg3A_487 = arith.subf %neg3A_486, %select_n3A_481 : vector<16xf32>
      %select_n3A_488 = arith.select %lt3A_484, %neg3A_487, %select_n3A_481 : vector<16xi1>, vector<16xf32>
      %add3A_489 = arith.constant 3.14159274 : f32
      %add3A_490 = vector.broadcast %add3A_489 : f32 to vector<16xf32>
      %add3A_491 = arith.addf %select_n3A_488, %add3A_490 : vector<16xf32>
      %mul3A_492 = arith.constant 81.4873276 : f32
      %mul3A_493 = vector.broadcast %mul3A_492 : f32 to vector<16xf32>
      %mul3A_494 = arith.mulf %add3A_491, %mul3A_493 : vector<16xf32>
      %convert_element_type3A_495 = arith.fptosi %mul3A_494 : vector<16xf32> to vector<16xi32>
      %jit3A_496 = arith.constant 0 : i32
      %jit3A_497 = arith.constant 511 : i32
      %max3A_498 = vector.broadcast %jit3A_496 : i32 to vector<16xi32>
      %max3A_499 = arith.maxsi %max3A_498, %convert_element_type3A_495 : vector<16xi32>
      %min3A_500 = vector.broadcast %jit3A_497 : i32 to vector<16xi32>
      %min3A_501 = arith.minsi %min3A_500, %max3A_499 : vector<16xi32>
      %mul3A_502 = arith.constant 512 : i32
      %mul3A_503 = vector.broadcast %mul3A_502 : i32 to vector<16xi32>
      %mul3A_504 = arith.muli %iota3A, %mul3A_503 : vector<16xi32>
      %add3A_505 = arith.addi %mul3A_504, %min3A_501 : vector<16xi32>
      %gather3A_506 = tpu.vector_load_idx %arg11[%add3A_505] : memref<8192xf32, #tpu.memory_space<vmem>>[vector<16xi32>], vector<16xf32>,
      %gt3A_507 = arith.cmpf ogt, %add3A_409, %gather3A_506 : vector<16xf32>
      tpu.vector_store_idx %arg11[%add3A_505], %add3A_409 masked %gt3A_507 : memref<8192xf32, #tpu.memory_space<vmem>>[vector<16xi32>], vector<16xf32>, vector<16xi1>
      tpu.vector_store_idx %arg12[%add3A_505], %get3A_398 masked %gt3A_507 : memref<8192xf32, #tpu.memory_space<vmem>>[vector<16xi32>], vector<16xf32>, vector<16xi1>
      tpu.vector_store_idx %arg13[%add3A_505], %get3A_402 masked %gt3A_507 : memref<8192xf32, #tpu.memory_space<vmem>>[vector<16xi32>], vector<16xf32>, vector<16xi1>
      %mul3A_508 = arith.constant 8 : i32
      %mul3A_509 = arith.muli %scan3A_279, %mul3A_508 : i32
      %add3A_510 = arith.constant 2 : i32
      %add3A_511 = arith.addi %mul3A_509, %add3A_510 : i32
      %mul3A_512 = arith.constant 16 : i32
      %mul3A_513 = arith.muli %add3A_511, %mul3A_512 : i32
      %get3A_514 = arith.index_cast %mul3A_513 : i32 to index
      %get3A_515 = tpu.vector_load %arg7[%get3A_514] {strides = array<i32>} : memref<2304xf32, #tpu.memory_space<vmem>>, vector<16xf32>,
      %mul3A_516 = arith.constant 16 : i32
      %mul3A_517 = arith.muli %add3A_511, %mul3A_516 : i32
      %get3A_518 = arith.index_cast %mul3A_517 : i32 to index
      %get3A_519 = tpu.vector_load %arg8[%get3A_518] {strides = array<i32>} : memref<2304xf32, #tpu.memory_space<vmem>>, vector<16xf32>,
      %sub3A_520 = vector.broadcast %mul3A_255 : f32 to vector<16xf32>
      %sub3A_521 = arith.subf %get3A_515, %sub3A_520 : vector<16xf32>
      %sub3A_522 = vector.broadcast %mul3A_261 : f32 to vector<16xf32>
      %sub3A_523 = arith.subf %get3A_519, %sub3A_522 : vector<16xf32>
      %mul3A_524 = arith.mulf %sub3A_521, %sub3A_521 : vector<16xf32>
      %mul3A_525 = arith.mulf %sub3A_523, %sub3A_523 : vector<16xf32>
      %add3A_526 = arith.addf %mul3A_524, %mul3A_525 : vector<16xf32>
      %abs3A_527 = math.absf %sub3A_521 : vector<16xf32>
      %abs3A_528 = math.absf %sub3A_523 : vector<16xf32>
      %max3A_529 = arith.maximumf %abs3A_527, %abs3A_528 : vector<16xf32>
      %min3A_530 = arith.minimumf %abs3A_527, %abs3A_528 : vector<16xf32>
      %max3A_531 = arith.constant 1.000000e-30 : f32
      %max3A_532 = vector.broadcast %max3A_531 : f32 to vector<16xf32>
      %max3A_533 = arith.maximumf %max3A_529, %max3A_532 : vector<16xf32>
      %div3A_534 = arith.divf %min3A_530, %max3A_533 : vector<16xf32>
      %mul3A_535 = arith.mulf %div3A_534, %div3A_534 : vector<16xf32>
      %broadcast_in_dim3A_536 = arith.constant 4.30164946E-4 : f32
      %broadcast_in_dim3A_537 = vector.broadcast %broadcast_in_dim3A_536 : f32 to vector<16xf32>
      %mul3A_538 = arith.mulf %broadcast_in_dim3A_537, %mul3A_535 : vector<16xf32>
      %add3A_539 = arith.constant -0.003261487 : f32
      %add3A_540 = vector.broadcast %add3A_539 : f32 to vector<16xf32>
      %add3A_541 = arith.addf %mul3A_538, %add3A_540 : vector<16xf32>
      %mul3A_542 = arith.mulf %add3A_541, %mul3A_535 : vector<16xf32>
      %add3A_543 = arith.constant 0.0116023254 : f32
      %add3A_544 = vector.broadcast %add3A_543 : f32 to vector<16xf32>
      %add3A_545 = arith.addf %mul3A_542, %add3A_544 : vector<16xf32>
      %mul3A_546 = arith.mulf %add3A_545, %mul3A_535 : vector<16xf32>
      %add3A_547 = arith.constant -0.0262715779 : f32
      %add3A_548 = vector.broadcast %add3A_547 : f32 to vector<16xf32>
      %add3A_549 = arith.addf %mul3A_546, %add3A_548 : vector<16xf32>
      %mul3A_550 = arith.mulf %add3A_549, %mul3A_535 : vector<16xf32>
      %add3A_551 = arith.constant 0.043902874 : f32
      %add3A_552 = vector.broadcast %add3A_551 : f32 to vector<16xf32>
      %add3A_553 = arith.addf %mul3A_550, %add3A_552 : vector<16xf32>
      %mul3A_554 = arith.mulf %add3A_553, %mul3A_535 : vector<16xf32>
      %add3A_555 = arith.constant -0.060385488 : f32
      %add3A_556 = vector.broadcast %add3A_555 : f32 to vector<16xf32>
      %add3A_557 = arith.addf %mul3A_554, %add3A_556 : vector<16xf32>
      %mul3A_558 = arith.mulf %add3A_557, %mul3A_535 : vector<16xf32>
      %add3A_559 = arith.constant 0.0750223175 : f32
      %add3A_560 = vector.broadcast %add3A_559 : f32 to vector<16xf32>
      %add3A_561 = arith.addf %mul3A_558, %add3A_560 : vector<16xf32>
      %mul3A_562 = arith.mulf %add3A_561, %mul3A_535 : vector<16xf32>
      %add3A_563 = arith.constant -0.0905113741 : f32
      %add3A_564 = vector.broadcast %add3A_563 : f32 to vector<16xf32>
      %add3A_565 = arith.addf %mul3A_562, %add3A_564 : vector<16xf32>
      %mul3A_566 = arith.mulf %add3A_565, %mul3A_535 : vector<16xf32>
      %add3A_567 = arith.constant 0.111056559 : f32
      %add3A_568 = vector.broadcast %add3A_567 : f32 to vector<16xf32>
      %add3A_569 = arith.addf %mul3A_566, %add3A_568 : vector<16xf32>
      %mul3A_570 = arith.mulf %add3A_569, %mul3A_535 : vector<16xf32>
      %add3A_571 = arith.constant -0.142852619 : f32
      %add3A_572 = vector.broadcast %add3A_571 : f32 to vector<16xf32>
      %add3A_573 = arith.addf %mul3A_570, %add3A_572 : vector<16xf32>
      %mul3A_574 = arith.mulf %add3A_573, %mul3A_535 : vector<16xf32>
      %add3A_575 = arith.constant 0.199999809 : f32
      %add3A_576 = vector.broadcast %add3A_575 : f32 to vector<16xf32>
      %add3A_577 = arith.addf %mul3A_574, %add3A_576 : vector<16xf32>
      %mul3A_578 = arith.mulf %add3A_577, %mul3A_535 : vector<16xf32>
      %add3A_579 = arith.constant -0.333333343 : f32
      %add3A_580 = vector.broadcast %add3A_579 : f32 to vector<16xf32>
      %add3A_581 = arith.addf %mul3A_578, %add3A_580 : vector<16xf32>
      %mul3A_582 = arith.mulf %add3A_581, %mul3A_535 : vector<16xf32>
      %add3A_583 = arith.constant 1.000000e+00 : f32
      %add3A_584 = vector.broadcast %add3A_583 : f32 to vector<16xf32>
      %add3A_585 = arith.addf %mul3A_582, %add3A_584 : vector<16xf32>
      %mul3A_586 = arith.mulf %div3A_534, %add3A_585 : vector<16xf32>
      %gt3A_587 = arith.cmpf ogt, %abs3A_528, %abs3A_527 : vector<16xf32>
      %sub3A_588 = arith.constant 1.57079637 : f32
      %sub3A_589 = vector.broadcast %sub3A_588 : f32 to vector<16xf32>
      %sub3A_590 = arith.subf %sub3A_589, %mul3A_586 : vector<16xf32>
      %select_n3A_591 = arith.select %gt3A_587, %sub3A_590, %mul3A_586 : vector<16xi1>, vector<16xf32>
      %lt3A_592 = arith.constant 0.000000e+00 : f32
      %lt3A_593 = vector.broadcast %lt3A_592 : f32 to vector<16xf32>
      %lt3A_594 = arith.cmpf olt, %sub3A_521, %lt3A_593 : vector<16xf32>
      %sub3A_595 = arith.constant 3.14159274 : f32
      %sub3A_596 = vector.broadcast %sub3A_595 : f32 to vector<16xf32>
      %sub3A_597 = arith.subf %sub3A_596, %select_n3A_591 : vector<16xf32>
      %select_n3A_598 = arith.select %lt3A_594, %sub3A_597, %select_n3A_591 : vector<16xi1>, vector<16xf32>
      %lt3A_599 = arith.constant 0.000000e+00 : f32
      %lt3A_600 = vector.broadcast %lt3A_599 : f32 to vector<16xf32>
      %lt3A_601 = arith.cmpf olt, %sub3A_523, %lt3A_600 : vector<16xf32>
      %neg3A_602 = arith.constant 0.000000e+00 : f32
      %neg3A_603 = vector.broadcast %neg3A_602 : f32 to vector<16xf32>
      %neg3A_604 = arith.subf %neg3A_603, %select_n3A_598 : vector<16xf32>
      %select_n3A_605 = arith.select %lt3A_601, %neg3A_604, %select_n3A_598 : vector<16xi1>, vector<16xf32>
      %add3A_606 = arith.constant 3.14159274 : f32
      %add3A_607 = vector.broadcast %add3A_606 : f32 to vector<16xf32>
      %add3A_608 = arith.addf %select_n3A_605, %add3A_607 : vector<16xf32>
      %mul3A_609 = arith.constant 81.4873276 : f32
      %mul3A_610 = vector.broadcast %mul3A_609 : f32 to vector<16xf32>
      %mul3A_611 = arith.mulf %add3A_608, %mul3A_610 : vector<16xf32>
      %convert_element_type3A_612 = arith.fptosi %mul3A_611 : vector<16xf32> to vector<16xi32>
      %jit3A_613 = arith.constant 0 : i32
      %jit3A_614 = arith.constant 511 : i32
      %max3A_615 = vector.broadcast %jit3A_613 : i32 to vector<16xi32>
      %max3A_616 = arith.maxsi %max3A_615, %convert_element_type3A_612 : vector<16xi32>
      %min3A_617 = vector.broadcast %jit3A_614 : i32 to vector<16xi32>
      %min3A_618 = arith.minsi %min3A_617, %max3A_616 : vector<16xi32>
      %mul3A_619 = arith.constant 512 : i32
      %mul3A_620 = vector.broadcast %mul3A_619 : i32 to vector<16xi32>
      %mul3A_621 = arith.muli %iota3A, %mul3A_620 : vector<16xi32>
      %add3A_622 = arith.addi %mul3A_621, %min3A_618 : vector<16xi32>
      %gather3A_623 = tpu.vector_load_idx %arg11[%add3A_622] : memref<8192xf32, #tpu.memory_space<vmem>>[vector<16xi32>], vector<16xf32>,
      %gt3A_624 = arith.cmpf ogt, %add3A_526, %gather3A_623 : vector<16xf32>
      tpu.vector_store_idx %arg11[%add3A_622], %add3A_526 masked %gt3A_624 : memref<8192xf32, #tpu.memory_space<vmem>>[vector<16xi32>], vector<16xf32>, vector<16xi1>
      tpu.vector_store_idx %arg12[%add3A_622], %get3A_515 masked %gt3A_624 : memref<8192xf32, #tpu.memory_space<vmem>>[vector<16xi32>], vector<16xf32>, vector<16xi1>
      tpu.vector_store_idx %arg13[%add3A_622], %get3A_519 masked %gt3A_624 : memref<8192xf32, #tpu.memory_space<vmem>>[vector<16xi32>], vector<16xf32>, vector<16xi1>
      %mul3A_625 = arith.constant 8 : i32
      %mul3A_626 = arith.muli %scan3A_279, %mul3A_625 : i32
      %add3A_627 = arith.constant 3 : i32
      %add3A_628 = arith.addi %mul3A_626, %add3A_627 : i32
      %mul3A_629 = arith.constant 16 : i32
      %mul3A_630 = arith.muli %add3A_628, %mul3A_629 : i32
      %get3A_631 = arith.index_cast %mul3A_630 : i32 to index
      %get3A_632 = tpu.vector_load %arg7[%get3A_631] {strides = array<i32>} : memref<2304xf32, #tpu.memory_space<vmem>>, vector<16xf32>,
      %mul3A_633 = arith.constant 16 : i32
      %mul3A_634 = arith.muli %add3A_628, %mul3A_633 : i32
      %get3A_635 = arith.index_cast %mul3A_634 : i32 to index
      %get3A_636 = tpu.vector_load %arg8[%get3A_635] {strides = array<i32>} : memref<2304xf32, #tpu.memory_space<vmem>>, vector<16xf32>,
      %sub3A_637 = vector.broadcast %mul3A_255 : f32 to vector<16xf32>
      %sub3A_638 = arith.subf %get3A_632, %sub3A_637 : vector<16xf32>
      %sub3A_639 = vector.broadcast %mul3A_261 : f32 to vector<16xf32>
      %sub3A_640 = arith.subf %get3A_636, %sub3A_639 : vector<16xf32>
      %mul3A_641 = arith.mulf %sub3A_638, %sub3A_638 : vector<16xf32>
      %mul3A_642 = arith.mulf %sub3A_640, %sub3A_640 : vector<16xf32>
      %add3A_643 = arith.addf %mul3A_641, %mul3A_642 : vector<16xf32>
      %abs3A_644 = math.absf %sub3A_638 : vector<16xf32>
      %abs3A_645 = math.absf %sub3A_640 : vector<16xf32>
      %max3A_646 = arith.maximumf %abs3A_644, %abs3A_645 : vector<16xf32>
      %min3A_647 = arith.minimumf %abs3A_644, %abs3A_645 : vector<16xf32>
      %max3A_648 = arith.constant 1.000000e-30 : f32
      %max3A_649 = vector.broadcast %max3A_648 : f32 to vector<16xf32>
      %max3A_650 = arith.maximumf %max3A_646, %max3A_649 : vector<16xf32>
      %div3A_651 = arith.divf %min3A_647, %max3A_650 : vector<16xf32>
      %mul3A_652 = arith.mulf %div3A_651, %div3A_651 : vector<16xf32>
      %broadcast_in_dim3A_653 = arith.constant 4.30164946E-4 : f32
      %broadcast_in_dim3A_654 = vector.broadcast %broadcast_in_dim3A_653 : f32 to vector<16xf32>
      %mul3A_655 = arith.mulf %broadcast_in_dim3A_654, %mul3A_652 : vector<16xf32>
      %add3A_656 = arith.constant -0.003261487 : f32
      %add3A_657 = vector.broadcast %add3A_656 : f32 to vector<16xf32>
      %add3A_658 = arith.addf %mul3A_655, %add3A_657 : vector<16xf32>
      %mul3A_659 = arith.mulf %add3A_658, %mul3A_652 : vector<16xf32>
      %add3A_660 = arith.constant 0.0116023254 : f32
      %add3A_661 = vector.broadcast %add3A_660 : f32 to vector<16xf32>
      %add3A_662 = arith.addf %mul3A_659, %add3A_661 : vector<16xf32>
      %mul3A_663 = arith.mulf %add3A_662, %mul3A_652 : vector<16xf32>
      %add3A_664 = arith.constant -0.0262715779 : f32
      %add3A_665 = vector.broadcast %add3A_664 : f32 to vector<16xf32>
      %add3A_666 = arith.addf %mul3A_663, %add3A_665 : vector<16xf32>
      %mul3A_667 = arith.mulf %add3A_666, %mul3A_652 : vector<16xf32>
      %add3A_668 = arith.constant 0.043902874 : f32
      %add3A_669 = vector.broadcast %add3A_668 : f32 to vector<16xf32>
      %add3A_670 = arith.addf %mul3A_667, %add3A_669 : vector<16xf32>
      %mul3A_671 = arith.mulf %add3A_670, %mul3A_652 : vector<16xf32>
      %add3A_672 = arith.constant -0.060385488 : f32
      %add3A_673 = vector.broadcast %add3A_672 : f32 to vector<16xf32>
      %add3A_674 = arith.addf %mul3A_671, %add3A_673 : vector<16xf32>
      %mul3A_675 = arith.mulf %add3A_674, %mul3A_652 : vector<16xf32>
      %add3A_676 = arith.constant 0.0750223175 : f32
      %add3A_677 = vector.broadcast %add3A_676 : f32 to vector<16xf32>
      %add3A_678 = arith.addf %mul3A_675, %add3A_677 : vector<16xf32>
      %mul3A_679 = arith.mulf %add3A_678, %mul3A_652 : vector<16xf32>
      %add3A_680 = arith.constant -0.0905113741 : f32
      %add3A_681 = vector.broadcast %add3A_680 : f32 to vector<16xf32>
      %add3A_682 = arith.addf %mul3A_679, %add3A_681 : vector<16xf32>
      %mul3A_683 = arith.mulf %add3A_682, %mul3A_652 : vector<16xf32>
      %add3A_684 = arith.constant 0.111056559 : f32
      %add3A_685 = vector.broadcast %add3A_684 : f32 to vector<16xf32>
      %add3A_686 = arith.addf %mul3A_683, %add3A_685 : vector<16xf32>
      %mul3A_687 = arith.mulf %add3A_686, %mul3A_652 : vector<16xf32>
      %add3A_688 = arith.constant -0.142852619 : f32
      %add3A_689 = vector.broadcast %add3A_688 : f32 to vector<16xf32>
      %add3A_690 = arith.addf %mul3A_687, %add3A_689 : vector<16xf32>
      %mul3A_691 = arith.mulf %add3A_690, %mul3A_652 : vector<16xf32>
      %add3A_692 = arith.constant 0.199999809 : f32
      %add3A_693 = vector.broadcast %add3A_692 : f32 to vector<16xf32>
      %add3A_694 = arith.addf %mul3A_691, %add3A_693 : vector<16xf32>
      %mul3A_695 = arith.mulf %add3A_694, %mul3A_652 : vector<16xf32>
      %add3A_696 = arith.constant -0.333333343 : f32
      %add3A_697 = vector.broadcast %add3A_696 : f32 to vector<16xf32>
      %add3A_698 = arith.addf %mul3A_695, %add3A_697 : vector<16xf32>
      %mul3A_699 = arith.mulf %add3A_698, %mul3A_652 : vector<16xf32>
      %add3A_700 = arith.constant 1.000000e+00 : f32
      %add3A_701 = vector.broadcast %add3A_700 : f32 to vector<16xf32>
      %add3A_702 = arith.addf %mul3A_699, %add3A_701 : vector<16xf32>
      %mul3A_703 = arith.mulf %div3A_651, %add3A_702 : vector<16xf32>
      %gt3A_704 = arith.cmpf ogt, %abs3A_645, %abs3A_644 : vector<16xf32>
      %sub3A_705 = arith.constant 1.57079637 : f32
      %sub3A_706 = vector.broadcast %sub3A_705 : f32 to vector<16xf32>
      %sub3A_707 = arith.subf %sub3A_706, %mul3A_703 : vector<16xf32>
      %select_n3A_708 = arith.select %gt3A_704, %sub3A_707, %mul3A_703 : vector<16xi1>, vector<16xf32>
      %lt3A_709 = arith.constant 0.000000e+00 : f32
      %lt3A_710 = vector.broadcast %lt3A_709 : f32 to vector<16xf32>
      %lt3A_711 = arith.cmpf olt, %sub3A_638, %lt3A_710 : vector<16xf32>
      %sub3A_712 = arith.constant 3.14159274 : f32
      %sub3A_713 = vector.broadcast %sub3A_712 : f32 to vector<16xf32>
      %sub3A_714 = arith.subf %sub3A_713, %select_n3A_708 : vector<16xf32>
      %select_n3A_715 = arith.select %lt3A_711, %sub3A_714, %select_n3A_708 : vector<16xi1>, vector<16xf32>
      %lt3A_716 = arith.constant 0.000000e+00 : f32
      %lt3A_717 = vector.broadcast %lt3A_716 : f32 to vector<16xf32>
      %lt3A_718 = arith.cmpf olt, %sub3A_640, %lt3A_717 : vector<16xf32>
      %neg3A_719 = arith.constant 0.000000e+00 : f32
      %neg3A_720 = vector.broadcast %neg3A_719 : f32 to vector<16xf32>
      %neg3A_721 = arith.subf %neg3A_720, %select_n3A_715 : vector<16xf32>
      %select_n3A_722 = arith.select %lt3A_718, %neg3A_721, %select_n3A_715 : vector<16xi1>, vector<16xf32>
      %add3A_723 = arith.constant 3.14159274 : f32
      %add3A_724 = vector.broadcast %add3A_723 : f32 to vector<16xf32>
      %add3A_725 = arith.addf %select_n3A_722, %add3A_724 : vector<16xf32>
      %mul3A_726 = arith.constant 81.4873276 : f32
      %mul3A_727 = vector.broadcast %mul3A_726 : f32 to vector<16xf32>
      %mul3A_728 = arith.mulf %add3A_725, %mul3A_727 : vector<16xf32>
      %convert_element_type3A_729 = arith.fptosi %mul3A_728 : vector<16xf32> to vector<16xi32>
      %jit3A_730 = arith.constant 0 : i32
      %jit3A_731 = arith.constant 511 : i32
      %max3A_732 = vector.broadcast %jit3A_730 : i32 to vector<16xi32>
      %max3A_733 = arith.maxsi %max3A_732, %convert_element_type3A_729 : vector<16xi32>
      %min3A_734 = vector.broadcast %jit3A_731 : i32 to vector<16xi32>
      %min3A_735 = arith.minsi %min3A_734, %max3A_733 : vector<16xi32>
      %mul3A_736 = arith.constant 512 : i32
      %mul3A_737 = vector.broadcast %mul3A_736 : i32 to vector<16xi32>
      %mul3A_738 = arith.muli %iota3A, %mul3A_737 : vector<16xi32>
      %add3A_739 = arith.addi %mul3A_738, %min3A_735 : vector<16xi32>
      %gather3A_740 = tpu.vector_load_idx %arg11[%add3A_739] : memref<8192xf32, #tpu.memory_space<vmem>>[vector<16xi32>], vector<16xf32>,
      %gt3A_741 = arith.cmpf ogt, %add3A_643, %gather3A_740 : vector<16xf32>
      tpu.vector_store_idx %arg11[%add3A_739], %add3A_643 masked %gt3A_741 : memref<8192xf32, #tpu.memory_space<vmem>>[vector<16xi32>], vector<16xf32>, vector<16xi1>
      tpu.vector_store_idx %arg12[%add3A_739], %get3A_632 masked %gt3A_741 : memref<8192xf32, #tpu.memory_space<vmem>>[vector<16xi32>], vector<16xf32>, vector<16xi1>
      tpu.vector_store_idx %arg13[%add3A_739], %get3A_636 masked %gt3A_741 : memref<8192xf32, #tpu.memory_space<vmem>>[vector<16xi32>], vector<16xf32>, vector<16xi1>
      %mul3A_742 = arith.constant 8 : i32
      %mul3A_743 = arith.muli %scan3A_279, %mul3A_742 : i32
      %add3A_744 = arith.constant 4 : i32
      %add3A_745 = arith.addi %mul3A_743, %add3A_744 : i32
      %mul3A_746 = arith.constant 16 : i32
      %mul3A_747 = arith.muli %add3A_745, %mul3A_746 : i32
      %get3A_748 = arith.index_cast %mul3A_747 : i32 to index
      %get3A_749 = tpu.vector_load %arg7[%get3A_748] {strides = array<i32>} : memref<2304xf32, #tpu.memory_space<vmem>>, vector<16xf32>,
      %mul3A_750 = arith.constant 16 : i32
      %mul3A_751 = arith.muli %add3A_745, %mul3A_750 : i32
      %get3A_752 = arith.index_cast %mul3A_751 : i32 to index
      %get3A_753 = tpu.vector_load %arg8[%get3A_752] {strides = array<i32>} : memref<2304xf32, #tpu.memory_space<vmem>>, vector<16xf32>,
      %sub3A_754 = vector.broadcast %mul3A_255 : f32 to vector<16xf32>
      %sub3A_755 = arith.subf %get3A_749, %sub3A_754 : vector<16xf32>
      %sub3A_756 = vector.broadcast %mul3A_261 : f32 to vector<16xf32>
      %sub3A_757 = arith.subf %get3A_753, %sub3A_756 : vector<16xf32>
      %mul3A_758 = arith.mulf %sub3A_755, %sub3A_755 : vector<16xf32>
      %mul3A_759 = arith.mulf %sub3A_757, %sub3A_757 : vector<16xf32>
      %add3A_760 = arith.addf %mul3A_758, %mul3A_759 : vector<16xf32>
      %abs3A_761 = math.absf %sub3A_755 : vector<16xf32>
      %abs3A_762 = math.absf %sub3A_757 : vector<16xf32>
      %max3A_763 = arith.maximumf %abs3A_761, %abs3A_762 : vector<16xf32>
      %min3A_764 = arith.minimumf %abs3A_761, %abs3A_762 : vector<16xf32>
      %max3A_765 = arith.constant 1.000000e-30 : f32
      %max3A_766 = vector.broadcast %max3A_765 : f32 to vector<16xf32>
      %max3A_767 = arith.maximumf %max3A_763, %max3A_766 : vector<16xf32>
      %div3A_768 = arith.divf %min3A_764, %max3A_767 : vector<16xf32>
      %mul3A_769 = arith.mulf %div3A_768, %div3A_768 : vector<16xf32>
      %broadcast_in_dim3A_770 = arith.constant 4.30164946E-4 : f32
      %broadcast_in_dim3A_771 = vector.broadcast %broadcast_in_dim3A_770 : f32 to vector<16xf32>
      %mul3A_772 = arith.mulf %broadcast_in_dim3A_771, %mul3A_769 : vector<16xf32>
      %add3A_773 = arith.constant -0.003261487 : f32
      %add3A_774 = vector.broadcast %add3A_773 : f32 to vector<16xf32>
      %add3A_775 = arith.addf %mul3A_772, %add3A_774 : vector<16xf32>
      %mul3A_776 = arith.mulf %add3A_775, %mul3A_769 : vector<16xf32>
      %add3A_777 = arith.constant 0.0116023254 : f32
      %add3A_778 = vector.broadcast %add3A_777 : f32 to vector<16xf32>
      %add3A_779 = arith.addf %mul3A_776, %add3A_778 : vector<16xf32>
      %mul3A_780 = arith.mulf %add3A_779, %mul3A_769 : vector<16xf32>
      %add3A_781 = arith.constant -0.0262715779 : f32
      %add3A_782 = vector.broadcast %add3A_781 : f32 to vector<16xf32>
      %add3A_783 = arith.addf %mul3A_780, %add3A_782 : vector<16xf32>
      %mul3A_784 = arith.mulf %add3A_783, %mul3A_769 : vector<16xf32>
      %add3A_785 = arith.constant 0.043902874 : f32
      %add3A_786 = vector.broadcast %add3A_785 : f32 to vector<16xf32>
      %add3A_787 = arith.addf %mul3A_784, %add3A_786 : vector<16xf32>
      %mul3A_788 = arith.mulf %add3A_787, %mul3A_769 : vector<16xf32>
      %add3A_789 = arith.constant -0.060385488 : f32
      %add3A_790 = vector.broadcast %add3A_789 : f32 to vector<16xf32>
      %add3A_791 = arith.addf %mul3A_788, %add3A_790 : vector<16xf32>
      %mul3A_792 = arith.mulf %add3A_791, %mul3A_769 : vector<16xf32>
      %add3A_793 = arith.constant 0.0750223175 : f32
      %add3A_794 = vector.broadcast %add3A_793 : f32 to vector<16xf32>
      %add3A_795 = arith.addf %mul3A_792, %add3A_794 : vector<16xf32>
      %mul3A_796 = arith.mulf %add3A_795, %mul3A_769 : vector<16xf32>
      %add3A_797 = arith.constant -0.0905113741 : f32
      %add3A_798 = vector.broadcast %add3A_797 : f32 to vector<16xf32>
      %add3A_799 = arith.addf %mul3A_796, %add3A_798 : vector<16xf32>
      %mul3A_800 = arith.mulf %add3A_799, %mul3A_769 : vector<16xf32>
      %add3A_801 = arith.constant 0.111056559 : f32
      %add3A_802 = vector.broadcast %add3A_801 : f32 to vector<16xf32>
      %add3A_803 = arith.addf %mul3A_800, %add3A_802 : vector<16xf32>
      %mul3A_804 = arith.mulf %add3A_803, %mul3A_769 : vector<16xf32>
      %add3A_805 = arith.constant -0.142852619 : f32
      %add3A_806 = vector.broadcast %add3A_805 : f32 to vector<16xf32>
      %add3A_807 = arith.addf %mul3A_804, %add3A_806 : vector<16xf32>
      %mul3A_808 = arith.mulf %add3A_807, %mul3A_769 : vector<16xf32>
      %add3A_809 = arith.constant 0.199999809 : f32
      %add3A_810 = vector.broadcast %add3A_809 : f32 to vector<16xf32>
      %add3A_811 = arith.addf %mul3A_808, %add3A_810 : vector<16xf32>
      %mul3A_812 = arith.mulf %add3A_811, %mul3A_769 : vector<16xf32>
      %add3A_813 = arith.constant -0.333333343 : f32
      %add3A_814 = vector.broadcast %add3A_813 : f32 to vector<16xf32>
      %add3A_815 = arith.addf %mul3A_812, %add3A_814 : vector<16xf32>
      %mul3A_816 = arith.mulf %add3A_815, %mul3A_769 : vector<16xf32>
      %add3A_817 = arith.constant 1.000000e+00 : f32
      %add3A_818 = vector.broadcast %add3A_817 : f32 to vector<16xf32>
      %add3A_819 = arith.addf %mul3A_816, %add3A_818 : vector<16xf32>
      %mul3A_820 = arith.mulf %div3A_768, %add3A_819 : vector<16xf32>
      %gt3A_821 = arith.cmpf ogt, %abs3A_762, %abs3A_761 : vector<16xf32>
      %sub3A_822 = arith.constant 1.57079637 : f32
      %sub3A_823 = vector.broadcast %sub3A_822 : f32 to vector<16xf32>
      %sub3A_824 = arith.subf %sub3A_823, %mul3A_820 : vector<16xf32>
      %select_n3A_825 = arith.select %gt3A_821, %sub3A_824, %mul3A_820 : vector<16xi1>, vector<16xf32>
      %lt3A_826 = arith.constant 0.000000e+00 : f32
      %lt3A_827 = vector.broadcast %lt3A_826 : f32 to vector<16xf32>
      %lt3A_828 = arith.cmpf olt, %sub3A_755, %lt3A_827 : vector<16xf32>
      %sub3A_829 = arith.constant 3.14159274 : f32
      %sub3A_830 = vector.broadcast %sub3A_829 : f32 to vector<16xf32>
      %sub3A_831 = arith.subf %sub3A_830, %select_n3A_825 : vector<16xf32>
      %select_n3A_832 = arith.select %lt3A_828, %sub3A_831, %select_n3A_825 : vector<16xi1>, vector<16xf32>
      %lt3A_833 = arith.constant 0.000000e+00 : f32
      %lt3A_834 = vector.broadcast %lt3A_833 : f32 to vector<16xf32>
      %lt3A_835 = arith.cmpf olt, %sub3A_757, %lt3A_834 : vector<16xf32>
      %neg3A_836 = arith.constant 0.000000e+00 : f32
      %neg3A_837 = vector.broadcast %neg3A_836 : f32 to vector<16xf32>
      %neg3A_838 = arith.subf %neg3A_837, %select_n3A_832 : vector<16xf32>
      %select_n3A_839 = arith.select %lt3A_835, %neg3A_838, %select_n3A_832 : vector<16xi1>, vector<16xf32>
      %add3A_840 = arith.constant 3.14159274 : f32
      %add3A_841 = vector.broadcast %add3A_840 : f32 to vector<16xf32>
      %add3A_842 = arith.addf %select_n3A_839, %add3A_841 : vector<16xf32>
      %mul3A_843 = arith.constant 81.4873276 : f32
      %mul3A_844 = vector.broadcast %mul3A_843 : f32 to vector<16xf32>
      %mul3A_845 = arith.mulf %add3A_842, %mul3A_844 : vector<16xf32>
      %convert_element_type3A_846 = arith.fptosi %mul3A_845 : vector<16xf32> to vector<16xi32>
      %jit3A_847 = arith.constant 0 : i32
      %jit3A_848 = arith.constant 511 : i32
      %max3A_849 = vector.broadcast %jit3A_847 : i32 to vector<16xi32>
      %max3A_850 = arith.maxsi %max3A_849, %convert_element_type3A_846 : vector<16xi32>
      %min3A_851 = vector.broadcast %jit3A_848 : i32 to vector<16xi32>
      %min3A_852 = arith.minsi %min3A_851, %max3A_850 : vector<16xi32>
      %mul3A_853 = arith.constant 512 : i32
      %mul3A_854 = vector.broadcast %mul3A_853 : i32 to vector<16xi32>
      %mul3A_855 = arith.muli %iota3A, %mul3A_854 : vector<16xi32>
      %add3A_856 = arith.addi %mul3A_855, %min3A_852 : vector<16xi32>
      %gather3A_857 = tpu.vector_load_idx %arg11[%add3A_856] : memref<8192xf32, #tpu.memory_space<vmem>>[vector<16xi32>], vector<16xf32>,
      %gt3A_858 = arith.cmpf ogt, %add3A_760, %gather3A_857 : vector<16xf32>
      tpu.vector_store_idx %arg11[%add3A_856], %add3A_760 masked %gt3A_858 : memref<8192xf32, #tpu.memory_space<vmem>>[vector<16xi32>], vector<16xf32>, vector<16xi1>
      tpu.vector_store_idx %arg12[%add3A_856], %get3A_749 masked %gt3A_858 : memref<8192xf32, #tpu.memory_space<vmem>>[vector<16xi32>], vector<16xf32>, vector<16xi1>
      tpu.vector_store_idx %arg13[%add3A_856], %get3A_753 masked %gt3A_858 : memref<8192xf32, #tpu.memory_space<vmem>>[vector<16xi32>], vector<16xf32>, vector<16xi1>
      %mul3A_859 = arith.constant 8 : i32
      %mul3A_860 = arith.muli %scan3A_279, %mul3A_859 : i32
      %add3A_861 = arith.constant 5 : i32
      %add3A_862 = arith.addi %mul3A_860, %add3A_861 : i32
      %mul3A_863 = arith.constant 16 : i32
      %mul3A_864 = arith.muli %add3A_862, %mul3A_863 : i32
      %get3A_865 = arith.index_cast %mul3A_864 : i32 to index
      %get3A_866 = tpu.vector_load %arg7[%get3A_865] {strides = array<i32>} : memref<2304xf32, #tpu.memory_space<vmem>>, vector<16xf32>,
      %mul3A_867 = arith.constant 16 : i32
      %mul3A_868 = arith.muli %add3A_862, %mul3A_867 : i32
      %get3A_869 = arith.index_cast %mul3A_868 : i32 to index
      %get3A_870 = tpu.vector_load %arg8[%get3A_869] {strides = array<i32>} : memref<2304xf32, #tpu.memory_space<vmem>>, vector<16xf32>,
      %sub3A_871 = vector.broadcast %mul3A_255 : f32 to vector<16xf32>
      %sub3A_872 = arith.subf %get3A_866, %sub3A_871 : vector<16xf32>
      %sub3A_873 = vector.broadcast %mul3A_261 : f32 to vector<16xf32>
      %sub3A_874 = arith.subf %get3A_870, %sub3A_873 : vector<16xf32>
      %mul3A_875 = arith.mulf %sub3A_872, %sub3A_872 : vector<16xf32>
      %mul3A_876 = arith.mulf %sub3A_874, %sub3A_874 : vector<16xf32>
      %add3A_877 = arith.addf %mul3A_875, %mul3A_876 : vector<16xf32>
      %abs3A_878 = math.absf %sub3A_872 : vector<16xf32>
      %abs3A_879 = math.absf %sub3A_874 : vector<16xf32>
      %max3A_880 = arith.maximumf %abs3A_878, %abs3A_879 : vector<16xf32>
      %min3A_881 = arith.minimumf %abs3A_878, %abs3A_879 : vector<16xf32>
      %max3A_882 = arith.constant 1.000000e-30 : f32
      %max3A_883 = vector.broadcast %max3A_882 : f32 to vector<16xf32>
      %max3A_884 = arith.maximumf %max3A_880, %max3A_883 : vector<16xf32>
      %div3A_885 = arith.divf %min3A_881, %max3A_884 : vector<16xf32>
      %mul3A_886 = arith.mulf %div3A_885, %div3A_885 : vector<16xf32>
      %broadcast_in_dim3A_887 = arith.constant 4.30164946E-4 : f32
      %broadcast_in_dim3A_888 = vector.broadcast %broadcast_in_dim3A_887 : f32 to vector<16xf32>
      %mul3A_889 = arith.mulf %broadcast_in_dim3A_888, %mul3A_886 : vector<16xf32>
      %add3A_890 = arith.constant -0.003261487 : f32
      %add3A_891 = vector.broadcast %add3A_890 : f32 to vector<16xf32>
      %add3A_892 = arith.addf %mul3A_889, %add3A_891 : vector<16xf32>
      %mul3A_893 = arith.mulf %add3A_892, %mul3A_886 : vector<16xf32>
      %add3A_894 = arith.constant 0.0116023254 : f32
      %add3A_895 = vector.broadcast %add3A_894 : f32 to vector<16xf32>
      %add3A_896 = arith.addf %mul3A_893, %add3A_895 : vector<16xf32>
      %mul3A_897 = arith.mulf %add3A_896, %mul3A_886 : vector<16xf32>
      %add3A_898 = arith.constant -0.0262715779 : f32
      %add3A_899 = vector.broadcast %add3A_898 : f32 to vector<16xf32>
      %add3A_900 = arith.addf %mul3A_897, %add3A_899 : vector<16xf32>
      %mul3A_901 = arith.mulf %add3A_900, %mul3A_886 : vector<16xf32>
      %add3A_902 = arith.constant 0.043902874 : f32
      %add3A_903 = vector.broadcast %add3A_902 : f32 to vector<16xf32>
      %add3A_904 = arith.addf %mul3A_901, %add3A_903 : vector<16xf32>
      %mul3A_905 = arith.mulf %add3A_904, %mul3A_886 : vector<16xf32>
      %add3A_906 = arith.constant -0.060385488 : f32
      %add3A_907 = vector.broadcast %add3A_906 : f32 to vector<16xf32>
      %add3A_908 = arith.addf %mul3A_905, %add3A_907 : vector<16xf32>
      %mul3A_909 = arith.mulf %add3A_908, %mul3A_886 : vector<16xf32>
      %add3A_910 = arith.constant 0.0750223175 : f32
      %add3A_911 = vector.broadcast %add3A_910 : f32 to vector<16xf32>
      %add3A_912 = arith.addf %mul3A_909, %add3A_911 : vector<16xf32>
      %mul3A_913 = arith.mulf %add3A_912, %mul3A_886 : vector<16xf32>
      %add3A_914 = arith.constant -0.0905113741 : f32
      %add3A_915 = vector.broadcast %add3A_914 : f32 to vector<16xf32>
      %add3A_916 = arith.addf %mul3A_913, %add3A_915 : vector<16xf32>
      %mul3A_917 = arith.mulf %add3A_916, %mul3A_886 : vector<16xf32>
      %add3A_918 = arith.constant 0.111056559 : f32
      %add3A_919 = vector.broadcast %add3A_918 : f32 to vector<16xf32>
      %add3A_920 = arith.addf %mul3A_917, %add3A_919 : vector<16xf32>
      %mul3A_921 = arith.mulf %add3A_920, %mul3A_886 : vector<16xf32>
      %add3A_922 = arith.constant -0.142852619 : f32
      %add3A_923 = vector.broadcast %add3A_922 : f32 to vector<16xf32>
      %add3A_924 = arith.addf %mul3A_921, %add3A_923 : vector<16xf32>
      %mul3A_925 = arith.mulf %add3A_924, %mul3A_886 : vector<16xf32>
      %add3A_926 = arith.constant 0.199999809 : f32
      %add3A_927 = vector.broadcast %add3A_926 : f32 to vector<16xf32>
      %add3A_928 = arith.addf %mul3A_925, %add3A_927 : vector<16xf32>
      %mul3A_929 = arith.mulf %add3A_928, %mul3A_886 : vector<16xf32>
      %add3A_930 = arith.constant -0.333333343 : f32
      %add3A_931 = vector.broadcast %add3A_930 : f32 to vector<16xf32>
      %add3A_932 = arith.addf %mul3A_929, %add3A_931 : vector<16xf32>
      %mul3A_933 = arith.mulf %add3A_932, %mul3A_886 : vector<16xf32>
      %add3A_934 = arith.constant 1.000000e+00 : f32
      %add3A_935 = vector.broadcast %add3A_934 : f32 to vector<16xf32>
      %add3A_936 = arith.addf %mul3A_933, %add3A_935 : vector<16xf32>
      %mul3A_937 = arith.mulf %div3A_885, %add3A_936 : vector<16xf32>
      %gt3A_938 = arith.cmpf ogt, %abs3A_879, %abs3A_878 : vector<16xf32>
      %sub3A_939 = arith.constant 1.57079637 : f32
      %sub3A_940 = vector.broadcast %sub3A_939 : f32 to vector<16xf32>
      %sub3A_941 = arith.subf %sub3A_940, %mul3A_937 : vector<16xf32>
      %select_n3A_942 = arith.select %gt3A_938, %sub3A_941, %mul3A_937 : vector<16xi1>, vector<16xf32>
      %lt3A_943 = arith.constant 0.000000e+00 : f32
      %lt3A_944 = vector.broadcast %lt3A_943 : f32 to vector<16xf32>
      %lt3A_945 = arith.cmpf olt, %sub3A_872, %lt3A_944 : vector<16xf32>
      %sub3A_946 = arith.constant 3.14159274 : f32
      %sub3A_947 = vector.broadcast %sub3A_946 : f32 to vector<16xf32>
      %sub3A_948 = arith.subf %sub3A_947, %select_n3A_942 : vector<16xf32>
      %select_n3A_949 = arith.select %lt3A_945, %sub3A_948, %select_n3A_942 : vector<16xi1>, vector<16xf32>
      %lt3A_950 = arith.constant 0.000000e+00 : f32
      %lt3A_951 = vector.broadcast %lt3A_950 : f32 to vector<16xf32>
      %lt3A_952 = arith.cmpf olt, %sub3A_874, %lt3A_951 : vector<16xf32>
      %neg3A_953 = arith.constant 0.000000e+00 : f32
      %neg3A_954 = vector.broadcast %neg3A_953 : f32 to vector<16xf32>
      %neg3A_955 = arith.subf %neg3A_954, %select_n3A_949 : vector<16xf32>
      %select_n3A_956 = arith.select %lt3A_952, %neg3A_955, %select_n3A_949 : vector<16xi1>, vector<16xf32>
      %add3A_957 = arith.constant 3.14159274 : f32
      %add3A_958 = vector.broadcast %add3A_957 : f32 to vector<16xf32>
      %add3A_959 = arith.addf %select_n3A_956, %add3A_958 : vector<16xf32>
      %mul3A_960 = arith.constant 81.4873276 : f32
      %mul3A_961 = vector.broadcast %mul3A_960 : f32 to vector<16xf32>
      %mul3A_962 = arith.mulf %add3A_959, %mul3A_961 : vector<16xf32>
      %convert_element_type3A_963 = arith.fptosi %mul3A_962 : vector<16xf32> to vector<16xi32>
      %jit3A_964 = arith.constant 0 : i32
      %jit3A_965 = arith.constant 511 : i32
      %max3A_966 = vector.broadcast %jit3A_964 : i32 to vector<16xi32>
      %max3A_967 = arith.maxsi %max3A_966, %convert_element_type3A_963 : vector<16xi32>
      %min3A_968 = vector.broadcast %jit3A_965 : i32 to vector<16xi32>
      %min3A_969 = arith.minsi %min3A_968, %max3A_967 : vector<16xi32>
      %mul3A_970 = arith.constant 512 : i32
      %mul3A_971 = vector.broadcast %mul3A_970 : i32 to vector<16xi32>
      %mul3A_972 = arith.muli %iota3A, %mul3A_971 : vector<16xi32>
      %add3A_973 = arith.addi %mul3A_972, %min3A_969 : vector<16xi32>
      %gather3A_974 = tpu.vector_load_idx %arg11[%add3A_973] : memref<8192xf32, #tpu.memory_space<vmem>>[vector<16xi32>], vector<16xf32>,
      %gt3A_975 = arith.cmpf ogt, %add3A_877, %gather3A_974 : vector<16xf32>
      tpu.vector_store_idx %arg11[%add3A_973], %add3A_877 masked %gt3A_975 : memref<8192xf32, #tpu.memory_space<vmem>>[vector<16xi32>], vector<16xf32>, vector<16xi1>
      tpu.vector_store_idx %arg12[%add3A_973], %get3A_866 masked %gt3A_975 : memref<8192xf32, #tpu.memory_space<vmem>>[vector<16xi32>], vector<16xf32>, vector<16xi1>
      tpu.vector_store_idx %arg13[%add3A_973], %get3A_870 masked %gt3A_975 : memref<8192xf32, #tpu.memory_space<vmem>>[vector<16xi32>], vector<16xf32>, vector<16xi1>
      %mul3A_976 = arith.constant 8 : i32
      %mul3A_977 = arith.muli %scan3A_279, %mul3A_976 : i32
      %add3A_978 = arith.constant 6 : i32
      %add3A_979 = arith.addi %mul3A_977, %add3A_978 : i32
      %mul3A_980 = arith.constant 16 : i32
      %mul3A_981 = arith.muli %add3A_979, %mul3A_980 : i32
      %get3A_982 = arith.index_cast %mul3A_981 : i32 to index
      %get3A_983 = tpu.vector_load %arg7[%get3A_982] {strides = array<i32>} : memref<2304xf32, #tpu.memory_space<vmem>>, vector<16xf32>,
      %mul3A_984 = arith.constant 16 : i32
      %mul3A_985 = arith.muli %add3A_979, %mul3A_984 : i32
      %get3A_986 = arith.index_cast %mul3A_985 : i32 to index
      %get3A_987 = tpu.vector_load %arg8[%get3A_986] {strides = array<i32>} : memref<2304xf32, #tpu.memory_space<vmem>>, vector<16xf32>,
      %sub3A_988 = vector.broadcast %mul3A_255 : f32 to vector<16xf32>
      %sub3A_989 = arith.subf %get3A_983, %sub3A_988 : vector<16xf32>
      %sub3A_990 = vector.broadcast %mul3A_261 : f32 to vector<16xf32>
      %sub3A_991 = arith.subf %get3A_987, %sub3A_990 : vector<16xf32>
      %mul3A_992 = arith.mulf %sub3A_989, %sub3A_989 : vector<16xf32>
      %mul3A_993 = arith.mulf %sub3A_991, %sub3A_991 : vector<16xf32>
      %add3A_994 = arith.addf %mul3A_992, %mul3A_993 : vector<16xf32>
      %abs3A_995 = math.absf %sub3A_989 : vector<16xf32>
      %abs3A_996 = math.absf %sub3A_991 : vector<16xf32>
      %max3A_997 = arith.maximumf %abs3A_995, %abs3A_996 : vector<16xf32>
      %min3A_998 = arith.minimumf %abs3A_995, %abs3A_996 : vector<16xf32>
      %max3A_999 = arith.constant 1.000000e-30 : f32
      %max3A_1000 = vector.broadcast %max3A_999 : f32 to vector<16xf32>
      %max3A_1001 = arith.maximumf %max3A_997, %max3A_1000 : vector<16xf32>
      %div3A_1002 = arith.divf %min3A_998, %max3A_1001 : vector<16xf32>
      %mul3A_1003 = arith.mulf %div3A_1002, %div3A_1002 : vector<16xf32>
      %broadcast_in_dim3A_1004 = arith.constant 4.30164946E-4 : f32
      %broadcast_in_dim3A_1005 = vector.broadcast %broadcast_in_dim3A_1004 : f32 to vector<16xf32>
      %mul3A_1006 = arith.mulf %broadcast_in_dim3A_1005, %mul3A_1003 : vector<16xf32>
      %add3A_1007 = arith.constant -0.003261487 : f32
      %add3A_1008 = vector.broadcast %add3A_1007 : f32 to vector<16xf32>
      %add3A_1009 = arith.addf %mul3A_1006, %add3A_1008 : vector<16xf32>
      %mul3A_1010 = arith.mulf %add3A_1009, %mul3A_1003 : vector<16xf32>
      %add3A_1011 = arith.constant 0.0116023254 : f32
      %add3A_1012 = vector.broadcast %add3A_1011 : f32 to vector<16xf32>
      %add3A_1013 = arith.addf %mul3A_1010, %add3A_1012 : vector<16xf32>
      %mul3A_1014 = arith.mulf %add3A_1013, %mul3A_1003 : vector<16xf32>
      %add3A_1015 = arith.constant -0.0262715779 : f32
      %add3A_1016 = vector.broadcast %add3A_1015 : f32 to vector<16xf32>
      %add3A_1017 = arith.addf %mul3A_1014, %add3A_1016 : vector<16xf32>
      %mul3A_1018 = arith.mulf %add3A_1017, %mul3A_1003 : vector<16xf32>
      %add3A_1019 = arith.constant 0.043902874 : f32
      %add3A_1020 = vector.broadcast %add3A_1019 : f32 to vector<16xf32>
      %add3A_1021 = arith.addf %mul3A_1018, %add3A_1020 : vector<16xf32>
      %mul3A_1022 = arith.mulf %add3A_1021, %mul3A_1003 : vector<16xf32>
      %add3A_1023 = arith.constant -0.060385488 : f32
      %add3A_1024 = vector.broadcast %add3A_1023 : f32 to vector<16xf32>
      %add3A_1025 = arith.addf %mul3A_1022, %add3A_1024 : vector<16xf32>
      %mul3A_1026 = arith.mulf %add3A_1025, %mul3A_1003 : vector<16xf32>
      %add3A_1027 = arith.constant 0.0750223175 : f32
      %add3A_1028 = vector.broadcast %add3A_1027 : f32 to vector<16xf32>
      %add3A_1029 = arith.addf %mul3A_1026, %add3A_1028 : vector<16xf32>
      %mul3A_1030 = arith.mulf %add3A_1029, %mul3A_1003 : vector<16xf32>
      %add3A_1031 = arith.constant -0.0905113741 : f32
      %add3A_1032 = vector.broadcast %add3A_1031 : f32 to vector<16xf32>
      %add3A_1033 = arith.addf %mul3A_1030, %add3A_1032 : vector<16xf32>
      %mul3A_1034 = arith.mulf %add3A_1033, %mul3A_1003 : vector<16xf32>
      %add3A_1035 = arith.constant 0.111056559 : f32
      %add3A_1036 = vector.broadcast %add3A_1035 : f32 to vector<16xf32>
      %add3A_1037 = arith.addf %mul3A_1034, %add3A_1036 : vector<16xf32>
      %mul3A_1038 = arith.mulf %add3A_1037, %mul3A_1003 : vector<16xf32>
      %add3A_1039 = arith.constant -0.142852619 : f32
      %add3A_1040 = vector.broadcast %add3A_1039 : f32 to vector<16xf32>
      %add3A_1041 = arith.addf %mul3A_1038, %add3A_1040 : vector<16xf32>
      %mul3A_1042 = arith.mulf %add3A_1041, %mul3A_1003 : vector<16xf32>
      %add3A_1043 = arith.constant 0.199999809 : f32
      %add3A_1044 = vector.broadcast %add3A_1043 : f32 to vector<16xf32>
      %add3A_1045 = arith.addf %mul3A_1042, %add3A_1044 : vector<16xf32>
      %mul3A_1046 = arith.mulf %add3A_1045, %mul3A_1003 : vector<16xf32>
      %add3A_1047 = arith.constant -0.333333343 : f32
      %add3A_1048 = vector.broadcast %add3A_1047 : f32 to vector<16xf32>
      %add3A_1049 = arith.addf %mul3A_1046, %add3A_1048 : vector<16xf32>
      %mul3A_1050 = arith.mulf %add3A_1049, %mul3A_1003 : vector<16xf32>
      %add3A_1051 = arith.constant 1.000000e+00 : f32
      %add3A_1052 = vector.broadcast %add3A_1051 : f32 to vector<16xf32>
      %add3A_1053 = arith.addf %mul3A_1050, %add3A_1052 : vector<16xf32>
      %mul3A_1054 = arith.mulf %div3A_1002, %add3A_1053 : vector<16xf32>
      %gt3A_1055 = arith.cmpf ogt, %abs3A_996, %abs3A_995 : vector<16xf32>
      %sub3A_1056 = arith.constant 1.57079637 : f32
      %sub3A_1057 = vector.broadcast %sub3A_1056 : f32 to vector<16xf32>
      %sub3A_1058 = arith.subf %sub3A_1057, %mul3A_1054 : vector<16xf32>
      %select_n3A_1059 = arith.select %gt3A_1055, %sub3A_1058, %mul3A_1054 : vector<16xi1>, vector<16xf32>
      %lt3A_1060 = arith.constant 0.000000e+00 : f32
      %lt3A_1061 = vector.broadcast %lt3A_1060 : f32 to vector<16xf32>
      %lt3A_1062 = arith.cmpf olt, %sub3A_989, %lt3A_1061 : vector<16xf32>
      %sub3A_1063 = arith.constant 3.14159274 : f32
      %sub3A_1064 = vector.broadcast %sub3A_1063 : f32 to vector<16xf32>
      %sub3A_1065 = arith.subf %sub3A_1064, %select_n3A_1059 : vector<16xf32>
      %select_n3A_1066 = arith.select %lt3A_1062, %sub3A_1065, %select_n3A_1059 : vector<16xi1>, vector<16xf32>
      %lt3A_1067 = arith.constant 0.000000e+00 : f32
      %lt3A_1068 = vector.broadcast %lt3A_1067 : f32 to vector<16xf32>
      %lt3A_1069 = arith.cmpf olt, %sub3A_991, %lt3A_1068 : vector<16xf32>
      %neg3A_1070 = arith.constant 0.000000e+00 : f32
      %neg3A_1071 = vector.broadcast %neg3A_1070 : f32 to vector<16xf32>
      %neg3A_1072 = arith.subf %neg3A_1071, %select_n3A_1066 : vector<16xf32>
      %select_n3A_1073 = arith.select %lt3A_1069, %neg3A_1072, %select_n3A_1066 : vector<16xi1>, vector<16xf32>
      %add3A_1074 = arith.constant 3.14159274 : f32
      %add3A_1075 = vector.broadcast %add3A_1074 : f32 to vector<16xf32>
      %add3A_1076 = arith.addf %select_n3A_1073, %add3A_1075 : vector<16xf32>
      %mul3A_1077 = arith.constant 81.4873276 : f32
      %mul3A_1078 = vector.broadcast %mul3A_1077 : f32 to vector<16xf32>
      %mul3A_1079 = arith.mulf %add3A_1076, %mul3A_1078 : vector<16xf32>
      %convert_element_type3A_1080 = arith.fptosi %mul3A_1079 : vector<16xf32> to vector<16xi32>
      %jit3A_1081 = arith.constant 0 : i32
      %jit3A_1082 = arith.constant 511 : i32
      %max3A_1083 = vector.broadcast %jit3A_1081 : i32 to vector<16xi32>
      %max3A_1084 = arith.maxsi %max3A_1083, %convert_element_type3A_1080 : vector<16xi32>
      %min3A_1085 = vector.broadcast %jit3A_1082 : i32 to vector<16xi32>
      %min3A_1086 = arith.minsi %min3A_1085, %max3A_1084 : vector<16xi32>
      %mul3A_1087 = arith.constant 512 : i32
      %mul3A_1088 = vector.broadcast %mul3A_1087 : i32 to vector<16xi32>
      %mul3A_1089 = arith.muli %iota3A, %mul3A_1088 : vector<16xi32>
      %add3A_1090 = arith.addi %mul3A_1089, %min3A_1086 : vector<16xi32>
      %gather3A_1091 = tpu.vector_load_idx %arg11[%add3A_1090] : memref<8192xf32, #tpu.memory_space<vmem>>[vector<16xi32>], vector<16xf32>,
      %gt3A_1092 = arith.cmpf ogt, %add3A_994, %gather3A_1091 : vector<16xf32>
      tpu.vector_store_idx %arg11[%add3A_1090], %add3A_994 masked %gt3A_1092 : memref<8192xf32, #tpu.memory_space<vmem>>[vector<16xi32>], vector<16xf32>, vector<16xi1>
      tpu.vector_store_idx %arg12[%add3A_1090], %get3A_983 masked %gt3A_1092 : memref<8192xf32, #tpu.memory_space<vmem>>[vector<16xi32>], vector<16xf32>, vector<16xi1>
      tpu.vector_store_idx %arg13[%add3A_1090], %get3A_987 masked %gt3A_1092 : memref<8192xf32, #tpu.memory_space<vmem>>[vector<16xi32>], vector<16xf32>, vector<16xi1>
      %mul3A_1093 = arith.constant 8 : i32
      %mul3A_1094 = arith.muli %scan3A_279, %mul3A_1093 : i32
      %add3A_1095 = arith.constant 7 : i32
      %add3A_1096 = arith.addi %mul3A_1094, %add3A_1095 : i32
      %mul3A_1097 = arith.constant 16 : i32
      %mul3A_1098 = arith.muli %add3A_1096, %mul3A_1097 : i32
      %get3A_1099 = arith.index_cast %mul3A_1098 : i32 to index
      %get3A_1100 = tpu.vector_load %arg7[%get3A_1099] {strides = array<i32>} : memref<2304xf32, #tpu.memory_space<vmem>>, vector<16xf32>,
      %mul3A_1101 = arith.constant 16 : i32
      %mul3A_1102 = arith.muli %add3A_1096, %mul3A_1101 : i32
      %get3A_1103 = arith.index_cast %mul3A_1102 : i32 to index
      %get3A_1104 = tpu.vector_load %arg8[%get3A_1103] {strides = array<i32>} : memref<2304xf32, #tpu.memory_space<vmem>>, vector<16xf32>,
      %sub3A_1105 = vector.broadcast %mul3A_255 : f32 to vector<16xf32>
      %sub3A_1106 = arith.subf %get3A_1100, %sub3A_1105 : vector<16xf32>
      %sub3A_1107 = vector.broadcast %mul3A_261 : f32 to vector<16xf32>
      %sub3A_1108 = arith.subf %get3A_1104, %sub3A_1107 : vector<16xf32>
      %mul3A_1109 = arith.mulf %sub3A_1106, %sub3A_1106 : vector<16xf32>
      %mul3A_1110 = arith.mulf %sub3A_1108, %sub3A_1108 : vector<16xf32>
      %add3A_1111 = arith.addf %mul3A_1109, %mul3A_1110 : vector<16xf32>
      %abs3A_1112 = math.absf %sub3A_1106 : vector<16xf32>
      %abs3A_1113 = math.absf %sub3A_1108 : vector<16xf32>
      %max3A_1114 = arith.maximumf %abs3A_1112, %abs3A_1113 : vector<16xf32>
      %min3A_1115 = arith.minimumf %abs3A_1112, %abs3A_1113 : vector<16xf32>
      %max3A_1116 = arith.constant 1.000000e-30 : f32
      %max3A_1117 = vector.broadcast %max3A_1116 : f32 to vector<16xf32>
      %max3A_1118 = arith.maximumf %max3A_1114, %max3A_1117 : vector<16xf32>
      %div3A_1119 = arith.divf %min3A_1115, %max3A_1118 : vector<16xf32>
      %mul3A_1120 = arith.mulf %div3A_1119, %div3A_1119 : vector<16xf32>
      %broadcast_in_dim3A_1121 = arith.constant 4.30164946E-4 : f32
      %broadcast_in_dim3A_1122 = vector.broadcast %broadcast_in_dim3A_1121 : f32 to vector<16xf32>
      %mul3A_1123 = arith.mulf %broadcast_in_dim3A_1122, %mul3A_1120 : vector<16xf32>
      %add3A_1124 = arith.constant -0.003261487 : f32
      %add3A_1125 = vector.broadcast %add3A_1124 : f32 to vector<16xf32>
      %add3A_1126 = arith.addf %mul3A_1123, %add3A_1125 : vector<16xf32>
      %mul3A_1127 = arith.mulf %add3A_1126, %mul3A_1120 : vector<16xf32>
      %add3A_1128 = arith.constant 0.0116023254 : f32
      %add3A_1129 = vector.broadcast %add3A_1128 : f32 to vector<16xf32>
      %add3A_1130 = arith.addf %mul3A_1127, %add3A_1129 : vector<16xf32>
      %mul3A_1131 = arith.mulf %add3A_1130, %mul3A_1120 : vector<16xf32>
      %add3A_1132 = arith.constant -0.0262715779 : f32
      %add3A_1133 = vector.broadcast %add3A_1132 : f32 to vector<16xf32>
      %add3A_1134 = arith.addf %mul3A_1131, %add3A_1133 : vector<16xf32>
      %mul3A_1135 = arith.mulf %add3A_1134, %mul3A_1120 : vector<16xf32>
      %add3A_1136 = arith.constant 0.043902874 : f32
      %add3A_1137 = vector.broadcast %add3A_1136 : f32 to vector<16xf32>
      %add3A_1138 = arith.addf %mul3A_1135, %add3A_1137 : vector<16xf32>
      %mul3A_1139 = arith.mulf %add3A_1138, %mul3A_1120 : vector<16xf32>
      %add3A_1140 = arith.constant -0.060385488 : f32
      %add3A_1141 = vector.broadcast %add3A_1140 : f32 to vector<16xf32>
      %add3A_1142 = arith.addf %mul3A_1139, %add3A_1141 : vector<16xf32>
      %mul3A_1143 = arith.mulf %add3A_1142, %mul3A_1120 : vector<16xf32>
      %add3A_1144 = arith.constant 0.0750223175 : f32
      %add3A_1145 = vector.broadcast %add3A_1144 : f32 to vector<16xf32>
      %add3A_1146 = arith.addf %mul3A_1143, %add3A_1145 : vector<16xf32>
      %mul3A_1147 = arith.mulf %add3A_1146, %mul3A_1120 : vector<16xf32>
      %add3A_1148 = arith.constant -0.0905113741 : f32
      %add3A_1149 = vector.broadcast %add3A_1148 : f32 to vector<16xf32>
      %add3A_1150 = arith.addf %mul3A_1147, %add3A_1149 : vector<16xf32>
      %mul3A_1151 = arith.mulf %add3A_1150, %mul3A_1120 : vector<16xf32>
      %add3A_1152 = arith.constant 0.111056559 : f32
      %add3A_1153 = vector.broadcast %add3A_1152 : f32 to vector<16xf32>
      %add3A_1154 = arith.addf %mul3A_1151, %add3A_1153 : vector<16xf32>
      %mul3A_1155 = arith.mulf %add3A_1154, %mul3A_1120 : vector<16xf32>
      %add3A_1156 = arith.constant -0.142852619 : f32
      %add3A_1157 = vector.broadcast %add3A_1156 : f32 to vector<16xf32>
      %add3A_1158 = arith.addf %mul3A_1155, %add3A_1157 : vector<16xf32>
      %mul3A_1159 = arith.mulf %add3A_1158, %mul3A_1120 : vector<16xf32>
      %add3A_1160 = arith.constant 0.199999809 : f32
      %add3A_1161 = vector.broadcast %add3A_1160 : f32 to vector<16xf32>
      %add3A_1162 = arith.addf %mul3A_1159, %add3A_1161 : vector<16xf32>
      %mul3A_1163 = arith.mulf %add3A_1162, %mul3A_1120 : vector<16xf32>
      %add3A_1164 = arith.constant -0.333333343 : f32
      %add3A_1165 = vector.broadcast %add3A_1164 : f32 to vector<16xf32>
      %add3A_1166 = arith.addf %mul3A_1163, %add3A_1165 : vector<16xf32>
      %mul3A_1167 = arith.mulf %add3A_1166, %mul3A_1120 : vector<16xf32>
      %add3A_1168 = arith.constant 1.000000e+00 : f32
      %add3A_1169 = vector.broadcast %add3A_1168 : f32 to vector<16xf32>
      %add3A_1170 = arith.addf %mul3A_1167, %add3A_1169 : vector<16xf32>
      %mul3A_1171 = arith.mulf %div3A_1119, %add3A_1170 : vector<16xf32>
      %gt3A_1172 = arith.cmpf ogt, %abs3A_1113, %abs3A_1112 : vector<16xf32>
      %sub3A_1173 = arith.constant 1.57079637 : f32
      %sub3A_1174 = vector.broadcast %sub3A_1173 : f32 to vector<16xf32>
      %sub3A_1175 = arith.subf %sub3A_1174, %mul3A_1171 : vector<16xf32>
      %select_n3A_1176 = arith.select %gt3A_1172, %sub3A_1175, %mul3A_1171 : vector<16xi1>, vector<16xf32>
      %lt3A_1177 = arith.constant 0.000000e+00 : f32
      %lt3A_1178 = vector.broadcast %lt3A_1177 : f32 to vector<16xf32>
      %lt3A_1179 = arith.cmpf olt, %sub3A_1106, %lt3A_1178 : vector<16xf32>
      %sub3A_1180 = arith.constant 3.14159274 : f32
      %sub3A_1181 = vector.broadcast %sub3A_1180 : f32 to vector<16xf32>
      %sub3A_1182 = arith.subf %sub3A_1181, %select_n3A_1176 : vector<16xf32>
      %select_n3A_1183 = arith.select %lt3A_1179, %sub3A_1182, %select_n3A_1176 : vector<16xi1>, vector<16xf32>
      %lt3A_1184 = arith.constant 0.000000e+00 : f32
      %lt3A_1185 = vector.broadcast %lt3A_1184 : f32 to vector<16xf32>
      %lt3A_1186 = arith.cmpf olt, %sub3A_1108, %lt3A_1185 : vector<16xf32>
      %neg3A_1187 = arith.constant 0.000000e+00 : f32
      %neg3A_1188 = vector.broadcast %neg3A_1187 : f32 to vector<16xf32>
      %neg3A_1189 = arith.subf %neg3A_1188, %select_n3A_1183 : vector<16xf32>
      %select_n3A_1190 = arith.select %lt3A_1186, %neg3A_1189, %select_n3A_1183 : vector<16xi1>, vector<16xf32>
      %add3A_1191 = arith.constant 3.14159274 : f32
      %add3A_1192 = vector.broadcast %add3A_1191 : f32 to vector<16xf32>
      %add3A_1193 = arith.addf %select_n3A_1190, %add3A_1192 : vector<16xf32>
      %mul3A_1194 = arith.constant 81.4873276 : f32
      %mul3A_1195 = vector.broadcast %mul3A_1194 : f32 to vector<16xf32>
      %mul3A_1196 = arith.mulf %add3A_1193, %mul3A_1195 : vector<16xf32>
      %convert_element_type3A_1197 = arith.fptosi %mul3A_1196 : vector<16xf32> to vector<16xi32>
      %jit3A_1198 = arith.constant 0 : i32
      %jit3A_1199 = arith.constant 511 : i32
      %max3A_1200 = vector.broadcast %jit3A_1198 : i32 to vector<16xi32>
      %max3A_1201 = arith.maxsi %max3A_1200, %convert_element_type3A_1197 : vector<16xi32>
      %min3A_1202 = vector.broadcast %jit3A_1199 : i32 to vector<16xi32>
      %min3A_1203 = arith.minsi %min3A_1202, %max3A_1201 : vector<16xi32>
      %mul3A_1204 = arith.constant 512 : i32
      %mul3A_1205 = vector.broadcast %mul3A_1204 : i32 to vector<16xi32>
      %mul3A_1206 = arith.muli %iota3A, %mul3A_1205 : vector<16xi32>
      %add3A_1207 = arith.addi %mul3A_1206, %min3A_1203 : vector<16xi32>
      %gather3A_1208 = tpu.vector_load_idx %arg11[%add3A_1207] : memref<8192xf32, #tpu.memory_space<vmem>>[vector<16xi32>], vector<16xf32>,
      %gt3A_1209 = arith.cmpf ogt, %add3A_1111, %gather3A_1208 : vector<16xf32>
      tpu.vector_store_idx %arg11[%add3A_1207], %add3A_1111 masked %gt3A_1209 : memref<8192xf32, #tpu.memory_space<vmem>>[vector<16xi32>], vector<16xf32>, vector<16xi1>
      tpu.vector_store_idx %arg12[%add3A_1207], %get3A_1100 masked %gt3A_1209 : memref<8192xf32, #tpu.memory_space<vmem>>[vector<16xi32>], vector<16xf32>, vector<16xi1>
      tpu.vector_store_idx %arg13[%add3A_1207], %get3A_1104 masked %gt3A_1209 : memref<8192xf32, #tpu.memory_space<vmem>>[vector<16xi32>], vector<16xf32>, vector<16xi1>
    }
    %scan3A_270 = arith.constant 18 : i32
    %parallel_loop3A_271 = arith.constant 0 : i32
    %parallel_loop3A_272 = arith.constant 32 : i32
    %parallel_loop3A_273 = arith.constant 1 : i32
    scf.for %parallel_loop3A_279 = %parallel_loop3A_271 to %parallel_loop3A_272 step %parallel_loop3A_273  : i32 {
      %parallel_loop3A_280 = arith.constant 16 : i32
      %parallel_loop3A_281 = arith.muli %parallel_loop3A_279, %parallel_loop3A_280 : i32
      %parallel_loop3A_282 = arith.index_cast %parallel_loop3A_281 : i32 to index
      %parallel_loop3A_283 = tpu.vector_load %arg11[%parallel_loop3A_282] {strides = array<i32>} : memref<8192xf32, #tpu.memory_space<vmem>>, vector<16xf32>,
      %parallel_loop3A_284 = arith.constant 16 : i32
      %parallel_loop3A_285 = arith.muli %parallel_loop3A_279, %parallel_loop3A_284 : i32
      %parallel_loop3A_286 = arith.index_cast %parallel_loop3A_285 : i32 to index
      %parallel_loop3A_287 = tpu.vector_load %arg12[%parallel_loop3A_286] {strides = array<i32>} : memref<8192xf32, #tpu.memory_space<vmem>>, vector<16xf32>,
      %parallel_loop3A_288 = arith.constant 16 : i32
      %parallel_loop3A_289 = arith.muli %parallel_loop3A_279, %parallel_loop3A_288 : i32
      %parallel_loop3A_290 = arith.index_cast %parallel_loop3A_289 : i32 to index
      %parallel_loop3A_291 = tpu.vector_load %arg13[%parallel_loop3A_290] {strides = array<i32>} : memref<8192xf32, #tpu.memory_space<vmem>>, vector<16xf32>,
      %parallel_loop3A_292 = arith.constant 16 : i32
      %parallel_loop3A_293 = arith.muli %parallel_loop3A_279, %parallel_loop3A_292 : i32
      %parallel_loop3A_294 = arith.constant 512 : i32
      %parallel_loop3A_295 = arith.addi %parallel_loop3A_294, %parallel_loop3A_293 : i32
      %parallel_loop3A_296 = arith.index_cast %parallel_loop3A_295 : i32 to index
      %parallel_loop3A_297 = tpu.vector_load %arg11[%parallel_loop3A_296] {strides = array<i32>} : memref<8192xf32, #tpu.memory_space<vmem>>, vector<16xf32>,
      %parallel_loop3A_298 = arith.cmpf ogt, %parallel_loop3A_297, %parallel_loop3A_283 : vector<16xf32>
      %parallel_loop3A_299 = arith.select %parallel_loop3A_298, %parallel_loop3A_297, %parallel_loop3A_283 : vector<16xi1>, vector<16xf32>
      %parallel_loop3A_300 = arith.index_cast %parallel_loop3A_295 : i32 to index
      %parallel_loop3A_301 = tpu.vector_load %arg12[%parallel_loop3A_300] {strides = array<i32>} : memref<8192xf32, #tpu.memory_space<vmem>>, vector<16xf32>,
      %parallel_loop3A_302 = arith.select %parallel_loop3A_298, %parallel_loop3A_301, %parallel_loop3A_287 : vector<16xi1>, vector<16xf32>
      %parallel_loop3A_303 = arith.index_cast %parallel_loop3A_295 : i32 to index
      %parallel_loop3A_304 = tpu.vector_load %arg13[%parallel_loop3A_303] {strides = array<i32>} : memref<8192xf32, #tpu.memory_space<vmem>>, vector<16xf32>,
      %parallel_loop3A_305 = arith.select %parallel_loop3A_298, %parallel_loop3A_304, %parallel_loop3A_291 : vector<16xi1>, vector<16xf32>
      %parallel_loop3A_306 = arith.constant 16 : i32
      %parallel_loop3A_307 = arith.muli %parallel_loop3A_279, %parallel_loop3A_306 : i32
      %parallel_loop3A_308 = arith.constant 1024 : i32
      %parallel_loop3A_309 = arith.addi %parallel_loop3A_308, %parallel_loop3A_307 : i32
      %parallel_loop3A_310 = arith.index_cast %parallel_loop3A_309 : i32 to index
      %parallel_loop3A_311 = tpu.vector_load %arg11[%parallel_loop3A_310] {strides = array<i32>} : memref<8192xf32, #tpu.memory_space<vmem>>, vector<16xf32>,
      %parallel_loop3A_312 = arith.cmpf ogt, %parallel_loop3A_311, %parallel_loop3A_299 : vector<16xf32>
      %parallel_loop3A_313 = arith.select %parallel_loop3A_312, %parallel_loop3A_311, %parallel_loop3A_299 : vector<16xi1>, vector<16xf32>
      %parallel_loop3A_314 = arith.index_cast %parallel_loop3A_309 : i32 to index
      %parallel_loop3A_315 = tpu.vector_load %arg12[%parallel_loop3A_314] {strides = array<i32>} : memref<8192xf32, #tpu.memory_space<vmem>>, vector<16xf32>,
      %parallel_loop3A_316 = arith.select %parallel_loop3A_312, %parallel_loop3A_315, %parallel_loop3A_302 : vector<16xi1>, vector<16xf32>
      %parallel_loop3A_317 = arith.index_cast %parallel_loop3A_309 : i32 to index
      %parallel_loop3A_318 = tpu.vector_load %arg13[%parallel_loop3A_317] {strides = array<i32>} : memref<8192xf32, #tpu.memory_space<vmem>>, vector<16xf32>,
      %parallel_loop3A_319 = arith.select %parallel_loop3A_312, %parallel_loop3A_318, %parallel_loop3A_305 : vector<16xi1>, vector<16xf32>
      %parallel_loop3A_320 = arith.constant 16 : i32
      %parallel_loop3A_321 = arith.muli %parallel_loop3A_279, %parallel_loop3A_320 : i32
      %parallel_loop3A_322 = arith.constant 1536 : i32
      %parallel_loop3A_323 = arith.addi %parallel_loop3A_322, %parallel_loop3A_321 : i32
      %parallel_loop3A_324 = arith.index_cast %parallel_loop3A_323 : i32 to index
      %parallel_loop3A_325 = tpu.vector_load %arg11[%parallel_loop3A_324] {strides = array<i32>} : memref<8192xf32, #tpu.memory_space<vmem>>, vector<16xf32>,
      %parallel_loop3A_326 = arith.cmpf ogt, %parallel_loop3A_325, %parallel_loop3A_313 : vector<16xf32>
      %parallel_loop3A_327 = arith.select %parallel_loop3A_326, %parallel_loop3A_325, %parallel_loop3A_313 : vector<16xi1>, vector<16xf32>
      %parallel_loop3A_328 = arith.index_cast %parallel_loop3A_323 : i32 to index
      %parallel_loop3A_329 = tpu.vector_load %arg12[%parallel_loop3A_328] {strides = array<i32>} : memref<8192xf32, #tpu.memory_space<vmem>>, vector<16xf32>,
      %parallel_loop3A_330 = arith.select %parallel_loop3A_326, %parallel_loop3A_329, %parallel_loop3A_316 : vector<16xi1>, vector<16xf32>
      %parallel_loop3A_331 = arith.index_cast %parallel_loop3A_323 : i32 to index
      %parallel_loop3A_332 = tpu.vector_load %arg13[%parallel_loop3A_331] {strides = array<i32>} : memref<8192xf32, #tpu.memory_space<vmem>>, vector<16xf32>,
      %parallel_loop3A_333 = arith.select %parallel_loop3A_326, %parallel_loop3A_332, %parallel_loop3A_319 : vector<16xi1>, vector<16xf32>
      %parallel_loop3A_334 = arith.constant 16 : i32
      %parallel_loop3A_335 = arith.muli %parallel_loop3A_279, %parallel_loop3A_334 : i32
      %parallel_loop3A_336 = arith.constant 2048 : i32
      %parallel_loop3A_337 = arith.addi %parallel_loop3A_336, %parallel_loop3A_335 : i32
      %parallel_loop3A_338 = arith.index_cast %parallel_loop3A_337 : i32 to index
      %parallel_loop3A_339 = tpu.vector_load %arg11[%parallel_loop3A_338] {strides = array<i32>} : memref<8192xf32, #tpu.memory_space<vmem>>, vector<16xf32>,
      %parallel_loop3A_340 = arith.cmpf ogt, %parallel_loop3A_339, %parallel_loop3A_327 : vector<16xf32>
      %parallel_loop3A_341 = arith.select %parallel_loop3A_340, %parallel_loop3A_339, %parallel_loop3A_327 : vector<16xi1>, vector<16xf32>
      %parallel_loop3A_342 = arith.index_cast %parallel_loop3A_337 : i32 to index
      %parallel_loop3A_343 = tpu.vector_load %arg12[%parallel_loop3A_342] {strides = array<i32>} : memref<8192xf32, #tpu.memory_space<vmem>>, vector<16xf32>,
      %parallel_loop3A_344 = arith.select %parallel_loop3A_340, %parallel_loop3A_343, %parallel_loop3A_330 : vector<16xi1>, vector<16xf32>
      %parallel_loop3A_345 = arith.index_cast %parallel_loop3A_337 : i32 to index
      %parallel_loop3A_346 = tpu.vector_load %arg13[%parallel_loop3A_345] {strides = array<i32>} : memref<8192xf32, #tpu.memory_space<vmem>>, vector<16xf32>,
      %parallel_loop3A_347 = arith.select %parallel_loop3A_340, %parallel_loop3A_346, %parallel_loop3A_333 : vector<16xi1>, vector<16xf32>
      %parallel_loop3A_348 = arith.constant 16 : i32
      %parallel_loop3A_349 = arith.muli %parallel_loop3A_279, %parallel_loop3A_348 : i32
      %parallel_loop3A_350 = arith.constant 2560 : i32
      %parallel_loop3A_351 = arith.addi %parallel_loop3A_350, %parallel_loop3A_349 : i32
      %parallel_loop3A_352 = arith.index_cast %parallel_loop3A_351 : i32 to index
      %parallel_loop3A_353 = tpu.vector_load %arg11[%parallel_loop3A_352] {strides = array<i32>} : memref<8192xf32, #tpu.memory_space<vmem>>, vector<16xf32>,
      %parallel_loop3A_354 = arith.cmpf ogt, %parallel_loop3A_353, %parallel_loop3A_341 : vector<16xf32>
      %parallel_loop3A_355 = arith.select %parallel_loop3A_354, %parallel_loop3A_353, %parallel_loop3A_341 : vector<16xi1>, vector<16xf32>
      %parallel_loop3A_356 = arith.index_cast %parallel_loop3A_351 : i32 to index
      %parallel_loop3A_357 = tpu.vector_load %arg12[%parallel_loop3A_356] {strides = array<i32>} : memref<8192xf32, #tpu.memory_space<vmem>>, vector<16xf32>,
      %parallel_loop3A_358 = arith.select %parallel_loop3A_354, %parallel_loop3A_357, %parallel_loop3A_344 : vector<16xi1>, vector<16xf32>
      %parallel_loop3A_359 = arith.index_cast %parallel_loop3A_351 : i32 to index
      %parallel_loop3A_360 = tpu.vector_load %arg13[%parallel_loop3A_359] {strides = array<i32>} : memref<8192xf32, #tpu.memory_space<vmem>>, vector<16xf32>,
      %parallel_loop3A_361 = arith.select %parallel_loop3A_354, %parallel_loop3A_360, %parallel_loop3A_347 : vector<16xi1>, vector<16xf32>
      %parallel_loop3A_362 = arith.constant 16 : i32
      %parallel_loop3A_363 = arith.muli %parallel_loop3A_279, %parallel_loop3A_362 : i32
      %parallel_loop3A_364 = arith.constant 3072 : i32
      %parallel_loop3A_365 = arith.addi %parallel_loop3A_364, %parallel_loop3A_363 : i32
      %parallel_loop3A_366 = arith.index_cast %parallel_loop3A_365 : i32 to index
      %parallel_loop3A_367 = tpu.vector_load %arg11[%parallel_loop3A_366] {strides = array<i32>} : memref<8192xf32, #tpu.memory_space<vmem>>, vector<16xf32>,
      %parallel_loop3A_368 = arith.cmpf ogt, %parallel_loop3A_367, %parallel_loop3A_355 : vector<16xf32>
      %parallel_loop3A_369 = arith.select %parallel_loop3A_368, %parallel_loop3A_367, %parallel_loop3A_355 : vector<16xi1>, vector<16xf32>
      %parallel_loop3A_370 = arith.index_cast %parallel_loop3A_365 : i32 to index
      %parallel_loop3A_371 = tpu.vector_load %arg12[%parallel_loop3A_370] {strides = array<i32>} : memref<8192xf32, #tpu.memory_space<vmem>>, vector<16xf32>,
      %parallel_loop3A_372 = arith.select %parallel_loop3A_368, %parallel_loop3A_371, %parallel_loop3A_358 : vector<16xi1>, vector<16xf32>
      %parallel_loop3A_373 = arith.index_cast %parallel_loop3A_365 : i32 to index
      %parallel_loop3A_374 = tpu.vector_load %arg13[%parallel_loop3A_373] {strides = array<i32>} : memref<8192xf32, #tpu.memory_space<vmem>>, vector<16xf32>,
      %parallel_loop3A_375 = arith.select %parallel_loop3A_368, %parallel_loop3A_374, %parallel_loop3A_361 : vector<16xi1>, vector<16xf32>
      %parallel_loop3A_376 = arith.constant 16 : i32
      %parallel_loop3A_377 = arith.muli %parallel_loop3A_279, %parallel_loop3A_376 : i32
      %parallel_loop3A_378 = arith.constant 3584 : i32
      %parallel_loop3A_379 = arith.addi %parallel_loop3A_378, %parallel_loop3A_377 : i32
      %parallel_loop3A_380 = arith.index_cast %parallel_loop3A_379 : i32 to index
      %parallel_loop3A_381 = tpu.vector_load %arg11[%parallel_loop3A_380] {strides = array<i32>} : memref<8192xf32, #tpu.memory_space<vmem>>, vector<16xf32>,
      %parallel_loop3A_382 = arith.cmpf ogt, %parallel_loop3A_381, %parallel_loop3A_369 : vector<16xf32>
      %parallel_loop3A_383 = arith.select %parallel_loop3A_382, %parallel_loop3A_381, %parallel_loop3A_369 : vector<16xi1>, vector<16xf32>
      %parallel_loop3A_384 = arith.index_cast %parallel_loop3A_379 : i32 to index
      %parallel_loop3A_385 = tpu.vector_load %arg12[%parallel_loop3A_384] {strides = array<i32>} : memref<8192xf32, #tpu.memory_space<vmem>>, vector<16xf32>,
      %parallel_loop3A_386 = arith.select %parallel_loop3A_382, %parallel_loop3A_385, %parallel_loop3A_372 : vector<16xi1>, vector<16xf32>
      %parallel_loop3A_387 = arith.index_cast %parallel_loop3A_379 : i32 to index
      %parallel_loop3A_388 = tpu.vector_load %arg13[%parallel_loop3A_387] {strides = array<i32>} : memref<8192xf32, #tpu.memory_space<vmem>>, vector<16xf32>,
      %parallel_loop3A_389 = arith.select %parallel_loop3A_382, %parallel_loop3A_388, %parallel_loop3A_375 : vector<16xi1>, vector<16xf32>
      %parallel_loop3A_390 = arith.constant 16 : i32
      %parallel_loop3A_391 = arith.muli %parallel_loop3A_279, %parallel_loop3A_390 : i32
      %parallel_loop3A_392 = arith.constant 4096 : i32
      %parallel_loop3A_393 = arith.addi %parallel_loop3A_392, %parallel_loop3A_391 : i32
      %parallel_loop3A_394 = arith.index_cast %parallel_loop3A_393 : i32 to index
      %parallel_loop3A_395 = tpu.vector_load %arg11[%parallel_loop3A_394] {strides = array<i32>} : memref<8192xf32, #tpu.memory_space<vmem>>, vector<16xf32>,
      %parallel_loop3A_396 = arith.cmpf ogt, %parallel_loop3A_395, %parallel_loop3A_383 : vector<16xf32>
      %parallel_loop3A_397 = arith.select %parallel_loop3A_396, %parallel_loop3A_395, %parallel_loop3A_383 : vector<16xi1>, vector<16xf32>
      %parallel_loop3A_398 = arith.index_cast %parallel_loop3A_393 : i32 to index
      %parallel_loop3A_399 = tpu.vector_load %arg12[%parallel_loop3A_398] {strides = array<i32>} : memref<8192xf32, #tpu.memory_space<vmem>>, vector<16xf32>,
      %parallel_loop3A_400 = arith.select %parallel_loop3A_396, %parallel_loop3A_399, %parallel_loop3A_386 : vector<16xi1>, vector<16xf32>
      %parallel_loop3A_401 = arith.index_cast %parallel_loop3A_393 : i32 to index
      %parallel_loop3A_402 = tpu.vector_load %arg13[%parallel_loop3A_401] {strides = array<i32>} : memref<8192xf32, #tpu.memory_space<vmem>>, vector<16xf32>,
      %parallel_loop3A_403 = arith.select %parallel_loop3A_396, %parallel_loop3A_402, %parallel_loop3A_389 : vector<16xi1>, vector<16xf32>
      %parallel_loop3A_404 = arith.constant 16 : i32
      %parallel_loop3A_405 = arith.muli %parallel_loop3A_279, %parallel_loop3A_404 : i32
      %parallel_loop3A_406 = arith.constant 4608 : i32
      %parallel_loop3A_407 = arith.addi %parallel_loop3A_406, %parallel_loop3A_405 : i32
      %parallel_loop3A_408 = arith.index_cast %parallel_loop3A_407 : i32 to index
      %parallel_loop3A_409 = tpu.vector_load %arg11[%parallel_loop3A_408] {strides = array<i32>} : memref<8192xf32, #tpu.memory_space<vmem>>, vector<16xf32>,
      %parallel_loop3A_410 = arith.cmpf ogt, %parallel_loop3A_409, %parallel_loop3A_397 : vector<16xf32>
      %parallel_loop3A_411 = arith.select %parallel_loop3A_410, %parallel_loop3A_409, %parallel_loop3A_397 : vector<16xi1>, vector<16xf32>
      %parallel_loop3A_412 = arith.index_cast %parallel_loop3A_407 : i32 to index
      %parallel_loop3A_413 = tpu.vector_load %arg12[%parallel_loop3A_412] {strides = array<i32>} : memref<8192xf32, #tpu.memory_space<vmem>>, vector<16xf32>,
      %parallel_loop3A_414 = arith.select %parallel_loop3A_410, %parallel_loop3A_413, %parallel_loop3A_400 : vector<16xi1>, vector<16xf32>
      %parallel_loop3A_415 = arith.index_cast %parallel_loop3A_407 : i32 to index
      %parallel_loop3A_416 = tpu.vector_load %arg13[%parallel_loop3A_415] {strides = array<i32>} : memref<8192xf32, #tpu.memory_space<vmem>>, vector<16xf32>,
      %parallel_loop3A_417 = arith.select %parallel_loop3A_410, %parallel_loop3A_416, %parallel_loop3A_403 : vector<16xi1>, vector<16xf32>
      %parallel_loop3A_418 = arith.constant 16 : i32
      %parallel_loop3A_419 = arith.muli %parallel_loop3A_279, %parallel_loop3A_418 : i32
      %parallel_loop3A_420 = arith.constant 5120 : i32
      %parallel_loop3A_421 = arith.addi %parallel_loop3A_420, %parallel_loop3A_419 : i32
      %parallel_loop3A_422 = arith.index_cast %parallel_loop3A_421 : i32 to index
      %parallel_loop3A_423 = tpu.vector_load %arg11[%parallel_loop3A_422] {strides = array<i32>} : memref<8192xf32, #tpu.memory_space<vmem>>, vector<16xf32>,
      %parallel_loop3A_424 = arith.cmpf ogt, %parallel_loop3A_423, %parallel_loop3A_411 : vector<16xf32>
      %parallel_loop3A_425 = arith.select %parallel_loop3A_424, %parallel_loop3A_423, %parallel_loop3A_411 : vector<16xi1>, vector<16xf32>
      %parallel_loop3A_426 = arith.index_cast %parallel_loop3A_421 : i32 to index
      %parallel_loop3A_427 = tpu.vector_load %arg12[%parallel_loop3A_426] {strides = array<i32>} : memref<8192xf32, #tpu.memory_space<vmem>>, vector<16xf32>,
      %parallel_loop3A_428 = arith.select %parallel_loop3A_424, %parallel_loop3A_427, %parallel_loop3A_414 : vector<16xi1>, vector<16xf32>
      %parallel_loop3A_429 = arith.index_cast %parallel_loop3A_421 : i32 to index
      %parallel_loop3A_430 = tpu.vector_load %arg13[%parallel_loop3A_429] {strides = array<i32>} : memref<8192xf32, #tpu.memory_space<vmem>>, vector<16xf32>,
      %parallel_loop3A_431 = arith.select %parallel_loop3A_424, %parallel_loop3A_430, %parallel_loop3A_417 : vector<16xi1>, vector<16xf32>
      %parallel_loop3A_432 = arith.constant 16 : i32
      %parallel_loop3A_433 = arith.muli %parallel_loop3A_279, %parallel_loop3A_432 : i32
      %parallel_loop3A_434 = arith.constant 5632 : i32
      %parallel_loop3A_435 = arith.addi %parallel_loop3A_434, %parallel_loop3A_433 : i32
      %parallel_loop3A_436 = arith.index_cast %parallel_loop3A_435 : i32 to index
      %parallel_loop3A_437 = tpu.vector_load %arg11[%parallel_loop3A_436] {strides = array<i32>} : memref<8192xf32, #tpu.memory_space<vmem>>, vector<16xf32>,
      %parallel_loop3A_438 = arith.cmpf ogt, %parallel_loop3A_437, %parallel_loop3A_425 : vector<16xf32>
      %parallel_loop3A_439 = arith.select %parallel_loop3A_438, %parallel_loop3A_437, %parallel_loop3A_425 : vector<16xi1>, vector<16xf32>
      %parallel_loop3A_440 = arith.index_cast %parallel_loop3A_435 : i32 to index
      %parallel_loop3A_441 = tpu.vector_load %arg12[%parallel_loop3A_440] {strides = array<i32>} : memref<8192xf32, #tpu.memory_space<vmem>>, vector<16xf32>,
      %parallel_loop3A_442 = arith.select %parallel_loop3A_438, %parallel_loop3A_441, %parallel_loop3A_428 : vector<16xi1>, vector<16xf32>
      %parallel_loop3A_443 = arith.index_cast %parallel_loop3A_435 : i32 to index
      %parallel_loop3A_444 = tpu.vector_load %arg13[%parallel_loop3A_443] {strides = array<i32>} : memref<8192xf32, #tpu.memory_space<vmem>>, vector<16xf32>,
      %parallel_loop3A_445 = arith.select %parallel_loop3A_438, %parallel_loop3A_444, %parallel_loop3A_431 : vector<16xi1>, vector<16xf32>
      %parallel_loop3A_446 = arith.constant 16 : i32
      %parallel_loop3A_447 = arith.muli %parallel_loop3A_279, %parallel_loop3A_446 : i32
      %parallel_loop3A_448 = arith.constant 6144 : i32
      %parallel_loop3A_449 = arith.addi %parallel_loop3A_448, %parallel_loop3A_447 : i32
      %parallel_loop3A_450 = arith.index_cast %parallel_loop3A_449 : i32 to index
      %parallel_loop3A_451 = tpu.vector_load %arg11[%parallel_loop3A_450] {strides = array<i32>} : memref<8192xf32, #tpu.memory_space<vmem>>, vector<16xf32>,
      %parallel_loop3A_452 = arith.cmpf ogt, %parallel_loop3A_451, %parallel_loop3A_439 : vector<16xf32>
      %parallel_loop3A_453 = arith.select %parallel_loop3A_452, %parallel_loop3A_451, %parallel_loop3A_439 : vector<16xi1>, vector<16xf32>
      %parallel_loop3A_454 = arith.index_cast %parallel_loop3A_449 : i32 to index
      %parallel_loop3A_455 = tpu.vector_load %arg12[%parallel_loop3A_454] {strides = array<i32>} : memref<8192xf32, #tpu.memory_space<vmem>>, vector<16xf32>,
      %parallel_loop3A_456 = arith.select %parallel_loop3A_452, %parallel_loop3A_455, %parallel_loop3A_442 : vector<16xi1>, vector<16xf32>
      %parallel_loop3A_457 = arith.index_cast %parallel_loop3A_449 : i32 to index
      %parallel_loop3A_458 = tpu.vector_load %arg13[%parallel_loop3A_457] {strides = array<i32>} : memref<8192xf32, #tpu.memory_space<vmem>>, vector<16xf32>,
      %parallel_loop3A_459 = arith.select %parallel_loop3A_452, %parallel_loop3A_458, %parallel_loop3A_445 : vector<16xi1>, vector<16xf32>
      %parallel_loop3A_460 = arith.constant 16 : i32
      %parallel_loop3A_461 = arith.muli %parallel_loop3A_279, %parallel_loop3A_460 : i32
      %parallel_loop3A_462 = arith.constant 6656 : i32
      %parallel_loop3A_463 = arith.addi %parallel_loop3A_462, %parallel_loop3A_461 : i32
      %parallel_loop3A_464 = arith.index_cast %parallel_loop3A_463 : i32 to index
      %parallel_loop3A_465 = tpu.vector_load %arg11[%parallel_loop3A_464] {strides = array<i32>} : memref<8192xf32, #tpu.memory_space<vmem>>, vector<16xf32>,
      %parallel_loop3A_466 = arith.cmpf ogt, %parallel_loop3A_465, %parallel_loop3A_453 : vector<16xf32>
      %parallel_loop3A_467 = arith.select %parallel_loop3A_466, %parallel_loop3A_465, %parallel_loop3A_453 : vector<16xi1>, vector<16xf32>
      %parallel_loop3A_468 = arith.index_cast %parallel_loop3A_463 : i32 to index
      %parallel_loop3A_469 = tpu.vector_load %arg12[%parallel_loop3A_468] {strides = array<i32>} : memref<8192xf32, #tpu.memory_space<vmem>>, vector<16xf32>,
      %parallel_loop3A_470 = arith.select %parallel_loop3A_466, %parallel_loop3A_469, %parallel_loop3A_456 : vector<16xi1>, vector<16xf32>
      %parallel_loop3A_471 = arith.index_cast %parallel_loop3A_463 : i32 to index
      %parallel_loop3A_472 = tpu.vector_load %arg13[%parallel_loop3A_471] {strides = array<i32>} : memref<8192xf32, #tpu.memory_space<vmem>>, vector<16xf32>,
      %parallel_loop3A_473 = arith.select %parallel_loop3A_466, %parallel_loop3A_472, %parallel_loop3A_459 : vector<16xi1>, vector<16xf32>
      %parallel_loop3A_474 = arith.constant 16 : i32
      %parallel_loop3A_475 = arith.muli %parallel_loop3A_279, %parallel_loop3A_474 : i32
      %parallel_loop3A_476 = arith.constant 7168 : i32
      %parallel_loop3A_477 = arith.addi %parallel_loop3A_476, %parallel_loop3A_475 : i32
      %parallel_loop3A_478 = arith.index_cast %parallel_loop3A_477 : i32 to index
      %parallel_loop3A_479 = tpu.vector_load %arg11[%parallel_loop3A_478] {strides = array<i32>} : memref<8192xf32, #tpu.memory_space<vmem>>, vector<16xf32>,
      %parallel_loop3A_480 = arith.cmpf ogt, %parallel_loop3A_479, %parallel_loop3A_467 : vector<16xf32>
      %parallel_loop3A_481 = arith.select %parallel_loop3A_480, %parallel_loop3A_479, %parallel_loop3A_467 : vector<16xi1>, vector<16xf32>
      %parallel_loop3A_482 = arith.index_cast %parallel_loop3A_477 : i32 to index
      %parallel_loop3A_483 = tpu.vector_load %arg12[%parallel_loop3A_482] {strides = array<i32>} : memref<8192xf32, #tpu.memory_space<vmem>>, vector<16xf32>,
      %parallel_loop3A_484 = arith.select %parallel_loop3A_480, %parallel_loop3A_483, %parallel_loop3A_470 : vector<16xi1>, vector<16xf32>
      %parallel_loop3A_485 = arith.index_cast %parallel_loop3A_477 : i32 to index
      %parallel_loop3A_486 = tpu.vector_load %arg13[%parallel_loop3A_485] {strides = array<i32>} : memref<8192xf32, #tpu.memory_space<vmem>>, vector<16xf32>,
      %parallel_loop3A_487 = arith.select %parallel_loop3A_480, %parallel_loop3A_486, %parallel_loop3A_473 : vector<16xi1>, vector<16xf32>
      %parallel_loop3A_488 = arith.constant 16 : i32
      %parallel_loop3A_489 = arith.muli %parallel_loop3A_279, %parallel_loop3A_488 : i32
      %parallel_loop3A_490 = arith.constant 7680 : i32
      %parallel_loop3A_491 = arith.addi %parallel_loop3A_490, %parallel_loop3A_489 : i32
      %parallel_loop3A_492 = arith.index_cast %parallel_loop3A_491 : i32 to index
      %parallel_loop3A_493 = tpu.vector_load %arg11[%parallel_loop3A_492] {strides = array<i32>} : memref<8192xf32, #tpu.memory_space<vmem>>, vector<16xf32>,
      %parallel_loop3A_494 = arith.cmpf ogt, %parallel_loop3A_493, %parallel_loop3A_481 : vector<16xf32>
      %parallel_loop3A_495 = arith.select %parallel_loop3A_494, %parallel_loop3A_493, %parallel_loop3A_481 : vector<16xi1>, vector<16xf32>
      %parallel_loop3A_496 = arith.index_cast %parallel_loop3A_491 : i32 to index
      %parallel_loop3A_497 = tpu.vector_load %arg12[%parallel_loop3A_496] {strides = array<i32>} : memref<8192xf32, #tpu.memory_space<vmem>>, vector<16xf32>,
      %parallel_loop3A_498 = arith.select %parallel_loop3A_494, %parallel_loop3A_497, %parallel_loop3A_484 : vector<16xi1>, vector<16xf32>
      %parallel_loop3A_499 = arith.index_cast %parallel_loop3A_491 : i32 to index
      %parallel_loop3A_500 = tpu.vector_load %arg13[%parallel_loop3A_499] {strides = array<i32>} : memref<8192xf32, #tpu.memory_space<vmem>>, vector<16xf32>,
      %parallel_loop3A_501 = arith.select %parallel_loop3A_494, %parallel_loop3A_500, %parallel_loop3A_487 : vector<16xi1>, vector<16xf32>
      %parallel_loop3A_502 = arith.constant 16 : i32
      %parallel_loop3A_503 = arith.muli %parallel_loop3A_279, %parallel_loop3A_502 : i32
      %parallel_loop3A_504 = arith.index_cast %parallel_loop3A_503 : i32 to index
      %parallel_loop3A_505 = tpu.vector_load %arg16[%parallel_loop3A_504] {strides = array<i32>} : memref<1536xf32, #tpu.memory_space<vmem>>, vector<16xf32>,
      tpu.vector_store %arg16[%parallel_loop3A_504], %parallel_loop3A_495 {strides = array<i32>} : memref<1536xf32, #tpu.memory_space<vmem>>, vector<16xf32>,
      %parallel_loop3A_506 = arith.constant 16 : i32
      %parallel_loop3A_507 = arith.muli %parallel_loop3A_279, %parallel_loop3A_506 : i32
      %parallel_loop3A_508 = arith.constant 512 : i32
      %parallel_loop3A_509 = arith.addi %parallel_loop3A_508, %parallel_loop3A_507 : i32
      %parallel_loop3A_510 = arith.index_cast %parallel_loop3A_509 : i32 to index
      %parallel_loop3A_511 = tpu.vector_load %arg16[%parallel_loop3A_510] {strides = array<i32>} : memref<1536xf32, #tpu.memory_space<vmem>>, vector<16xf32>,
      tpu.vector_store %arg16[%parallel_loop3A_510], %parallel_loop3A_498 {strides = array<i32>} : memref<1536xf32, #tpu.memory_space<vmem>>, vector<16xf32>,
      %parallel_loop3A_512 = arith.constant 16 : i32
      %parallel_loop3A_513 = arith.muli %parallel_loop3A_279, %parallel_loop3A_512 : i32
      %parallel_loop3A_514 = arith.constant 1024 : i32
      %parallel_loop3A_515 = arith.addi %parallel_loop3A_514, %parallel_loop3A_513 : i32
      %parallel_loop3A_516 = arith.index_cast %parallel_loop3A_515 : i32 to index
      %parallel_loop3A_517 = tpu.vector_load %arg16[%parallel_loop3A_516] {strides = array<i32>} : memref<1536xf32, #tpu.memory_space<vmem>>, vector<16xf32>,
      tpu.vector_store %arg16[%parallel_loop3A_516], %parallel_loop3A_501 {strides = array<i32>} : memref<1536xf32, #tpu.memory_space<vmem>>, vector<16xf32>,
    } {sc.loop_unroll_factor = 2 : i64, sc.parallel_access}
    "tpu.region"() ({
      %run_scoped3A = tpu.sem_alloc : memref<!tpu.dma_semaphore, #tpu.memory_space<semaphore_mem>>
      %dma_start3A = arith.constant 0 : i32
      %dma_start3A_279 = tpu.memref_slice %arg20[%arg1, %dma_start3A] : memref<16x1536xf32, #tpu.memory_space<vmem_shared>> -> memref<1x1536xf32, #tpu.memory_space<vmem_shared>>
      %dma_start3A_280 = tpu.memref_squeeze %dma_start3A_279 : memref<1x1536xf32, #tpu.memory_space<vmem_shared>> -> memref<1536xf32, #tpu.memory_space<vmem_shared>>
      %dma_start3A_281 = arith.constant 0 : i32
      %dma_start3A_282 = tpu.memref_slice %arg20[%arg1, %dma_start3A_281] : memref<16x1536xf32, #tpu.memory_space<vmem_shared>> -> memref<1x1536xf32, #tpu.memory_space<vmem_shared>>
      %dma_start3A_283 = tpu.memref_squeeze %dma_start3A_282 : memref<1x1536xf32, #tpu.memory_space<vmem_shared>> -> memref<1536xf32, #tpu.memory_space<vmem_shared>>
      tpu.enqueue_dma source(%arg16 : memref<1536xf32, #tpu.memory_space<vmem>>) target(%dma_start3A_283 : memref<1536xf32, #tpu.memory_space<vmem_shared>>) target_semaphore(%run_scoped3A : memref<!tpu.dma_semaphore, #tpu.memory_space<semaphore_mem>>)
      %dma_wait3A = arith.constant 0 : i32
      %dma_wait3A_284 = tpu.memref_slice %arg20[%arg1, %dma_wait3A] : memref<16x1536xf32, #tpu.memory_space<vmem_shared>> -> memref<1x1536xf32, #tpu.memory_space<vmem_shared>>
      %dma_wait3A_285 = tpu.memref_squeeze %dma_wait3A_284 : memref<1x1536xf32, #tpu.memory_space<vmem_shared>> -> memref<1536xf32, #tpu.memory_space<vmem_shared>>
      %dma_wait3A_286 = arith.constant 0 : i32
      %dma_wait3A_287 = tpu.memref_slice %arg20[%arg1, %dma_wait3A_286] : memref<16x1536xf32, #tpu.memory_space<vmem_shared>> -> memref<1x1536xf32, #tpu.memory_space<vmem_shared>>
      %dma_wait3A_288 = tpu.memref_squeeze %dma_wait3A_287 : memref<1x1536xf32, #tpu.memory_space<vmem_shared>> -> memref<1536xf32, #tpu.memory_space<vmem_shared>>
      tpu.wait_dma2 semaphore(%run_scoped3A : memref<!tpu.dma_semaphore, #tpu.memory_space<semaphore_mem>>) src(%arg16 : memref<1536xf32, #tpu.memory_space<vmem>>) dst(%dma_wait3A_288 : memref<1536xf32, #tpu.memory_space<vmem_shared>>)
      tpu.yield
    }) : () -> ()
    %barrier3A_274 = arith.constant 0 : index
    tpu.barrier barrier_id(%barrier3A_274)
    %eq3A_275 = arith.constant 0 : i32
    %eq3A_276 = arith.cmpi eq, %select_n3A_30, %eq3A_275 : i32
    %convert_element_type3A = arith.extui %eq3A_276 : i1 to i32
    %cond3A = arith.constant 0xFF800000 : f32
    %cond3A_277 = arith.constant 0 : i32
    %cond3A_278 = arith.cmpi ne, %convert_element_type3A, %cond3A_277 : i32
    scf.if %cond3A_278 {
      %add3A_279 = arith.constant 0 : i32
      %add3A_280 = arith.addi %mul3A_56, %add3A_279 : i32
      "tpu.region"() ({
        %run_scoped3A = tpu.sem_alloc : memref<!tpu.dma_semaphore, #tpu.memory_space<semaphore_mem>>
        %dma_start3A = arith.constant 0 : i32
        %dma_start3A_313 = tpu.memref_slice %arg17[%dma_start3A] : memref<6144xf32, #tpu.memory_space<vmem>> -> memref<1536xf32, #tpu.memory_space<vmem>>
        %dma_start3A_314 = arith.constant 0 : i32
        %dma_start3A_315 = tpu.memref_slice %arg20[%add3A_280, %dma_start3A_314] : memref<16x1536xf32, #tpu.memory_space<vmem_shared>> -> memref<1x1536xf32, #tpu.memory_space<vmem_shared>>
        %dma_start3A_316 = tpu.memref_squeeze %dma_start3A_315 : memref<1x1536xf32, #tpu.memory_space<vmem_shared>> -> memref<1536xf32, #tpu.memory_space<vmem_shared>>
        %dma_start3A_317 = arith.constant 0 : i32
        %dma_start3A_318 = tpu.memref_slice %arg17[%dma_start3A_317] : memref<6144xf32, #tpu.memory_space<vmem>> -> memref<1536xf32, #tpu.memory_space<vmem>>
        %dma_start3A_319 = arith.constant 0 : i32
        %dma_start3A_320 = tpu.memref_slice %arg20[%add3A_280, %dma_start3A_319] : memref<16x1536xf32, #tpu.memory_space<vmem_shared>> -> memref<1x1536xf32, #tpu.memory_space<vmem_shared>>
        %dma_start3A_321 = tpu.memref_squeeze %dma_start3A_320 : memref<1x1536xf32, #tpu.memory_space<vmem_shared>> -> memref<1536xf32, #tpu.memory_space<vmem_shared>>
        tpu.enqueue_dma source(%dma_start3A_321 : memref<1536xf32, #tpu.memory_space<vmem_shared>>) target(%dma_start3A_318 : memref<1536xf32, #tpu.memory_space<vmem>>) target_semaphore(%run_scoped3A : memref<!tpu.dma_semaphore, #tpu.memory_space<semaphore_mem>>)
        %dma_wait3A = arith.constant 0 : i32
        %dma_wait3A_322 = tpu.memref_slice %arg17[%dma_wait3A] : memref<6144xf32, #tpu.memory_space<vmem>> -> memref<1536xf32, #tpu.memory_space<vmem>>
        %dma_wait3A_323 = arith.constant 0 : i32
        %dma_wait3A_324 = tpu.memref_slice %arg20[%add3A_280, %dma_wait3A_323] : memref<16x1536xf32, #tpu.memory_space<vmem_shared>> -> memref<1x1536xf32, #tpu.memory_space<vmem_shared>>
        %dma_wait3A_325 = tpu.memref_squeeze %dma_wait3A_324 : memref<1x1536xf32, #tpu.memory_space<vmem_shared>> -> memref<1536xf32, #tpu.memory_space<vmem_shared>>
        %dma_wait3A_326 = arith.constant 0 : i32
        %dma_wait3A_327 = tpu.memref_slice %arg17[%dma_wait3A_326] : memref<6144xf32, #tpu.memory_space<vmem>> -> memref<1536xf32, #tpu.memory_space<vmem>>
        %dma_wait3A_328 = arith.constant 0 : i32
        %dma_wait3A_329 = tpu.memref_slice %arg20[%add3A_280, %dma_wait3A_328] : memref<16x1536xf32, #tpu.memory_space<vmem_shared>> -> memref<1x1536xf32, #tpu.memory_space<vmem_shared>>
        %dma_wait3A_330 = tpu.memref_squeeze %dma_wait3A_329 : memref<1x1536xf32, #tpu.memory_space<vmem_shared>> -> memref<1536xf32, #tpu.memory_space<vmem_shared>>
        tpu.wait_dma2 semaphore(%run_scoped3A : memref<!tpu.dma_semaphore, #tpu.memory_space<semaphore_mem>>) src(%dma_wait3A_330 : memref<1536xf32, #tpu.memory_space<vmem_shared>>) dst(%dma_wait3A_327 : memref<1536xf32, #tpu.memory_space<vmem>>)
        tpu.yield
      }) : () -> ()
      %add3A_281 = arith.constant 1 : i32
      %add3A_282 = arith.addi %mul3A_56, %add3A_281 : i32
      "tpu.region"() ({
        %run_scoped3A = tpu.sem_alloc : memref<!tpu.dma_semaphore, #tpu.memory_space<semaphore_mem>>
        %dma_start3A = arith.constant 1536 : i32
        %dma_start3A_313 = tpu.memref_slice %arg17[%dma_start3A] : memref<6144xf32, #tpu.memory_space<vmem>> -> memref<1536xf32, #tpu.memory_space<vmem>>
        %dma_start3A_314 = arith.constant 0 : i32
        %dma_start3A_315 = tpu.memref_slice %arg20[%add3A_282, %dma_start3A_314] : memref<16x1536xf32, #tpu.memory_space<vmem_shared>> -> memref<1x1536xf32, #tpu.memory_space<vmem_shared>>
        %dma_start3A_316 = tpu.memref_squeeze %dma_start3A_315 : memref<1x1536xf32, #tpu.memory_space<vmem_shared>> -> memref<1536xf32, #tpu.memory_space<vmem_shared>>
        %dma_start3A_317 = arith.constant 1536 : i32
        %dma_start3A_318 = tpu.memref_slice %arg17[%dma_start3A_317] : memref<6144xf32, #tpu.memory_space<vmem>> -> memref<1536xf32, #tpu.memory_space<vmem>>
        %dma_start3A_319 = arith.constant 0 : i32
        %dma_start3A_320 = tpu.memref_slice %arg20[%add3A_282, %dma_start3A_319] : memref<16x1536xf32, #tpu.memory_space<vmem_shared>> -> memref<1x1536xf32, #tpu.memory_space<vmem_shared>>
        %dma_start3A_321 = tpu.memref_squeeze %dma_start3A_320 : memref<1x1536xf32, #tpu.memory_space<vmem_shared>> -> memref<1536xf32, #tpu.memory_space<vmem_shared>>
        tpu.enqueue_dma source(%dma_start3A_321 : memref<1536xf32, #tpu.memory_space<vmem_shared>>) target(%dma_start3A_318 : memref<1536xf32, #tpu.memory_space<vmem>>) target_semaphore(%run_scoped3A : memref<!tpu.dma_semaphore, #tpu.memory_space<semaphore_mem>>)
        %dma_wait3A = arith.constant 1536 : i32
        %dma_wait3A_322 = tpu.memref_slice %arg17[%dma_wait3A] : memref<6144xf32, #tpu.memory_space<vmem>> -> memref<1536xf32, #tpu.memory_space<vmem>>
        %dma_wait3A_323 = arith.constant 0 : i32
        %dma_wait3A_324 = tpu.memref_slice %arg20[%add3A_282, %dma_wait3A_323] : memref<16x1536xf32, #tpu.memory_space<vmem_shared>> -> memref<1x1536xf32, #tpu.memory_space<vmem_shared>>
        %dma_wait3A_325 = tpu.memref_squeeze %dma_wait3A_324 : memref<1x1536xf32, #tpu.memory_space<vmem_shared>> -> memref<1536xf32, #tpu.memory_space<vmem_shared>>
        %dma_wait3A_326 = arith.constant 1536 : i32
        %dma_wait3A_327 = tpu.memref_slice %arg17[%dma_wait3A_326] : memref<6144xf32, #tpu.memory_space<vmem>> -> memref<1536xf32, #tpu.memory_space<vmem>>
        %dma_wait3A_328 = arith.constant 0 : i32
        %dma_wait3A_329 = tpu.memref_slice %arg20[%add3A_282, %dma_wait3A_328] : memref<16x1536xf32, #tpu.memory_space<vmem_shared>> -> memref<1x1536xf32, #tpu.memory_space<vmem_shared>>
        %dma_wait3A_330 = tpu.memref_squeeze %dma_wait3A_329 : memref<1x1536xf32, #tpu.memory_space<vmem_shared>> -> memref<1536xf32, #tpu.memory_space<vmem_shared>>
        tpu.wait_dma2 semaphore(%run_scoped3A : memref<!tpu.dma_semaphore, #tpu.memory_space<semaphore_mem>>) src(%dma_wait3A_330 : memref<1536xf32, #tpu.memory_space<vmem_shared>>) dst(%dma_wait3A_327 : memref<1536xf32, #tpu.memory_space<vmem>>)
        tpu.yield
      }) : () -> ()
      %add3A_283 = arith.constant 2 : i32
      %add3A_284 = arith.addi %mul3A_56, %add3A_283 : i32
      "tpu.region"() ({
        %run_scoped3A = tpu.sem_alloc : memref<!tpu.dma_semaphore, #tpu.memory_space<semaphore_mem>>
        %dma_start3A = arith.constant 3072 : i32
        %dma_start3A_313 = tpu.memref_slice %arg17[%dma_start3A] : memref<6144xf32, #tpu.memory_space<vmem>> -> memref<1536xf32, #tpu.memory_space<vmem>>
        %dma_start3A_314 = arith.constant 0 : i32
        %dma_start3A_315 = tpu.memref_slice %arg20[%add3A_284, %dma_start3A_314] : memref<16x1536xf32, #tpu.memory_space<vmem_shared>> -> memref<1x1536xf32, #tpu.memory_space<vmem_shared>>
        %dma_start3A_316 = tpu.memref_squeeze %dma_start3A_315 : memref<1x1536xf32, #tpu.memory_space<vmem_shared>> -> memref<1536xf32, #tpu.memory_space<vmem_shared>>
        %dma_start3A_317 = arith.constant 3072 : i32
        %dma_start3A_318 = tpu.memref_slice %arg17[%dma_start3A_317] : memref<6144xf32, #tpu.memory_space<vmem>> -> memref<1536xf32, #tpu.memory_space<vmem>>
        %dma_start3A_319 = arith.constant 0 : i32
        %dma_start3A_320 = tpu.memref_slice %arg20[%add3A_284, %dma_start3A_319] : memref<16x1536xf32, #tpu.memory_space<vmem_shared>> -> memref<1x1536xf32, #tpu.memory_space<vmem_shared>>
        %dma_start3A_321 = tpu.memref_squeeze %dma_start3A_320 : memref<1x1536xf32, #tpu.memory_space<vmem_shared>> -> memref<1536xf32, #tpu.memory_space<vmem_shared>>
        tpu.enqueue_dma source(%dma_start3A_321 : memref<1536xf32, #tpu.memory_space<vmem_shared>>) target(%dma_start3A_318 : memref<1536xf32, #tpu.memory_space<vmem>>) target_semaphore(%run_scoped3A : memref<!tpu.dma_semaphore, #tpu.memory_space<semaphore_mem>>)
        %dma_wait3A = arith.constant 3072 : i32
        %dma_wait3A_322 = tpu.memref_slice %arg17[%dma_wait3A] : memref<6144xf32, #tpu.memory_space<vmem>> -> memref<1536xf32, #tpu.memory_space<vmem>>
        %dma_wait3A_323 = arith.constant 0 : i32
        %dma_wait3A_324 = tpu.memref_slice %arg20[%add3A_284, %dma_wait3A_323] : memref<16x1536xf32, #tpu.memory_space<vmem_shared>> -> memref<1x1536xf32, #tpu.memory_space<vmem_shared>>
        %dma_wait3A_325 = tpu.memref_squeeze %dma_wait3A_324 : memref<1x1536xf32, #tpu.memory_space<vmem_shared>> -> memref<1536xf32, #tpu.memory_space<vmem_shared>>
        %dma_wait3A_326 = arith.constant 3072 : i32
        %dma_wait3A_327 = tpu.memref_slice %arg17[%dma_wait3A_326] : memref<6144xf32, #tpu.memory_space<vmem>> -> memref<1536xf32, #tpu.memory_space<vmem>>
        %dma_wait3A_328 = arith.constant 0 : i32
        %dma_wait3A_329 = tpu.memref_slice %arg20[%add3A_284, %dma_wait3A_328] : memref<16x1536xf32, #tpu.memory_space<vmem_shared>> -> memref<1x1536xf32, #tpu.memory_space<vmem_shared>>
        %dma_wait3A_330 = tpu.memref_squeeze %dma_wait3A_329 : memref<1x1536xf32, #tpu.memory_space<vmem_shared>> -> memref<1536xf32, #tpu.memory_space<vmem_shared>>
        tpu.wait_dma2 semaphore(%run_scoped3A : memref<!tpu.dma_semaphore, #tpu.memory_space<semaphore_mem>>) src(%dma_wait3A_330 : memref<1536xf32, #tpu.memory_space<vmem_shared>>) dst(%dma_wait3A_327 : memref<1536xf32, #tpu.memory_space<vmem>>)
        tpu.yield
      }) : () -> ()
      %add3A_285 = arith.constant 3 : i32
      %add3A_286 = arith.addi %mul3A_56, %add3A_285 : i32
      "tpu.region"() ({
        %run_scoped3A = tpu.sem_alloc : memref<!tpu.dma_semaphore, #tpu.memory_space<semaphore_mem>>
        %dma_start3A = arith.constant 4608 : i32
        %dma_start3A_313 = tpu.memref_slice %arg17[%dma_start3A] : memref<6144xf32, #tpu.memory_space<vmem>> -> memref<1536xf32, #tpu.memory_space<vmem>>
        %dma_start3A_314 = arith.constant 0 : i32
        %dma_start3A_315 = tpu.memref_slice %arg20[%add3A_286, %dma_start3A_314] : memref<16x1536xf32, #tpu.memory_space<vmem_shared>> -> memref<1x1536xf32, #tpu.memory_space<vmem_shared>>
        %dma_start3A_316 = tpu.memref_squeeze %dma_start3A_315 : memref<1x1536xf32, #tpu.memory_space<vmem_shared>> -> memref<1536xf32, #tpu.memory_space<vmem_shared>>
        %dma_start3A_317 = arith.constant 4608 : i32
        %dma_start3A_318 = tpu.memref_slice %arg17[%dma_start3A_317] : memref<6144xf32, #tpu.memory_space<vmem>> -> memref<1536xf32, #tpu.memory_space<vmem>>
        %dma_start3A_319 = arith.constant 0 : i32
        %dma_start3A_320 = tpu.memref_slice %arg20[%add3A_286, %dma_start3A_319] : memref<16x1536xf32, #tpu.memory_space<vmem_shared>> -> memref<1x1536xf32, #tpu.memory_space<vmem_shared>>
        %dma_start3A_321 = tpu.memref_squeeze %dma_start3A_320 : memref<1x1536xf32, #tpu.memory_space<vmem_shared>> -> memref<1536xf32, #tpu.memory_space<vmem_shared>>
        tpu.enqueue_dma source(%dma_start3A_321 : memref<1536xf32, #tpu.memory_space<vmem_shared>>) target(%dma_start3A_318 : memref<1536xf32, #tpu.memory_space<vmem>>) target_semaphore(%run_scoped3A : memref<!tpu.dma_semaphore, #tpu.memory_space<semaphore_mem>>)
        %dma_wait3A = arith.constant 4608 : i32
        %dma_wait3A_322 = tpu.memref_slice %arg17[%dma_wait3A] : memref<6144xf32, #tpu.memory_space<vmem>> -> memref<1536xf32, #tpu.memory_space<vmem>>
        %dma_wait3A_323 = arith.constant 0 : i32
        %dma_wait3A_324 = tpu.memref_slice %arg20[%add3A_286, %dma_wait3A_323] : memref<16x1536xf32, #tpu.memory_space<vmem_shared>> -> memref<1x1536xf32, #tpu.memory_space<vmem_shared>>
        %dma_wait3A_325 = tpu.memref_squeeze %dma_wait3A_324 : memref<1x1536xf32, #tpu.memory_space<vmem_shared>> -> memref<1536xf32, #tpu.memory_space<vmem_shared>>
        %dma_wait3A_326 = arith.constant 4608 : i32
        %dma_wait3A_327 = tpu.memref_slice %arg17[%dma_wait3A_326] : memref<6144xf32, #tpu.memory_space<vmem>> -> memref<1536xf32, #tpu.memory_space<vmem>>
        %dma_wait3A_328 = arith.constant 0 : i32
        %dma_wait3A_329 = tpu.memref_slice %arg20[%add3A_286, %dma_wait3A_328] : memref<16x1536xf32, #tpu.memory_space<vmem_shared>> -> memref<1x1536xf32, #tpu.memory_space<vmem_shared>>
        %dma_wait3A_330 = tpu.memref_squeeze %dma_wait3A_329 : memref<1x1536xf32, #tpu.memory_space<vmem_shared>> -> memref<1536xf32, #tpu.memory_space<vmem_shared>>
        tpu.wait_dma2 semaphore(%run_scoped3A : memref<!tpu.dma_semaphore, #tpu.memory_space<semaphore_mem>>) src(%dma_wait3A_330 : memref<1536xf32, #tpu.memory_space<vmem_shared>>) dst(%dma_wait3A_327 : memref<1536xf32, #tpu.memory_space<vmem>>)
        tpu.yield
      }) : () -> ()
      %get3A_287 = arith.constant 0 : index
      %get3A_288 = tpu.vector_load %arg7[%get3A_287] {strides = array<i32>} : memref<2304xf32, #tpu.memory_space<vmem>>, vector<16xf32>,
      %get3A_289 = arith.constant 0 : index
      %get3A_290 = tpu.vector_load %arg8[%get3A_289] {strides = array<i32>} : memref<2304xf32, #tpu.memory_space<vmem>>, vector<16xf32>,
      %eq3A_291 = arith.constant 0 : i32
      %eq3A_292 = vector.broadcast %eq3A_291 : i32 to vector<16xi32>
      %eq3A_293 = arith.cmpi eq, %iota3A, %eq3A_292 : vector<16xi32>
      %select_n3A_294 = arith.select %eq3A_293, %get3A_288, %broadcast_in_dim3A_68 : vector<16xi1>, vector<16xf32>
      %reduce_sum3A_295 = arith.constant true
      %reduce_sum3A_296 = vector.broadcast %reduce_sum3A_295 : i1 to vector<16xi1>
      %reduce_sum3A_297 = tpu.scan <sum>, %select_n3A_294 masked %reduce_sum3A_296 : vector<16xf32>, vector<16xi1> -> vector<16xf32>
      %reduce_sum3A_298 = vector.extract %reduce_sum3A_297[15] : f32 from vector<16xf32>
      %eq3A_299 = arith.constant 0 : i32
      %eq3A_300 = vector.broadcast %eq3A_299 : i32 to vector<16xi32>
      %eq3A_301 = arith.cmpi eq, %iota3A, %eq3A_300 : vector<16xi32>
      %select_n3A_302 = arith.select %eq3A_301, %get3A_290, %broadcast_in_dim3A_68 : vector<16xi1>, vector<16xf32>
      %reduce_sum3A_303 = arith.constant true
      %reduce_sum3A_304 = vector.broadcast %reduce_sum3A_303 : i1 to vector<16xi1>
      %reduce_sum3A_305 = tpu.scan <sum>, %select_n3A_302 masked %reduce_sum3A_304 : vector<16xf32>, vector<16xi1> -> vector<16xf32>
      %reduce_sum3A_306 = vector.extract %reduce_sum3A_305[15] : f32 from vector<16xf32>
      %scan3A_307 = arith.constant 0 : i32
      %scan3A_308 = arith.constant 0 : i32
      %scan3A_309 = arith.constant 32 : i32
      %scan3A_310 = arith.addi %scan3A_308, %scan3A_309 : i32
      %scan3A_311 = arith.constant 1 : i32
      scf.for %scan3A_313 = %scan3A_308 to %scan3A_310 step %scan3A_311  : i32 {
        %mul3A_314 = arith.constant 16 : i32
        %mul3A_315 = arith.muli %scan3A_313, %mul3A_314 : i32
        %get3A_316 = arith.index_cast %mul3A_315 : i32 to index
        %get3A_317 = tpu.vector_load %arg17[%get3A_316] {strides = array<i32>} : memref<6144xf32, #tpu.memory_space<vmem>>, vector<16xf32>,
        %mul3A_318 = arith.constant 16 : i32
        %mul3A_319 = arith.muli %scan3A_313, %mul3A_318 : i32
        %add3A_320 = arith.constant 512 : i32
        %add3A_321 = arith.addi %add3A_320, %mul3A_319 : i32
        %get3A_322 = arith.index_cast %add3A_321 : i32 to index
        %get3A_323 = tpu.vector_load %arg17[%get3A_322] {strides = array<i32>} : memref<6144xf32, #tpu.memory_space<vmem>>, vector<16xf32>,
        %mul3A_324 = arith.constant 16 : i32
        %mul3A_325 = arith.muli %scan3A_313, %mul3A_324 : i32
        %add3A_326 = arith.constant 1024 : i32
        %add3A_327 = arith.addi %add3A_326, %mul3A_325 : i32
        %get3A_328 = arith.index_cast %add3A_327 : i32 to index
        %get3A_329 = tpu.vector_load %arg17[%get3A_328] {strides = array<i32>} : memref<6144xf32, #tpu.memory_space<vmem>>, vector<16xf32>,
        %mul3A_330 = arith.constant 16 : i32
        %mul3A_331 = arith.muli %scan3A_313, %mul3A_330 : i32
        %add3A_332 = arith.constant 1536 : i32
        %add3A_333 = arith.addi %add3A_332, %mul3A_331 : i32
        %get3A_334 = arith.index_cast %add3A_333 : i32 to index
        %get3A_335 = tpu.vector_load %arg17[%get3A_334] {strides = array<i32>} : memref<6144xf32, #tpu.memory_space<vmem>>, vector<16xf32>,
        %gt3A = arith.cmpf ogt, %get3A_335, %get3A_317 : vector<16xf32>
        %select_n3A_336 = arith.select %gt3A, %get3A_335, %get3A_317 : vector<16xi1>, vector<16xf32>
        %add3A_337 = arith.constant 512 : i32
        %add3A_338 = arith.addi %add3A_333, %add3A_337 : i32
        %get3A_339 = arith.index_cast %add3A_338 : i32 to index
        %get3A_340 = tpu.vector_load %arg17[%get3A_339] {strides = array<i32>} : memref<6144xf32, #tpu.memory_space<vmem>>, vector<16xf32>,
        %select_n3A_341 = arith.select %gt3A, %get3A_340, %get3A_323 : vector<16xi1>, vector<16xf32>
        %add3A_342 = arith.constant 1024 : i32
        %add3A_343 = arith.addi %add3A_333, %add3A_342 : i32
        %get3A_344 = arith.index_cast %add3A_343 : i32 to index
        %get3A_345 = tpu.vector_load %arg17[%get3A_344] {strides = array<i32>} : memref<6144xf32, #tpu.memory_space<vmem>>, vector<16xf32>,
        %select_n3A_346 = arith.select %gt3A, %get3A_345, %get3A_329 : vector<16xi1>, vector<16xf32>
        %mul3A_347 = arith.constant 16 : i32
        %mul3A_348 = arith.muli %scan3A_313, %mul3A_347 : i32
        %add3A_349 = arith.constant 3072 : i32
        %add3A_350 = arith.addi %add3A_349, %mul3A_348 : i32
        %get3A_351 = arith.index_cast %add3A_350 : i32 to index
        %get3A_352 = tpu.vector_load %arg17[%get3A_351] {strides = array<i32>} : memref<6144xf32, #tpu.memory_space<vmem>>, vector<16xf32>,
        %gt3A_353 = arith.cmpf ogt, %get3A_352, %select_n3A_336 : vector<16xf32>
        %select_n3A_354 = arith.select %gt3A_353, %get3A_352, %select_n3A_336 : vector<16xi1>, vector<16xf32>
        %add3A_355 = arith.constant 512 : i32
        %add3A_356 = arith.addi %add3A_350, %add3A_355 : i32
        %get3A_357 = arith.index_cast %add3A_356 : i32 to index
        %get3A_358 = tpu.vector_load %arg17[%get3A_357] {strides = array<i32>} : memref<6144xf32, #tpu.memory_space<vmem>>, vector<16xf32>,
        %select_n3A_359 = arith.select %gt3A_353, %get3A_358, %select_n3A_341 : vector<16xi1>, vector<16xf32>
        %add3A_360 = arith.constant 1024 : i32
        %add3A_361 = arith.addi %add3A_350, %add3A_360 : i32
        %get3A_362 = arith.index_cast %add3A_361 : i32 to index
        %get3A_363 = tpu.vector_load %arg17[%get3A_362] {strides = array<i32>} : memref<6144xf32, #tpu.memory_space<vmem>>, vector<16xf32>,
        %select_n3A_364 = arith.select %gt3A_353, %get3A_363, %select_n3A_346 : vector<16xi1>, vector<16xf32>
        %mul3A_365 = arith.constant 16 : i32
        %mul3A_366 = arith.muli %scan3A_313, %mul3A_365 : i32
        %add3A_367 = arith.constant 4608 : i32
        %add3A_368 = arith.addi %add3A_367, %mul3A_366 : i32
        %get3A_369 = arith.index_cast %add3A_368 : i32 to index
        %get3A_370 = tpu.vector_load %arg17[%get3A_369] {strides = array<i32>} : memref<6144xf32, #tpu.memory_space<vmem>>, vector<16xf32>,
        %gt3A_371 = arith.cmpf ogt, %get3A_370, %select_n3A_354 : vector<16xf32>
        %select_n3A_372 = arith.select %gt3A_371, %get3A_370, %select_n3A_354 : vector<16xi1>, vector<16xf32>
        %add3A_373 = arith.constant 512 : i32
        %add3A_374 = arith.addi %add3A_368, %add3A_373 : i32
        %get3A_375 = arith.index_cast %add3A_374 : i32 to index
        %get3A_376 = tpu.vector_load %arg17[%get3A_375] {strides = array<i32>} : memref<6144xf32, #tpu.memory_space<vmem>>, vector<16xf32>,
        %select_n3A_377 = arith.select %gt3A_371, %get3A_376, %select_n3A_359 : vector<16xi1>, vector<16xf32>
        %add3A_378 = arith.constant 1024 : i32
        %add3A_379 = arith.addi %add3A_368, %add3A_378 : i32
        %get3A_380 = arith.index_cast %add3A_379 : i32 to index
        %get3A_381 = tpu.vector_load %arg17[%get3A_380] {strides = array<i32>} : memref<6144xf32, #tpu.memory_space<vmem>>, vector<16xf32>,
        %select_n3A_382 = arith.select %gt3A_371, %get3A_381, %select_n3A_364 : vector<16xi1>, vector<16xf32>
        %eq3A_383 = vector.broadcast %cond3A : f32 to vector<16xf32>
        %eq3A_384 = arith.cmpf oeq, %select_n3A_372, %eq3A_383 : vector<16xf32>
        %broadcast_in_dim3A_385 = vector.broadcast %reduce_sum3A_298 : f32 to vector<16xf32>
        %select_n3A_386 = arith.select %eq3A_384, %broadcast_in_dim3A_385, %select_n3A_377 : vector<16xi1>, vector<16xf32>
        %broadcast_in_dim3A_387 = vector.broadcast %reduce_sum3A_306 : f32 to vector<16xf32>
        %select_n3A_388 = arith.select %eq3A_384, %broadcast_in_dim3A_387, %select_n3A_382 : vector<16xi1>, vector<16xf32>
        %mul3A_389 = arith.constant 16 : i32
        %mul3A_390 = arith.muli %scan3A_313, %mul3A_389 : i32
        %swap3A_391 = arith.index_cast %mul3A_390 : i32 to index
        %swap3A_392 = tpu.vector_load %arg18[%swap3A_391] {strides = array<i32>} : memref<1024xf32, #tpu.memory_space<vmem>>, vector<16xf32>,
        tpu.vector_store %arg18[%swap3A_391], %select_n3A_386 {strides = array<i32>} : memref<1024xf32, #tpu.memory_space<vmem>>, vector<16xf32>,
        %mul3A_393 = arith.constant 16 : i32
        %mul3A_394 = arith.muli %scan3A_313, %mul3A_393 : i32
        %add3A_395 = arith.constant 512 : i32
        %add3A_396 = arith.addi %add3A_395, %mul3A_394 : i32
        %swap3A_397 = arith.index_cast %add3A_396 : i32 to index
        %swap3A_398 = tpu.vector_load %arg18[%swap3A_397] {strides = array<i32>} : memref<1024xf32, #tpu.memory_space<vmem>>, vector<16xf32>,
        tpu.vector_store %arg18[%swap3A_397], %select_n3A_388 {strides = array<i32>} : memref<1024xf32, #tpu.memory_space<vmem>>, vector<16xf32>,
      }
      %scan3A_312 = arith.constant 32 : i32
      "tpu.region"() ({
        %run_scoped3A = tpu.sem_alloc : memref<!tpu.dma_semaphore, #tpu.memory_space<semaphore_mem>>
        %dma_start3A = arith.constant 0 : i32
        %dma_start3A_313 = tpu.memref_slice %arg5[%add3A, %dma_start3A] : memref<8x1024xf32, #tpu.memory_space<hbm>> -> memref<1x1024xf32, #tpu.memory_space<hbm>>
        %dma_start3A_314 = tpu.memref_squeeze %dma_start3A_313 : memref<1x1024xf32, #tpu.memory_space<hbm>> -> memref<1024xf32, #tpu.memory_space<hbm>>
        %dma_start3A_315 = arith.constant 0 : i32
        %dma_start3A_316 = tpu.memref_slice %arg5[%add3A, %dma_start3A_315] : memref<8x1024xf32, #tpu.memory_space<hbm>> -> memref<1x1024xf32, #tpu.memory_space<hbm>>
        %dma_start3A_317 = tpu.memref_squeeze %dma_start3A_316 : memref<1x1024xf32, #tpu.memory_space<hbm>> -> memref<1024xf32, #tpu.memory_space<hbm>>
        tpu.enqueue_dma source(%arg18 : memref<1024xf32, #tpu.memory_space<vmem>>) target(%dma_start3A_317 : memref<1024xf32, #tpu.memory_space<hbm>>) target_semaphore(%run_scoped3A : memref<!tpu.dma_semaphore, #tpu.memory_space<semaphore_mem>>)
        %dma_wait3A = arith.constant 0 : i32
        %dma_wait3A_318 = tpu.memref_slice %arg5[%add3A, %dma_wait3A] : memref<8x1024xf32, #tpu.memory_space<hbm>> -> memref<1x1024xf32, #tpu.memory_space<hbm>>
        %dma_wait3A_319 = tpu.memref_squeeze %dma_wait3A_318 : memref<1x1024xf32, #tpu.memory_space<hbm>> -> memref<1024xf32, #tpu.memory_space<hbm>>
        %dma_wait3A_320 = arith.constant 0 : i32
        %dma_wait3A_321 = tpu.memref_slice %arg5[%add3A, %dma_wait3A_320] : memref<8x1024xf32, #tpu.memory_space<hbm>> -> memref<1x1024xf32, #tpu.memory_space<hbm>>
        %dma_wait3A_322 = tpu.memref_squeeze %dma_wait3A_321 : memref<1x1024xf32, #tpu.memory_space<hbm>> -> memref<1024xf32, #tpu.memory_space<hbm>>
        tpu.wait_dma2 semaphore(%run_scoped3A : memref<!tpu.dma_semaphore, #tpu.memory_space<semaphore_mem>>) src(%arg18 : memref<1024xf32, #tpu.memory_space<vmem>>) dst(%dma_wait3A_322 : memref<1024xf32, #tpu.memory_space<hbm>>)
        tpu.yield
      }) : () -> ()
    } else {
    }
    return
  }
}

module attributes {stable_mosaic.version = 14 : i64} {
  func.func @_tc_chamfer_body(%arg0: i32, %arg1: memref<1x2x512xf32, #tpu.memory_space<vmem>>, %arg2: memref<1x4096x2xf32, #tpu.memory_space<vmem>>, %arg3: memref<1x8x128xf32, #tpu.memory_space<vmem>>) attributes {dimension_semantics = [#tpu.dimension_semantics<arbitrary>], iteration_bounds = array<i64: 8>, scalar_prefetch = 0 : i64, scratch_operands = 0 : i64, tpu.core_type = #tpu.core_type<tc>, window_params = [{transform_indices = @transform_0, window_bounds = array<i64: 1, 2, 512>}, {transform_indices = @transform_1, window_bounds = array<i64: 1, 4096, 2>}, {transform_indices = @transform_2, window_bounds = array<i64: 1, 8, 128>}]} {
    %get3A = arith.constant 0 : index
    %get3A_0 = arith.constant 0 : index
    %get3A_1 = arith.constant 0 : index
    %get3A_2 = vector.load %arg1[%get3A, %get3A_0, %get3A_1] : memref<1x2x512xf32, #tpu.memory_space<vmem>>, vector<1x1x512xf32>
    %get3A_3 = vector.shape_cast %get3A_2 : vector<1x1x512xf32> to vector<1x512xf32>
    %get3A_4 = arith.constant 0 : index
    %get3A_5 = arith.constant 1 : index
    %get3A_6 = arith.constant 0 : index
    %get3A_7 = vector.load %arg1[%get3A_4, %get3A_5, %get3A_6] : memref<1x2x512xf32, #tpu.memory_space<vmem>>, vector<1x1x512xf32>
    %get3A_8 = vector.shape_cast %get3A_7 : vector<1x1x512xf32> to vector<1x512xf32>
    %broadcast_in_dim3A = arith.constant 0x7F800000 : f32
    %broadcast_in_dim3A_9 = vector.broadcast %broadcast_in_dim3A : f32 to vector<1x512xf32>
    %get3A_10 = arith.constant 0 : index
    %get3A_11 = arith.constant 0 : index
    %get3A_12 = arith.constant 0 : index
    %get3A_13 = vector.load %arg2[%get3A_10, %get3A_11, %get3A_12] : memref<1x4096x2xf32, #tpu.memory_space<vmem>>, vector<1x1024x1xf32>
    %get3A_14 = vector.shape_cast %get3A_13 : vector<1x1024x1xf32> to vector<1024x1xf32>
    %get3A_15 = arith.constant 0 : index
    %get3A_16 = arith.constant 0 : index
    %get3A_17 = arith.constant 1 : index
    %get3A_18 = vector.load %arg2[%get3A_15, %get3A_16, %get3A_17] : memref<1x4096x2xf32, #tpu.memory_space<vmem>>, vector<1x1024x1xf32>
    %get3A_19 = vector.shape_cast %get3A_18 : vector<1x1024x1xf32> to vector<1024x1xf32>
    %sub3A = vector.broadcast %get3A_14 : vector<1024x1xf32> to vector<1024x512xf32>
    %sub3A_20 = vector.broadcast %get3A_3 : vector<1x512xf32> to vector<1024x512xf32>
    %sub3A_21 = arith.subf %sub3A, %sub3A_20 : vector<1024x512xf32>
    %sub3A_22 = vector.broadcast %get3A_19 : vector<1024x1xf32> to vector<1024x512xf32>
    %sub3A_23 = vector.broadcast %get3A_8 : vector<1x512xf32> to vector<1024x512xf32>
    %sub3A_24 = arith.subf %sub3A_22, %sub3A_23 : vector<1024x512xf32>
    %mul3A = arith.mulf %sub3A_21, %sub3A_21 : vector<1024x512xf32>
    %mul3A_25 = arith.mulf %sub3A_24, %sub3A_24 : vector<1024x512xf32>
    %add3A = arith.addf %mul3A, %mul3A_25 : vector<1024x512xf32>
    %reduce_min3A = arith.constant dense<0x7F800000> : vector<512xf32>
    %reduce_min3A_26 = vector.multi_reduction <minimumf>, %add3A, %reduce_min3A [0] : vector<1024x512xf32> to vector<512xf32>
    %broadcast_in_dim3A_27 = vector.shape_cast %reduce_min3A_26 : vector<512xf32> to vector<1x512xf32>
    %min3A = arith.minimumf %broadcast_in_dim3A_9, %broadcast_in_dim3A_27 : vector<1x512xf32>
    %reduce_min3A_28 = arith.constant dense<0x7F800000> : vector<1024xf32>
    %reduce_min3A_29 = vector.multi_reduction <minimumf>, %add3A, %reduce_min3A_28 [1] : vector<1024x512xf32> to vector<1024xf32>
    %reduce_sum3A = vector.shape_cast %reduce_min3A_29 : vector<1024xf32> to vector<1x1024xf32>
    %reduce_sum3A_30 = arith.constant dense<0.000000e+00> : vector<1xf32>
    %reduce_sum3A_31 = vector.multi_reduction <add>, %reduce_sum3A, %reduce_sum3A_30 [1] : vector<1x1024xf32> to vector<1xf32>
    %reduce_sum3A_32 = vector.shape_cast %reduce_sum3A_31 : vector<1xf32> to vector<1x1xf32>
    %reduce_sum3A_33 = vector.extract %reduce_sum3A_32[0, 0] : f32 from vector<1x1xf32>
    %add3A_34 = arith.constant 0.000000e+00 : f32
    %add3A_35 = arith.addf %add3A_34, %reduce_sum3A_33 : f32
    %get3A_36 = arith.constant 0 : index
    %get3A_37 = arith.constant 1024 : index
    %get3A_38 = arith.constant 0 : index
    %get3A_39 = vector.load %arg2[%get3A_36, %get3A_37, %get3A_38] : memref<1x4096x2xf32, #tpu.memory_space<vmem>>, vector<1x1024x1xf32>
    %get3A_40 = vector.shape_cast %get3A_39 : vector<1x1024x1xf32> to vector<1024x1xf32>
    %get3A_41 = arith.constant 0 : index
    %get3A_42 = arith.constant 1024 : index
    %get3A_43 = arith.constant 1 : index
    %get3A_44 = vector.load %arg2[%get3A_41, %get3A_42, %get3A_43] : memref<1x4096x2xf32, #tpu.memory_space<vmem>>, vector<1x1024x1xf32>
    %get3A_45 = vector.shape_cast %get3A_44 : vector<1x1024x1xf32> to vector<1024x1xf32>
    %sub3A_46 = vector.broadcast %get3A_40 : vector<1024x1xf32> to vector<1024x512xf32>
    %sub3A_47 = vector.broadcast %get3A_3 : vector<1x512xf32> to vector<1024x512xf32>
    %sub3A_48 = arith.subf %sub3A_46, %sub3A_47 : vector<1024x512xf32>
    %sub3A_49 = vector.broadcast %get3A_45 : vector<1024x1xf32> to vector<1024x512xf32>
    %sub3A_50 = vector.broadcast %get3A_8 : vector<1x512xf32> to vector<1024x512xf32>
    %sub3A_51 = arith.subf %sub3A_49, %sub3A_50 : vector<1024x512xf32>
    %mul3A_52 = arith.mulf %sub3A_48, %sub3A_48 : vector<1024x512xf32>
    %mul3A_53 = arith.mulf %sub3A_51, %sub3A_51 : vector<1024x512xf32>
    %add3A_54 = arith.addf %mul3A_52, %mul3A_53 : vector<1024x512xf32>
    %reduce_min3A_55 = arith.constant dense<0x7F800000> : vector<512xf32>
    %reduce_min3A_56 = vector.multi_reduction <minimumf>, %add3A_54, %reduce_min3A_55 [0] : vector<1024x512xf32> to vector<512xf32>
    %broadcast_in_dim3A_57 = vector.shape_cast %reduce_min3A_56 : vector<512xf32> to vector<1x512xf32>
    %min3A_58 = arith.minimumf %min3A, %broadcast_in_dim3A_57 : vector<1x512xf32>
    %reduce_min3A_59 = arith.constant dense<0x7F800000> : vector<1024xf32>
    %reduce_min3A_60 = vector.multi_reduction <minimumf>, %add3A_54, %reduce_min3A_59 [1] : vector<1024x512xf32> to vector<1024xf32>
    %reduce_sum3A_61 = vector.shape_cast %reduce_min3A_60 : vector<1024xf32> to vector<1x1024xf32>
    %reduce_sum3A_62 = arith.constant dense<0.000000e+00> : vector<1xf32>
    %reduce_sum3A_63 = vector.multi_reduction <add>, %reduce_sum3A_61, %reduce_sum3A_62 [1] : vector<1x1024xf32> to vector<1xf32>
    %reduce_sum3A_64 = vector.shape_cast %reduce_sum3A_63 : vector<1xf32> to vector<1x1xf32>
    %reduce_sum3A_65 = vector.extract %reduce_sum3A_64[0, 0] : f32 from vector<1x1xf32>
    %add3A_66 = arith.addf %add3A_35, %reduce_sum3A_65 : f32
    %get3A_67 = arith.constant 0 : index
    %get3A_68 = arith.constant 2048 : index
    %get3A_69 = arith.constant 0 : index
    %get3A_70 = vector.load %arg2[%get3A_67, %get3A_68, %get3A_69] : memref<1x4096x2xf32, #tpu.memory_space<vmem>>, vector<1x1024x1xf32>
    %get3A_71 = vector.shape_cast %get3A_70 : vector<1x1024x1xf32> to vector<1024x1xf32>
    %get3A_72 = arith.constant 0 : index
    %get3A_73 = arith.constant 2048 : index
    %get3A_74 = arith.constant 1 : index
    %get3A_75 = vector.load %arg2[%get3A_72, %get3A_73, %get3A_74] : memref<1x4096x2xf32, #tpu.memory_space<vmem>>, vector<1x1024x1xf32>
    %get3A_76 = vector.shape_cast %get3A_75 : vector<1x1024x1xf32> to vector<1024x1xf32>
    %sub3A_77 = vector.broadcast %get3A_71 : vector<1024x1xf32> to vector<1024x512xf32>
    %sub3A_78 = vector.broadcast %get3A_3 : vector<1x512xf32> to vector<1024x512xf32>
    %sub3A_79 = arith.subf %sub3A_77, %sub3A_78 : vector<1024x512xf32>
    %sub3A_80 = vector.broadcast %get3A_76 : vector<1024x1xf32> to vector<1024x512xf32>
    %sub3A_81 = vector.broadcast %get3A_8 : vector<1x512xf32> to vector<1024x512xf32>
    %sub3A_82 = arith.subf %sub3A_80, %sub3A_81 : vector<1024x512xf32>
    %mul3A_83 = arith.mulf %sub3A_79, %sub3A_79 : vector<1024x512xf32>
    %mul3A_84 = arith.mulf %sub3A_82, %sub3A_82 : vector<1024x512xf32>
    %add3A_85 = arith.addf %mul3A_83, %mul3A_84 : vector<1024x512xf32>
    %reduce_min3A_86 = arith.constant dense<0x7F800000> : vector<512xf32>
    %reduce_min3A_87 = vector.multi_reduction <minimumf>, %add3A_85, %reduce_min3A_86 [0] : vector<1024x512xf32> to vector<512xf32>
    %broadcast_in_dim3A_88 = vector.shape_cast %reduce_min3A_87 : vector<512xf32> to vector<1x512xf32>
    %min3A_89 = arith.minimumf %min3A_58, %broadcast_in_dim3A_88 : vector<1x512xf32>
    %reduce_min3A_90 = arith.constant dense<0x7F800000> : vector<1024xf32>
    %reduce_min3A_91 = vector.multi_reduction <minimumf>, %add3A_85, %reduce_min3A_90 [1] : vector<1024x512xf32> to vector<1024xf32>
    %reduce_sum3A_92 = vector.shape_cast %reduce_min3A_91 : vector<1024xf32> to vector<1x1024xf32>
    %reduce_sum3A_93 = arith.constant dense<0.000000e+00> : vector<1xf32>
    %reduce_sum3A_94 = vector.multi_reduction <add>, %reduce_sum3A_92, %reduce_sum3A_93 [1] : vector<1x1024xf32> to vector<1xf32>
    %reduce_sum3A_95 = vector.shape_cast %reduce_sum3A_94 : vector<1xf32> to vector<1x1xf32>
    %reduce_sum3A_96 = vector.extract %reduce_sum3A_95[0, 0] : f32 from vector<1x1xf32>
    %add3A_97 = arith.addf %add3A_66, %reduce_sum3A_96 : f32
    %get3A_98 = arith.constant 0 : index
    %get3A_99 = arith.constant 3072 : index
    %get3A_100 = arith.constant 0 : index
    %get3A_101 = vector.load %arg2[%get3A_98, %get3A_99, %get3A_100] : memref<1x4096x2xf32, #tpu.memory_space<vmem>>, vector<1x1024x1xf32>
    %get3A_102 = vector.shape_cast %get3A_101 : vector<1x1024x1xf32> to vector<1024x1xf32>
    %get3A_103 = arith.constant 0 : index
    %get3A_104 = arith.constant 3072 : index
    %get3A_105 = arith.constant 1 : index
    %get3A_106 = vector.load %arg2[%get3A_103, %get3A_104, %get3A_105] : memref<1x4096x2xf32, #tpu.memory_space<vmem>>, vector<1x1024x1xf32>
    %get3A_107 = vector.shape_cast %get3A_106 : vector<1x1024x1xf32> to vector<1024x1xf32>
    %sub3A_108 = vector.broadcast %get3A_102 : vector<1024x1xf32> to vector<1024x512xf32>
    %sub3A_109 = vector.broadcast %get3A_3 : vector<1x512xf32> to vector<1024x512xf32>
    %sub3A_110 = arith.subf %sub3A_108, %sub3A_109 : vector<1024x512xf32>
    %sub3A_111 = vector.broadcast %get3A_107 : vector<1024x1xf32> to vector<1024x512xf32>
    %sub3A_112 = vector.broadcast %get3A_8 : vector<1x512xf32> to vector<1024x512xf32>
    %sub3A_113 = arith.subf %sub3A_111, %sub3A_112 : vector<1024x512xf32>
    %mul3A_114 = arith.mulf %sub3A_110, %sub3A_110 : vector<1024x512xf32>
    %mul3A_115 = arith.mulf %sub3A_113, %sub3A_113 : vector<1024x512xf32>
    %add3A_116 = arith.addf %mul3A_114, %mul3A_115 : vector<1024x512xf32>
    %reduce_min3A_117 = arith.constant dense<0x7F800000> : vector<512xf32>
    %reduce_min3A_118 = vector.multi_reduction <minimumf>, %add3A_116, %reduce_min3A_117 [0] : vector<1024x512xf32> to vector<512xf32>
    %broadcast_in_dim3A_119 = vector.shape_cast %reduce_min3A_118 : vector<512xf32> to vector<1x512xf32>
    %min3A_120 = arith.minimumf %min3A_89, %broadcast_in_dim3A_119 : vector<1x512xf32>
    %reduce_min3A_121 = arith.constant dense<0x7F800000> : vector<1024xf32>
    %reduce_min3A_122 = vector.multi_reduction <minimumf>, %add3A_116, %reduce_min3A_121 [1] : vector<1024x512xf32> to vector<1024xf32>
    %reduce_sum3A_123 = vector.shape_cast %reduce_min3A_122 : vector<1024xf32> to vector<1x1024xf32>
    %reduce_sum3A_124 = arith.constant dense<0.000000e+00> : vector<1xf32>
    %reduce_sum3A_125 = vector.multi_reduction <add>, %reduce_sum3A_123, %reduce_sum3A_124 [1] : vector<1x1024xf32> to vector<1xf32>
    %reduce_sum3A_126 = vector.shape_cast %reduce_sum3A_125 : vector<1xf32> to vector<1x1xf32>
    %reduce_sum3A_127 = vector.extract %reduce_sum3A_126[0, 0] : f32 from vector<1x1xf32>
    %add3A_128 = arith.addf %add3A_97, %reduce_sum3A_127 : f32
    %reduce_sum3A_129 = vector.shape_cast %min3A_120 : vector<1x512xf32> to vector<1x1x512xf32>
    %reduce_sum3A_130 = arith.constant dense<0.000000e+00> : vector<1xf32>
    %reduce_sum3A_131 = vector.multi_reduction <add>, %reduce_sum3A_129, %reduce_sum3A_130 [1, 2] : vector<1x1x512xf32> to vector<1xf32>
    %reduce_sum3A_132 = vector.shape_cast %reduce_sum3A_131 : vector<1xf32> to vector<1x1x1xf32>
    %reduce_sum3A_133 = vector.extract %reduce_sum3A_132[0, 0, 0] : f32 from vector<1x1x1xf32>
    %mul3A_134 = arith.constant 0.001953125 : f32
    %mul3A_135 = arith.mulf %reduce_sum3A_133, %mul3A_134 : f32
    %mul3A_136 = arith.constant 2.44140625E-4 : f32
    %mul3A_137 = arith.mulf %add3A_128, %mul3A_136 : f32
    %add3A_138 = arith.addf %mul3A_135, %mul3A_137 : f32
    %broadcast_in_dim3A_139 = vector.broadcast %add3A_138 : f32 to vector<1x8x128xf32>
    %swap3A = arith.constant 0 : index
    %swap3A_140 = arith.constant 0 : index
    %swap3A_141 = arith.constant 0 : index
    %swap3A_142 = vector.load %arg3[%swap3A, %swap3A_140, %swap3A_141] : memref<1x8x128xf32, #tpu.memory_space<vmem>>, vector<1x8x128xf32>
    tpu.vector_store %arg3[%swap3A, %swap3A_140, %swap3A_141], %broadcast_in_dim3A_139 {strides = array<i32>} : memref<1x8x128xf32, #tpu.memory_space<vmem>>, vector<1x8x128xf32>,
    return
  }
  func.func @transform_0(%arg0: i32) -> (i32, i32, i32) {
    %mul3A = arith.constant 0 : i32
    %mul3A_0 = arith.muli %arg0, %mul3A : i32
    %mul3A_1 = arith.constant 0 : i32
    %mul3A_2 = arith.muli %arg0, %mul3A_1 : i32
    %c0_i32 = arith.constant 0 : i32
    return %arg0, %mul3A_0, %mul3A_2 : i32, i32, i32
  }
  func.func @transform_1(%arg0: i32) -> (i32, i32, i32) {
    %mul3A = arith.constant 0 : i32
    %mul3A_0 = arith.muli %arg0, %mul3A : i32
    %mul3A_1 = arith.constant 0 : i32
    %mul3A_2 = arith.muli %arg0, %mul3A_1 : i32
    %c0_i32 = arith.constant 0 : i32
    return %arg0, %mul3A_0, %mul3A_2 : i32, i32, i32
  }
  func.func @transform_2(%arg0: i32) -> (i32, i32, i32) {
    %mul3A = arith.constant 0 : i32
    %mul3A_0 = arith.muli %arg0, %mul3A : i32
    %mul3A_1 = arith.constant 0 : i32
    %mul3A_2 = arith.muli %arg0, %mul3A_1 : i32
    %c0_i32 = arith.constant 0 : i32
    return %arg0, %mul3A_0, %mul3A_2 : i32, i32, i32
  }
}

</mosaic_0001>

<sc_bundles>
// kernel: kernel.4.cloned.1.call-start
scs
__scs_entry_jumppad:
0x0: {  	(pc) =	sbr.rel $0x88, $3  }
0x1: {  	(tag) =	ssettag $0x0;
	lr =	simm.s32 $0x1  }
0x2: {  	[smem:$0x3F9E] =	sst lr;
	_ =	strace $0xD0000000  }
0x3: {  	_ = 	snop  }
0x4: {  	_ = 	snop  }
0x5: {  	_ = 	snop  }
0x6: {  	_ = 	snop  }
0x7: {  	_ = 	snop  }
__scs_overlays_trampoline_lowered:
0x8: {  	[smem:$0x3FAD] =	sst s0  }
0x9: {  	[smem:$0x3FAE] =	sst s1  }
0xa: {  	[smem:$0x3FAF] =	sst s2  }
0xb: {  	[smem:$0x3FB0] =	sst s3  }
0xc: {  	[smem:$0x3FB1] =	sst s4  }
0xd: {  	[smem:$0x3FB2] =	sst s5  }
0xe: {  	[smem:$0x3FB3] =	sst s6  }
0xf: {  	[smem:$0x3FB4] =	sst s7  }
0x10: {  	[smem:$0x3FB5] =	sst s8  }
0x11: {  	[smem:$0x3FB6] =	sst s9;
	s0 =	simm.s32 @!p0 $0x0  }
0x12: {  	s1 =	sld [smem:$0x3F9C];
	s0 =	simm.s32 @p0 $0x1  }
0x13: {  	[smem:$0x3FB7] =	sst s0;
	s0 =	simm.s32 @!p1 $0x0  }
0x14: {  	s2 =	sld [smem:$0x3F9B];
	s0 =	simm.s32 @p1 $0x1  }
0x15: {  	[smem:$0x3FB8] =	sst s0;
	s0 =	simm.s32 @!p2 $0x0  }
0x16: {  	s3 =	sld [smem:$0x3FDB];
	s0 =	simm.s32 @p2 $0x1  }
0x17: {  	s4 =	simm.s32 $0x1BF5;
	[smem:$0x3FBA] =	sst s0  }
0x18: {  	s0 =	sld [smem:$0x3F9D];
	_ =	swait.ge [sflag:s4], $0x0  }
0x19: {  	s7 =	sld [smem:$0x3F9E]  }
0x1a: {  	s8 =	sadd.s32 $0xFFFFE003, lr  }
0x1b: {  	s9 =	sadd.s32 $0xFFFFFEF7, lr;
	s5 =	simm.s32 $0xFFFFFFFF;
	p2 =	slt.u32 s8, $0xFFFFF086  }
0x1c: {  	p1 =	slt.u32 s9, $0xF7A;
	s5 =	simm.s32 @!p2 $0x0  }
0x1d: {  	s5 =	simm.s32 @p1 $0x1;
	p0 =	seq.s32 s7, s2  }
0x1e: {  	s7 =	smul.u32 @!p0 $0xF7A, s2;
	p2 =	seq.s32 @!p0 s5, $0x0  }
0x1f: {  	s9 =	smul.u32 $0xF7A, s1;
	s8 =	simm.s32 @!p0 $0x1BF5;
	p2 =	por !p2, p0  }
0x20: {  	[sflag:s8] =	ssyncset.s32 @!p0 $0xFFFFF086;
	s6 =	sadd.s32 @!p0 s3, s7;
	s7 =	simm.s32 @!p0 $0x108  }
0x21: {  	s3 =	sadd.s32 s3, s9;
	s6 =	sadd.s32 @!p0 $0x88, s6;
	s7 =	simm.s32 @p2 $0x1082  }
0x22: {  	[simem:s7], [sflag:s8] =	dma.local @!p0 [hbm:s6], $0xF7A  }
0x23: {  	s9 =	sor.u32 $0xD0000000, s2;
	s6 =	simm.s32 $0x108;
	_ =	swait.ge @!p0 [sflag:s8], $0x0  }
0x24: {  	s3 =	sadd.s32 $0x88, s3;
	s6 =	simm.s32 @!p1 $0x1082;
	[sflag:s4] =	ssyncset.s32 $0xFFFFF086  }
0x25: {  	[simem:s6], [sflag:s4] =	dma.local [hbm:s3], $0xF7A  }
0x26: {  	[smem:$0x3F9E] =	sst s1;
	(tag) =	ssettag s2;
	_ =	strace s9  }
0x27: {  	s1 =	sld [smem:$0x3FAE]  }
0x28: {  	s2 =	sld [smem:$0x3FAF]  }
0x29: {  	s4 =	sld [smem:$0x3FB1]  }
0x2a: {  	p0 =	seq.s32 s5, $0x0;
	s5 =	sld [smem:$0x3FB2]  }
0x2b: {  	s6 =	sld [smem:$0x3FB3]  }
0x2c: {  	s7 =	sld [smem:$0x3FB4]  }
0x2d: {  	s3 =	simm.s32 $0x108;
	s8 =	sld [smem:$0x3FB5]  }
0x2e: {  	s3 =	simm.s32 @!p0 $0x1082;
	s9 =	sld [smem:$0x3FB6]  }
0x2f: {  	lr =	sadd.s32 s0, s3;
	s0 =	sld [smem:$0x3FAD]  }
0x30: {  	s3 =	sld [smem:$0x3FB0]  }
0x31: {  	[smem:$0x3FB9] =	sst s10  }
0x32: {  	s10 =	sld [smem:$0x3FB7];
	_ =	sdelay $0x3  }
0x33: {  	p0 =	seq.s32 s10, $0x1;
	s10 =	sld [smem:$0x3FB9];
	_ =	sdelay $0x3  }
0x34: {  	[smem:$0x3FB9] =	sst s10  }
0x35: {  	s10 =	sld [smem:$0x3FB8];
	_ =	sdelay $0x3  }
0x36: {  	p1 =	seq.s32 s10, $0x1;
	s10 =	sld [smem:$0x3FB9];
	_ =	sdelay $0x3  }
0x37: {  	[smem:$0x3FB9] =	sst s10  }
0x38: {  	s10 =	sld [smem:$0x3FBA]  }
0x39: {  	_ = 	snop;
	(pc) =	sbr.ind lr, $3  }
0x3a: {  	_ = 	snop  }
0x3b: {  	_ = 	snop  }
0x3c: {  	p2 =	seq.s32 s10, $0x1;
	s10 =	sld [smem:$0x3FB9]  }
0x3d: {  	_ =	shalt  }
0x3e: {  	_ =	shalt  }
0x3f: {  	_ =	shalt  }
0x40: {  	_ =	shalt  }
0x41: {  	_ =	shalt  }
0x42: {  	_ =	shalt  }
0x43: {  	_ =	shalt  }
0x44: {  	_ =	shalt  }
0x45: {  	_ =	shalt  }
0x46: {  	_ =	shalt  }
0x47: {  	_ =	shalt  }
0x48: {  	_ =	shalt  }
0x49: {  	_ =	shalt  }
0x4a: {  	_ =	shalt  }
0x4b: {  	_ =	shalt  }
0x4c: {  	_ =	shalt  }
0x4d: {  	_ =	shalt  }
0x4e: {  	_ =	shalt  }
0x4f: {  	_ =	shalt  }
0x50: {  	_ =	shalt  }
0x51: {  	_ =	shalt  }
0x52: {  	_ =	shalt  }
0x53: {  	_ =	shalt  }
0x54: {  	_ =	shalt  }
0x55: {  	_ =	shalt  }
0x56: {  	_ =	shalt  }
0x57: {  	_ =	shalt  }
0x58: {  	_ =	shalt  }
0x59: {  	_ =	shalt  }
0x5a: {  	_ =	shalt  }
0x5b: {  	_ =	shalt  }
0x5c: {  	_ =	shalt  }
0x5d: {  	_ =	shalt  }
0x5e: {  	_ =	shalt  }
0x5f: {  	_ =	shalt  }
0x60: {  	_ =	shalt  }
0x61: {  	_ =	shalt  }
0x62: {  	_ =	shalt  }
0x63: {  	_ =	shalt  }
0x64: {  	_ =	shalt  }
0x65: {  	_ =	shalt  }
0x66: {  	_ =	shalt  }
0x67: {  	_ =	shalt  }
0x68: {  	_ =	shalt  }
0x69: {  	_ =	shalt  }
0x6a: {  	_ =	shalt  }
0x6b: {  	_ =	shalt  }
0x6c: {  	_ =	shalt  }
0x6d: {  	_ =	shalt  }
0x6e: {  	_ =	shalt  }
0x6f: {  	_ =	shalt  }
0x70: {  	_ =	shalt  }
0x71: {  	_ =	shalt  }
0x72: {  	_ =	shalt  }
0x73: {  	_ =	shalt  }
0x74: {  	_ =	shalt  }
0x75: {  	_ =	shalt  }
0x76: {  	_ =	shalt  }
0x77: {  	_ =	shalt  }
0x78: {  	_ =	shalt  }
0x79: {  	_ =	shalt  }
0x7a: {  	_ =	shalt  }
0x7b: {  	_ =	shalt  }
0x7c: {  	_ =	shalt  }
0x7d: {  	_ =	shalt  }
0x7e: {  	_ =	shalt  }
0x7f: {  	_ =	shalt  }
0x80: {  	_ =	shalt  }
0x81: {  	_ =	shalt  }
0x82: {  	_ =	shalt  }
0x83: {  	_ =	shalt  }
0x84: {  	_ =	shalt  }
0x85: {  	_ =	shalt  }
0x86: {  	_ =	shalt  }
0x87: {  	_ =	shalt  }
.Lfunc_end0:
.L_simem_size_0:
called_computation_lowered:
.L_overlay_start_0:
0x88: {  	s2 =	sld [smem:$0x3FD9]  }
0x89: {  	s3 =	sld [smem:$0x3FFE];
	_ =	sdelay $0x1  }
0x8a: {  	s1 =	srdreg.scid  }
0x8b: {  	s0 =	sand.u32 $0x1, s1  }
0x8c: {  	s16 =	sshll.u32 s0, $0xA;
	s2 =	sadd.s32 s3, s2  }
0x8d: {  	s2 =	sadd.s32 s2, s16  }
0x8e: {  	[smem:$0x3FC5] =	sst s2  }
0x8f: {  	_ = 	snop  }
0x90: {  	(tm) =	ssettm $0x1  }
0x91: {  	s17 =	sld [smem:$0x3FFB];
	_ =	sdelay $0x3  }
0x92: {  	_ =	strace s17  }
0x93: {  	s2 =	sld [smem:$0x3FFC];
	_ =	sdelay $0x3  }
0x94: {  	_ =	strace s2  }
0x95: {  	s2 =	sld [smem:$0x3FFD];
	_ =	sdelay $0x3  }
0x96: {  	_ =	strace s2  }
0x97: {  	_ =	strace $0x8FFFFFFF  }
0x98: {  	s18 =	sld [smem:$0x3FDB];
	_ =	sdelay $0x1  }
0x99: {  	s19 =	simm.s32 $_scs_section_size  }
0x9a: {  	s4 =	simm.s32 $_size__tile_overlayer_lowered;
	s5 =	simm.s32 $_tile_overlayer_lowered  }
0x9b: {  	s22 =	simm.s32 $0x1BFF;
	s21 =	sshll.u32 s5, $0x1;
	s2 =	sadd.s32 s19, s18  }
0x9c: {  	s6 =	simm.s32 $0x0;
	s20 =	sshll.u32 s4, $0x1;
	s4 =	sadd.s32 s21, s2  }
0x9d: {  	[timem:s6], [sflag:s22] =	dma.local [hbm:s4], s20  }
0x9e: {  	_ =	swait.ge [sflag:s22], s20  }
0x9f: {  	s3 =	ssub.s32 $0x0, s20;
	[sflag:s22] =	ssyncset.done $0x0  }
0xa0: {  	[sflag:s22] =	ssyncadd.s32 s3;
	_ =	sdelay $0x1  }
0xa1: {  	s23 =	simm.s32 $0x1B8B  }
0xa2: {  	_ =	swait.ge [sflag:s23], $0x1  }
0xa3: {  	[sflag:s23] =	ssyncset.done $0x0  }
0xa4: {  	s25 =	simm.s32 $0x1B8E;
	s24 =	sld [smem:$0x3FFE];
	[sflag:s23] =	ssyncadd.s32 $0xFFFFFFFF  }
0xa5: {  	s26 =	simm.s32 $execute0_lowered;
	[smem:$0x3FD2] =	sst s25  }
0xa6: {  	s4 =	sshll.u32 s26, $0x1;
	_ =	strace $0x80000046;
	[dreg:$0x1] =	wrdreg $0xFFFFFFFF  }
0xa7: {  	s28 =	simm.s32 $_size_execute0_lowered;
	s2 =	sadd.s32 s2, s4;
	[dreg:$0x0] =	wrdreg $0x0  }
0xa8: {  	s4 =	sshll.u32 s28, $0x1;
	[dreg:$0x2] =	wrdreg s2  }
0xa9: {  	[dreg:$0x3] =	wrdreg s4  }
0xaa: {  	[dreg:$0x4] =	wrdreg $0xC0  }
0xab: {  	_ =	task [dreg:s6], $0x5FFFF  }
0xac: {  	[dreg:$0x1] =	wrdreg $0xFFFFFFFF  }
0xad: {  	[dreg:$0x0] =	wrdreg $0x60  }
0xae: {  	[dreg:$0x2] =	wrdreg s24  }
0xaf: {  	[dreg:$0x3] =	wrdreg $0xB1000  }
0xb0: {  	[dreg:$0x4] =	wrdreg $0xB1200  }
0xb1: {  	[dreg:$0x5] =	wrdreg $0x9  }
0xb2: {  	_ =	task.clear_ibuf [dreg:s6], $0x6FFFF;
	_ =	strace $0x90000046  }
0xb3: {  	s29 =	simm.s32 $0x9;
	_ =	strace $0x80000048  }
0xb4: {  	_ =	swait.ge [sflag:s29], $0x1  }
0xb5: {  	[sflag:s29] =	ssyncadd.s32 $0xFFFFFFFF  }
0xb6: {  	_ =	strace $0x90000048  }
0xb7: {  	_ =	sfence  }
0xb8: {  	s30 =	sld [smem:$0x0];
	_ =	sdelay $0x2  }
0xb9: {  	s31 =	sshll.u32 s1, $0xD;
	s1 =	sshrl.u32 s1, $0x2  }
0xba: {  	s3 =	sand.u32 $0x4000, s31;
	s1 =	sadd.s32 s1, s30  }
0xbb: {  	s0 =	sor.u32 s3, s0;
	s1 =	sshll.u32 s1, $0x11  }
0xbc: {  	s0 =	sor.u32 s1, s0  }
0xbd: {  	s0 =	sadd.s32 $0x8F2B, s0  }
0xbe: {  	[sflag:s0] =	ssyncadd.remote.s32 $0x1  }
0xbf: {  	_ =	sfence.sel $0xFFFF  }
0xc0: {  	[dreg:$0x0] =	wrdreg $0xFFFFFFFF;
	(pc) =	sbr.abs _section_cstart, $3  }
0xc1: {  	[dreg:$0x1] =	wrdreg $0xFFFFFFFF  }
0xc2: {  	_ =	task.clear_ibuf [dreg:s6], $0x2FFFF;
	_ =	strace $0x9FFFFFFF  }
0xc3: {  	(tm) =	ssettm $0x7FFFFFFF  }
tec
execute0_lowered:
.L_overlay_start_1:
0x0: {  	(tag) =	ssettag $0x1  }
0x1: {  	s0 =	rddreg [dreg:$0x0]  }
0x2: {  	s2 =	rddreg [dreg:$0x1]  }
0x3: {  	s13 =	rddreg [dreg:$0x2]  }
0x4: {  	s1 =	simm.s32 $0x0;
	s3 =	srdreg.scid;
	s12 =	stileid.u32  }
0x5: {  	s28 =	simm.s32 $0x8EA0;
	s29 =	simm.s32 $0x8EC0;
	s30 =	simm.s32 $0x8EE0  }
0x6: {  	s31 =	simm.s32 $0x2E00;
	[smem:$0x7FF] =	sst s1;
	s6 =	sadd.s32 $0x200, s0  }
0x7: {  	s4 =	sand.u32 $0x1, s3;
	s3 =	sadd.s32 $0x1A00, s0;
	s9 =	sshrl.u32 s12, $0x2  }
0x8: {  	s14 =	sand.u32 $0x3, s12;
	s10 =	sand.u32 $0xC, s12;
	s16 =	sshll.u32 s12, $0x7  }
0x9: {  	s21 =	sshrl.u32 s12, $0x3;
	_ =	strace $0x80000047;
	s5 =	sshll.u32 s4, $0x6  }
0xa: {  	s7 =	sshll.u32 s9, $0x4;
	s4 =	ssub.s32 $0x2, s4;
	s8 =	smul.u32 $0x900, s14  }
0xb: {  	s19 =	smul.u32 $0x120, s14;
	s9 =	sshll.u32 s9, $0x9;
	s11 =	sshll.u32 s10, $0x7  }
0xc: {  	s23 =	sand.u32 $0x380, s16;
	p0 =	sne.s32 s14, $0x0;
	s14 =	simm.s32 $0x80  }
0xd: {  	s5 =	sor.u32 s5, s7;
	s18 =	sshrl.u32 s4, $0x1;
	s9 =	sadd.s32 s9, s2  }
0xe: {  	s17 =	sor.u32 $0x80, s11;
	s0 =	sadd.s32 s5, s0;
	s15 =	ssub.s32 s4, s18  }
0xf: {  	s20 =	sshrl.u32 s8, $0x3;
	s5 =	sadd.s32 s6, s19;
	s8 =	sadd.s32 s16, s2  }
0x10: {  	s18 =	smul.u32 $0xC000, s21;
	s10 =	sadd.s32 s17, s2;
	s19 =	sor.u32 $0x100, s11  }
0x11: {  	s24 =	sand.u32 $0x280, s17;
	s21 =	simm.s32 $0x1;
	s17 =	simm.s32 $0x0  }
0x12: {  	s4 =	sadd.s32 $0x1800, s0;
	s7 =	sadd.s32 s6, s20;
	s20 =	sor.u32 $0x180, s16  }
0x13: {  	s11 =	sadd.s32 s19, s2;
	s16 =	sand.u32 $0x200, s16;
	s25 =	sand.u32 $0x300, s19  }
0x14: {  	s0 =	sadd.s32 $0x1000, s0;
	s19 =	smax.u32 s15, $0x1;
	s15 =	simm.s32 $0x400  }
0x15: {  	s6 =	sadd.s32 $0x480, s7;
	s7 =	sadd.s32 $0x900, s7;
	s22 =	sshrl.u32 s18, $0x2  }
0x16: {  	s12 =	sadd.s32 s20, s2;
	s26 =	sand.u32 $0x380, s20;
	s2 =	sadd.s32 s22, s13  }
.Ltmp0:
0x17: {  	[dreg:$0x8] =	wrdreg s0;
	s16 =	sadd.s32 s16, s2;
	(pc) =	sbr.rel .LBB2_1-.Ltmp0, $4  }
0x18: {  	v1 =	vlaneseq.u32;
	s0 =	simm.s32 $0x4E00;
	[dreg:$0x4] =	wrdreg s16;
	s16 =	sadd.s32 s24, s2  }
0x19: {  	v53 =	vmul.u32 $0x200, v1;
	s13 =	sadd.s32 s23, s2;
	[dreg:$0x5] =	wrdreg s16;
	s16 =	sadd.s32 s25, s2  }
0x1a: {  	s2 =	sadd.s32 s26, s2;
	s26 =	simm.s32 $0x8E80;
	[dreg:$0x6] =	wrdreg s16  }
0x1b: {  	vm0 =	vmmov $0x1;
	[tilespmem:$0x1FFF0] =	vst v53;
	[dreg:$0x7] =	wrdreg s2;
	s2 =	simm.s32 $0x6E00;
	s16 =	simm.s32 $0x8F00  }
.LBB2_12:
0x1c: {  	v0 =	vsel vm1, v4, v8  }
0x1d: {  	v1 =	vsel vm1, v6, v9;
	vm2 =	veq.f32 v0, $-Inf  }
0x1e: {  	v63 =	vsel vm1, v5, v7;
	v1 =	vsel vm2, v2, v1  }
0x1f: {  	v0 =	vsel vm2, v3, v63;
	[tilespmem:s20+$0xFFFFFE00] =	vst v1  }
0x20: {  	s18 =	rddreg [dreg:$0x8];
	s25 =	simm.s32 $0xAD00;
	[tilespmem:s20+$0x0] =	vst v0  }
0x21: {  	[hbm4b:s18+s14] =	stream.strided.scatter [tilespmem:s25], [sflag:$0x1], $0x400, s15, s14, $0x38;
	[tilespmem:$0xB720] =	vst v63  }
0x22: {  	_ =	swait.ge [sflag:s21], $0x400  }
0x23: {  	[sflag:s21] =	ssyncset.done $0x0  }
0x24: {  	[sflag:s21] =	ssyncadd.s32 $0xFFFFFC00  }
.LBB2_13:
0x25: {  	s17 =	sadd.s32 $0x1, s17  }
0x26: {  	p1 =	sne.s32 s17, s19  }
.Ltmp1:
0x27: {  	_ = 	snop;
	(pc) =	sbr.rel @!p1 .LBB2_14-.Ltmp1, $1  }
0x28: {  	_ =	sdelay $0x3  }
.LBB2_1:
0x29: {  	s18 =	simm.s32 $0x2D00  }
0x2a: {  	[tilespmem:s18], [sflag:$0x1] =	stream.linear.gather [hbm4b:s3+s1], $0x80, $0x38;
	[tilespmem:$0xB720] =	vst v63  }
0x2b: {  	_ =	swait.ge [sflag:s21], $0x80  }
0x2c: {  	[sflag:s21] =	ssyncset.done $0x0  }
0x2d: {  	s20 =	simm.s32 $0x2D80;
	[sflag:s21] =	ssyncadd.s32 $0xFFFFFF80  }
0x2e: {  	[tilespmem:s20], [sflag:$0x1] =	stream.linear.gather [hbm4b:s4+s1], $0x80, $0x38;
	[tilespmem:$0xB720] =	vst v63  }
0x2f: {  	_ =	swait.ge [sflag:s21], $0x80  }
0x30: {  	[sflag:s21] =	ssyncset.done $0x0  }
0x31: {  	[sflag:s21] =	ssyncadd.s32 $0xFFFFFF80  }
0x32: {  	[tilespmem:s1], [sflag:$0x1] =	stream.linear.gather [hbm4b:s5+s1], $0x900, $0x38;
	[tilespmem:$0xB720] =	vst v63  }
0x33: {  	_ =	swait.ge [sflag:s21], $0x900  }
0x34: {  	[sflag:s21] =	ssyncset.done $0x0  }
0x35: {  	s22 =	simm.s32 $0x900;
	[sflag:s21] =	ssyncadd.s32 $0xFFFFF700  }
0x36: {  	[tilespmem:s22], [sflag:$0x1] =	stream.linear.gather [hbm4b:s6+s1], $0x900, $0x38;
	[tilespmem:$0xB720] =	vst v63  }
0x37: {  	_ =	swait.ge [sflag:s21], $0x900  }
0x38: {  	[sflag:s21] =	ssyncset.done $0x0  }
0x39: {  	s23 =	simm.s32 $0x1200;
	[sflag:s21] =	ssyncadd.s32 $0xFFFFF700  }
0x3a: {  	[tilespmem:s23], [sflag:$0x1] =	stream.linear.gather [hbm4b:s7+s1], $0x900, $0x38;
	[tilespmem:$0xB720] =	vst v63  }
0x3b: {  	_ =	swait.ge [sflag:s21], $0x900  }
0x3c: {  	[sflag:s21] =	ssyncset.done $0x0  }
0x3d: {  	[sflag:s21] =	ssyncadd.s32 $0xFFFFF700  }
0x3e: {  	v2 =	vld [tilespmem:$0x2D00];
	_ =	sdelay $0x4  }
0x3f: {  	vm1 =	vcmask $0x308;
	v3 =	vnsel vm0, $0x0, v2  }
0x40: {  	vm2 =	vcmask $0x70C;
	v46 =	vsel vm1, $0x0, v2;
	(xrf2) =	vadd.scan.msk.f32 $0xffff, v3  }
0x41: {  	v47 =	vsel vm2, $0x0, v2;
	(xrf2) =	vadd.scan.msk.f32 $0xffff, v46  }
0x42: {  	vm3 =	vcmask $0xB10;
	(xrf2) =	vadd.scan.msk.f32 $0xffff, v47  }
0x43: {  	v48 =	vsel vm3, $0x0, v2  }
0x44: {  	(xrf2) =	vadd.scan.msk.f32 $0xffff, v48  }
0x45: {  	vm4 =	vcmask $0xF14;
	s24 =	simm.s32 $0x930  }
0x46: {  	v20 =	vld [tilespmem:s24+$0xFFFFF720];
	v49 =	vsel vm4, $0x0, v2  }
0x47: {  	v22 =	vld [tilespmem:s24+$0xFFFFF710];
	(xrf2) =	vadd.scan.msk.f32 $0xffff, v49  }
0x48: {  	v24 =	vld [tilespmem:s24+$0x20]  }
0x49: {  	vm5 =	vcmask $0x1318;
	v29 =	vld [tilespmem:s24+$0xFFFFF6F0]  }
0x4a: {  	v34 =	vld [tilespmem:s24+$0xFFFFF6E0];
	v50 =	vsel vm5, $0x0, v2;
	v4, _, _ =	vpop (xrf2)  }
0x4b: {  	vm6 =	vcmask $0x171C;
	v27 =	vld [tilespmem:s24+$0x10];
	(xrf2) =	vadd.scan.msk.f32 $0xffff, v50;
	v56, _, _ =	vpop (xrf2);
	v1 =	vbroadcast v4, $0xF  }
0x4c: {  	vm11 =	vcmask $0x1B20;
	v32 =	vld [tilespmem:s24+$0x0];
	v51 =	vsel vm6, $0x0, v2;
	v5, _, _ =	vpop (xrf2);
	v62 =	vbroadcast v56, $0xF  }
0x4d: {  	vm12 =	vcmask $0x1F24;
	v43 =	vld [tilespmem:s24+$0xFFFFF6D0];
	(xrf2) =	vadd.scan.msk.f32 $0xffff, v51;
	v63 =	vbroadcast v5, $0xF;
	v37 =	vmul.f32 v20, v1  }
0x4e: {  	vm13 =	vcmask $0x2328;
	v40 =	vld [tilespmem:s24+$0xFFFFFFF0];
	v6, _, _ =	vpop (xrf2);
	v35 =	vmul.f32 v22, v1;
	v38 =	vmul.f32 v29, v1  }
0x4f: {  	s25 =	sand.u32 $0xFE0, s1;
	v52 =	vsel vm11, $0x0, v2;
	v46 =	vld [tilespmem:s24+$0xFFFFFFE0];
	v39 =	vmul.f32 v34, v1;
	v4 =	vbroadcast v6, $0xF  }
0x50: {  	v53 =	vsel vm12, $0x0, v2;
	v50 =	vld [tilespmem:s25+$0x900];
	(xrf2) =	vadd.scan.msk.f32 $0xffff, v52;
	v30 =	vmul.f32 v20, v62;
	v41 =	vmul.f32 v22, v62  }
0x51: {  	v54 =	vsel vm13, $0x0, v2;
	(xrf2) =	vadd.scan.msk.f32 $0xffff, v53;
	v7, _, _ =	vpop (xrf2);
	v48 =	vmul.f32 v29, v62;
	v52 =	vmul.f32 v34, v62  }
0x52: {  	(xrf2) =	vadd.scan.msk.f32 $0xffff, v54;
	v54 =	vmul.f32 v43, v62;
	v5 =	vbroadcast v7, $0xF  }
0x53: {  	vm14 =	vcmask $0x272C;
	v19 =	vld [tilespmem:$0x2D80];
	v31 =	vmul.f32 v24, v63;
	v42 =	vmul.f32 v27, v63  }
0x54: {  	v55 =	vsel vm14, $0x0, v2;
	v45 =	vmul.f32 v32, v63;
	v49 =	vmul.f32 v40, v63  }
0x55: {  	(xrf2) =	vadd.scan.msk.f32 $0xffff, v55;
	v8, _, _ =	vpop (xrf2);
	v53 =	vmul.f32 v46, v63;
	v55 =	vmul.f32 v50, v63  }
0x56: {  	vm15 =	vcmask $0x2B30;
	v6 =	vbroadcast v8, $0xF;
	v20 =	vmul.f32 v20, v4  }
0x57: {  	v21 =	vld [tilespmem:s24+$0x920];
	v2 =	vsel vm15, $0x0, v2;
	v9, _, _ =	vpop (xrf2);
	v22 =	vmul.f32 v22, v4;
	v29 =	vmul.f32 v29, v4  }
0x58: {  	v26 =	vld [tilespmem:s24+$0x900];
	v57 =	vnsel vm0, $0x0, v19;
	v34 =	vmul.f32 v34, v4;
	v7 =	vbroadcast v9, $0xF  }
0x59: {  	v28 =	vld [tilespmem:s24+$0x8F0];
	v58 =	vsel vm1, $0x0, v19;
	(xrf2) =	vadd.scan.msk.f32 $0xffff, v2;
	v24 =	vmul.f32 v24, v5;
	v27 =	vmul.f32 v27, v5  }
0x5a: {  	v59 =	vsel vm2, $0x0, v19;
	v47 =	vld [tilespmem:s25+$0x1200];
	(xrf2) =	vadd.scan.msk.f32 $0xffff, v57;
	v32 =	vmul.f32 v32, v5;
	v0 =	vmul.f32 v40, v5  }
0x5b: {  	v60 =	vsel vm3, $0x0, v19;
	(xrf2) =	vadd.scan.msk.f32 $0xffff, v58;
	v40 =	vmul.f32 v43, v1;
	v46 =	vmul.f32 v46, v5  }
0x5c: {  	v61 =	vsel vm4, $0x0, v19;
	(xrf2) =	vadd.scan.msk.f32 $0xffff, v59;
	v10, _, _ =	vpop (xrf2);
	v43 =	vmul.f32 v43, v4;
	v50 =	vmul.f32 v50, v5  }
0x5d: {  	v30 =	vadd.f32 v31, v30;
	v42 =	vadd.f32 v42, v41;
	v8 =	vbroadcast v10, $0xF  }
0x5e: {  	(xrf2) =	vadd.scan.msk.f32 $0xffff, v60;
	v41 =	vadd.f32 v49, v48;
	v21 =	vmul.f32 v21, v6;
	v51 =	vmul.f32 v26, v6  }
0x5f: {  	(xrf2) =	vadd.scan.msk.f32 $0xffff, v61;
	v31 =	vadd.f32 v53, v52;
	v11, _, _ =	vpop (xrf2);
	v26 =	vmul.f32 v28, v6;
	v47 =	vmul.f32 v47, v6  }
0x60: {  	v9 =	vbroadcast v11, $0xF;
	v28 =	vmul.f32 v37, v7;
	v29 =	vadd.f32 v0, v29  }
0x61: {  	v12, _, _ =	vpop (xrf2);
	v0 =	vmul.f32 v38, v7;
	v43 =	vadd.f32 v50, v43;
	v50 =	vmul.f32 v39, v7  }
0x62: {  	v46 =	vadd.f32 v46, v34;
	v13, _, _ =	vpop (xrf2);
	v10 =	vbroadcast v12, $0xF;
	v49 =	vmul.f32 v35, v8  }
0x63: {  	v34 =	vadd.f32 v55, v54;
	v55 =	vmul.f32 v38, v8;
	v54 =	vmul.f32 v39, v8;
	v14, _, _ =	vpop (xrf2)  }
0x64: {  	v23 =	vld [tilespmem:s24+$0x910];
	v20 =	vadd.f32 v24, v20;
	v11 =	vbroadcast v13, $0xF;
	v48 =	vmul.f32 v39, v9;
	v15, _, _ =	vpop (xrf2)  }
0x65: {  	v33 =	vld [tilespmem:s24+$0x8E0];
	v2 =	vmul.f32 v40, v9;
	v12 =	vbroadcast v14, $0xF;
	v16, _, _ =	vpop (xrf2)  }
0x66: {  	v3 =	vadd.f32 v21, v20;
	v13 =	vbroadcast v15, $0xF;
	v21 =	vmul.f32 v31, v11;
	v17, _, _ =	vpop (xrf2)  }
0x67: {  	v14 =	vbroadcast v16, $0xF;
	v15 =	vbroadcast v17, $0xF  }
0x68: {  	v18, _, _ =	vpop (xrf2);
	v56 =	vmul.f32 v37, v13;
	v58 =	vmul.f32 v35, v13  }
0x69: {  	v25, _, _ =	vpop (xrf2);
	v16 =	vbroadcast v18, $0xF;
	v18 =	vmul.f32 v23, v6  }
0x6a: {  	v23 =	vmul.f32 v33, v6;
	v17 =	vbroadcast v25, $0xF;
	v25 =	vld [tilespmem:s24+$0xFFFFF700]  }
0x6b: {  	v33 =	vmul.f32 v35, v7;
	v20 =	vmul.f32 v30, v14;
	[tilespmem:$0x1FEE0] =	vst v63  }
0x6c: {  	[tilespmem:$0x1FEF0] =	vst v5;
	v5 =	vsel vm5, $0x0, v19;
	v63 =	vmul.f32 v35, v9;
	v19 =	vmul.f32 v37, v9  }
0x6d: {  	[tilespmem:$0x1FED0] =	vst v6;
	v6 =	vmul.f32 v37, v8;
	v57 =	vmul.f32 v37, v16  }
0x6e: {  	[tilespmem:$0x1FF20] =	vst v48;
	v59 =	vmul.f32 v35, v16;
	v48 =	vadd.f32 v23, v46;
	v46 =	vmul.f32 v42, v8  }
0x6f: {  	[tilespmem:$0x1FF50] =	vst v54;
	v54 =	vadd.f32 v26, v29;
	v29 =	vmul.f32 v30, v17;
	v36 =	vmul.f32 v25, v1  }
0x70: {  	[tilespmem:$0x1FEA0] =	vst v1;
	v44 =	vmul.f32 v25, v62;
	v25 =	vmul.f32 v25, v4  }
0x71: {  	[tilespmem:$0x1FEB0] =	vst v62;
	v62 =	vmul.f32 v38, v13;
	v1 =	vmul.f32 v42, v14  }
0x72: {  	v22 =	vadd.f32 v27, v22;
	v60 =	vmul.f32 v36, v13;
	v61 =	vmul.f32 v36, v16  }
0x73: {  	v24 =	vmul.f32 v36, v9;
	v45 =	vadd.f32 v45, v44;
	v44 =	vmul.f32 v38, v9  }
0x74: {  	v33 =	vadd.f32 v46, v33;
	v52 =	vmul.f32 v36, v7;
	v53 =	vmul.f32 v36, v8  }
0x75: {  	v27 =	vadd.f32 v32, v25;
	v25 =	vadd.f32 v18, v22;
	v18 =	vmul.f32 v40, v7  }
0x76: {  	[tilespmem:$0x1FF00] =	vst v7;
	v7 =	vadd.f32 v29, v57;
	v57 =	vadd.f32 v1, v58;
	v1 =	vmul.f32 v41, v14  }
0x77: {  	v22 =	vmul.f32 v31, v10;
	[tilespmem:$0x1FF10] =	vst v44;
	v44 =	vadd.f32 v47, v43;
	v43 =	vmul.f32 v45, v14  }
0x78: {  	v32 =	vadd.f32 v51, v27;
	v51 =	vmul.f32 v42, v17;
	v29 =	vmul.f32 v45, v17  }
0x79: {  	[tilespmem:$0x1FEC0] =	vst v4;
	v1 =	vadd.f32 v1, v62;
	v46 =	vmul.f32 v45, v10;
	v4 =	vadd.f32 v43, v60  }
0x7a: {  	v58 =	vadd.f32 v51, v59;
	v43 =	vmul.f32 v42, v11;
	v59 =	vadd.f32 v29, v61  }
0x7b: {  	(xrf2) =	vadd.scan.msk.f32 $0xffff, v5;
	v5 =	vld [tilespmem:$0x1FF10];
	v29 =	vmul.f32 v30, v11;
	v51 =	vmul.f32 v30, v8;
	v53 =	vadd.f32 v46, v53  }
0x7c: {  	v46 =	vmul.f32 v41, v10;
	v47 =	vadd.f32 v43, v63;
	v43 =	vmul.f32 v45, v11  }
0x7d: {  	v29 =	vadd.f32 v29, v19;
	v19 =	vmul.f32 v30, v10;
	v28 =	vadd.f32 v51, v28  }
0x7e: {  	v51 =	vmul.f32 v41, v11;
	v55 =	vadd.f32 v46, v55;
	v46 =	vmul.f32 v34, v10  }
0x7f: {  	v24 =	vadd.f32 v43, v24;
	v43 =	vmul.f32 v42, v10;
	v23 =	vadd.f32 v19, v6  }
0x80: {  	[tilespmem:$0x1FF40] =	vst v10;
	v19 =	vmul.f32 v45, v8;
	v61 =	vadd.f32 v51, v5;
	v5 =	vld [tilespmem:$0x1FF20];
	v10 =	vmul.f32 v3, v11  }
0x81: {  	v60 =	vmul.f32 v40, v8;
	v51 =	vld [tilespmem:$0x1FF50];
	v49 =	vadd.f32 v43, v49;
	v43 =	vmul.f32 v41, v8  }
0x82: {  	v52 =	vadd.f32 v19, v52;
	v19 =	vmul.f32 v31, v8;
	v23 =	vadd.f32 v10, v23  }
0x83: {  	v63 =	vmul.f32 v39, v13;
	v0 =	vadd.f32 v43, v0;
	v43 =	vmul.f32 v34, v11  }
0x84: {  	v50 =	vadd.f32 v19, v50;
	v19 =	vmul.f32 v34, v8;
	v23 =	vmul.f32 v23, v30  }
0x85: {  	v30 =	vmul.f32 v48, v12;
	v26 =	vadd.f32 v21, v5;
	v21 =	vmul.f32 v25, v12  }
0x86: {  	v62 =	vadd.f32 v43, v2;
	v43 =	vadd.f32 v22, v51;
	v22 =	vmul.f32 v3, v12  }
0x87: {  	v27 =	vadd.f32 v19, v18;
	v2, _, _ =	vpop (xrf2);
	v51 =	vmul.f32 v3, v9;
	v18 =	vmul.f32 v25, v9  }
0x88: {  	v60 =	vadd.f32 v46, v60;
	v19 =	vmul.f32 v32, v9;
	v2 =	vbroadcast v2, $0xF  }
0x89: {  	v46 =	vadd.f32 v21, v47;
	v47 =	vmul.f32 v38, v16;
	v21 =	vmul.f32 v25, v11  }
0x8a: {  	v26 =	vadd.f32 v30, v26;
	v22 =	vadd.f32 v22, v29;
	v29 =	vmul.f32 v32, v12  }
0x8b: {  	v28 =	vadd.f32 v51, v28;
	v33 =	vadd.f32 v18, v33;
	v51 =	vmul.f32 v32, v11  }
0x8c: {  	v18 =	vmul.f32 v54, v11;
	v21 =	vadd.f32 v21, v49;
	v49 =	vmul.f32 v39, v16  }
0x8d: {  	v26 =	vmul.f32 v26, v48;
	v24 =	vadd.f32 v29, v24;
	v29 =	vmul.f32 v54, v12  }
0x8e: {  	v28 =	vmul.f32 v28, v37;
	v10 =	vadd.f32 v51, v53;
	v53 =	vmul.f32 v40, v13  }
0x8f: {  	[tilespmem:$0x1FF60] =	vst v13;
	v37 =	vadd.f32 v19, v52;
	v13 =	vmul.f32 v54, v9;
	v30 =	vmul.f32 v33, v35  }
0x90: {  	v56 =	vadd.f32 v20, v56;
	v51 =	vmul.f32 v48, v9;
	v22 =	vmul.f32 v22, v3  }
0x91: {  	v21 =	vmul.f32 v21, v42;
	v29 =	vadd.f32 v29, v61;
	v36 =	vmul.f32 v37, v36  }
0x92: {  	v19 =	vadd.f32 v13, v0;
	v61 =	vmul.f32 v44, v9;
	v0 =	vmul.f32 v48, v11  }
0x93: {  	[tilespmem:$0x1FF70] =	vst v9;
	v33 =	vadd.f32 v18, v55;
	v9 =	vmul.f32 v10, v45;
	v10 =	vmul.f32 v44, v12  }
0x94: {  	[tilespmem:$0x1FF90] =	vst v11;
	v37 =	vadd.f32 v51, v50;
	v11 =	vmul.f32 v44, v11;
	v13 =	vmul.f32 v46, v25  }
0x95: {  	v23 =	vadd.f32 v23, v28;
	v28 =	vmul.f32 v33, v41;
	v24 =	vmul.f32 v24, v32  }
0x96: {  	v21 =	vadd.f32 v21, v30;
	v35 =	vmul.f32 v19, v38;
	v27 =	vadd.f32 v61, v27  }
0x97: {  	[tilespmem:$0x1FF80] =	vst v12;
	v38 =	vadd.f32 v0, v43;
	v37 =	vmul.f32 v37, v39;
	v12 =	vadd.f32 v10, v62  }
0x98: {  	v39 =	vadd.f32 v11, v60;
	v29 =	vmul.f32 v29, v54;
	v19 =	vmul.f32 v41, v17  }
0x99: {  	v36 =	vadd.f32 v9, v36;
	v9 =	vmul.f32 v34, v14;
	v10 =	vmul.f32 v3, v15  }
0x9a: {  	v21 =	vadd.f32 v21, v13;
	v13 =	vmul.f32 v25, v2;
	v27 =	vmul.f32 v27, v40  }
0x9b: {  	[tilespmem:$0x1FFA0] =	vst v16;
	v22 =	vadd.f32 v23, v22;
	v40 =	vmul.f32 v40, v16;
	v16 =	vmul.f32 v38, v31  }
0x9c: {  	v18 =	vmul.f32 v39, v34;
	v28 =	vadd.f32 v28, v35;
	v23 =	vmul.f32 v12, v44  }
0x9d: {  	v24 =	vadd.f32 v36, v24;
	v36 =	vmul.f32 $5.000000000e-01, v22;
	v30 =	vadd.f32 v16, v37  }
0x9e: {  	v34 =	vmul.f32 v34, v17;
	v27 =	vadd.f32 v18, v27;
	v28 =	vadd.f32 v28, v29  }
0x9f: {  	v29 =	vshrl.u32 v21, $0x1;
	v21 =	vmul.f32 $5.000000000e-01, v21;
	v18 =	vmul.f32 v32, v15  }
0xa0: {  	v32 =	vmul.f32 v32, v2;
	v29 =	vsub.s32 $0x5F3759DF, v29;
	v26 =	vadd.f32 v30, v26  }
0xa1: {  	v30 =	vmul.f32 v31, v14;
	v23 =	vadd.f32 v27, v23;
	v27 =	vshrl.u32 v22, $0x1  }
0xa2: {  	v22 =	vshrl.u32 v24, $0x1;
	v35 =	vmul.f32 $5.000000000e-01, v28;
	v46 =	vmul.f32 v29, v21  }
0xa3: {  	v28 =	vshrl.u32 v28, $0x1;
	v24 =	vmul.f32 $5.000000000e-01, v24;
	v31 =	vmul.f32 v31, v17  }
0xa4: {  	v27 =	vsub.s32 $0x5F3759DF, v27;
	v28 =	vsub.s32 $0x5F3759DF, v28;
	v22 =	vsub.s32 $0x5F3759DF, v22  }
0xa5: {  	v50 =	vmul.f32 v27, v36;
	v39 =	vmul.f32 $5.000000000e-01, v23;
	v23 =	vshrl.u32 v23, $0x1  }
0xa6: {  	v37 =	vmul.f32 v29, v46;
	v51 =	vshrl.u32 v26, $0x1;
	v26 =	vmul.f32 $5.000000000e-01, v26  }
0xa7: {  	v55 =	vmul.f32 v28, v35;
	v60 =	vmul.f32 v22, v24;
	v23 =	vsub.s32 $0x5F3759DF, v23  }
0xa8: {  	v45 =	vadd.f32 v19, v47;
	v38 =	vmul.f32 v27, v50;
	v52 =	vmul.f32 v23, v39  }
0xa9: {  	v37 =	vsub.f32 $1.500000000e+00, v37;
	v43 =	vmul.f32 v28, v55;
	v62 =	vmul.f32 v22, v60  }
0xaa: {  	v55 =	vmul.f32 v44, v15;
	v38 =	vsub.f32 $1.500000000e+00, v38;
	v42 =	vmul.f32 v23, v52  }
0xab: {  	v37 =	vmul.f32 v29, v37;
	v29 =	vsub.s32 $0x5F3759DF, v51;
	v0 =	vsub.f32 $1.500000000e+00, v43  }
0xac: {  	v40 =	vadd.f32 v34, v40;
	v52 =	vmul.f32 v48, v15;
	v61 =	vmul.f32 v29, v26  }
0xad: {  	v27 =	vmul.f32 v27, v38;
	v42 =	vsub.f32 $1.500000000e+00, v42;
	v28 =	vmul.f32 v28, v0  }
0xae: {  	[tilespmem:$0x1FFC0] =	vst v17;
	v33 =	vsub.f32 $1.500000000e+00, v62;
	v17 =	vmul.f32 v37, v21;
	v38 =	vmul.f32 v29, v61  }
0xaf: {  	v12 =	vadd.f32 v31, v49;
	v23 =	vmul.f32 v23, v42;
	v31 =	vmul.f32 v27, v36  }
0xb0: {  	v22 =	vmul.f32 v22, v33;
	v47 =	vmul.f32 v17, v37;
	v38 =	vsub.f32 $1.500000000e+00, v38  }
0xb1: {  	v11 =	vadd.f32 v30, v63;
	v30 =	vmul.f32 v23, v39;
	v16 =	vmul.f32 v31, v27  }
0xb2: {  	v47 =	vsub.f32 $1.500000000e+00, v47;
	v38 =	vmul.f32 v29, v38;
	v29 =	vmul.f32 v25, v15  }
0xb3: {  	v25 =	vadd.f32 v10, v56;
	v56 =	vmul.f32 v44, v2;
	v30 =	vmul.f32 v30, v23  }
0xb4: {  	[tilespmem:$0x1FFB0] =	vst v14;
	v41 =	vsub.f32 $1.500000000e+00, v16;
	v34 =	vmul.f32 v47, v37;
	v14 =	vmul.f32 v38, v26  }
0xb5: {  	v31 =	vadd.f32 v29, v57;
	v57 =	vmul.f32 v48, v2;
	v48 =	vmul.f32 v3, v2  }
0xb6: {  	v30 =	vsub.f32 $1.500000000e+00, v30;
	v33 =	vmul.f32 v41, v27;
	v27 =	vmul.f32 v22, v24  }
0xb7: {  	v21 =	vmul.f32 v34, v21;
	v29 =	vmul.f32 v14, v38  }
0xb8: {  	v23 =	vmul.f32 v30, v23;
	v30 =	vmul.f32 v28, v35  }
0xb9: {  	v27 =	vmul.f32 v27, v22;
	v62 =	vmul.f32 v33, v36;
	v19 =	vsub.f32 $1.500000000e+00, v29  }
0xba: {  	v42 =	vadd.f32 v9, v53;
	v63 =	vmul.f32 v21, v34;
	v49 =	vmul.f32 v30, v28  }
0xbb: {  	v29 =	vadd.f32 v13, v58;
	v39 =	vmul.f32 v23, v39;
	v38 =	vmul.f32 v19, v38  }
0xbc: {  	v58 =	vmul.f32 v54, v15;
	v51 =	vsub.f32 $1.500000000e+00, v27;
	v50 =	vsub.f32 $1.500000000e+00, v49  }
0xbd: {  	v37 =	vadd.f32 v56, v40;
	v39 =	vmul.f32 v39, v23;
	v26 =	vmul.f32 v38, v26  }
0xbe: {  	v27 =	vadd.f32 v32, v59;
	v22 =	vmul.f32 v51, v22;
	v28 =	vmul.f32 v50, v28  }
0xbf: {  	v59 =	vmul.f32 v54, v2;
	v53 =	vsub.f32 $1.500000000e+00, v39;
	v26 =	vmul.f32 v26, v38  }
0xc0: {  	v30 =	vadd.f32 v18, v4;
	v24 =	vmul.f32 v22, v24;
	v35 =	vmul.f32 v28, v35  }
0xc1: {  	v39 =	vadd.f32 v55, v42;
	v23 =	vmul.f32 v53, v23;
	v26 =	vsub.f32 $1.500000000e+00, v26  }
0xc2: {  	v32 =	vadd.f32 v52, v11;
	v24 =	vmul.f32 v24, v22;
	v35 =	vmul.f32 v35, v28  }
0xc3: {  	v61 =	vadd.f32 v58, v1;
	v39 =	vmul.f32 v23, v39;
	v26 =	vmul.f32 v26, v38  }
0xc4: {  	[tilespmem:$0x1FF30] =	vst v8;
	v40 =	vmul.f32 v23, v37;
	v23 =	vadd.f32 v57, v12;
	v35 =	vsub.f32 $1.500000000e+00, v35  }
0xc5: {  	[tilespmem:$0x1FFD0] =	vst v15;
	v60 =	vsub.f32 $1.500000000e+00, v24;
	v24 =	vadd.f32 v59, v45;
	v32 =	vmul.f32 v26, v32  }
0xc6: {  	s18 =	simm.s32 $0x1B30;
	[tilespmem:$0x1FFE0] =	vst v2;
	v28 =	vmul.f32 v35, v28;
	v35 =	vmul.f32 v26, v23;
	v26 =	vimm.f32 $0.0e+00  }
0xc7: {  	s20 =	simm.s32 $0x2430;
	v38 =	vsub.f32 $1.500000000e+00, v63;
	v22 =	vmul.f32 v60, v22;
	[tilespmem:s18+$0xFFFFFFD0] =	vst v39;
	v36 =	vadd.f32 v39, v26  }
0xc8: {  	s22 =	simm.s32 $0x0;
	s23 =	simm.s32 $0x990;
	s24 =	simm.s32 $0x0;
	[tilespmem:s20+$0xFFFFFFD0] =	vst v40;
	v37 =	vadd.f32 v40, v26;
	v26 =	vmul.f32 v62, v33;
	v21 =	vmul.f32 v28, v61  }
.LBB2_2:
0xc9: {  	v39 =	vld [tilespmem:s23+$0xFFFFF720]  }
0xca: {  	v63 =	vld [tilespmem:s23+$0xFFFFF710]  }
0xcb: {  	v9 =	vld [tilespmem:s23+$0x910]  }
0xcc: {  	v0 =	vld [tilespmem:$0x1FEA0]  }
0xcd: {  	v6 =	vld [tilespmem:$0x1FED0]  }
0xce: {  	v2 =	vld [tilespmem:$0x1FEB0]  }
0xcf: {  	v4 =	vld [tilespmem:$0x1FEC0];
	[tilespmem:s18+$0xFFFFFFE0] =	vst v32  }
0xd0: {  	v5 =	vld [tilespmem:$0x1FEF0];
	v62 =	vadd.f32 v35, v37;
	v24 =	vmul.f32 v28, v24;
	v34 =	vmul.f32 v38, v34;
	[tilespmem:s18+$0xFFFFFFF0] =	vst v21  }
0xd1: {  	v28 =	vld [tilespmem:s23+$0x920];
	[tilespmem:s20+$0xFFFFFFE0] =	vst v35  }
0xd2: {  	v26 =	vsub.f32 $1.500000000e+00, v26;
	v3 =	vadd.f32 v24, v62;
	[tilespmem:s20+$0xFFFFFFF0] =	vst v24;
	v24 =	vmul.f32 v34, v31;
	v31 =	vld [tilespmem:s23+$0x20]  }
0xd3: {  	v61 =	vadd.f32 v32, v36;
	v30 =	vmul.f32 v22, v30;
	v16 =	vld [tilespmem:s23+$0x8E0]  }
0xd4: {  	v22 =	vmul.f32 v22, v27;
	v27 =	vmul.f32 v26, v33;
	v40 =	vld [tilespmem:s23+$0xFFFFF6E0]  }
0xd5: {  	v21 =	vadd.f32 v21, v61;
	[tilespmem:s18+$0x0] =	vst v30;
	v29 =	vmul.f32 v34, v29;
	v19 =	vld [tilespmem:s23+$0xFFFFFFE0]  }
0xd6: {  	v10 =	vld [tilespmem:s23+$0x900];
	[tilespmem:s20+$0x0] =	vst v22;
	v23 =	vadd.f32 v22, v3;
	v26 =	vmul.f32 v39, v0;
	v22 =	vmul.f32 v27, v25  }
0xd7: {  	v20 =	vadd.f32 v48, v7;
	v43 =	vld [tilespmem:s23+$0xFFFFFFF0];
	v13 =	vmul.f32 v9, v6;
	v36 =	vmul.f32 v39, v2  }
0xd8: {  	v21 =	vadd.f32 v30, v21;
	v25 =	vld [tilespmem:s23+$0xFFFFF700];
	v38 =	vmul.f32 v39, v4;
	v41 =	vmul.f32 v63, v2  }
0xd9: {  	v3 =	vld [tilespmem:$0x1FEE0];
	v44 =	vmul.f32 v63, v4;
	v30 =	vmul.f32 v27, v20  }
0xda: {  	v27 =	vmul.f32 v63, v0;
	v12 =	vmul.f32 v28, v6;
	v28 =	vld [tilespmem:s23+$0x8F0];
	v21 =	vadd.f32 v24, v21  }
0xdb: {  	[tilespmem:s18+$0x10] =	vst v24;
	v24 =	vadd.f32 v29, v23;
	v39 =	vmul.f32 v31, v5;
	v33 =	vmul.f32 v40, v0  }
0xdc: {  	v55 =	vld [tilespmem:$0x1FF00];
	v35 =	vmul.f32 v16, v6;
	v57 =	vmul.f32 v40, v2  }
0xdd: {  	v61 =	vmul.f32 v40, v4;
	v48 =	vmul.f32 v19, v5;
	v15 =	vadd.f32 v30, v24;
	v24 =	vld [tilespmem:s23+$0xFFFFF6F0]  }
0xde: {  	s24 =	sadd.s32 $0x60, s24;
	[tilespmem:s18+$0x20] =	vst v22;
	v7 =	vmul.f32 v43, v5;
	v53 =	vmul.f32 v43, v3;
	v43 =	vld [tilespmem:$0x1FFA0]  }
0xdf: {  	s25 =	sand.u32 $0xFE0, s24;
	[tilespmem:s20+$0x20] =	vst v30;
	v30 =	vmul.f32 v25, v0;
	v18 =	vmul.f32 v28, v6;
	v28 =	vld [tilespmem:s23+$0xFFFFF6D0]  }
0xe0: {  	v46 =	vmul.f32 v25, v2;
	v49 =	vmul.f32 v25, v4;
	v25 =	vld [tilespmem:s25+$0x1200]  }
0xe1: {  	v40 =	vld [tilespmem:$0x1FF60];
	v59 =	vmul.f32 v27, v55;
	v1 =	vadd.f32 v22, v21;
	v17 =	vmul.f32 v10, v6  }
0xe2: {  	v37 =	vmul.f32 v31, v3;
	v31 =	vmul.f32 v24, v0  }
0xe3: {  	v60 =	vmul.f32 v19, v3;
	[tilespmem:$0x1FE70] =	vst v1;
	v1 =	vmul.f32 v24, v4  }
0xe4: {  	v11 =	vld [tilespmem:s23+$0x10];
	v9 =	vmul.f32 v28, v4;
	v4 =	vmul.f32 v31, v43  }
0xe5: {  	[tilespmem:s20+$0x10] =	vst v29;
	v29 =	vld [tilespmem:s23+$0x0];
	v21 =	vmul.f32 v25, v6;
	v22 =	vmul.f32 v26, v43  }
0xe6: {  	v34 =	vmul.f32 v28, v0;
	[tilespmem:$0x1FCC0] =	vst v4;
	v4 =	vmul.f32 v33, v40  }
0xe7: {  	v25 =	vmul.f32 v27, v43;
	v32 =	vmul.f32 v30, v43  }
0xe8: {  	v51 =	vmul.f32 v34, v43;
	[tilespmem:$0x1FD80] =	vst v4;
	v4 =	vmul.f32 v33, v43;
	v43 =	vld [tilespmem:$0x1FF70]  }
0xe9: {  	v42 =	vmul.f32 v11, v3;
	v45 =	vmul.f32 v11, v5  }
0xea: {  	v47 =	vmul.f32 v29, v3;
	v50 =	vmul.f32 v29, v5  }
0xeb: {  	[tilespmem:$0x1FCE0] =	vst v59;
	v29 =	vld [tilespmem:s25+$0x900];
	v11 =	vmul.f32 v30, v55;
	v59 =	vadd.f32 v37, v36;
	v36 =	vmul.f32 v33, v55  }
0xec: {  	[tilespmem:$0x1FCB0] =	vst v35;
	v23 =	vmul.f32 v27, v40;
	v52 =	vmul.f32 v24, v2  }
0xed: {  	v24 =	vmul.f32 v30, v40;
	[tilespmem:$0x1FDA0] =	vst v4;
	v4 =	vld [tilespmem:$0x1FF30];
	v63 =	vmul.f32 v31, v43  }
0xee: {  	[tilespmem:$0x1FE90] =	vst v15;
	v62 =	vmul.f32 v28, v2;
	v35 =	vmul.f32 v31, v40  }
0xef: {  	v38 =	vadd.f32 v39, v38;
	v16 =	vmul.f32 v31, v55;
	v15 =	vmul.f32 v33, v43;
	[tilespmem:$0x1FCF0] =	vst v63;
	v63 =	vld [tilespmem:$0x1FFC0]  }
0xf0: {  	v57 =	vadd.f32 v60, v57;
	v54 =	vmul.f32 v29, v3;
	v8 =	vmul.f32 v29, v5  }
0xf1: {  	v56 =	vadd.f32 v47, v46;
	v3 =	vmul.f32 v26, v40;
	v0 =	vmul.f32 v34, v40;
	[tilespmem:$0x1FD30] =	vst v15;
	v15 =	vld [tilespmem:$0x1FFB0]  }
0xf2: {  	[tilespmem:$0x1FC90] =	vst v17;
	v39 =	vmul.f32 v34, v55;
	v8 =	vadd.f32 v8, v9;
	v58 =	vmul.f32 v26, v4  }
0xf3: {  	[tilespmem:$0x1FDE0] =	vst v51;
	v51 =	vmul.f32 v26, v55;
	v55 =	vadd.f32 v53, v52;
	v28 =	vmul.f32 v27, v43  }
0xf4: {  	v29 =	vmul.f32 v26, v43;
	[tilespmem:$0x1FCD0] =	vst v58;
	v58 =	vadd.f32 v42, v41;
	v60 =	vmul.f32 v57, v63  }
0xf5: {  	[tilespmem:$0x1FDC0] =	vst v0;
	v0 =	vadd.f32 v45, v44;
	v40 =	vmul.f32 v30, v43;
	v46 =	vmul.f32 v59, v63  }
0xf6: {  	v47 =	vmul.f32 v58, v15;
	v52 =	vmul.f32 v56, v15;
	[tilespmem:$0x1FDB0] =	vst v60;
	v60 =	vadd.f32 v54, v62  }
0xf7: {  	[tilespmem:$0x1FCA0] =	vst v18;
	v45 =	vmul.f32 v57, v15;
	v62 =	vld [tilespmem:$0x1FC90];
	v54 =	vadd.f32 v21, v8;
	v8 =	vadd.f32 v46, v22  }
0xf8: {  	[tilespmem:$0x1FD10] =	vst v11;
	v44 =	vld [tilespmem:$0x1FF90];
	v17 =	vmul.f32 v34, v43;
	v22 =	vadd.f32 v47, v23;
	v23 =	vadd.f32 v52, v24  }
0xf9: {  	v48 =	vadd.f32 v48, v61;
	v61 =	vld [tilespmem:$0x1FCA0];
	v14 =	vmul.f32 v30, v4;
	v19 =	vmul.f32 v34, v4;
	[tilespmem:$0x1FD90] =	vst v45  }
0xfa: {  	v42 =	vmul.f32 v59, v15;
	v53 =	vmul.f32 v58, v63;
	v45 =	vadd.f32 v50, v49;
	[tilespmem:$0x1FE10] =	vst v23;
	v23 =	vld [tilespmem:$0x1FD10]  }
0xfb: {  	v38 =	vadd.f32 v12, v38;
	[tilespmem:$0x1FD40] =	vst v16;
	v20 =	vmul.f32 v56, v63;
	v16 =	vmul.f32 v55, v63;
	v47 =	vld [tilespmem:$0x1FFE0]  }
0xfc: {  	[tilespmem:$0x1FD20] =	vst v14;
	v3 =	vadd.f32 v42, v3;
	v45 =	vadd.f32 v62, v45;
	v62 =	vmul.f32 v60, v63;
	v63 =	vld [tilespmem:$0x1FCB0]  }
0xfd: {  	v2 =	vmul.f32 v56, v44;
	[tilespmem:$0x1FD70] =	vst v19;
	v41 =	vld [tilespmem:$0x1FF40];
	v19 =	vmul.f32 v56, v4;
	v49 =	vadd.f32 v7, v1  }
0xfe: {  	v12 =	vmul.f32 v57, v44;
	v10 =	vmul.f32 v27, v4;
	v20 =	vadd.f32 v20, v32;
	[tilespmem:$0x1FE00] =	vst v3;
	v3 =	vld [tilespmem:$0x1FFD0]  }
0xff: {  	[tilespmem:$0x1FD60] =	vst v17;
	v18 =	vmul.f32 v31, v4;
	v61 =	vadd.f32 v61, v49;
	v19 =	vadd.f32 v19, v23;
	v23 =	vld [tilespmem:$0x1FD20]  }
0x100: {  	v0 =	vadd.f32 v13, v0;
	v37 =	vmul.f32 v33, v4;
	v5 =	vmul.f32 v59, v4;
	[tilespmem:$0x1FE20] =	vst v20  }
0x101: {  	v17 =	vmul.f32 v55, v4;
	v20 =	vmul.f32 v61, v47;
	[tilespmem:$0x1FDF0] =	vst v62;
	v62 =	vadd.f32 v63, v48  }
0x102: {  	v13 =	vmul.f32 v57, v4;
	v2 =	vadd.f32 v2, v40;
	[tilespmem:$0x1FD50] =	vst v18;
	v18 =	vmul.f32 v56, v41  }
0x103: {  	v40 =	vmul.f32 v38, v44;
	v5 =	vadd.f32 v5, v51;
	[tilespmem:$0x1FE40] =	vst v20;
	v20 =	vmul.f32 v62, v3  }
0x104: {  	v51 =	vmul.f32 v0, v43;
	v11 =	vmul.f32 v58, v4;
	v18 =	vadd.f32 v18, v23;
	v23 =	vld [tilespmem:$0x1FD30]  }
0x105: {  	v6 =	vmul.f32 v55, v15;
	[tilespmem:$0x1FE50] =	vst v20;
	v20 =	vmul.f32 v62, v47  }
0x106: {  	[tilespmem:$0x1FD00] =	vst v10;
	v50 =	vmul.f32 v58, v44;
	v1 =	vmul.f32 v59, v44  }
0x107: {  	v10 =	vmul.f32 v59, v41;
	v7 =	vmul.f32 v55, v44;
	[tilespmem:$0x1FE60] =	vst v20;
	v20 =	vld [tilespmem:$0x1FCC0]  }
0x108: {  	v9 =	vmul.f32 v58, v41;
	v14 =	vmul.f32 v55, v41;
	v46 =	vld [tilespmem:$0x1FF80]  }
0x109: {  	v6 =	vadd.f32 v6, v35;
	v35 =	vmul.f32 v38, v43;
	v12 =	vadd.f32 v12, v23;
	v23 =	vld [tilespmem:$0x1FD40]  }
0x10a: {  	v52 =	vadd.f32 v53, v25;
	v15 =	vmul.f32 v60, v15;
	v49 =	vmul.f32 v60, v44  }
0x10b: {  	v21 =	vmul.f32 v60, v4;
	v4 =	vmul.f32 v60, v41;
	v5 =	vadd.f32 v35, v5  }
0x10c: {  	v25 =	vadd.f32 v50, v28;
	[tilespmem:$0x1FDD0] =	vst v15;
	v15 =	vmul.f32 v57, v41;
	v16 =	vadd.f32 v16, v20;
	v20 =	vld [tilespmem:$0x1FCD0]  }
0x10d: {  	v21 =	vadd.f32 v21, v39;
	v39 =	vmul.f32 v61, v43;
	v5 =	vmul.f32 v5, v26  }
0x10e: {  	v53 =	vmul.f32 v0, v47;
	v28 =	vmul.f32 v38, v46;
	v17 =	vadd.f32 v17, v23;
	v23 =	vld [tilespmem:$0x1FD50]  }
0x10f: {  	v1 =	vadd.f32 v1, v29;
	v29 =	vmul.f32 v0, v46;
	v41 =	vmul.f32 v61, v46  }
0x110: {  	v13 =	vadd.f32 v13, v36;
	[tilespmem:$0x1FE80] =	vst v8;
	v8 =	vmul.f32 v0, v3;
	v24 =	vmul.f32 v45, v3  }
0x111: {  	[tilespmem:$0x1FE30] =	vst v6;
	v32 =	vmul.f32 v45, v47;
	v6 =	vmul.f32 v61, v3;
	v10 =	vadd.f32 v10, v20;
	v20 =	vld [tilespmem:$0x1FCE0]  }
0x112: {  	v15 =	vadd.f32 v15, v37;
	v50 =	vmul.f32 v45, v46;
	v42 =	vmul.f32 v45, v43  }
0x113: {  	v36 =	vmul.f32 v45, v44;
	v1 =	vadd.f32 v28, v1;
	v14 =	vadd.f32 v14, v23;
	v23 =	vld [tilespmem:$0x1FD60]  }
0x114: {  	v25 =	vadd.f32 v29, v25;
	v2 =	vadd.f32 v50, v2;
	v50 =	vmul.f32 v54, v46  }
0x115: {  	v19 =	vadd.f32 v42, v19;
	v1 =	vmul.f32 v1, v38;
	v63 =	vmul.f32 v38, v3  }
0x116: {  	v48 =	vmul.f32 v38, v47;
	v28 =	vmul.f32 v62, v43;
	v11 =	vadd.f32 v11, v20;
	v20 =	vld [tilespmem:$0x1FCF0]  }
0x117: {  	v2 =	vmul.f32 v2, v45;
	v29 =	vmul.f32 v62, v44;
	v18 =	vadd.f32 v36, v18  }
0x118: {  	v37 =	vmul.f32 v62, v46;
	v13 =	vadd.f32 v28, v13;
	v49 =	vadd.f32 v49, v23;
	v23 =	vld [tilespmem:$0x1FD70]  }
0x119: {  	v19 =	vmul.f32 v19, v30;
	v15 =	vadd.f32 v29, v15;
	v10 =	vadd.f32 v40, v10  }
0x11a: {  	v18 =	vmul.f32 v18, v56;
	v13 =	vmul.f32 v13, v33;
	v12 =	vadd.f32 v37, v12  }
0x11b: {  	v15 =	vmul.f32 v15, v57;
	v10 =	vmul.f32 v10, v59;
	v7 =	vadd.f32 v7, v20;
	v20 =	vld [tilespmem:$0x1FD00]  }
0x11c: {  	v12 =	vmul.f32 v12, v62;
	v62 =	vmul.f32 v54, v3;
	v17 =	vadd.f32 v39, v17  }
0x11d: {  	v5 =	vadd.f32 v10, v5;
	v4 =	vadd.f32 v4, v23;
	v23 =	vmul.f32 v61, v44  }
0x11e: {  	v17 =	vmul.f32 v17, v31;
	v59 =	vadd.f32 v15, v13;
	v11 =	vadd.f32 v51, v11  }
0x11f: {  	v51 =	vmul.f32 v54, v44;
	v1 =	vadd.f32 v5, v1;
	v14 =	vadd.f32 v23, v14  }
0x120: {  	v11 =	vmul.f32 v11, v27;
	v9 =	vadd.f32 v9, v20;
	v20 =	vmul.f32 v0, v44  }
0x121: {  	v7 =	vadd.f32 v41, v7;
	v4 =	vadd.f32 v51, v4;
	v14 =	vmul.f32 v14, v55  }
0x122: {  	v23 =	vadd.f32 v50, v49;
	v9 =	vadd.f32 v20, v9;
	v20 =	vmul.f32 v54, v43  }
0x123: {  	v7 =	vmul.f32 v7, v61;
	v4 =	vmul.f32 v4, v60;
	v60 =	vadd.f32 v14, v17  }
0x124: {  	v0 =	vmul.f32 v25, v0;
	v9 =	vmul.f32 v9, v58;
	v20 =	vadd.f32 v20, v21  }
0x125: {  	v5 =	vmul.f32 v23, v54;
	v58 =	vadd.f32 v18, v19;
	v7 =	vadd.f32 v60, v7  }
0x126: {  	v44 =	vmul.f32 v54, v47;
	v20 =	vmul.f32 v20, v34;
	v9 =	vadd.f32 v9, v11  }
0x127: {  	v2 =	vadd.f32 v58, v2;
	v34 =	vadd.f32 v59, v12;
	v13 =	vshrl.u32 v7, $0x1  }
0x128: {  	v7 =	vmul.f32 $5.000000000e-01, v7;
	v13 =	vsub.s32 $0x5F3759DF, v13;
	v4 =	vadd.f32 v4, v20  }
0x129: {  	v0 =	vadd.f32 v9, v0;
	v35 =	vshrl.u32 v2, $0x1;
	v2 =	vmul.f32 $5.000000000e-01, v2  }
0x12a: {  	v37 =	vshrl.u32 v34, $0x1;
	v10 =	vmul.f32 $5.000000000e-01, v34;
	v21 =	vmul.f32 v13, v7  }
0x12b: {  	v14 =	vsub.s32 $0x5F3759DF, v37;
	v4 =	vadd.f32 v4, v5;
	v5 =	vshrl.u32 v1, $0x1  }
0x12c: {  	v1 =	vmul.f32 $5.000000000e-01, v1;
	v36 =	vshrl.u32 v0, $0x1;
	v0 =	vmul.f32 $5.000000000e-01, v0  }
0x12d: {  	v5 =	vsub.s32 $0x5F3759DF, v5;
	v38 =	vmul.f32 $5.000000000e-01, v4;
	v4 =	vshrl.u32 v4, $0x1  }
0x12e: {  	v20 =	vmul.f32 v14, v10;
	v39 =	vmul.f32 v5, v1;
	v4 =	vsub.s32 $0x5F3759DF, v4  }
0x12f: {  	v11 =	vsub.s32 $0x5F3759DF, v35;
	v21 =	vmul.f32 v13, v21;
	v23 =	vmul.f32 v4, v38  }
0x130: {  	v12 =	vsub.s32 $0x5F3759DF, v36;
	v20 =	vmul.f32 v14, v20;
	v17 =	vmul.f32 v5, v39  }
0x131: {  	v41 =	vmul.f32 v12, v0;
	v21 =	vsub.f32 $1.500000000e+00, v21;
	v23 =	vmul.f32 v4, v23  }
0x132: {  	v40 =	vmul.f32 v11, v2;
	v20 =	vsub.f32 $1.500000000e+00, v20;
	v17 =	vsub.f32 $1.500000000e+00, v17  }
0x133: {  	v19 =	vmul.f32 v12, v41;
	v13 =	vmul.f32 v13, v21;
	v23 =	vsub.f32 $1.500000000e+00, v23  }
0x134: {  	v14 =	vmul.f32 v14, v20;
	v5 =	vmul.f32 v5, v17  }
0x135: {  	v19 =	vsub.f32 $1.500000000e+00, v19;
	v51 =	vmul.f32 v13, v7;
	v4 =	vmul.f32 v4, v23  }
0x136: {  	v31 =	vadd.f32 v8, v22;
	v8 =	vmul.f32 v14, v10;
	v20 =	vmul.f32 v5, v1  }
0x137: {  	v42 =	vld [tilespmem:$0x1FD80];
	v12 =	vmul.f32 v12, v19;
	v21 =	vmul.f32 v4, v38  }
0x138: {  	v25 =	vld [tilespmem:$0x1FD90];
	v8 =	vmul.f32 v8, v14;
	v20 =	vmul.f32 v20, v5  }
0x139: {  	v19 =	vmul.f32 v12, v0;
	v21 =	vmul.f32 v21, v4  }
0x13a: {  	v18 =	vmul.f32 v11, v40;
	v8 =	vsub.f32 $1.500000000e+00, v8;
	v20 =	vsub.f32 $1.500000000e+00, v20  }
0x13b: {  	v50 =	vld [tilespmem:$0x1FE00];
	v22 =	vmul.f32 v51, v13;
	v54 =	vmul.f32 v19, v12;
	v55 =	vsub.f32 $1.500000000e+00, v21  }
0x13c: {  	v43 =	vld [tilespmem:$0x1FDA0];
	v18 =	vsub.f32 $1.500000000e+00, v18;
	v33 =	vmul.f32 v20, v5;
	v5 =	vmul.f32 v8, v14  }
0x13d: {  	v26 =	vadd.f32 v25, v42;
	v25 =	vld [tilespmem:$0x1FDB0];
	v8 =	vsub.f32 $1.500000000e+00, v22;
	v4 =	vmul.f32 v55, v4  }
0x13e: {  	v11 =	vmul.f32 v11, v18;
	v3 =	vsub.f32 $1.500000000e+00, v54;
	v10 =	vmul.f32 v5, v10  }
0x13f: {  	v45 =	vld [tilespmem:$0x1FDC0];
	v8 =	vmul.f32 v8, v13;
	v57 =	vmul.f32 v4, v38  }
0x140: {  	v46 =	vld [tilespmem:$0x1FDD0];
	v34 =	vmul.f32 v3, v12;
	v10 =	vmul.f32 v10, v5  }
0x141: {  	v29 =	vadd.f32 v53, v52;
	v52 =	vld [tilespmem:$0x1FE10];
	v7 =	vmul.f32 v8, v7;
	v3 =	vmul.f32 v57, v4  }
0x142: {  	v28 =	vadd.f32 v25, v43;
	v25 =	vadd.f32 v63, v50;
	v63 =	vld [tilespmem:$0x1FE60];
	v23 =	vmul.f32 v11, v2  }
0x143: {  	v53 =	vld [tilespmem:$0x1FE20];
	v10 =	vsub.f32 $1.500000000e+00, v10;
	v7 =	vmul.f32 v7, v8;
	v3 =	vsub.f32 $1.500000000e+00, v3  }
0x144: {  	v49 =	vld [tilespmem:$0x1FDF0];
	v21 =	vmul.f32 v23, v11  }
0x145: {  	v47 =	vld [tilespmem:$0x1FDE0];
	v61 =	vmul.f32 v3, v4;
	v4 =	vmul.f32 v10, v5;
	v5 =	vsub.f32 $1.500000000e+00, v7  }
0x146: {  	v58 =	vld [tilespmem:$0x1FE30];
	v17 =	vadd.f32 v46, v45  }
0x147: {  	v56 =	vsub.f32 $1.500000000e+00, v21;
	v3 =	vadd.f32 v63, v28;
	v28 =	vmul.f32 v5, v8;
	v5 =	vld [tilespmem:$0x1FE70]  }
0x148: {  	v60 =	vld [tilespmem:$0x1FE50];
	v9 =	vadd.f32 v62, v17  }
0x149: {  	v59 =	vld [tilespmem:$0x1FE40];
	v11 =	vmul.f32 v56, v11  }
0x14a: {  	v30 =	vadd.f32 v24, v52;
	v7 =	vmul.f32 v61, v9  }
0x14b: {  	s22 =	sadd.s32 $0x6, s22;
	v27 =	vadd.f32 v32, v53;
	v18 =	vadd.f32 v49, v47;
	v2 =	vmul.f32 v11, v2  }
0x14c: {  	p1 =	slt.u32 s22, $0x8A;
	v6 =	vadd.f32 v6, v58;
	v0 =	vmul.f32 v34, v0;
	v36 =	vadd.f32 v7, v5;
	v5 =	vld [tilespmem:$0x1FE90]  }
.Ltmp2:
0x14d: {  	v62 =	vadd.f32 v44, v18;
	v1 =	vmul.f32 v33, v1;
	v2 =	vmul.f32 v2, v11;
	(pc) =	sbr.rel @p1 .LBB2_2-.Ltmp2, $4  }
0x14e: {  	v24 =	vadd.f32 v59, v16;
	v12 =	vadd.f32 v60, v26;
	v0 =	vmul.f32 v0, v34  }
0x14f: {  	s18 =	sadd.s32 $0x60, s18;
	v26 =	vmul.f32 v1, v33;
	v2 =	vsub.f32 $1.500000000e+00, v2;
	v1 =	vmul.f32 v61, v62  }
0x150: {  	s20 =	sadd.s32 $0x60, s20;
	v38 =	vsub.f32 $1.500000000e+00, v0;
	v32 =	vmul.f32 v4, v12;
	v35 =	vmul.f32 v4, v3;
	[tilespmem:s18+$0xFFFFFFD0] =	vst v7  }
0x151: {  	s23 =	sadd.s32 $0x60, s23;
	v22 =	vmul.f32 v2, v11;
	v21 =	vmul.f32 v28, v6;
	[tilespmem:s20+$0xFFFFFFD0] =	vst v1;
	v7 =	vld [tilespmem:$0x1FE80];
	v37 =	vadd.f32 v1, v5  }
0x152: {  	[tilespmem:s18+$0xFFFFFFE0] =	vst v32;
	v0 =	vadd.f32 v32, v36  }
0x153: {  	v2 =	vmul.f32 v28, v24;
	v4 =	vmul.f32 v38, v34;
	v1 =	vadd.f32 v35, v37;
	[tilespmem:s20+$0xFFFFFFE0] =	vst v35  }
0x154: {  	v5 =	vsub.f32 $1.500000000e+00, v26;
	v3 =	vmul.f32 v22, v30;
	[tilespmem:s18+$0xFFFFFFF0] =	vst v21;
	v0 =	vadd.f32 v21, v0  }
0x155: {  	v6 =	vmul.f32 v22, v27;
	[tilespmem:s20+$0xFFFFFFF0] =	vst v2;
	v1 =	vadd.f32 v2, v1  }
0x156: {  	v5 =	vmul.f32 v5, v33;
	v2 =	vmul.f32 v4, v31;
	[tilespmem:s18+$0x0] =	vst v3;
	v0 =	vadd.f32 v3, v0  }
0x157: {  	v4 =	vmul.f32 v4, v29;
	v3 =	vadd.f32 v48, v7;
	[tilespmem:s20+$0x0] =	vst v6;
	v1 =	vadd.f32 v6, v1  }
0x158: {  	v6 =	vmul.f32 v5, v25;
	[tilespmem:s18+$0x10] =	vst v2;
	v0 =	vadd.f32 v2, v0  }
0x159: {  	v2 =	vmul.f32 v5, v3;
	[tilespmem:s20+$0x10] =	vst v4;
	v1 =	vadd.f32 v4, v1  }
0x15a: {  	[tilespmem:s18+$0x20] =	vst v6;
	v0 =	vadd.f32 v6, v0  }
0x15b: {  	[tilespmem:s20+$0x20] =	vst v2;
	v1 =	vadd.f32 v2, v1  }
0x15c: {  	[tilespmem:$0x8E00] =	vst v0  }
0x15d: {  	s25 =	simm.s32 $0x8E00;
	[tilespmem:$0x8E10] =	vst v1  }
0x15e: {  	[spmem:s8] =	stream.linear.scatter [tilespmem:s25], [sflag:$0x1], $0x80, $0x38;
	[tilespmem:$0xB720] =	vst v63  }
0x15f: {  	_ =	swait.ge [sflag:s21], $0x80  }
0x160: {  	[sflag:s21] =	ssyncset.done $0x0  }
0x161: {  	[sflag:s21] =	ssyncadd.s32 $0xFFFFFF80  }
0x162: {  	[bflag:$0x0] =	sbarrier.arrive $0xFFFF  }
0x163: {  	[tilespmem:s26], [sflag:$0x1] =	stream.linear.gather [spmem:s9], $0x20, $0x38;
	[tilespmem:$0xB720] =	vst v63  }
0x164: {  	_ =	swait.ge [sflag:s21], $0x20  }
0x165: {  	[sflag:s21] =	ssyncset.done $0x0  }
0x166: {  	[sflag:s21] =	ssyncadd.s32 $0xFFFFFFE0  }
0x167: {  	[tilespmem:s28], [sflag:$0x1] =	stream.linear.gather [spmem:s10], $0x20, $0x38;
	[tilespmem:$0xB720] =	vst v63  }
0x168: {  	_ =	swait.ge [sflag:s21], $0x20  }
0x169: {  	[sflag:s21] =	ssyncset.done $0x0  }
0x16a: {  	[sflag:s21] =	ssyncadd.s32 $0xFFFFFFE0  }
0x16b: {  	[tilespmem:s29], [sflag:$0x1] =	stream.linear.gather [spmem:s11], $0x20, $0x38;
	[tilespmem:$0xB720] =	vst v63  }
0x16c: {  	_ =	swait.ge [sflag:s21], $0x20  }
0x16d: {  	[sflag:s21] =	ssyncset.done $0x0  }
0x16e: {  	[sflag:s21] =	ssyncadd.s32 $0xFFFFFFE0  }
0x16f: {  	[tilespmem:s30], [sflag:$0x1] =	stream.linear.gather [spmem:s12], $0x20, $0x38;
	[tilespmem:$0xB720] =	vst v63  }
0x170: {  	_ =	swait.ge [sflag:s21], $0x20  }
0x171: {  	[sflag:s21] =	ssyncset.done $0x0  }
0x172: {  	[sflag:s21] =	ssyncadd.s32 $0xFFFFFFE0  }
0x173: {  	v3 =	vld [tilespmem:$0x8E80]  }
0x174: {  	v5 =	vld [tilespmem:$0x8EA0]  }
0x175: {  	v4 =	vld [tilespmem:$0x8EC0]  }
0x176: {  	v2 =	vld [tilespmem:$0x8EE0]  }
0x177: {  	v6 =	vld [tilespmem:$0x8E90]  }
0x178: {  	v9 =	vld [tilespmem:$0x8EB0]  }
0x179: {  	s18 =	simm.s32 $0x2E40;
	v0 =	vimm.f32 $-Inf;
	v7 =	vld [tilespmem:$0x8ED0]  }
0x17a: {  	v8 =	vld [tilespmem:$0x8EF0];
	[tilespmem:s18+$0xFFFFFFC0] =	vst v0  }
0x17b: {  	[tilespmem:s18+$0x30] =	vst v0  }
0x17c: {  	[tilespmem:s18+$0x20] =	vst v0  }
0x17d: {  	[tilespmem:s18+$0x10] =	vst v0  }
0x17e: {  	[tilespmem:s18+$0x0] =	vst v0  }
0x17f: {  	[tilespmem:s18+$0xFFFFFFF0] =	vst v0  }
0x180: {  	[tilespmem:s18+$0xFFFFFFE0] =	vst v0  }
0x181: {  	s20 =	simm.s32 $0x0;
	v53 =	vld [tilespmem:$0x1FFF0]  }
.LBB2_4:
0x182: {  	s20 =	sadd.s32 $0x8, s20;
	[tilespmem:s18+$0xFFFFFFD0] =	vst v0;
	s18 =	sadd.s32 $0x80, s18  }
0x183: {  	[tilespmem:s18+$0xFFFFFFC0] =	vst v0;
	p1 =	slt.u32 s20, $0x1F8  }
0x184: {  	[tilespmem:s18+$0x30] =	vst v0  }
.Ltmp3:
0x185: {  	[tilespmem:s18+$0x20] =	vst v0;
	(pc) =	sbr.rel @p1 .LBB2_4-.Ltmp3, $4  }
0x186: {  	[tilespmem:s18+$0x10] =	vst v0  }
0x187: {  	[tilespmem:s18+$0x0] =	vst v0  }
0x188: {  	[tilespmem:s18+$0xFFFFFFF0] =	vst v0  }
0x189: {  	[tilespmem:s18+$0xFFFFFFE0] =	vst v0  }
0x18a: {  	[tilespmem:s18+$0xFFFFFFD0] =	vst v0;
	v0 =	vadd.f32 v5, v3  }
0x18b: {  	v1 =	vadd.f32 v9, v6  }
0x18c: {  	v0 =	vadd.f32 v4, v0  }
0x18d: {  	v1 =	vadd.f32 v7, v1  }
0x18e: {  	v0 =	vadd.f32 v2, v0  }
0x18f: {  	v1 =	vadd.f32 v8, v1  }
0x190: {  	(xrf2) =	vadd.scan.msk.f32 $0xffff, v0  }
0x191: {  	(xrf2) =	vadd.scan.msk.f32 $0xffff, v1;
	_ =	sdelay $0x8  }
0x192: {  	v0, _, _ =	vpop (xrf2)  }
0x193: {  	(v2sf) =	vpush v0, $0xF;
	v0, _, _ =	vpop (xrf2)  }
0x194: {  	(v2sf) =	vpush v0, $0xF;
	_ =	sdelay $0xd  }
0x195: {  	s25 =	spop (v2sf)  }
0x196: {  	s18 =	smul.f32 $1.085069450e-04, s25;
	s20 =	spop (v2sf)  }
0x197: {  	s20 =	smul.f32 $1.085069450e-04, s20;
	_ =	sdelay $0x1  }
0x198: {  	v2 =	vmov s18;
	s18 =	simm.s32 $0x0;
	v3 =	vmov s20  }
.LBB2_6:
0x199: {  	s20 =	sshra.s32 s18, $0x2  }
0x19a: {  	v0 =	vld [tilespmem:s20+$0x1B00]  }
0x19b: {  	v1 =	vld [tilespmem:s20+$0x2400];
	_ =	sdelay $0x4  }
0x19c: {  	v4 =	vsub.f32 v0, v2;
	v5 =	vsub.f32 v1, v3;
	_ =	sdelay $0x1  }
0x19d: {  	v6 =	vand.u32 $0x7FFFFFFF, v4;
	v7 =	vand.u32 $0x7FFFFFFF, v5  }
0x19e: {  	v8 =	vmax.f32 v6, v7  }
0x19f: {  	v8 =	vmax.f32 v8, $1.000000000e-30  }
0x1a0: {  	(erf) = vrcp.f32 v8;
	_ =	sdelay $0x8  }
0x1a1: {  	v56 =	vmin.f32 v6, v7;
	v9 =	vpop (erf)  }
0x1a2: {  	v8 =	vmul.f32 v9, v56;
	_ =	sdelay $0x1  }
0x1a3: {  	v9 =	vmul.f32 v8, v8;
	_ =	sdelay $0x1  }
0x1a4: {  	v10 =	vmul.f32 $4.301649460e-04, v9;
	_ =	sdelay $0x1  }
0x1a5: {  	v10 =	vadd.f32 $-3.261487000e-03, v10;
	_ =	sdelay $0x1  }
0x1a6: {  	v10 =	vmul.f32 v10, v9;
	_ =	sdelay $0x1  }
0x1a7: {  	v10 =	vadd.f32 $1.160232540e-02, v10;
	_ =	sdelay $0x1  }
0x1a8: {  	v10 =	vmul.f32 v10, v9;
	_ =	sdelay $0x1  }
0x1a9: {  	v10 =	vadd.f32 $-2.627157790e-02, v10;
	_ =	sdelay $0x1  }
0x1aa: {  	v10 =	vmul.f32 v10, v9;
	_ =	sdelay $0x1  }
0x1ab: {  	v10 =	vadd.f32 $4.390287400e-02, v10;
	_ =	sdelay $0x1  }
0x1ac: {  	v10 =	vmul.f32 v10, v9;
	_ =	sdelay $0x1  }
0x1ad: {  	v10 =	vadd.f32 $-6.038548800e-02, v10;
	_ =	sdelay $0x1  }
0x1ae: {  	v10 =	vmul.f32 v10, v9;
	_ =	sdelay $0x1  }
0x1af: {  	v10 =	vadd.f32 $7.502231750e-02, v10;
	_ =	sdelay $0x1  }
0x1b0: {  	v10 =	vmul.f32 v10, v9;
	_ =	sdelay $0x1  }
0x1b1: {  	v10 =	vadd.f32 $-9.051137410e-02, v10;
	_ =	sdelay $0x1  }
0x1b2: {  	v10 =	vmul.f32 v10, v9;
	_ =	sdelay $0x1  }
0x1b3: {  	v10 =	vadd.f32 $1.110565590e-01, v10;
	_ =	sdelay $0x1  }
0x1b4: {  	v10 =	vmul.f32 v10, v9;
	_ =	sdelay $0x1  }
0x1b5: {  	v10 =	vadd.f32 $-1.428526190e-01, v10;
	_ =	sdelay $0x1  }
0x1b6: {  	v10 =	vmul.f32 v10, v9;
	_ =	sdelay $0x1  }
0x1b7: {  	v10 =	vadd.f32 $1.999998090e-01, v10;
	_ =	sdelay $0x1  }
0x1b8: {  	v10 =	vmul.f32 v10, v9;
	_ =	sdelay $0x1  }
0x1b9: {  	v10 =	vadd.f32 $-3.333333430e-01, v10;
	_ =	sdelay $0x1  }
0x1ba: {  	v9 =	vmul.f32 v10, v9;
	_ =	sdelay $0x1  }
0x1bb: {  	v9 =	vadd.f32 $1.000000000e+00, v9;
	_ =	sdelay $0x1  }
0x1bc: {  	v8 =	vmul.f32 v9, v8;
	_ =	sdelay $0x1  }
0x1bd: {  	v9 =	vsub.f32 $1.570796370e+00, v8  }
0x1be: {  	vm1 =	vgt.f32 v7, v6  }
0x1bf: {  	v6 =	vsel vm1, v9, v8  }
0x1c0: {  	v57 =	vsub.f32 $3.141592740e+00, v6  }
0x1c1: {  	vm1 =	vlt.f32 v4, $0.0e+00  }
0x1c2: {  	v6 =	vsel vm1, v57, v6  }
0x1c3: {  	v7 =	vsub.f32 $0.0e+00, v6  }
0x1c4: {  	vm1 =	vlt.f32 v5, $0.0e+00  }
0x1c5: {  	v6 =	vsel vm1, v7, v6  }
0x1c6: {  	v6 =	vadd.f32 $3.141592740e+00, v6;
	_ =	sdelay $0x1  }
0x1c7: {  	v6 =	vmul.f32 $8.148732760e+01, v6;
	_ =	sdelay $0x1  }
0x1c8: {  	v6 =	vtrunc.f32 v6  }
0x1c9: {  	v6 =	vcvt.f32.s32 v6;
	_ =	sdelay $0x1  }
0x1ca: {  	vm1 =	vgt.s32 v6, $0x0  }
0x1cb: {  	v6 =	vnsel vm1, $0x0, v6  }
0x1cc: {  	v6 =	vmin.u32 v6, $0x1FF  }
0x1cd: {  	v6 =	vor.u32 v53, v6;
	_ =	sdelay $0x4  }
0x1ce: {  	v58 =	vld.idx.msk [tilespmem:v6+s31+$0x0], $0xffff  }
0x1cf: {  	v4 =	vmul.f32 v4, v4;
	v5 =	vmul.f32 v5, v5;
	_ =	sdelay $0x1  }
0x1d0: {  	v4 =	vadd.f32 v5, v4;
	_ =	sdelay $0x1  }
0x1d1: {  	vm1 =	vgt.f32 v4, v58;
	_ =	sdelay $0x5  }
0x1d2: {  	[tilespmem:v6+s31+$0x0] =	vst.idx.msk vm1, v4  }
0x1d3: {  	[tilespmem:v6+s0+$0x0] =	vst.idx.msk vm1, v0  }
0x1d4: {  	[tilespmem:v6+s2+$0x0] =	vst.idx.msk vm1, v1  }
0x1d5: {  	v0 =	vld [tilespmem:s20+$0x1B10]  }
0x1d6: {  	v1 =	vld [tilespmem:s20+$0x2410];
	_ =	sdelay $0x4  }
0x1d7: {  	v4 =	vsub.f32 v0, v2;
	v5 =	vsub.f32 v1, v3;
	_ =	sdelay $0x1  }
0x1d8: {  	v59 =	vand.u32 $0x7FFFFFFF, v4;
	v60 =	vand.u32 $0x7FFFFFFF, v5  }
0x1d9: {  	v61 =	vmax.f32 v59, v60  }
0x1da: {  	v8 =	vmax.f32 v61, $1.000000000e-30  }
0x1db: {  	(erf) = vrcp.f32 v8;
	_ =	sdelay $0x8  }
0x1dc: {  	v62 =	vmin.f32 v59, v60;
	v63 =	vpop (erf)  }
0x1dd: {  	v8 =	vmul.f32 v63, v62;
	_ =	sdelay $0x1  }
0x1de: {  	v9 =	vmul.f32 v8, v8;
	_ =	sdelay $0x1  }
0x1df: {  	v12 =	vmul.f32 $4.301649460e-04, v9;
	_ =	sdelay $0x1  }
0x1e0: {  	v10 =	vadd.f32 $-3.261487000e-03, v12;
	_ =	sdelay $0x1  }
0x1e1: {  	v10 =	vmul.f32 v10, v9;
	_ =	sdelay $0x1  }
0x1e2: {  	v10 =	vadd.f32 $1.160232540e-02, v10;
	_ =	sdelay $0x1  }
0x1e3: {  	v10 =	vmul.f32 v10, v9;
	_ =	sdelay $0x1  }
0x1e4: {  	v10 =	vadd.f32 $-2.627157790e-02, v10;
	_ =	sdelay $0x1  }
0x1e5: {  	v10 =	vmul.f32 v10, v9;
	_ =	sdelay $0x1  }
0x1e6: {  	v10 =	vadd.f32 $4.390287400e-02, v10;
	_ =	sdelay $0x1  }
0x1e7: {  	v10 =	vmul.f32 v10, v9;
	_ =	sdelay $0x1  }
0x1e8: {  	v10 =	vadd.f32 $-6.038548800e-02, v10;
	_ =	sdelay $0x1  }
0x1e9: {  	v10 =	vmul.f32 v10, v9;
	_ =	sdelay $0x1  }
0x1ea: {  	v10 =	vadd.f32 $7.502231750e-02, v10;
	_ =	sdelay $0x1  }
0x1eb: {  	v10 =	vmul.f32 v10, v9;
	_ =	sdelay $0x1  }
0x1ec: {  	v10 =	vadd.f32 $-9.051137410e-02, v10;
	_ =	sdelay $0x1  }
0x1ed: {  	v10 =	vmul.f32 v10, v9;
	_ =	sdelay $0x1  }
0x1ee: {  	v10 =	vadd.f32 $1.110565590e-01, v10;
	_ =	sdelay $0x1  }
0x1ef: {  	v10 =	vmul.f32 v10, v9;
	_ =	sdelay $0x1  }
0x1f0: {  	v10 =	vadd.f32 $-1.428526190e-01, v10;
	_ =	sdelay $0x1  }
0x1f1: {  	v10 =	vmul.f32 v10, v9;
	_ =	sdelay $0x1  }
0x1f2: {  	v10 =	vadd.f32 $1.999998090e-01, v10;
	_ =	sdelay $0x1  }
0x1f3: {  	v10 =	vmul.f32 v10, v9;
	_ =	sdelay $0x1  }
0x1f4: {  	v10 =	vadd.f32 $-3.333333430e-01, v10;
	_ =	sdelay $0x1  }
0x1f5: {  	v9 =	vmul.f32 v10, v9;
	_ =	sdelay $0x1  }
0x1f6: {  	v9 =	vadd.f32 $1.000000000e+00, v9;
	_ =	sdelay $0x1  }
0x1f7: {  	v8 =	vmul.f32 v9, v8;
	_ =	sdelay $0x1  }
0x1f8: {  	v9 =	vsub.f32 $1.570796370e+00, v8  }
0x1f9: {  	vm1 =	vgt.f32 v60, v59  }
0x1fa: {  	v6 =	vsel vm1, v9, v8  }
0x1fb: {  	v13 =	vsub.f32 $3.141592740e+00, v6  }
0x1fc: {  	vm1 =	vlt.f32 v4, $0.0e+00  }
0x1fd: {  	v6 =	vsel vm1, v13, v6  }
0x1fe: {  	v7 =	vsub.f32 $0.0e+00, v6  }
0x1ff: {  	vm1 =	vlt.f32 v5, $0.0e+00  }
0x200: {  	v6 =	vsel vm1, v7, v6  }
0x201: {  	v6 =	vadd.f32 $3.141592740e+00, v6;
	_ =	sdelay $0x1  }
0x202: {  	v6 =	vmul.f32 $8.148732760e+01, v6;
	_ =	sdelay $0x1  }
0x203: {  	v6 =	vtrunc.f32 v6  }
0x204: {  	v6 =	vcvt.f32.s32 v6;
	_ =	sdelay $0x1  }
0x205: {  	vm1 =	vgt.s32 v6, $0x0  }
0x206: {  	v6 =	vnsel vm1, $0x0, v6  }
0x207: {  	v6 =	vmin.u32 v6, $0x1FF  }
0x208: {  	v6 =	vor.u32 v53, v6;
	_ =	sdelay $0x4  }
0x209: {  	v14 =	vld.idx.msk [tilespmem:v6+s31+$0x0], $0xffff  }
0x20a: {  	v4 =	vmul.f32 v4, v4;
	v5 =	vmul.f32 v5, v5;
	_ =	sdelay $0x1  }
0x20b: {  	v4 =	vadd.f32 v5, v4;
	_ =	sdelay $0x1  }
0x20c: {  	vm1 =	vgt.f32 v4, v14;
	_ =	sdelay $0x5  }
0x20d: {  	[tilespmem:v6+s31+$0x0] =	vst.idx.msk vm1, v4  }
0x20e: {  	[tilespmem:v6+s0+$0x0] =	vst.idx.msk vm1, v0  }
0x20f: {  	[tilespmem:v6+s2+$0x0] =	vst.idx.msk vm1, v1  }
0x210: {  	v0 =	vld [tilespmem:s20+$0x1B20]  }
0x211: {  	v1 =	vld [tilespmem:s20+$0x2420];
	_ =	sdelay $0x4  }
0x212: {  	v4 =	vsub.f32 v0, v2;
	v5 =	vsub.f32 v1, v3;
	_ =	sdelay $0x1  }
0x213: {  	v15 =	vand.u32 $0x7FFFFFFF, v4;
	v16 =	vand.u32 $0x7FFFFFFF, v5  }
0x214: {  	v17 =	vmax.f32 v15, v16  }
0x215: {  	v8 =	vmax.f32 v17, $1.000000000e-30  }
0x216: {  	(erf) = vrcp.f32 v8;
	_ =	sdelay $0x8  }
0x217: {  	v18 =	vmin.f32 v15, v16;
	v19 =	vpop (erf)  }
0x218: {  	v8 =	vmul.f32 v19, v18;
	_ =	sdelay $0x1  }
0x219: {  	v9 =	vmul.f32 v8, v8;
	_ =	sdelay $0x1  }
0x21a: {  	v20 =	vmul.f32 $4.301649460e-04, v9;
	_ =	sdelay $0x1  }
0x21b: {  	v10 =	vadd.f32 $-3.261487000e-03, v20;
	_ =	sdelay $0x1  }
0x21c: {  	v10 =	vmul.f32 v10, v9;
	_ =	sdelay $0x1  }
0x21d: {  	v10 =	vadd.f32 $1.160232540e-02, v10;
	_ =	sdelay $0x1  }
0x21e: {  	v10 =	vmul.f32 v10, v9;
	_ =	sdelay $0x1  }
0x21f: {  	v10 =	vadd.f32 $-2.627157790e-02, v10;
	_ =	sdelay $0x1  }
0x220: {  	v10 =	vmul.f32 v10, v9;
	_ =	sdelay $0x1  }
0x221: {  	v10 =	vadd.f32 $4.390287400e-02, v10;
	_ =	sdelay $0x1  }
0x222: {  	v10 =	vmul.f32 v10, v9;
	_ =	sdelay $0x1  }
0x223: {  	v10 =	vadd.f32 $-6.038548800e-02, v10;
	_ =	sdelay $0x1  }
0x224: {  	v10 =	vmul.f32 v10, v9;
	_ =	sdelay $0x1  }
0x225: {  	v10 =	vadd.f32 $7.502231750e-02, v10;
	_ =	sdelay $0x1  }
0x226: {  	v10 =	vmul.f32 v10, v9;
	_ =	sdelay $0x1  }
0x227: {  	v10 =	vadd.f32 $-9.051137410e-02, v10;
	_ =	sdelay $0x1  }
0x228: {  	v10 =	vmul.f32 v10, v9;
	_ =	sdelay $0x1  }
0x229: {  	v10 =	vadd.f32 $1.110565590e-01, v10;
	_ =	sdelay $0x1  }
0x22a: {  	v10 =	vmul.f32 v10, v9;
	_ =	sdelay $0x1  }
0x22b: {  	v10 =	vadd.f32 $-1.428526190e-01, v10;
	_ =	sdelay $0x1  }
0x22c: {  	v10 =	vmul.f32 v10, v9;
	_ =	sdelay $0x1  }
0x22d: {  	v10 =	vadd.f32 $1.999998090e-01, v10;
	_ =	sdelay $0x1  }
0x22e: {  	v10 =	vmul.f32 v10, v9;
	_ =	sdelay $0x1  }
0x22f: {  	v10 =	vadd.f32 $-3.333333430e-01, v10;
	_ =	sdelay $0x1  }
0x230: {  	v9 =	vmul.f32 v10, v9;
	_ =	sdelay $0x1  }
0x231: {  	v9 =	vadd.f32 $1.000000000e+00, v9;
	_ =	sdelay $0x1  }
0x232: {  	v8 =	vmul.f32 v9, v8;
	_ =	sdelay $0x1  }
0x233: {  	v9 =	vsub.f32 $1.570796370e+00, v8  }
0x234: {  	vm1 =	vgt.f32 v16, v15  }
0x235: {  	v6 =	vsel vm1, v9, v8  }
0x236: {  	v21 =	vsub.f32 $3.141592740e+00, v6  }
0x237: {  	vm1 =	vlt.f32 v4, $0.0e+00  }
0x238: {  	v6 =	vsel vm1, v21, v6  }
0x239: {  	v7 =	vsub.f32 $0.0e+00, v6  }
0x23a: {  	vm1 =	vlt.f32 v5, $0.0e+00  }
0x23b: {  	v6 =	vsel vm1, v7, v6  }
0x23c: {  	v6 =	vadd.f32 $3.141592740e+00, v6;
	_ =	sdelay $0x1  }
0x23d: {  	v6 =	vmul.f32 $8.148732760e+01, v6;
	_ =	sdelay $0x1  }
0x23e: {  	v6 =	vtrunc.f32 v6  }
0x23f: {  	v6 =	vcvt.f32.s32 v6;
	_ =	sdelay $0x1  }
0x240: {  	vm1 =	vgt.s32 v6, $0x0  }
0x241: {  	v6 =	vnsel vm1, $0x0, v6  }
0x242: {  	v6 =	vmin.u32 v6, $0x1FF  }
0x243: {  	v6 =	vor.u32 v53, v6;
	_ =	sdelay $0x4  }
0x244: {  	v22 =	vld.idx.msk [tilespmem:v6+s31+$0x0], $0xffff  }
0x245: {  	v4 =	vmul.f32 v4, v4;
	v5 =	vmul.f32 v5, v5;
	_ =	sdelay $0x1  }
0x246: {  	v4 =	vadd.f32 v5, v4;
	_ =	sdelay $0x1  }
0x247: {  	vm1 =	vgt.f32 v4, v22;
	_ =	sdelay $0x5  }
0x248: {  	[tilespmem:v6+s31+$0x0] =	vst.idx.msk vm1, v4  }
0x249: {  	[tilespmem:v6+s0+$0x0] =	vst.idx.msk vm1, v0  }
0x24a: {  	[tilespmem:v6+s2+$0x0] =	vst.idx.msk vm1, v1  }
0x24b: {  	v0 =	vld [tilespmem:s20+$0x1B30]  }
0x24c: {  	v1 =	vld [tilespmem:s20+$0x2430];
	_ =	sdelay $0x4  }
0x24d: {  	v4 =	vsub.f32 v0, v2;
	v5 =	vsub.f32 v1, v3;
	_ =	sdelay $0x1  }
0x24e: {  	v23 =	vand.u32 $0x7FFFFFFF, v4;
	v24 =	vand.u32 $0x7FFFFFFF, v5  }
0x24f: {  	v25 =	vmax.f32 v23, v24  }
0x250: {  	v8 =	vmax.f32 v25, $1.000000000e-30  }
0x251: {  	(erf) = vrcp.f32 v8;
	_ =	sdelay $0x8  }
0x252: {  	v26 =	vmin.f32 v23, v24;
	v27 =	vpop (erf)  }
0x253: {  	v8 =	vmul.f32 v27, v26;
	_ =	sdelay $0x1  }
0x254: {  	v9 =	vmul.f32 v8, v8;
	_ =	sdelay $0x1  }
0x255: {  	v28 =	vmul.f32 $4.301649460e-04, v9;
	_ =	sdelay $0x1  }
0x256: {  	v10 =	vadd.f32 $-3.261487000e-03, v28;
	_ =	sdelay $0x1  }
0x257: {  	v10 =	vmul.f32 v10, v9;
	_ =	sdelay $0x1  }
0x258: {  	v10 =	vadd.f32 $1.160232540e-02, v10;
	_ =	sdelay $0x1  }
0x259: {  	v10 =	vmul.f32 v10, v9;
	_ =	sdelay $0x1  }
0x25a: {  	v10 =	vadd.f32 $-2.627157790e-02, v10;
	_ =	sdelay $0x1  }
0x25b: {  	v10 =	vmul.f32 v10, v9;
	_ =	sdelay $0x1  }
0x25c: {  	v10 =	vadd.f32 $4.390287400e-02, v10;
	_ =	sdelay $0x1  }
0x25d: {  	v10 =	vmul.f32 v10, v9;
	_ =	sdelay $0x1  }
0x25e: {  	v10 =	vadd.f32 $-6.038548800e-02, v10;
	_ =	sdelay $0x1  }
0x25f: {  	v10 =	vmul.f32 v10, v9;
	_ =	sdelay $0x1  }
0x260: {  	v10 =	vadd.f32 $7.502231750e-02, v10;
	_ =	sdelay $0x1  }
0x261: {  	v10 =	vmul.f32 v10, v9;
	_ =	sdelay $0x1  }
0x262: {  	v10 =	vadd.f32 $-9.051137410e-02, v10;
	_ =	sdelay $0x1  }
0x263: {  	v10 =	vmul.f32 v10, v9;
	_ =	sdelay $0x1  }
0x264: {  	v10 =	vadd.f32 $1.110565590e-01, v10;
	_ =	sdelay $0x1  }
0x265: {  	v10 =	vmul.f32 v10, v9;
	_ =	sdelay $0x1  }
0x266: {  	v10 =	vadd.f32 $-1.428526190e-01, v10;
	_ =	sdelay $0x1  }
0x267: {  	v10 =	vmul.f32 v10, v9;
	_ =	sdelay $0x1  }
0x268: {  	v10 =	vadd.f32 $1.999998090e-01, v10;
	_ =	sdelay $0x1  }
0x269: {  	v10 =	vmul.f32 v10, v9;
	_ =	sdelay $0x1  }
0x26a: {  	v10 =	vadd.f32 $-3.333333430e-01, v10;
	_ =	sdelay $0x1  }
0x26b: {  	v9 =	vmul.f32 v10, v9;
	_ =	sdelay $0x1  }
0x26c: {  	v9 =	vadd.f32 $1.000000000e+00, v9;
	_ =	sdelay $0x1  }
0x26d: {  	v8 =	vmul.f32 v9, v8;
	_ =	sdelay $0x1  }
0x26e: {  	v9 =	vsub.f32 $1.570796370e+00, v8  }
0x26f: {  	vm1 =	vgt.f32 v24, v23  }
0x270: {  	v6 =	vsel vm1, v9, v8  }
0x271: {  	v29 =	vsub.f32 $3.141592740e+00, v6  }
0x272: {  	vm1 =	vlt.f32 v4, $0.0e+00  }
0x273: {  	v6 =	vsel vm1, v29, v6  }
0x274: {  	v7 =	vsub.f32 $0.0e+00, v6  }
0x275: {  	vm1 =	vlt.f32 v5, $0.0e+00  }
0x276: {  	v6 =	vsel vm1, v7, v6  }
0x277: {  	v6 =	vadd.f32 $3.141592740e+00, v6;
	_ =	sdelay $0x1  }
0x278: {  	v6 =	vmul.f32 $8.148732760e+01, v6;
	_ =	sdelay $0x1  }
0x279: {  	v6 =	vtrunc.f32 v6  }
0x27a: {  	v6 =	vcvt.f32.s32 v6;
	_ =	sdelay $0x1  }
0x27b: {  	vm1 =	vgt.s32 v6, $0x0  }
0x27c: {  	v6 =	vnsel vm1, $0x0, v6  }
0x27d: {  	v6 =	vmin.u32 v6, $0x1FF  }
0x27e: {  	v6 =	vor.u32 v53, v6;
	_ =	sdelay $0x4  }
0x27f: {  	v30 =	vld.idx.msk [tilespmem:v6+s31+$0x0], $0xffff  }
0x280: {  	v4 =	vmul.f32 v4, v4;
	v5 =	vmul.f32 v5, v5;
	_ =	sdelay $0x1  }
0x281: {  	v4 =	vadd.f32 v5, v4;
	_ =	sdelay $0x1  }
0x282: {  	vm1 =	vgt.f32 v4, v30;
	_ =	sdelay $0x5  }
0x283: {  	[tilespmem:v6+s31+$0x0] =	vst.idx.msk vm1, v4  }
0x284: {  	[tilespmem:v6+s0+$0x0] =	vst.idx.msk vm1, v0  }
0x285: {  	[tilespmem:v6+s2+$0x0] =	vst.idx.msk vm1, v1  }
0x286: {  	v0 =	vld [tilespmem:s20+$0x1B40]  }
0x287: {  	v1 =	vld [tilespmem:s20+$0x2440];
	_ =	sdelay $0x4  }
0x288: {  	v4 =	vsub.f32 v0, v2;
	v5 =	vsub.f32 v1, v3;
	_ =	sdelay $0x1  }
0x289: {  	v31 =	vand.u32 $0x7FFFFFFF, v4;
	v32 =	vand.u32 $0x7FFFFFFF, v5  }
0x28a: {  	v33 =	vmax.f32 v31, v32  }
0x28b: {  	v8 =	vmax.f32 v33, $1.000000000e-30  }
0x28c: {  	(erf) = vrcp.f32 v8;
	_ =	sdelay $0x8  }
0x28d: {  	v34 =	vmin.f32 v31, v32;
	v35 =	vpop (erf)  }
0x28e: {  	v8 =	vmul.f32 v35, v34;
	_ =	sdelay $0x1  }
0x28f: {  	v9 =	vmul.f32 v8, v8;
	_ =	sdelay $0x1  }
0x290: {  	v36 =	vmul.f32 $4.301649460e-04, v9;
	_ =	sdelay $0x1  }
0x291: {  	v10 =	vadd.f32 $-3.261487000e-03, v36;
	_ =	sdelay $0x1  }
0x292: {  	v10 =	vmul.f32 v10, v9;
	_ =	sdelay $0x1  }
0x293: {  	v10 =	vadd.f32 $1.160232540e-02, v10;
	_ =	sdelay $0x1  }
0x294: {  	v10 =	vmul.f32 v10, v9;
	_ =	sdelay $0x1  }
0x295: {  	v10 =	vadd.f32 $-2.627157790e-02, v10;
	_ =	sdelay $0x1  }
0x296: {  	v10 =	vmul.f32 v10, v9;
	_ =	sdelay $0x1  }
0x297: {  	v10 =	vadd.f32 $4.390287400e-02, v10;
	_ =	sdelay $0x1  }
0x298: {  	v10 =	vmul.f32 v10, v9;
	_ =	sdelay $0x1  }
0x299: {  	v10 =	vadd.f32 $-6.038548800e-02, v10;
	_ =	sdelay $0x1  }
0x29a: {  	v10 =	vmul.f32 v10, v9;
	_ =	sdelay $0x1  }
0x29b: {  	v10 =	vadd.f32 $7.502231750e-02, v10;
	_ =	sdelay $0x1  }
0x29c: {  	v10 =	vmul.f32 v10, v9;
	_ =	sdelay $0x1  }
0x29d: {  	v10 =	vadd.f32 $-9.051137410e-02, v10;
	_ =	sdelay $0x1  }
0x29e: {  	v10 =	vmul.f32 v10, v9;
	_ =	sdelay $0x1  }
0x29f: {  	v10 =	vadd.f32 $1.110565590e-01, v10;
	_ =	sdelay $0x1  }
0x2a0: {  	v10 =	vmul.f32 v10, v9;
	_ =	sdelay $0x1  }
0x2a1: {  	v10 =	vadd.f32 $-1.428526190e-01, v10;
	_ =	sdelay $0x1  }
0x2a2: {  	v10 =	vmul.f32 v10, v9;
	_ =	sdelay $0x1  }
0x2a3: {  	v10 =	vadd.f32 $1.999998090e-01, v10;
	_ =	sdelay $0x1  }
0x2a4: {  	v10 =	vmul.f32 v10, v9;
	_ =	sdelay $0x1  }
0x2a5: {  	v10 =	vadd.f32 $-3.333333430e-01, v10;
	_ =	sdelay $0x1  }
0x2a6: {  	v9 =	vmul.f32 v10, v9;
	_ =	sdelay $0x1  }
0x2a7: {  	v9 =	vadd.f32 $1.000000000e+00, v9;
	_ =	sdelay $0x1  }
0x2a8: {  	v8 =	vmul.f32 v9, v8;
	_ =	sdelay $0x1  }
0x2a9: {  	v9 =	vsub.f32 $1.570796370e+00, v8  }
0x2aa: {  	vm1 =	vgt.f32 v32, v31  }
0x2ab: {  	v6 =	vsel vm1, v9, v8  }
0x2ac: {  	v37 =	vsub.f32 $3.141592740e+00, v6  }
0x2ad: {  	vm1 =	vlt.f32 v4, $0.0e+00  }
0x2ae: {  	v6 =	vsel vm1, v37, v6  }
0x2af: {  	v7 =	vsub.f32 $0.0e+00, v6  }
0x2b0: {  	vm1 =	vlt.f32 v5, $0.0e+00  }
0x2b1: {  	v6 =	vsel vm1, v7, v6  }
0x2b2: {  	v6 =	vadd.f32 $3.141592740e+00, v6;
	_ =	sdelay $0x1  }
0x2b3: {  	v6 =	vmul.f32 $8.148732760e+01, v6;
	_ =	sdelay $0x1  }
0x2b4: {  	v6 =	vtrunc.f32 v6  }
0x2b5: {  	v6 =	vcvt.f32.s32 v6;
	_ =	sdelay $0x1  }
0x2b6: {  	vm1 =	vgt.s32 v6, $0x0  }
0x2b7: {  	v6 =	vnsel vm1, $0x0, v6  }
0x2b8: {  	v6 =	vmin.u32 v6, $0x1FF  }
0x2b9: {  	v6 =	vor.u32 v53, v6;
	_ =	sdelay $0x4  }
0x2ba: {  	v38 =	vld.idx.msk [tilespmem:v6+s31+$0x0], $0xffff  }
0x2bb: {  	v4 =	vmul.f32 v4, v4;
	v5 =	vmul.f32 v5, v5;
	_ =	sdelay $0x1  }
0x2bc: {  	v4 =	vadd.f32 v5, v4;
	_ =	sdelay $0x1  }
0x2bd: {  	vm1 =	vgt.f32 v4, v38;
	_ =	sdelay $0x5  }
0x2be: {  	[tilespmem:v6+s31+$0x0] =	vst.idx.msk vm1, v4  }
0x2bf: {  	[tilespmem:v6+s0+$0x0] =	vst.idx.msk vm1, v0  }
0x2c0: {  	[tilespmem:v6+s2+$0x0] =	vst.idx.msk vm1, v1  }
0x2c1: {  	v0 =	vld [tilespmem:s20+$0x1B50]  }
0x2c2: {  	v1 =	vld [tilespmem:s20+$0x2450];
	_ =	sdelay $0x4  }
0x2c3: {  	v4 =	vsub.f32 v0, v2;
	v5 =	vsub.f32 v1, v3;
	_ =	sdelay $0x1  }
0x2c4: {  	v39 =	vand.u32 $0x7FFFFFFF, v4;
	v40 =	vand.u32 $0x7FFFFFFF, v5  }
0x2c5: {  	v41 =	vmax.f32 v39, v40  }
0x2c6: {  	v8 =	vmax.f32 v41, $1.000000000e-30  }
0x2c7: {  	(erf) = vrcp.f32 v8;
	_ =	sdelay $0x8  }
0x2c8: {  	v42 =	vmin.f32 v39, v40;
	v43 =	vpop (erf)  }
0x2c9: {  	v8 =	vmul.f32 v43, v42;
	_ =	sdelay $0x1  }
0x2ca: {  	v9 =	vmul.f32 v8, v8;
	_ =	sdelay $0x1  }
0x2cb: {  	v44 =	vmul.f32 $4.301649460e-04, v9;
	_ =	sdelay $0x1  }
0x2cc: {  	v10 =	vadd.f32 $-3.261487000e-03, v44;
	_ =	sdelay $0x1  }
0x2cd: {  	v10 =	vmul.f32 v10, v9;
	_ =	sdelay $0x1  }
0x2ce: {  	v10 =	vadd.f32 $1.160232540e-02, v10;
	_ =	sdelay $0x1  }
0x2cf: {  	v10 =	vmul.f32 v10, v9;
	_ =	sdelay $0x1  }
0x2d0: {  	v10 =	vadd.f32 $-2.627157790e-02, v10;
	_ =	sdelay $0x1  }
0x2d1: {  	v10 =	vmul.f32 v10, v9;
	_ =	sdelay $0x1  }
0x2d2: {  	v10 =	vadd.f32 $4.390287400e-02, v10;
	_ =	sdelay $0x1  }
0x2d3: {  	v10 =	vmul.f32 v10, v9;
	_ =	sdelay $0x1  }
0x2d4: {  	v10 =	vadd.f32 $-6.038548800e-02, v10;
	_ =	sdelay $0x1  }
0x2d5: {  	v10 =	vmul.f32 v10, v9;
	_ =	sdelay $0x1  }
0x2d6: {  	v10 =	vadd.f32 $7.502231750e-02, v10;
	_ =	sdelay $0x1  }
0x2d7: {  	v10 =	vmul.f32 v10, v9;
	_ =	sdelay $0x1  }
0x2d8: {  	v10 =	vadd.f32 $-9.051137410e-02, v10;
	_ =	sdelay $0x1  }
0x2d9: {  	v10 =	vmul.f32 v10, v9;
	_ =	sdelay $0x1  }
0x2da: {  	v10 =	vadd.f32 $1.110565590e-01, v10;
	_ =	sdelay $0x1  }
0x2db: {  	v10 =	vmul.f32 v10, v9;
	_ =	sdelay $0x1  }
0x2dc: {  	v10 =	vadd.f32 $-1.428526190e-01, v10;
	_ =	sdelay $0x1  }
0x2dd: {  	v10 =	vmul.f32 v10, v9;
	_ =	sdelay $0x1  }
0x2de: {  	v10 =	vadd.f32 $1.999998090e-01, v10;
	_ =	sdelay $0x1  }
0x2df: {  	v10 =	vmul.f32 v10, v9;
	_ =	sdelay $0x1  }
0x2e0: {  	v10 =	vadd.f32 $-3.333333430e-01, v10;
	_ =	sdelay $0x1  }
0x2e1: {  	v9 =	vmul.f32 v10, v9;
	_ =	sdelay $0x1  }
0x2e2: {  	v9 =	vadd.f32 $1.000000000e+00, v9;
	_ =	sdelay $0x1  }
0x2e3: {  	v8 =	vmul.f32 v9, v8;
	_ =	sdelay $0x1  }
0x2e4: {  	v9 =	vsub.f32 $1.570796370e+00, v8  }
0x2e5: {  	vm1 =	vgt.f32 v40, v39  }
0x2e6: {  	v6 =	vsel vm1, v9, v8  }
0x2e7: {  	v45 =	vsub.f32 $3.141592740e+00, v6  }
0x2e8: {  	vm1 =	vlt.f32 v4, $0.0e+00  }
0x2e9: {  	v6 =	vsel vm1, v45, v6  }
0x2ea: {  	v7 =	vsub.f32 $0.0e+00, v6  }
0x2eb: {  	vm1 =	vlt.f32 v5, $0.0e+00  }
0x2ec: {  	v6 =	vsel vm1, v7, v6  }
0x2ed: {  	v6 =	vadd.f32 $3.141592740e+00, v6;
	_ =	sdelay $0x1  }
0x2ee: {  	v6 =	vmul.f32 $8.148732760e+01, v6;
	_ =	sdelay $0x1  }
0x2ef: {  	v6 =	vtrunc.f32 v6  }
0x2f0: {  	v6 =	vcvt.f32.s32 v6;
	_ =	sdelay $0x1  }
0x2f1: {  	vm1 =	vgt.s32 v6, $0x0  }
0x2f2: {  	v6 =	vnsel vm1, $0x0, v6  }
0x2f3: {  	v6 =	vmin.u32 v6, $0x1FF  }
0x2f4: {  	v6 =	vor.u32 v53, v6;
	_ =	sdelay $0x4  }
0x2f5: {  	v46 =	vld.idx.msk [tilespmem:v6+s31+$0x0], $0xffff  }
0x2f6: {  	v4 =	vmul.f32 v4, v4;
	v5 =	vmul.f32 v5, v5;
	_ =	sdelay $0x1  }
0x2f7: {  	v4 =	vadd.f32 v5, v4;
	_ =	sdelay $0x1  }
0x2f8: {  	vm1 =	vgt.f32 v4, v46;
	_ =	sdelay $0x5  }
0x2f9: {  	[tilespmem:v6+s31+$0x0] =	vst.idx.msk vm1, v4  }
0x2fa: {  	[tilespmem:v6+s0+$0x0] =	vst.idx.msk vm1, v0  }
0x2fb: {  	[tilespmem:v6+s2+$0x0] =	vst.idx.msk vm1, v1  }
0x2fc: {  	v0 =	vld [tilespmem:s20+$0x1B60]  }
0x2fd: {  	v1 =	vld [tilespmem:s20+$0x2460];
	_ =	sdelay $0x4  }
0x2fe: {  	v4 =	vsub.f32 v0, v2;
	v5 =	vsub.f32 v1, v3;
	_ =	sdelay $0x1  }
0x2ff: {  	v47 =	vand.u32 $0x7FFFFFFF, v4;
	v48 =	vand.u32 $0x7FFFFFFF, v5  }
0x300: {  	v49 =	vmax.f32 v47, v48  }
0x301: {  	v8 =	vmax.f32 v49, $1.000000000e-30  }
0x302: {  	(erf) = vrcp.f32 v8;
	_ =	sdelay $0x8  }
0x303: {  	v50 =	vmin.f32 v47, v48;
	v51 =	vpop (erf)  }
0x304: {  	v8 =	vmul.f32 v51, v50;
	_ =	sdelay $0x1  }
0x305: {  	v9 =	vmul.f32 v8, v8;
	_ =	sdelay $0x1  }
0x306: {  	v52 =	vmul.f32 $4.301649460e-04, v9;
	_ =	sdelay $0x1  }
0x307: {  	v10 =	vadd.f32 $-3.261487000e-03, v52;
	_ =	sdelay $0x1  }
0x308: {  	v10 =	vmul.f32 v10, v9;
	_ =	sdelay $0x1  }
0x309: {  	v10 =	vadd.f32 $1.160232540e-02, v10;
	_ =	sdelay $0x1  }
0x30a: {  	v10 =	vmul.f32 v10, v9;
	_ =	sdelay $0x1  }
0x30b: {  	v10 =	vadd.f32 $-2.627157790e-02, v10;
	_ =	sdelay $0x1  }
0x30c: {  	v10 =	vmul.f32 v10, v9;
	_ =	sdelay $0x1  }
0x30d: {  	v10 =	vadd.f32 $4.390287400e-02, v10;
	_ =	sdelay $0x1  }
0x30e: {  	v10 =	vmul.f32 v10, v9;
	_ =	sdelay $0x1  }
0x30f: {  	v10 =	vadd.f32 $-6.038548800e-02, v10;
	_ =	sdelay $0x1  }
0x310: {  	v10 =	vmul.f32 v10, v9;
	_ =	sdelay $0x1  }
0x311: {  	v10 =	vadd.f32 $7.502231750e-02, v10;
	_ =	sdelay $0x1  }
0x312: {  	v10 =	vmul.f32 v10, v9;
	_ =	sdelay $0x1  }
0x313: {  	v10 =	vadd.f32 $-9.051137410e-02, v10;
	_ =	sdelay $0x1  }
0x314: {  	v10 =	vmul.f32 v10, v9;
	_ =	sdelay $0x1  }
0x315: {  	v10 =	vadd.f32 $1.110565590e-01, v10;
	_ =	sdelay $0x1  }
0x316: {  	v10 =	vmul.f32 v10, v9;
	_ =	sdelay $0x1  }
0x317: {  	v10 =	vadd.f32 $-1.428526190e-01, v10;
	_ =	sdelay $0x1  }
0x318: {  	v10 =	vmul.f32 v10, v9;
	_ =	sdelay $0x1  }
0x319: {  	v10 =	vadd.f32 $1.999998090e-01, v10;
	_ =	sdelay $0x1  }
0x31a: {  	v10 =	vmul.f32 v10, v9;
	_ =	sdelay $0x1  }
0x31b: {  	v10 =	vadd.f32 $-3.333333430e-01, v10;
	_ =	sdelay $0x1  }
0x31c: {  	v9 =	vmul.f32 v10, v9;
	_ =	sdelay $0x1  }
0x31d: {  	v9 =	vadd.f32 $1.000000000e+00, v9;
	_ =	sdelay $0x1  }
0x31e: {  	v8 =	vmul.f32 v9, v8;
	_ =	sdelay $0x1  }
0x31f: {  	v9 =	vsub.f32 $1.570796370e+00, v8  }
0x320: {  	vm1 =	vgt.f32 v48, v47  }
0x321: {  	v6 =	vsel vm1, v9, v8  }
0x322: {  	v54 =	vsub.f32 $3.141592740e+00, v6  }
0x323: {  	vm1 =	vlt.f32 v4, $0.0e+00  }
0x324: {  	v6 =	vsel vm1, v54, v6  }
0x325: {  	v7 =	vsub.f32 $0.0e+00, v6  }
0x326: {  	vm1 =	vlt.f32 v5, $0.0e+00  }
0x327: {  	v6 =	vsel vm1, v7, v6  }
0x328: {  	v6 =	vadd.f32 $3.141592740e+00, v6;
	_ =	sdelay $0x1  }
0x329: {  	v6 =	vmul.f32 $8.148732760e+01, v6;
	_ =	sdelay $0x1  }
0x32a: {  	v6 =	vtrunc.f32 v6  }
0x32b: {  	v6 =	vcvt.f32.s32 v6;
	_ =	sdelay $0x1  }
0x32c: {  	vm1 =	vgt.s32 v6, $0x0  }
0x32d: {  	v6 =	vnsel vm1, $0x0, v6  }
0x32e: {  	v6 =	vmin.u32 v6, $0x1FF  }
0x32f: {  	v6 =	vor.u32 v53, v6;
	_ =	sdelay $0x4  }
0x330: {  	v55 =	vld.idx.msk [tilespmem:v6+s31+$0x0], $0xffff  }
0x331: {  	v4 =	vmul.f32 v4, v4;
	v5 =	vmul.f32 v5, v5;
	_ =	sdelay $0x1  }
0x332: {  	v4 =	vadd.f32 v5, v4;
	_ =	sdelay $0x1  }
0x333: {  	vm1 =	vgt.f32 v4, v55;
	_ =	sdelay $0x5  }
0x334: {  	[tilespmem:v6+s31+$0x0] =	vst.idx.msk vm1, v4  }
0x335: {  	[tilespmem:v6+s0+$0x0] =	vst.idx.msk vm1, v0  }
0x336: {  	[tilespmem:v6+s2+$0x0] =	vst.idx.msk vm1, v1  }
0x337: {  	v0 =	vld [tilespmem:s20+$0x1B70]  }
0x338: {  	v1 =	vld [tilespmem:s20+$0x2470];
	_ =	sdelay $0x4  }
0x339: {  	v4 =	vsub.f32 v0, v2;
	v5 =	vsub.f32 v1, v3;
	_ =	sdelay $0x1  }
0x33a: {  	v56 =	vand.u32 $0x7FFFFFFF, v4;
	v57 =	vand.u32 $0x7FFFFFFF, v5  }
0x33b: {  	v58 =	vmax.f32 v56, v57  }
0x33c: {  	v8 =	vmax.f32 v58, $1.000000000e-30  }
0x33d: {  	(erf) = vrcp.f32 v8;
	_ =	sdelay $0x8  }
0x33e: {  	v59 =	vmin.f32 v56, v57;
	v60 =	vpop (erf)  }
0x33f: {  	v8 =	vmul.f32 v60, v59;
	_ =	sdelay $0x1  }
0x340: {  	v9 =	vmul.f32 v8, v8;
	_ =	sdelay $0x1  }
0x341: {  	v61 =	vmul.f32 $4.301649460e-04, v9;
	_ =	sdelay $0x1  }
0x342: {  	v10 =	vadd.f32 $-3.261487000e-03, v61;
	_ =	sdelay $0x1  }
0x343: {  	v10 =	vmul.f32 v10, v9;
	_ =	sdelay $0x1  }
0x344: {  	v10 =	vadd.f32 $1.160232540e-02, v10;
	_ =	sdelay $0x1  }
0x345: {  	v10 =	vmul.f32 v10, v9;
	_ =	sdelay $0x1  }
0x346: {  	v10 =	vadd.f32 $-2.627157790e-02, v10;
	_ =	sdelay $0x1  }
0x347: {  	v10 =	vmul.f32 v10, v9;
	_ =	sdelay $0x1  }
0x348: {  	v10 =	vadd.f32 $4.390287400e-02, v10;
	_ =	sdelay $0x1  }
0x349: {  	v10 =	vmul.f32 v10, v9;
	_ =	sdelay $0x1  }
0x34a: {  	v10 =	vadd.f32 $-6.038548800e-02, v10;
	_ =	sdelay $0x1  }
0x34b: {  	v10 =	vmul.f32 v10, v9;
	_ =	sdelay $0x1  }
0x34c: {  	v10 =	vadd.f32 $7.502231750e-02, v10;
	_ =	sdelay $0x1  }
0x34d: {  	v10 =	vmul.f32 v10, v9;
	_ =	sdelay $0x1  }
0x34e: {  	v10 =	vadd.f32 $-9.051137410e-02, v10;
	_ =	sdelay $0x1  }
0x34f: {  	v10 =	vmul.f32 v10, v9;
	_ =	sdelay $0x1  }
0x350: {  	v10 =	vadd.f32 $1.110565590e-01, v10;
	_ =	sdelay $0x1  }
0x351: {  	v10 =	vmul.f32 v10, v9;
	_ =	sdelay $0x1  }
0x352: {  	v10 =	vadd.f32 $-1.428526190e-01, v10;
	_ =	sdelay $0x1  }
0x353: {  	v10 =	vmul.f32 v10, v9;
	_ =	sdelay $0x1  }
0x354: {  	v10 =	vadd.f32 $1.999998090e-01, v10;
	_ =	sdelay $0x1  }
0x355: {  	v10 =	vmul.f32 v10, v9;
	_ =	sdelay $0x1  }
0x356: {  	v10 =	vadd.f32 $-3.333333430e-01, v10;
	_ =	sdelay $0x1  }
0x357: {  	v9 =	vmul.f32 v10, v9;
	_ =	sdelay $0x1  }
0x358: {  	v9 =	vadd.f32 $1.000000000e+00, v9;
	_ =	sdelay $0x1  }
0x359: {  	v8 =	vmul.f32 v9, v8;
	_ =	sdelay $0x1  }
0x35a: {  	v9 =	vsub.f32 $1.570796370e+00, v8  }
0x35b: {  	vm1 =	vgt.f32 v57, v56  }
0x35c: {  	v6 =	vsel vm1, v9, v8  }
0x35d: {  	v62 =	vsub.f32 $3.141592740e+00, v6  }
0x35e: {  	vm1 =	vlt.f32 v4, $0.0e+00  }
0x35f: {  	v6 =	vsel vm1, v62, v6  }
0x360: {  	v7 =	vsub.f32 $0.0e+00, v6  }
0x361: {  	vm1 =	vlt.f32 v5, $0.0e+00  }
0x362: {  	v6 =	vsel vm1, v7, v6  }
0x363: {  	v6 =	vadd.f32 $3.141592740e+00, v6;
	_ =	sdelay $0x1  }
0x364: {  	v6 =	vmul.f32 $8.148732760e+01, v6;
	_ =	sdelay $0x1  }
0x365: {  	v6 =	vtrunc.f32 v6  }
0x366: {  	v6 =	vcvt.f32.s32 v6;
	_ =	sdelay $0x1  }
0x367: {  	vm1 =	vgt.s32 v6, $0x0  }
0x368: {  	v6 =	vnsel vm1, $0x0, v6  }
0x369: {  	v6 =	vmin.u32 v6, $0x1FF  }
0x36a: {  	v6 =	vor.u32 v53, v6;
	_ =	sdelay $0x4  }
0x36b: {  	v63 =	vld.idx.msk [tilespmem:v6+s31+$0x0], $0xffff  }
0x36c: {  	v4 =	vmul.f32 v4, v4;
	v5 =	vmul.f32 v5, v5;
	_ =	sdelay $0x1  }
0x36d: {  	v4 =	vadd.f32 v5, v4;
	_ =	sdelay $0x1  }
0x36e: {  	vm1 =	vgt.f32 v4, v63;
	_ =	sdelay $0x2  }
0x36f: {  	p1 =	sne.s32 s18, $0x2200  }
.Ltmp4:
0x370: {  	_ = 	snop;
	(pc) =	sbr.rel @p1 .LBB2_6-.Ltmp4, $4  }
0x371: {  	_ = 	snop  }
0x372: {  	[tilespmem:v6+s31+$0x0] =	vst.idx.msk vm1, v4  }
0x373: {  	[tilespmem:v6+s0+$0x0] =	vst.idx.msk vm1, v0  }
0x374: {  	s18 =	sadd.s32 $0x200, s18;
	[tilespmem:v6+s2+$0x0] =	vst.idx.msk vm1, v1  }
0x375: {  	s23 =	simm.s32 $0x5E00  }
0x376: {  	s18 =	simm.s32 $0x7E00;
	v2 =	vld [tilespmem:s23+$0xE10]  }
0x377: {  	v5 =	vld [tilespmem:s18+$0xE10]  }
0x378: {  	v3 =	vld [tilespmem:s23+$0xC10]  }
0x379: {  	s20 =	simm.s32 $0x3E00;
	v9 =	vld [tilespmem:s18+$0xC10]  }
0x37a: {  	v7 =	vld [tilespmem:s20+$0xE10]  }
0x37b: {  	v4 =	vld [tilespmem:s23+$0xA10]  }
0x37c: {  	v0 =	vld [tilespmem:s18+$0xA10]  }
0x37d: {  	v6 =	vld [tilespmem:s23+$0x810]  }
0x37e: {  	v1 =	vld [tilespmem:s18+$0x810]  }
0x37f: {  	v10 =	vld [tilespmem:s20+$0xC10]  }
0x380: {  	v8 =	vld [tilespmem:s23+$0x610]  }
0x381: {  	v11 =	vld [tilespmem:s20+$0xFFFFF010]  }
0x382: {  	v12 =	vld [tilespmem:s20+$0xFFFFF210]  }
0x383: {  	v13 =	vld [tilespmem:s18+$0x610]  }
0x384: {  	v14 =	vld [tilespmem:s20+$0xFFFFF410]  }
0x385: {  	v15 =	vld [tilespmem:s18+$0x410]  }
0x386: {  	v16 =	vld [tilespmem:s20+$0xFFFFF610]  }
0x387: {  	v17 =	vld [tilespmem:s18+$0x10]  }
0x388: {  	v18 =	vld [tilespmem:s20+$0xFFFFF810]  }
0x389: {  	v19 =	vld [tilespmem:s18+$0xFFFFFC10]  }
0x38a: {  	v20 =	vld [tilespmem:s20+$0xFFFFFA10]  }
0x38b: {  	v21 =	vld [tilespmem:s18+$0xFFFFF810]  }
0x38c: {  	v22 =	vld [tilespmem:s20+$0xFFFFFC10]  }
0x38d: {  	v23 =	vld [tilespmem:s18+$0xFFFFF410]  }
0x38e: {  	v24 =	vld [tilespmem:s20+$0xFFFFFE10]  }
0x38f: {  	v25 =	vld [tilespmem:s18+$0xFFFFF010]  }
0x390: {  	v26 =	vld [tilespmem:s20+$0x10]  }
0x391: {  	v27 =	vld [tilespmem:s18+$0xFFFFF210]  }
0x392: {  	v28 =	vld [tilespmem:s20+$0x210]  }
0x393: {  	v29 =	vld [tilespmem:s18+$0xFFFFF610]  }
0x394: {  	v30 =	vld [tilespmem:s20+$0x410]  }
0x395: {  	v31 =	vld [tilespmem:s18+$0xFFFFFA10]  }
0x396: {  	v32 =	vld [tilespmem:s20+$0x610]  }
0x397: {  	v33 =	vld [tilespmem:s18+$0xFFFFFE10]  }
0x398: {  	v34 =	vld [tilespmem:s20+$0x810]  }
0x399: {  	v35 =	vld [tilespmem:s18+$0x210]  }
0x39a: {  	v36 =	vld [tilespmem:s20+$0xA10]  }
0x39b: {  	v37 =	vld [tilespmem:s23+$0x410]  }
0x39c: {  	v38 =	vld [tilespmem:s23+$0x210]  }
0x39d: {  	v39 =	vld [tilespmem:s23+$0x10]  }
0x39e: {  	v40 =	vld [tilespmem:s23+$0xFFFFFE10]  }
0x39f: {  	v41 =	vld [tilespmem:s23+$0xFFFFFC10]  }
0x3a0: {  	v42 =	vld [tilespmem:s23+$0xFFFFFA10]  }
0x3a1: {  	v43 =	vld [tilespmem:s23+$0xFFFFF810]  }
0x3a2: {  	v44 =	vld [tilespmem:s23+$0xFFFFF610]  }
0x3a3: {  	v45 =	vld [tilespmem:s23+$0xFFFFF410]  }
0x3a4: {  	v46 =	vld [tilespmem:s23+$0xFFFFF010]  }
0x3a5: {  	v47 =	vld [tilespmem:s20+$0xFFFFF200]  }
0x3a6: {  	v63 =	vld [tilespmem:s20+$0xFFFFF000]  }
0x3a7: {  	v48 =	vld [tilespmem:s20+$0xFFFFF400];
	vm1 =	vgt.f32 v12, v11  }
0x3a8: {  	v49 =	vld [tilespmem:s20+$0xFFFFF800];
	v11 =	vsel vm1, v12, v11  }
0x3a9: {  	v56 =	vld [tilespmem:s20+$0xFFFFFA00];
	vm7 =	vgt.f32 v14, v11  }
0x3aa: {  	v50 =	vld [tilespmem:s20+$0xFFFFFC00];
	v11 =	vsel vm7, v14, v11  }
0x3ab: {  	v51 =	vld [tilespmem:s20+$0x0];
	vm2 =	vgt.f32 v16, v11  }
0x3ac: {  	v52 =	vld [tilespmem:s18+$0xFFFFF000];
	v11 =	vsel vm2, v16, v11  }
0x3ad: {  	v57 =	vld [tilespmem:s18+$0xFFFFF200];
	vm3 =	vgt.f32 v18, v11  }
0x3ae: {  	v58 =	vld [tilespmem:s18+$0xFFFFF400];
	v11 =	vsel vm3, v18, v11  }
0x3af: {  	v59 =	vld [tilespmem:s23+$0xFFFFF800];
	vm4 =	vgt.f32 v20, v11  }
0x3b0: {  	v60 =	vld [tilespmem:s18+$0xFFFFF800];
	v11 =	vsel vm4, v20, v11  }
0x3b1: {  	v61 =	vld [tilespmem:s20+$0x400];
	vm8 =	vgt.f32 v22, v11  }
0x3b2: {  	v12 =	vld [tilespmem:s23+$0xFFFFF210];
	v11 =	vsel vm8, v22, v11  }
0x3b3: {  	v62 =	vld [tilespmem:s23+$0xFFFFFA00];
	vm5 =	vgt.f32 v24, v11  }
0x3b4: {  	v53 =	vld [tilespmem:s23+$0xFFFFFE00];
	v25 =	vsel vm1, v27, v25;
	v11 =	vsel vm5, v24, v11  }
0x3b5: {  	v54 =	vld [tilespmem:s18+$0xFFFFFE00];
	vm12 =	vgt.f32 v47, v63;
	v23 =	vsel vm7, v23, v25;
	vm6 =	vgt.f32 v26, v11  }
0x3b6: {  	v55 =	vld [tilespmem:s18+$0x0];
	v14 =	vsel vm12, v47, v63;
	v23 =	vsel vm2, v29, v23;
	v11 =	vsel vm6, v26, v11  }
0x3b7: {  	v25 =	vld [tilespmem:s23+$0xFFFFF400];
	v12 =	vsel vm1, v12, v46;
	v21 =	vsel vm3, v21, v23;
	vm9 =	vgt.f32 v28, v11  }
0x3b8: {  	v16 =	vld [tilespmem:s20+$0xFFFFF600];
	vm1 =	vgt.f32 v48, v14;
	v21 =	vsel vm4, v31, v21;
	v11 =	vsel vm9, v28, v11  }
0x3b9: {  	v63 =	vld [tilespmem:s18+$0xFFFFFA00];
	v12 =	vsel vm7, v45, v12;
	v19 =	vsel vm8, v19, v21;
	vm10 =	vgt.f32 v30, v11  }
0x3ba: {  	v46 =	vld [tilespmem:s18+$0xFFFFFC00];
	v14 =	vsel vm1, v48, v14;
	v19 =	vsel vm5, v33, v19;
	v11 =	vsel vm10, v30, v11  }
0x3bb: {  	v23 =	vld [tilespmem:s20+$0x200];
	v12 =	vsel vm2, v44, v12;
	v17 =	vsel vm6, v17, v19;
	vm11 =	vgt.f32 v32, v11  }
0x3bc: {  	v45 =	vld [tilespmem:s23+$0xFFFFFC00];
	v12 =	vsel vm3, v43, v12;
	v17 =	vsel vm9, v35, v17;
	v11 =	vsel vm11, v32, v11  }
0x3bd: {  	v48 =	vld [tilespmem:s20+$0x600];
	vm2 =	vgt.f32 v16, v14;
	v15 =	vsel vm10, v15, v17;
	vm13 =	vgt.f32 v34, v11  }
0x3be: {  	v20 =	vld [tilespmem:s20+$0xFFFFFE00];
	v47 =	vsel vm2, v16, v14;
	v13 =	vsel vm11, v13, v15;
	v11 =	vsel vm13, v34, v11  }
0x3bf: {  	v22 =	vld [tilespmem:s23+$0xFFFFF000];
	vm3 =	vgt.f32 v49, v47;
	v1 =	vsel vm13, v1, v13;
	vm7 =	vgt.f32 v36, v11  }
0x3c0: {  	v21 =	vld [tilespmem:s18+$0xFFFFF600];
	v11 =	vsel vm7, v36, v11;
	v0 =	vsel vm7, v0, v1;
	v1 =	vsel vm4, v42, v12  }
0x3c1: {  	v24 =	vld [tilespmem:s23+$0xFFFFF200];
	v13 =	vsel vm3, v49, v47;
	v1 =	vsel vm8, v41, v1;
	vm8 =	vgt.f32 v10, v11  }
0x3c2: {  	v28 =	vld [tilespmem:s23+$0xFFFFF600];
	vm4 =	vgt.f32 v56, v13;
	v10 =	vsel vm8, v10, v11;
	v1 =	vsel vm5, v40, v1  }
0x3c3: {  	v11 =	vld [tilespmem:s23+$0x0];
	v0 =	vsel vm8, v9, v0;
	v9 =	vsel vm4, v56, v13;
	v1 =	vsel vm6, v39, v1  }
0x3c4: {  	v56 =	vld [tilespmem:s20+$0x800];
	vm14 =	vgt.f32 v7, v10;
	v1 =	vsel vm9, v38, v1;
	vm9 =	vgt.f32 v50, v9  }
0x3c5: {  	v7 =	vsel vm14, v7, v10;
	v10 =	vld [tilespmem:s23+$0x200];
	v1 =	vsel vm10, v37, v1;
	v9 =	vsel vm9, v50, v9  }
0x3c6: {  	v0 =	vsel vm14, v5, v0;
	v5 =	vld [tilespmem:s18+$0x200];
	v1 =	vsel vm11, v8, v1;
	vm11 =	vgt.f32 v20, v9  }
0x3c7: {  	v1 =	vsel vm13, v6, v1;
	v6 =	vsel vm12, v24, v22;
	v8 =	vsel vm11, v20, v9;
	v9 =	vld [tilespmem:s23+$0x400]  }
0x3c8: {  	v1 =	vsel vm7, v4, v1;
	v4 =	vsel vm12, v57, v52;
	vm13 =	vgt.f32 v51, v8;
	v57 =	vld [tilespmem:s18+$0x400]  }
0x3c9: {  	v1 =	vsel vm8, v3, v1;
	v3 =	vsel vm1, v25, v6;
	v6 =	vsel vm13, v51, v8;
	v8 =	vld [tilespmem:s20+$0xA00]  }
0x3ca: {  	v1 =	vsel vm14, v2, v1;
	v2 =	vsel vm1, v58, v4;
	vm1 =	vgt.f32 v23, v6;
	v58 =	vld [tilespmem:s23+$0x600]  }
0x3cb: {  	v3 =	vsel vm2, v28, v3;
	v2 =	vsel vm2, v21, v2;
	v4 =	vsel vm1, v23, v6;
	v6 =	vld [tilespmem:s18+$0x600]  }
0x3cc: {  	v3 =	vsel vm3, v59, v3;
	v59 =	vld [tilespmem:s23+$0x800];
	v2 =	vsel vm3, v60, v2;
	vm2 =	vgt.f32 v61, v4  }
0x3cd: {  	v3 =	vsel vm4, v62, v3;
	v60 =	vld [tilespmem:s18+$0x800];
	v4 =	vsel vm2, v61, v4;
	v2 =	vsel vm4, v63, v2  }
0x3ce: {  	v62 =	vld [tilespmem:s23+$0xA00];
	v3 =	vsel vm9, v45, v3;
	v2 =	vsel vm9, v46, v2;
	vm3 =	vgt.f32 v48, v4  }
0x3cf: {  	v61 =	vld [tilespmem:s20+$0xC00];
	v3 =	vsel vm11, v53, v3;
	v4 =	vsel vm3, v48, v4;
	v2 =	vsel vm11, v54, v2  }
0x3d0: {  	v3 =	vsel vm13, v11, v3;
	v11 =	vld [tilespmem:s18+$0xA00];
	v2 =	vsel vm13, v55, v2;
	vm15 =	vgt.f32 v56, v4  }
0x3d1: {  	v10 =	vsel vm1, v10, v3;
	v3 =	vld [tilespmem:s23+$0xC00];
	v63 =	vsel vm15, v56, v4;
	v2 =	vsel vm1, v5, v2  }
0x3d2: {  	s22 =	simm.s32 $0x9110;
	v5 =	vsel vm2, v9, v10;
	v4 =	vld [tilespmem:s18+$0xC00];
	v2 =	vsel vm2, v57, v2;
	vm2 =	vgt.f32 v8, v63  }
0x3d3: {  	[tilespmem:s22+$0x200] =	vst v0;
	v0 =	vsel vm3, v58, v5;
	v5 =	vld [tilespmem:s20+$0xE00];
	v8 =	vsel vm2, v8, v63;
	v2 =	vsel vm3, v6, v2  }
0x3d4: {  	[tilespmem:s22+$0xFFFFFE00] =	vst v7;
	v0 =	vsel vm15, v59, v0;
	v6 =	vld [tilespmem:s23+$0xE00];
	v2 =	vsel vm15, v60, v2;
	vm1 =	vgt.f32 v61, v8  }
0x3d5: {  	s24 =	simm.s32 $0x5E20;
	[tilespmem:s22+$0x0] =	vst v1;
	v10 =	vld [tilespmem:s18+$0xE00];
	s23 =	simm.s32 $0x0;
	v7 =	vsel vm2, v62, v0;
	v9 =	vsel vm1, v61, v8;
	v8 =	vsel vm2, v11, v2  }
.LBB2_8:
0x3d6: {  	v2 =	vld [tilespmem:s24+$0xE10];
	v0 =	vsel vm1, v3, v7;
	s18 =	sadd.s32 $0x20, s18  }
0x3d7: {  	v7 =	vld [tilespmem:s18+$0xE10];
	v1 =	vsel vm1, v4, v8  }
0x3d8: {  	v3 =	vld [tilespmem:s24+$0xC10];
	vm1 =	vgt.f32 v5, v9  }
0x3d9: {  	s20 =	sadd.s32 $0x20, s20;
	v8 =	vld [tilespmem:s18+$0xC10];
	v4 =	vsel vm1, v5, v9;
	v0 =	vsel vm1, v6, v0  }
0x3da: {  	v9 =	vld [tilespmem:s20+$0xE10];
	v1 =	vsel vm1, v10, v1;
	[tilespmem:s22+$0xFFFFFDF0] =	vst v4  }
0x3db: {  	v4 =	vld [tilespmem:s24+$0xA10];
	[tilespmem:s22+$0xFFFFFFF0] =	vst v0  }
0x3dc: {  	v0 =	vld [tilespmem:s18+$0xA10];
	[tilespmem:s22+$0x1F0] =	vst v1  }
0x3dd: {  	v5 =	vld [tilespmem:s24+$0x810]  }
0x3de: {  	v1 =	vld [tilespmem:s18+$0x810]  }
0x3df: {  	v10 =	vld [tilespmem:s20+$0xC10]  }
0x3e0: {  	v6 =	vld [tilespmem:s24+$0x610]  }
0x3e1: {  	v11 =	vld [tilespmem:s20+$0xFFFFF010]  }
0x3e2: {  	s23 =	sadd.s32 $0x2, s23;
	v12 =	vld [tilespmem:s20+$0xFFFFF210]  }
0x3e3: {  	p1 =	slt.u32 s23, $0x1E;
	v13 =	vld [tilespmem:s18+$0x610]  }
0x3e4: {  	v14 =	vld [tilespmem:s20+$0xFFFFF410]  }
0x3e5: {  	v15 =	vld [tilespmem:s18+$0x410]  }
0x3e6: {  	v16 =	vld [tilespmem:s20+$0xFFFFF610]  }
0x3e7: {  	vm12 =	vgt.f32 v12, v11;
	v17 =	vld [tilespmem:s18+$0x10]  }
0x3e8: {  	v11 =	vsel vm12, v12, v11;
	v12 =	vld [tilespmem:s20+$0xFFFFF810]  }
0x3e9: {  	vm13 =	vgt.f32 v14, v11;
	v18 =	vld [tilespmem:s18+$0xFFFFFC10]  }
0x3ea: {  	v11 =	vsel vm13, v14, v11;
	v14 =	vld [tilespmem:s20+$0xFFFFFA10]  }
0x3eb: {  	vm14 =	vgt.f32 v16, v11;
	v19 =	vld [tilespmem:s18+$0xFFFFF810]  }
0x3ec: {  	v11 =	vsel vm14, v16, v11;
	v16 =	vld [tilespmem:s20+$0xFFFFFC10]  }
0x3ed: {  	v20 =	vld [tilespmem:s18+$0xFFFFF410];
	vm15 =	vgt.f32 v12, v11  }
0x3ee: {  	v11 =	vsel vm15, v12, v11;
	v12 =	vld [tilespmem:s20+$0xFFFFFE10]  }
0x3ef: {  	v21 =	vld [tilespmem:s18+$0xFFFFF010];
	vm6 =	vgt.f32 v14, v11  }
0x3f0: {  	v11 =	vsel vm6, v14, v11;
	v14 =	vld [tilespmem:s20+$0x10]  }
0x3f1: {  	v22 =	vld [tilespmem:s18+$0xFFFFF210];
	vm7 =	vgt.f32 v16, v11  }
0x3f2: {  	v11 =	vsel vm7, v16, v11;
	v16 =	vld [tilespmem:s20+$0x210]  }
0x3f3: {  	v23 =	vld [tilespmem:s18+$0xFFFFF610];
	vm8 =	vgt.f32 v12, v11  }
0x3f4: {  	v11 =	vsel vm8, v12, v11;
	v12 =	vld [tilespmem:s20+$0x410]  }
0x3f5: {  	v24 =	vld [tilespmem:s18+$0xFFFFFA10];
	vm9 =	vgt.f32 v14, v11  }
0x3f6: {  	v21 =	vsel vm12, v22, v21;
	v11 =	vsel vm9, v14, v11;
	v14 =	vld [tilespmem:s20+$0x610]  }
0x3f7: {  	v20 =	vsel vm13, v20, v21;
	v21 =	vld [tilespmem:s18+$0xFFFFFE10];
	vm10 =	vgt.f32 v16, v11  }
0x3f8: {  	v20 =	vsel vm14, v23, v20;
	v11 =	vsel vm10, v16, v11;
	v16 =	vld [tilespmem:s20+$0x810]  }
0x3f9: {  	v19 =	vsel vm15, v19, v20;
	v20 =	vld [tilespmem:s18+$0x210];
	vm11 =	vgt.f32 v12, v11  }
0x3fa: {  	v19 =	vsel vm6, v24, v19;
	v11 =	vsel vm11, v12, v11;
	v12 =	vld [tilespmem:s20+$0xA10]  }
0x3fb: {  	v18 =	vsel vm7, v18, v19;
	v19 =	vld [tilespmem:s24+$0x410];
	vm1 =	vgt.f32 v14, v11  }
0x3fc: {  	v18 =	vsel vm8, v21, v18;
	v21 =	vld [tilespmem:s24+$0x210];
	v11 =	vsel vm1, v14, v11  }
0x3fd: {  	v14 =	vld [tilespmem:s24+$0x10];
	v17 =	vsel vm9, v17, v18;
	vm2 =	vgt.f32 v16, v11  }
0x3fe: {  	v18 =	vld [tilespmem:s24+$0xFFFFFE10];
	v17 =	vsel vm10, v20, v17;
	v11 =	vsel vm2, v16, v11  }
0x3ff: {  	v16 =	vld [tilespmem:s24+$0xFFFFFC10];
	v15 =	vsel vm11, v15, v17;
	vm3 =	vgt.f32 v12, v11  }
0x400: {  	v17 =	vld [tilespmem:s24+$0xFFFFFA10];
	v13 =	vsel vm1, v13, v15;
	v11 =	vsel vm3, v12, v11  }
0x401: {  	v12 =	vld [tilespmem:s24+$0xFFFFF810];
	v1 =	vsel vm2, v1, v13;
	vm4 =	vgt.f32 v10, v11  }
0x402: {  	v13 =	vld [tilespmem:s24+$0xFFFFF610];
	v0 =	vsel vm3, v0, v1;
	v1 =	vsel vm4, v10, v11  }
0x403: {  	v10 =	vld [tilespmem:s24+$0xFFFFF410];
	v0 =	vsel vm4, v8, v0;
	vm5 =	vgt.f32 v9, v1  }
0x404: {  	s22 =	sadd.s32 $0x20, s22;
	v8 =	vld [tilespmem:s24+$0xFFFFF010];
	v1 =	vsel vm5, v9, v1;
	v0 =	vsel vm5, v7, v0  }
0x405: {  	v7 =	vld [tilespmem:s24+$0xFFFFF210];
	[tilespmem:s22+$0x200] =	vst v0  }
0x406: {  	v0 =	vld [tilespmem:s20+$0xFFFFF200];
	[tilespmem:s22+$0xFFFFFE00] =	vst v1  }
0x407: {  	v1 =	vld [tilespmem:s20+$0xFFFFF000]  }
0x408: {  	v9 =	vld [tilespmem:s20+$0xFFFFF400]  }
0x409: {  	v11 =	vld [tilespmem:s20+$0xFFFFF600]  }
0x40a: {  	v15 =	vld [tilespmem:s20+$0xFFFFF800];
	v7 =	vsel vm12, v7, v8  }
0x40b: {  	v8 =	vld [tilespmem:s20+$0xFFFFFA00];
	v7 =	vsel vm13, v10, v7  }
0x40c: {  	vm13 =	vgt.f32 v0, v1;
	v10 =	vld [tilespmem:s20+$0xFFFFFC00];
	v7 =	vsel vm14, v13, v7  }
0x40d: {  	v0 =	vsel vm13, v0, v1;
	v1 =	vld [tilespmem:s20+$0xFFFFFE00];
	v7 =	vsel vm15, v12, v7  }
0x40e: {  	vm12 =	vgt.f32 v9, v0;
	v12 =	vld [tilespmem:s20+$0x0];
	v7 =	vsel vm6, v17, v7  }
0x40f: {  	v13 =	vld [tilespmem:s24+$0xFFFFF000];
	v0 =	vsel vm12, v9, v0;
	v7 =	vsel vm7, v16, v7  }
0x410: {  	v9 =	vld [tilespmem:s18+$0xFFFFF000];
	vm7 =	vgt.f32 v11, v0;
	v7 =	vsel vm8, v18, v7  }
0x411: {  	v16 =	vld [tilespmem:s24+$0xFFFFF200];
	v0 =	vsel vm7, v11, v0;
	v7 =	vsel vm9, v14, v7  }
0x412: {  	v11 =	vld [tilespmem:s18+$0xFFFFF200];
	vm8 =	vgt.f32 v15, v0;
	v7 =	vsel vm10, v21, v7  }
0x413: {  	v14 =	vld [tilespmem:s24+$0xFFFFF400];
	v0 =	vsel vm8, v15, v0;
	v7 =	vsel vm11, v19, v7  }
0x414: {  	v15 =	vld [tilespmem:s18+$0xFFFFF400];
	vm6 =	vgt.f32 v8, v0;
	v6 =	vsel vm1, v6, v7  }
0x415: {  	v0 =	vsel vm6, v8, v0;
	v7 =	vld [tilespmem:s20+$0x200];
	v5 =	vsel vm2, v5, v6  }
0x416: {  	v6 =	vsel vm13, v16, v13;
	v8 =	vld [tilespmem:s24+$0xFFFFF600];
	vm1 =	vgt.f32 v10, v0;
	v4 =	vsel vm3, v4, v5  }
0x417: {  	v5 =	vsel vm13, v11, v9;
	v9 =	vld [tilespmem:s18+$0xFFFFF600];
	v0 =	vsel vm1, v10, v0;
	v3 =	vsel vm4, v3, v4  }
0x418: {  	v4 =	vsel vm12, v14, v6;
	v6 =	vld [tilespmem:s24+$0xFFFFF800];
	vm2 =	vgt.f32 v1, v0;
	v2 =	vsel vm5, v2, v3  }
0x419: {  	v3 =	vsel vm12, v15, v5;
	v5 =	vld [tilespmem:s18+$0xFFFFF800];
	v0 =	vsel vm2, v1, v0;
	[tilespmem:s22+$0x0] =	vst v2  }
0x41a: {  	vm4 =	vgt.f32 v12, v0;
	v1 =	vld [tilespmem:s20+$0x400]  }
0x41b: {  	v2 =	vsel vm7, v8, v4;
	v4 =	vld [tilespmem:s24+$0xFFFFFA00];
	v0 =	vsel vm4, v12, v0  }
0x41c: {  	v3 =	vsel vm7, v9, v3;
	v8 =	vld [tilespmem:s18+$0xFFFFFA00];
	vm3 =	vgt.f32 v7, v0  }
0x41d: {  	v2 =	vsel vm8, v6, v2;
	v6 =	vld [tilespmem:s24+$0xFFFFFC00];
	v0 =	vsel vm3, v7, v0  }
0x41e: {  	v3 =	vsel vm8, v5, v3;
	v5 =	vld [tilespmem:s18+$0xFFFFFC00]  }
0x41f: {  	vm5 =	vgt.f32 v1, v0;
	v7 =	vld [tilespmem:s20+$0x600]  }
0x420: {  	v2 =	vsel vm6, v4, v2;
	v4 =	vld [tilespmem:s24+$0xFFFFFE00];
	v0 =	vsel vm5, v1, v0  }
0x421: {  	v1 =	vsel vm6, v8, v3;
	v3 =	vld [tilespmem:s18+$0xFFFFFE00]  }
0x422: {  	v2 =	vsel vm1, v6, v2;
	v6 =	vld [tilespmem:s24+$0x0]  }
0x423: {  	v1 =	vsel vm1, v5, v1;
	v5 =	vld [tilespmem:s18+$0x0]  }
0x424: {  	vm1 =	vgt.f32 v7, v0;
	v8 =	vld [tilespmem:s20+$0x800]  }
0x425: {  	v2 =	vsel vm2, v4, v2;
	v4 =	vld [tilespmem:s24+$0x200];
	v0 =	vsel vm1, v7, v0  }
0x426: {  	v1 =	vsel vm2, v3, v1;
	v3 =	vld [tilespmem:s18+$0x200]  }
0x427: {  	v2 =	vsel vm4, v6, v2;
	v6 =	vld [tilespmem:s24+$0x400]  }
0x428: {  	v1 =	vsel vm4, v5, v1;
	v5 =	vld [tilespmem:s18+$0x400]  }
0x429: {  	vm2 =	vgt.f32 v8, v0;
	v7 =	vld [tilespmem:s20+$0xA00]  }
0x42a: {  	v2 =	vsel vm3, v4, v2;
	v4 =	vld [tilespmem:s24+$0x600];
	v0 =	vsel vm2, v8, v0  }
0x42b: {  	v1 =	vsel vm3, v3, v1;
	v3 =	vld [tilespmem:s18+$0x600]  }
0x42c: {  	v2 =	vsel vm5, v6, v2;
	v6 =	vld [tilespmem:s24+$0x800]  }
0x42d: {  	v1 =	vsel vm5, v5, v1;
	v5 =	vld [tilespmem:s18+$0x800]  }
0x42e: {  	vm3 =	vgt.f32 v7, v0;
	v8 =	vld [tilespmem:s20+$0xC00]  }
0x42f: {  	v2 =	vsel vm1, v4, v2;
	v0 =	vsel vm3, v7, v0;
	v7 =	vld [tilespmem:s24+$0xA00]  }
0x430: {  	v1 =	vsel vm1, v3, v1;
	v10 =	vld [tilespmem:s18+$0xA00]  }
.Ltmp5:
0x431: {  	v2 =	vsel vm2, v6, v2;
	v3 =	vld [tilespmem:s24+$0xC00];
	(pc) =	sbr.rel @p1 .LBB2_8-.Ltmp5, $4  }
0x432: {  	v1 =	vsel vm2, v5, v1;
	v4 =	vld [tilespmem:s18+$0xC00]  }
0x433: {  	vm1 =	vgt.f32 v8, v0;
	v5 =	vld [tilespmem:s20+$0xE00]  }
0x434: {  	v7 =	vsel vm3, v7, v2;
	v9 =	vsel vm1, v8, v0;
	v6 =	vld [tilespmem:s24+$0xE00]  }
0x435: {  	s24 =	sadd.s32 $0x20, s24;
	v8 =	vsel vm3, v10, v1;
	v10 =	vld [tilespmem:s18+$0xE00]  }
0x436: {  	_ =	sdelay $0x1  }
0x437: {  	vm2 =	vgt.f32 v5, v9  }
0x438: {  	v0 =	vsel vm1, v3, v7;
	v1 =	vsel vm2, v5, v9  }
0x439: {  	v2 =	vsel vm1, v4, v8;
	v0 =	vsel vm2, v6, v0;
	[tilespmem:s22+$0xFFFFFDF0] =	vst v1  }
0x43a: {  	v63 =	vsel vm2, v10, v2;
	[tilespmem:s22+$0xFFFFFFF0] =	vst v0  }
0x43b: {  	[tilespmem:s22+$0x1F0] =	vst v63  }
0x43c: {  	[spmem:s13] =	stream.strided.scatter [tilespmem:s16], [sflag:$0x1], $0x600, s15, s14, $0x38;
	[tilespmem:$0xB720] =	vst v63  }
.Ltmp6:
0x43d: {  	_ =	swait.ge [sflag:s21], $0x600;
	(pc) =	sbr.rel @p0 .LBB2_13-.Ltmp6, $3  }
0x43e: {  	[sflag:s21] =	ssyncset.done $0x0  }
0x43f: {  	[sflag:s21] =	ssyncadd.s32 $0xFFFFFA00  }
0x440: {  	[bflag:$0x0] =	sbarrier.arrive $0xFFFF;
	_ =	sdelay $0x1  }
0x441: {  	s18 =	rddreg [dreg:$0x4];
	s20 =	simm.s32 $0x9500  }
0x442: {  	[tilespmem:s20], [sflag:$0x1] =	stream.strided.gather [spmem:s18], $0x600, s15, s14, $0x38;
	[tilespmem:$0xB720] =	vst v63  }
0x443: {  	_ =	swait.ge [sflag:s21], $0x600  }
0x444: {  	[sflag:s21] =	ssyncset.done $0x0  }
0x445: {  	s25 =	simm.s32 $0x9B00;
	s24 =	rddreg [dreg:$0x5];
	[sflag:s21] =	ssyncadd.s32 $0xFFFFFA00  }
0x446: {  	[tilespmem:s25], [sflag:$0x1] =	stream.strided.gather [spmem:s24], $0x600, s15, s14, $0x38;
	[tilespmem:$0xB720] =	vst v63  }
0x447: {  	_ =	swait.ge [sflag:s21], $0x600  }
0x448: {  	[sflag:s21] =	ssyncset.done $0x0  }
0x449: {  	s22 =	simm.s32 $0xA100;
	s20 =	rddreg [dreg:$0x6];
	[sflag:s21] =	ssyncadd.s32 $0xFFFFFA00  }
0x44a: {  	[tilespmem:s22], [sflag:$0x1] =	stream.strided.gather [spmem:s20], $0x600, s15, s14, $0x38;
	[tilespmem:$0xB720] =	vst v63  }
0x44b: {  	_ =	swait.ge [sflag:s21], $0x600  }
0x44c: {  	[sflag:s21] =	ssyncset.done $0x0  }
0x44d: {  	s24 =	simm.s32 $0xA700;
	s23 =	rddreg [dreg:$0x7];
	[sflag:s21] =	ssyncadd.s32 $0xFFFFFA00  }
0x44e: {  	[tilespmem:s24], [sflag:$0x1] =	stream.strided.gather [spmem:s23], $0x600, s15, s14, $0x38;
	[tilespmem:$0xB720] =	vst v63  }
0x44f: {  	_ =	swait.ge [sflag:s21], $0x600  }
0x450: {  	[sflag:s21] =	ssyncset.done $0x0  }
0x451: {  	[sflag:s21] =	ssyncadd.s32 $0xFFFFFA00  }
0x452: {  	v0 =	vld [tilespmem:$0x1B00]  }
0x453: {  	v1 =	vld [tilespmem:$0x2400];
	_ =	sdelay $0x2  }
0x454: {  	s18 =	simm.s32 $0x9700;
	s25 =	simm.s32 $0x0  }
0x455: {  	s20 =	sand.u32 $0x1F0, s25;
	v2 =	vld [tilespmem:s18+$0x0];
	v0 =	vnsel vm0, $0x0, v0  }
0x456: {  	v6 =	vld [tilespmem:s20+$0xA100];
	(xrf2) =	vadd.scan.msk.f32 $0xffff, v0;
	v0 =	vnsel vm0, $0x0, v1  }
0x457: {  	v3 =	vld [tilespmem:s20+$0x9F00];
	(xrf2) =	vadd.scan.msk.f32 $0xffff, v0  }
0x458: {  	v5 =	vld [tilespmem:s20+$0x9B00]  }
0x459: {  	v1 =	vld [tilespmem:s18+$0xFFFFFE00]  }
0x45a: {  	v7 =	vld [tilespmem:s20+$0x9900]  }
0x45b: {  	v0 =	vld [tilespmem:s20+$0x9D00];
	_ =	sdelay $0x2  }
0x45c: {  	v10 =	vld [tilespmem:s20+$0xA500];
	vm1 =	vgt.f32 v5, v1  }
0x45d: {  	v9 =	vld [tilespmem:s20+$0xA300];
	v1 =	vsel vm1, v5, v1  }
0x45e: {  	v4 =	vld [tilespmem:s20+$0xA700];
	v0 =	vsel vm1, v0, v2;
	v7 =	vsel vm1, v3, v7;
	vm1 =	vgt.f32 v6, v1;
	v8, _, _ =	vpop (xrf2)  }
0x45f: {  	v5, _, _ =	vpop (xrf2);
	v2 =	vbroadcast v8, $0xF;
	v8 =	vsel vm1, v6, v1;
	v6 =	vld [tilespmem:s20+$0xA900]  }
0x460: {  	v3 =	vbroadcast v5, $0xF;
	v5 =	vld [tilespmem:s20+$0xAB00];
	_ =	sdelay $0x2  }
0x461: {  	s22 =	simm.s32 $0xAF00;
	s23 =	simm.s32 $0x10;
	v9 =	vsel vm1, v9, v0;
	v7 =	vsel vm1, v10, v7;
	vm1 =	vgt.f32 v4, v8;
	s20 =	simm.s32 $0xAF00  }
.LBB2_11:
0x462: {  	p1 =	sne.s32 s23, $0x1F0;
	v0 =	vsel vm1, v4, v8;
	s22 =	sadd.s32 $0x10, s22;
	s18 =	sadd.s32 $0x10, s18  }
0x463: {  	v1 =	vsel vm1, v6, v9;
	v4 =	vsel vm1, v5, v7;
	s24 =	smov.u32 s23;
	s23 =	sadd.s32 $0x10, s23;
	vm1 =	veq.f32 v0, $-Inf  }
0x464: {  	v0 =	vsel vm1, v2, v1;
	v1 =	vsel vm1, v3, v4  }
0x465: {  	[tilespmem:s20+$0xFFFFFE00] =	vst v0  }
0x466: {  	[tilespmem:s20+$0x0] =	vst v1;
	s20 =	smov.u32 s22  }
0x467: {  	v0 =	vld [tilespmem:s18+$0x0]  }
0x468: {  	s24 =	sand.u32 $0x1F0, s24;
	v1 =	vld [tilespmem:s18+$0xFFFFFE00]  }
0x469: {  	v6 =	vld [tilespmem:s24+$0x9D00]  }
0x46a: {  	v7 =	vld [tilespmem:s24+$0xA100]  }
0x46b: {  	v8 =	vld [tilespmem:s24+$0x9F00]  }
0x46c: {  	v9 =	vld [tilespmem:s24+$0x9B00]  }
0x46d: {  	v10 =	vld [tilespmem:s24+$0x9900]  }
0x46e: {  	v11 =	vld [tilespmem:s24+$0xA500]  }
0x46f: {  	v12 =	vld [tilespmem:s24+$0xA300]  }
0x470: {  	v4 =	vld [tilespmem:s24+$0xA700]  }
.Ltmp7:
0x471: {  	vm1 =	vgt.f32 v9, v1;
	v5 =	vld [tilespmem:s24+$0xAB00];
	(pc) =	sbr.rel @p1 .LBB2_11-.Ltmp7, $4  }
0x472: {  	v1 =	vsel vm1, v9, v1;
	v0 =	vsel vm1, v6, v0;
	v10 =	vsel vm1, v8, v10;
	v6 =	vld [tilespmem:s24+$0xA900]  }
0x473: {  	vm1 =	vgt.f32 v7, v1  }
0x474: {  	v8 =	vsel vm1, v7, v1;
	v9 =	vsel vm1, v12, v0;
	v7 =	vsel vm1, v11, v10  }
0x475: {  	vm1 =	vgt.f32 v4, v8  }
.Ltmp8:
0x476: {  	_ = 	snop;
	(pc) =	sbr.rel .LBB2_12-.Ltmp8, $1  }
0x477: {  	_ =	sdelay $0x3  }
.LBB2_14:
0x478: {  	_ =	sfence.sel $0x180000  }
0x479: {  	[bflag:$0x0] =	sbarrier.arrive $0xFFFF  }
0x47a: {  	_ =	strace $0x90000047  }
0x47b: {  	s0 =	stileid.u32;
	[bflag:$0x2] =	sbarrier.arrive $0xFFFF  }
0x47c: {  	p0 =	sne.s32 s0, $0x0;
	s0 =	rddreg [dreg:$0x3]  }
0x47d: {  	s0 =	sadd.s32 @!p0 $0x100000, s0  }
0x47e: {  	[sflag:s0] =	ssyncadd.tile.s32 @!p0 $0x1;
	_ =	shalt  }
.Lfunc_end2:
_tile_overlayer_lowered:
.L_overlay_start_2:
0x47f: {  	(tag) =	ssettag $0x2  }
0x480: {  	s0 =	rddreg [dreg:$0x0];
	s2 =	stileid.u32  }
0x481: {  	s1 =	rddreg [dreg:$0x1];
	p0 =	sne.s32 s2, $0x0  }
0x482: {  	s3 =	rddreg [dreg:$0x2];
	[bflag:$0x3] =	sbarrier.arrive $0xFFFF;
	s2 =	simm.s32 @!p0 $0x1C01  }
0x483: {  	[timem:s3], [sflag:s2] =	dma.local @!p0 [hbm:s0], s1  }
0x484: {  	s0 =	simm.s32 @!p0 $0x1  }
0x485: {  	_ =	swait.ge @!p0 [sflag:s0], s1  }
0x486: {  	s1 =	ssub.s32 @!p0 $0x0, s1;
	[sflag:s0] =	ssyncset.done @!p0 $0x0  }
0x487: {  	[sflag:s0] =	ssyncadd.s32 @!p0 s1  }
0x488: {  	[bflag:$0x3] =	sbarrier.arrive $0xFFFF  }
0x489: {  	_ =	shalt  }

</sc_bundles>
